<compile_context>
chip_gen: v7x
topology: tpu7x:2x2x1
jax: 0.10.2.dev20260603
libtpu: 0.0.44.dev20260713+nightly
codegen_flags: <defaults>
</compile_context>

<pallas_src>
import functools

import jax
import jax.numpy as jnp
from jax import lax
from jax.experimental import pallas as pl
from jax.experimental.pallas import tpu as pltpu
from jax.experimental.pallas import tpu_sc as plsc

K = 5
CLASSES = 1000
BATCH = 16384

def _fixed_ind():
    try:
        cpu = jax.local_devices(backend="cpu")[0]
        with jax.default_device(cpu):
            perm = jax.random.permutation(jax.random.key(42), CLASSES - 1)
            return tuple(int(v) for v in perm[:K])
    except Exception:
        return (955, 914, 121, 753, 617)


_IND = _fixed_ind()

_NC, _NS = 2, 16
_NW = _NC * _NS
_RPW = BATCH // _NW
_VALS = K + 1
_GPW = _RPW * _VALS
_CH = 128
_NCHUNK = _GPW // _CH


def _sc_gather_body(yflat_hbm, y_hbm, out_hbm, y_v, idx_v, gat_v, sem):
    wid = lax.axis_index("s") * _NC + lax.axis_index("c")
    base = wid * _RPW

    pltpu.sync_copy(y_hbm.at[pl.ds(base, _RPW)], y_v)

    lane = lax.iota(jnp.int32, 16)
    for g in range(_RPW // 16):
        y16 = y_v[pl.ds(g * 16, 16)]
        rows1000 = (base + g * 16 + lane) * CLASSES
        idx_v[pl.ds(g * 16, 16)] = rows1000 + y16
        for j in range(K):
            col = jnp.where(y16 <= _IND[j], _IND[j] + 1, _IND[j])
            idx_v[pl.ds((j + 1) * _RPW + g * 16, 16)] = rows1000 + col

    copies = []
    for t in range(_NCHUNK):
        copies.append(
            pltpu.async_copy(
                yflat_hbm.at[idx_v.at[pl.ds(t * _CH, _CH)]],
                gat_v.at[pl.ds(t * _CH, _CH)],
                sem,
            )
        )
    for c in copies:
        c.wait()

    pltpu.sync_copy(gat_v, out_hbm.at[pl.ds(wid * _GPW, _GPW)])


_sc_gather = functools.partial(
    pl.kernel,
    out_type=jax.ShapeDtypeStruct((_NW * _GPW,), jnp.float32),
    mesh=plsc.VectorSubcoreMesh(core_axis_name="c", subcore_axis_name="s"),
    scratch_types=[
        pltpu.VMEM((_RPW,), jnp.int32),
        pltpu.VMEM((_GPW,), jnp.int32),
        pltpu.VMEM((_GPW,), jnp.float32),
        pltpu.SemaphoreType.DMA,
    ],
)(_sc_gather_body)


def _tc_loss_body(g_ref, out_ref):
    x = g_ref[...]
    m = jnp.max(x, axis=1, keepdims=True)
    e = jnp.exp(x - m)
    s = jnp.sum(e, axis=1, keepdims=True)
    p = e / s
    term = jnp.log(p[:, 0, :] + 1e-10) + 0.1 * jnp.sum(
        jnp.log((1.0 - p[:, 1:, :]) + 1e-10), axis=1
    )
    out_ref[...] = jnp.reshape(-jnp.sum(term) / jnp.float32(BATCH), (1, 1))


def kernel(yHat, y):
    yflat = yHat.reshape(-1)
    gathered = _sc_gather(yflat, y)
    g3d = gathered.reshape(_NW, _VALS, _RPW)
    loss = pl.pallas_call(
        _tc_loss_body,
        out_shape=jax.ShapeDtypeStruct((1, 1), jnp.float32),
    )(g3d)
    return loss[0, 0]

# --- scband reference (transcript-rebuilt; emitter-appended) ---
"""Pipeline reference for scband-black1-39599598469680 (READ-ONLY COPY).

The authoritative reference and input builder live on the scoring server;
editing this copy changes nothing except your own understanding.
"""

import jax, jax.numpy as jnp
import numpy as np

K = 5
CLASSES = 1000
BATCH = 16384


def setup_inputs(seed: int = 0) -> dict:
    key = jax.random.key(seed)
    k1, k2 = jax.random.split(key)
    yHat = jax.random.normal(k1, (BATCH, CLASSES), dtype=jnp.float32)
    y = jax.random.randint(k2, (BATCH,), 0, CLASSES, dtype=jnp.int64 if jax.config.jax_enable_x64 else jnp.int32)
    return {"yHat": yHat, "y": y}


def reference(yHat, y):
    k = K
    classes = CLASSES
    batch_size = y.shape[0]
    maxxx = jnp.max(yHat, axis=-1, keepdims=True)
    yHat = yHat - maxxx
    # gather true-class logit
    Yg = jnp.take_along_axis(yHat, y[:, None], axis=1)
    # torch.randperm(classes-1) -> fixed random permutation (internal randomness)
    ind = jax.random.permutation(jax.random.key(42), classes - 1)[:k]
    # Yg_ is yHat with the true-class column removed per row; column c of Yg_
    # corresponds to original column c + (c >= y). Gather the k sampled columns.
    cols = ind[None, :].astype(jnp.int32) + (ind[None, :] >= y[:, None]).astype(jnp.int32)
    complement = jnp.take_along_axis(yHat, cols, axis=1)
    complement = k * jnp.exp(complement)
    Yg = k * jnp.exp(Yg)
    out = jnp.concatenate([Yg, complement], axis=1)
    out = out / jnp.sum(out, axis=1, keepdims=True)
    out_c = 1 - out
    mask = jnp.zeros((batch_size, k + 1), dtype=yHat.dtype).at[:, 0].set(1.0)
    mask_c = 1 - mask
    loss = -1.0 * jnp.mean(jnp.sum(jnp.log(out + 1e-10) * mask + 0.1 * jnp.log(out_c + 1e-10) * mask_c, axis=-1))
    return loss

if __name__ == "__main__":
    import jax
    _d = setup_inputs()
    print(jax.jit(kernel)(*tuple(_d.values())))

</pallas_src>

<mosaic_0001>
#map = affine_map<(d0, d1) -> (0)>
module attributes {stable_mosaic.version = 14 : i64} {
  func.func @_sc_gather_body(%arg0: i32, %arg1: i32, %arg2: memref<16384000xf32, #tpu.memory_space<hbm>>, %arg3: memref<16384xi32, #tpu.memory_space<hbm>>, %arg4: memref<98304xf32, #tpu.memory_space<hbm>>, %arg5: memref<512xi32, #tpu.memory_space<vmem>>, %arg6: memref<3072xi32, #tpu.memory_space<vmem>>, %arg7: memref<3072xf32, #tpu.memory_space<vmem>>, %arg8: memref<!tpu.dma_semaphore, #tpu.memory_space<semaphore_mem>>) attributes {dimension_semantics = [#tpu.dimension_semantics<core_parallel>, #tpu.dimension_semantics<subcore_parallel>], iteration_bounds = array<i64: 2, 16>, scalar_prefetch = 0 : i64, scratch_operands = 4 : i64, tpu.core_type = #tpu.core_type<sc_vector_subcore>, window_params = [{transform_indices = #map}, {transform_indices = #map}, {transform_indices = #map}]} {
    %mul3A = arith.constant 2 : i32
    %mul3A_0 = arith.muli %arg1, %mul3A : i32
    %add3A = arith.addi %mul3A_0, %arg0 : i32
    %mul3A_1 = arith.constant 512 : i32
    %mul3A_2 = arith.muli %add3A, %mul3A_1 : i32
    "tpu.region"() ({
      %run_scoped3A = tpu.sem_alloc : memref<!tpu.dma_semaphore, #tpu.memory_space<semaphore_mem>>
      %dma_start3A_2845 = tpu.memref_slice %arg3[%mul3A_2] : memref<16384xi32, #tpu.memory_space<hbm>> -> memref<512xi32, #tpu.memory_space<hbm>>
      %dma_start3A_2846 = tpu.memref_slice %arg3[%mul3A_2] : memref<16384xi32, #tpu.memory_space<hbm>> -> memref<512xi32, #tpu.memory_space<hbm>>
      tpu.enqueue_dma source(%dma_start3A_2846 : memref<512xi32, #tpu.memory_space<hbm>>) target(%arg5 : memref<512xi32, #tpu.memory_space<vmem>>) target_semaphore(%run_scoped3A : memref<!tpu.dma_semaphore, #tpu.memory_space<semaphore_mem>>)
      %dma_wait3A_2847 = tpu.memref_slice %arg3[%mul3A_2] : memref<16384xi32, #tpu.memory_space<hbm>> -> memref<512xi32, #tpu.memory_space<hbm>>
      %dma_wait3A_2848 = tpu.memref_slice %arg3[%mul3A_2] : memref<16384xi32, #tpu.memory_space<hbm>> -> memref<512xi32, #tpu.memory_space<hbm>>
      tpu.wait_dma2 semaphore(%run_scoped3A : memref<!tpu.dma_semaphore, #tpu.memory_space<semaphore_mem>>) src(%dma_wait3A_2848 : memref<512xi32, #tpu.memory_space<hbm>>) dst(%arg5 : memref<512xi32, #tpu.memory_space<vmem>>)
      tpu.yield
    }) : () -> ()
    %iota3A = tpu.iota {dimensions = array<i32: 0>} : vector<16xi32>
    %get3A = arith.constant 0 : index
    %get3A_3 = tpu.vector_load %arg5[%get3A] {strides = array<i32>} : memref<512xi32, #tpu.memory_space<vmem>>, vector<16xi32>,
    %get3A_4 = vector.shape_cast %get3A_3 : vector<16xi32> to vector<16xi32>
    %add3A_5 = arith.constant 0 : i32
    %add3A_6 = arith.addi %mul3A_2, %add3A_5 : i32
    %add3A_7 = vector.broadcast %add3A_6 : i32 to vector<16xi32>
    %add3A_8 = arith.addi %add3A_7, %iota3A : vector<16xi32>
    %mul3A_9 = arith.constant 1000 : i32
    %mul3A_10 = vector.broadcast %mul3A_9 : i32 to vector<16xi32>
    %mul3A_11 = arith.muli %add3A_8, %mul3A_10 : vector<16xi32>
    %add3A_12 = arith.addi %mul3A_11, %get3A_4 : vector<16xi32>
    %swap3A = arith.constant 0 : index
    %swap3A_13 = tpu.vector_load %arg6[%swap3A] {strides = array<i32>} : memref<3072xi32, #tpu.memory_space<vmem>>, vector<16xi32>,
    %swap3A_14 = vector.shape_cast %swap3A_13 : vector<16xi32> to vector<16xi32>
    %swap3A_15 = vector.shape_cast %add3A_12 : vector<16xi32> to vector<16xi32>
    tpu.vector_store %arg6[%swap3A], %swap3A_15 {strides = array<i32>} : memref<3072xi32, #tpu.memory_space<vmem>>, vector<16xi32>,
    %le3A = arith.constant 955 : i32
    %le3A_16 = vector.broadcast %le3A : i32 to vector<16xi32>
    %le3A_17 = arith.cmpi sle, %get3A_4, %le3A_16 : vector<16xi32>
    %jit3A = arith.constant 956 : i32
    %jit3A_18 = arith.constant 955 : i32
    %broadcast_in_dim3A = vector.broadcast %jit3A : i32 to vector<16xi32>
    %broadcast_in_dim3A_19 = vector.broadcast %jit3A_18 : i32 to vector<16xi32>
    %select_n3A = arith.select %le3A_17, %broadcast_in_dim3A, %broadcast_in_dim3A_19 : vector<16xi1>, vector<16xi32>
    %add3A_20 = arith.addi %mul3A_11, %select_n3A : vector<16xi32>
    %swap3A_21 = arith.constant 512 : index
    %swap3A_22 = tpu.vector_load %arg6[%swap3A_21] {strides = array<i32>} : memref<3072xi32, #tpu.memory_space<vmem>>, vector<16xi32>,
    %swap3A_23 = vector.shape_cast %swap3A_22 : vector<16xi32> to vector<16xi32>
    %swap3A_24 = vector.shape_cast %add3A_20 : vector<16xi32> to vector<16xi32>
    tpu.vector_store %arg6[%swap3A_21], %swap3A_24 {strides = array<i32>} : memref<3072xi32, #tpu.memory_space<vmem>>, vector<16xi32>,
    %le3A_25 = arith.constant 914 : i32
    %le3A_26 = vector.broadcast %le3A_25 : i32 to vector<16xi32>
    %le3A_27 = arith.cmpi sle, %get3A_4, %le3A_26 : vector<16xi32>
    %jit3A_28 = arith.constant 915 : i32
    %jit3A_29 = arith.constant 914 : i32
    %broadcast_in_dim3A_30 = vector.broadcast %jit3A_28 : i32 to vector<16xi32>
    %broadcast_in_dim3A_31 = vector.broadcast %jit3A_29 : i32 to vector<16xi32>
    %select_n3A_32 = arith.select %le3A_27, %broadcast_in_dim3A_30, %broadcast_in_dim3A_31 : vector<16xi1>, vector<16xi32>
    %add3A_33 = arith.addi %mul3A_11, %select_n3A_32 : vector<16xi32>
    %swap3A_34 = arith.constant 1024 : index
    %swap3A_35 = tpu.vector_load %arg6[%swap3A_34] {strides = array<i32>} : memref<3072xi32, #tpu.memory_space<vmem>>, vector<16xi32>,
    %swap3A_36 = vector.shape_cast %swap3A_35 : vector<16xi32> to vector<16xi32>
    %swap3A_37 = vector.shape_cast %add3A_33 : vector<16xi32> to vector<16xi32>
    tpu.vector_store %arg6[%swap3A_34], %swap3A_37 {strides = array<i32>} : memref<3072xi32, #tpu.memory_space<vmem>>, vector<16xi32>,
    %le3A_38 = arith.constant 121 : i32
    %le3A_39 = vector.broadcast %le3A_38 : i32 to vector<16xi32>
    %le3A_40 = arith.cmpi sle, %get3A_4, %le3A_39 : vector<16xi32>
    %jit3A_41 = arith.constant 122 : i32
    %jit3A_42 = arith.constant 121 : i32
    %broadcast_in_dim3A_43 = vector.broadcast %jit3A_41 : i32 to vector<16xi32>
    %broadcast_in_dim3A_44 = vector.broadcast %jit3A_42 : i32 to vector<16xi32>
    %select_n3A_45 = arith.select %le3A_40, %broadcast_in_dim3A_43, %broadcast_in_dim3A_44 : vector<16xi1>, vector<16xi32>
    %add3A_46 = arith.addi %mul3A_11, %select_n3A_45 : vector<16xi32>
    %swap3A_47 = arith.constant 1536 : index
    %swap3A_48 = tpu.vector_load %arg6[%swap3A_47] {strides = array<i32>} : memref<3072xi32, #tpu.memory_space<vmem>>, vector<16xi32>,
    %swap3A_49 = vector.shape_cast %swap3A_48 : vector<16xi32> to vector<16xi32>
    %swap3A_50 = vector.shape_cast %add3A_46 : vector<16xi32> to vector<16xi32>
    tpu.vector_store %arg6[%swap3A_47], %swap3A_50 {strides = array<i32>} : memref<3072xi32, #tpu.memory_space<vmem>>, vector<16xi32>,
    %le3A_51 = arith.constant 753 : i32
    %le3A_52 = vector.broadcast %le3A_51 : i32 to vector<16xi32>
    %le3A_53 = arith.cmpi sle, %get3A_4, %le3A_52 : vector<16xi32>
    %jit3A_54 = arith.constant 754 : i32
    %jit3A_55 = arith.constant 753 : i32
    %broadcast_in_dim3A_56 = vector.broadcast %jit3A_54 : i32 to vector<16xi32>
    %broadcast_in_dim3A_57 = vector.broadcast %jit3A_55 : i32 to vector<16xi32>
    %select_n3A_58 = arith.select %le3A_53, %broadcast_in_dim3A_56, %broadcast_in_dim3A_57 : vector<16xi1>, vector<16xi32>
    %add3A_59 = arith.addi %mul3A_11, %select_n3A_58 : vector<16xi32>
    %swap3A_60 = arith.constant 2048 : index
    %swap3A_61 = tpu.vector_load %arg6[%swap3A_60] {strides = array<i32>} : memref<3072xi32, #tpu.memory_space<vmem>>, vector<16xi32>,
    %swap3A_62 = vector.shape_cast %swap3A_61 : vector<16xi32> to vector<16xi32>
    %swap3A_63 = vector.shape_cast %add3A_59 : vector<16xi32> to vector<16xi32>
    tpu.vector_store %arg6[%swap3A_60], %swap3A_63 {strides = array<i32>} : memref<3072xi32, #tpu.memory_space<vmem>>, vector<16xi32>,
    %le3A_64 = arith.constant 617 : i32
    %le3A_65 = vector.broadcast %le3A_64 : i32 to vector<16xi32>
    %le3A_66 = arith.cmpi sle, %get3A_4, %le3A_65 : vector<16xi32>
    %jit3A_67 = arith.constant 618 : i32
    %jit3A_68 = arith.constant 617 : i32
    %broadcast_in_dim3A_69 = vector.broadcast %jit3A_67 : i32 to vector<16xi32>
    %broadcast_in_dim3A_70 = vector.broadcast %jit3A_68 : i32 to vector<16xi32>
    %select_n3A_71 = arith.select %le3A_66, %broadcast_in_dim3A_69, %broadcast_in_dim3A_70 : vector<16xi1>, vector<16xi32>
    %add3A_72 = arith.addi %mul3A_11, %select_n3A_71 : vector<16xi32>
    %swap3A_73 = arith.constant 2560 : index
    %swap3A_74 = tpu.vector_load %arg6[%swap3A_73] {strides = array<i32>} : memref<3072xi32, #tpu.memory_space<vmem>>, vector<16xi32>,
    %swap3A_75 = vector.shape_cast %swap3A_74 : vector<16xi32> to vector<16xi32>
    %swap3A_76 = vector.shape_cast %add3A_72 : vector<16xi32> to vector<16xi32>
    tpu.vector_store %arg6[%swap3A_73], %swap3A_76 {strides = array<i32>} : memref<3072xi32, #tpu.memory_space<vmem>>, vector<16xi32>,
    %get3A_77 = arith.constant 16 : index
    %get3A_78 = tpu.vector_load %arg5[%get3A_77] {strides = array<i32>} : memref<512xi32, #tpu.memory_space<vmem>>, vector<16xi32>,
    %get3A_79 = vector.shape_cast %get3A_78 : vector<16xi32> to vector<16xi32>
    %add3A_80 = arith.constant 16 : i32
    %add3A_81 = arith.addi %mul3A_2, %add3A_80 : i32
    %add3A_82 = vector.broadcast %add3A_81 : i32 to vector<16xi32>
    %add3A_83 = arith.addi %add3A_82, %iota3A : vector<16xi32>
    %mul3A_84 = arith.constant 1000 : i32
    %mul3A_85 = vector.broadcast %mul3A_84 : i32 to vector<16xi32>
    %mul3A_86 = arith.muli %add3A_83, %mul3A_85 : vector<16xi32>
    %add3A_87 = arith.addi %mul3A_86, %get3A_79 : vector<16xi32>
    %swap3A_88 = arith.constant 16 : index
    %swap3A_89 = tpu.vector_load %arg6[%swap3A_88] {strides = array<i32>} : memref<3072xi32, #tpu.memory_space<vmem>>, vector<16xi32>,
    %swap3A_90 = vector.shape_cast %swap3A_89 : vector<16xi32> to vector<16xi32>
    %swap3A_91 = vector.shape_cast %add3A_87 : vector<16xi32> to vector<16xi32>
    tpu.vector_store %arg6[%swap3A_88], %swap3A_91 {strides = array<i32>} : memref<3072xi32, #tpu.memory_space<vmem>>, vector<16xi32>,
    %le3A_92 = arith.constant 955 : i32
    %le3A_93 = vector.broadcast %le3A_92 : i32 to vector<16xi32>
    %le3A_94 = arith.cmpi sle, %get3A_79, %le3A_93 : vector<16xi32>
    %jit3A_95 = arith.constant 956 : i32
    %jit3A_96 = arith.constant 955 : i32
    %broadcast_in_dim3A_97 = vector.broadcast %jit3A_95 : i32 to vector<16xi32>
    %broadcast_in_dim3A_98 = vector.broadcast %jit3A_96 : i32 to vector<16xi32>
    %select_n3A_99 = arith.select %le3A_94, %broadcast_in_dim3A_97, %broadcast_in_dim3A_98 : vector<16xi1>, vector<16xi32>
    %add3A_100 = arith.addi %mul3A_86, %select_n3A_99 : vector<16xi32>
    %swap3A_101 = arith.constant 528 : index
    %swap3A_102 = tpu.vector_load %arg6[%swap3A_101] {strides = array<i32>} : memref<3072xi32, #tpu.memory_space<vmem>>, vector<16xi32>,
    %swap3A_103 = vector.shape_cast %swap3A_102 : vector<16xi32> to vector<16xi32>
    %swap3A_104 = vector.shape_cast %add3A_100 : vector<16xi32> to vector<16xi32>
    tpu.vector_store %arg6[%swap3A_101], %swap3A_104 {strides = array<i32>} : memref<3072xi32, #tpu.memory_space<vmem>>, vector<16xi32>,
    %le3A_105 = arith.constant 914 : i32
    %le3A_106 = vector.broadcast %le3A_105 : i32 to vector<16xi32>
    %le3A_107 = arith.cmpi sle, %get3A_79, %le3A_106 : vector<16xi32>
    %jit3A_108 = arith.constant 915 : i32
    %jit3A_109 = arith.constant 914 : i32
    %broadcast_in_dim3A_110 = vector.broadcast %jit3A_108 : i32 to vector<16xi32>
    %broadcast_in_dim3A_111 = vector.broadcast %jit3A_109 : i32 to vector<16xi32>
    %select_n3A_112 = arith.select %le3A_107, %broadcast_in_dim3A_110, %broadcast_in_dim3A_111 : vector<16xi1>, vector<16xi32>
    %add3A_113 = arith.addi %mul3A_86, %select_n3A_112 : vector<16xi32>
    %swap3A_114 = arith.constant 1040 : index
    %swap3A_115 = tpu.vector_load %arg6[%swap3A_114] {strides = array<i32>} : memref<3072xi32, #tpu.memory_space<vmem>>, vector<16xi32>,
    %swap3A_116 = vector.shape_cast %swap3A_115 : vector<16xi32> to vector<16xi32>
    %swap3A_117 = vector.shape_cast %add3A_113 : vector<16xi32> to vector<16xi32>
    tpu.vector_store %arg6[%swap3A_114], %swap3A_117 {strides = array<i32>} : memref<3072xi32, #tpu.memory_space<vmem>>, vector<16xi32>,
    %le3A_118 = arith.constant 121 : i32
    %le3A_119 = vector.broadcast %le3A_118 : i32 to vector<16xi32>
    %le3A_120 = arith.cmpi sle, %get3A_79, %le3A_119 : vector<16xi32>
    %jit3A_121 = arith.constant 122 : i32
    %jit3A_122 = arith.constant 121 : i32
    %broadcast_in_dim3A_123 = vector.broadcast %jit3A_121 : i32 to vector<16xi32>
    %broadcast_in_dim3A_124 = vector.broadcast %jit3A_122 : i32 to vector<16xi32>
    %select_n3A_125 = arith.select %le3A_120, %broadcast_in_dim3A_123, %broadcast_in_dim3A_124 : vector<16xi1>, vector<16xi32>
    %add3A_126 = arith.addi %mul3A_86, %select_n3A_125 : vector<16xi32>
    %swap3A_127 = arith.constant 1552 : index
    %swap3A_128 = tpu.vector_load %arg6[%swap3A_127] {strides = array<i32>} : memref<3072xi32, #tpu.memory_space<vmem>>, vector<16xi32>,
    %swap3A_129 = vector.shape_cast %swap3A_128 : vector<16xi32> to vector<16xi32>
    %swap3A_130 = vector.shape_cast %add3A_126 : vector<16xi32> to vector<16xi32>
    tpu.vector_store %arg6[%swap3A_127], %swap3A_130 {strides = array<i32>} : memref<3072xi32, #tpu.memory_space<vmem>>, vector<16xi32>,
    %le3A_131 = arith.constant 753 : i32
    %le3A_132 = vector.broadcast %le3A_131 : i32 to vector<16xi32>
    %le3A_133 = arith.cmpi sle, %get3A_79, %le3A_132 : vector<16xi32>
    %jit3A_134 = arith.constant 754 : i32
    %jit3A_135 = arith.constant 753 : i32
    %broadcast_in_dim3A_136 = vector.broadcast %jit3A_134 : i32 to vector<16xi32>
    %broadcast_in_dim3A_137 = vector.broadcast %jit3A_135 : i32 to vector<16xi32>
    %select_n3A_138 = arith.select %le3A_133, %broadcast_in_dim3A_136, %broadcast_in_dim3A_137 : vector<16xi1>, vector<16xi32>
    %add3A_139 = arith.addi %mul3A_86, %select_n3A_138 : vector<16xi32>
    %swap3A_140 = arith.constant 2064 : index
    %swap3A_141 = tpu.vector_load %arg6[%swap3A_140] {strides = array<i32>} : memref<3072xi32, #tpu.memory_space<vmem>>, vector<16xi32>,
    %swap3A_142 = vector.shape_cast %swap3A_141 : vector<16xi32> to vector<16xi32>
    %swap3A_143 = vector.shape_cast %add3A_139 : vector<16xi32> to vector<16xi32>
    tpu.vector_store %arg6[%swap3A_140], %swap3A_143 {strides = array<i32>} : memref<3072xi32, #tpu.memory_space<vmem>>, vector<16xi32>,
    %le3A_144 = arith.constant 617 : i32
    %le3A_145 = vector.broadcast %le3A_144 : i32 to vector<16xi32>
    %le3A_146 = arith.cmpi sle, %get3A_79, %le3A_145 : vector<16xi32>
    %jit3A_147 = arith.constant 618 : i32
    %jit3A_148 = arith.constant 617 : i32
    %broadcast_in_dim3A_149 = vector.broadcast %jit3A_147 : i32 to vector<16xi32>
    %broadcast_in_dim3A_150 = vector.broadcast %jit3A_148 : i32 to vector<16xi32>
    %select_n3A_151 = arith.select %le3A_146, %broadcast_in_dim3A_149, %broadcast_in_dim3A_150 : vector<16xi1>, vector<16xi32>
    %add3A_152 = arith.addi %mul3A_86, %select_n3A_151 : vector<16xi32>
    %swap3A_153 = arith.constant 2576 : index
    %swap3A_154 = tpu.vector_load %arg6[%swap3A_153] {strides = array<i32>} : memref<3072xi32, #tpu.memory_space<vmem>>, vector<16xi32>,
    %swap3A_155 = vector.shape_cast %swap3A_154 : vector<16xi32> to vector<16xi32>
    %swap3A_156 = vector.shape_cast %add3A_152 : vector<16xi32> to vector<16xi32>
    tpu.vector_store %arg6[%swap3A_153], %swap3A_156 {strides = array<i32>} : memref<3072xi32, #tpu.memory_space<vmem>>, vector<16xi32>,
    %get3A_157 = arith.constant 32 : index
    %get3A_158 = tpu.vector_load %arg5[%get3A_157] {strides = array<i32>} : memref<512xi32, #tpu.memory_space<vmem>>, vector<16xi32>,
    %get3A_159 = vector.shape_cast %get3A_158 : vector<16xi32> to vector<16xi32>
    %add3A_160 = arith.constant 32 : i32
    %add3A_161 = arith.addi %mul3A_2, %add3A_160 : i32
    %add3A_162 = vector.broadcast %add3A_161 : i32 to vector<16xi32>
    %add3A_163 = arith.addi %add3A_162, %iota3A : vector<16xi32>
    %mul3A_164 = arith.constant 1000 : i32
    %mul3A_165 = vector.broadcast %mul3A_164 : i32 to vector<16xi32>
    %mul3A_166 = arith.muli %add3A_163, %mul3A_165 : vector<16xi32>
    %add3A_167 = arith.addi %mul3A_166, %get3A_159 : vector<16xi32>
    %swap3A_168 = arith.constant 32 : index
    %swap3A_169 = tpu.vector_load %arg6[%swap3A_168] {strides = array<i32>} : memref<3072xi32, #tpu.memory_space<vmem>>, vector<16xi32>,
    %swap3A_170 = vector.shape_cast %swap3A_169 : vector<16xi32> to vector<16xi32>
    %swap3A_171 = vector.shape_cast %add3A_167 : vector<16xi32> to vector<16xi32>
    tpu.vector_store %arg6[%swap3A_168], %swap3A_171 {strides = array<i32>} : memref<3072xi32, #tpu.memory_space<vmem>>, vector<16xi32>,
    %le3A_172 = arith.constant 955 : i32
    %le3A_173 = vector.broadcast %le3A_172 : i32 to vector<16xi32>
    %le3A_174 = arith.cmpi sle, %get3A_159, %le3A_173 : vector<16xi32>
    %jit3A_175 = arith.constant 956 : i32
    %jit3A_176 = arith.constant 955 : i32
    %broadcast_in_dim3A_177 = vector.broadcast %jit3A_175 : i32 to vector<16xi32>
    %broadcast_in_dim3A_178 = vector.broadcast %jit3A_176 : i32 to vector<16xi32>
    %select_n3A_179 = arith.select %le3A_174, %broadcast_in_dim3A_177, %broadcast_in_dim3A_178 : vector<16xi1>, vector<16xi32>
    %add3A_180 = arith.addi %mul3A_166, %select_n3A_179 : vector<16xi32>
    %swap3A_181 = arith.constant 544 : index
    %swap3A_182 = tpu.vector_load %arg6[%swap3A_181] {strides = array<i32>} : memref<3072xi32, #tpu.memory_space<vmem>>, vector<16xi32>,
    %swap3A_183 = vector.shape_cast %swap3A_182 : vector<16xi32> to vector<16xi32>
    %swap3A_184 = vector.shape_cast %add3A_180 : vector<16xi32> to vector<16xi32>
    tpu.vector_store %arg6[%swap3A_181], %swap3A_184 {strides = array<i32>} : memref<3072xi32, #tpu.memory_space<vmem>>, vector<16xi32>,
    %le3A_185 = arith.constant 914 : i32
    %le3A_186 = vector.broadcast %le3A_185 : i32 to vector<16xi32>
    %le3A_187 = arith.cmpi sle, %get3A_159, %le3A_186 : vector<16xi32>
    %jit3A_188 = arith.constant 915 : i32
    %jit3A_189 = arith.constant 914 : i32
    %broadcast_in_dim3A_190 = vector.broadcast %jit3A_188 : i32 to vector<16xi32>
    %broadcast_in_dim3A_191 = vector.broadcast %jit3A_189 : i32 to vector<16xi32>
    %select_n3A_192 = arith.select %le3A_187, %broadcast_in_dim3A_190, %broadcast_in_dim3A_191 : vector<16xi1>, vector<16xi32>
    %add3A_193 = arith.addi %mul3A_166, %select_n3A_192 : vector<16xi32>
    %swap3A_194 = arith.constant 1056 : index
    %swap3A_195 = tpu.vector_load %arg6[%swap3A_194] {strides = array<i32>} : memref<3072xi32, #tpu.memory_space<vmem>>, vector<16xi32>,
    %swap3A_196 = vector.shape_cast %swap3A_195 : vector<16xi32> to vector<16xi32>
    %swap3A_197 = vector.shape_cast %add3A_193 : vector<16xi32> to vector<16xi32>
    tpu.vector_store %arg6[%swap3A_194], %swap3A_197 {strides = array<i32>} : memref<3072xi32, #tpu.memory_space<vmem>>, vector<16xi32>,
    %le3A_198 = arith.constant 121 : i32
    %le3A_199 = vector.broadcast %le3A_198 : i32 to vector<16xi32>
    %le3A_200 = arith.cmpi sle, %get3A_159, %le3A_199 : vector<16xi32>
    %jit3A_201 = arith.constant 122 : i32
    %jit3A_202 = arith.constant 121 : i32
    %broadcast_in_dim3A_203 = vector.broadcast %jit3A_201 : i32 to vector<16xi32>
    %broadcast_in_dim3A_204 = vector.broadcast %jit3A_202 : i32 to vector<16xi32>
    %select_n3A_205 = arith.select %le3A_200, %broadcast_in_dim3A_203, %broadcast_in_dim3A_204 : vector<16xi1>, vector<16xi32>
    %add3A_206 = arith.addi %mul3A_166, %select_n3A_205 : vector<16xi32>
    %swap3A_207 = arith.constant 1568 : index
    %swap3A_208 = tpu.vector_load %arg6[%swap3A_207] {strides = array<i32>} : memref<3072xi32, #tpu.memory_space<vmem>>, vector<16xi32>,
    %swap3A_209 = vector.shape_cast %swap3A_208 : vector<16xi32> to vector<16xi32>
    %swap3A_210 = vector.shape_cast %add3A_206 : vector<16xi32> to vector<16xi32>
    tpu.vector_store %arg6[%swap3A_207], %swap3A_210 {strides = array<i32>} : memref<3072xi32, #tpu.memory_space<vmem>>, vector<16xi32>,
    %le3A_211 = arith.constant 753 : i32
    %le3A_212 = vector.broadcast %le3A_211 : i32 to vector<16xi32>
    %le3A_213 = arith.cmpi sle, %get3A_159, %le3A_212 : vector<16xi32>
    %jit3A_214 = arith.constant 754 : i32
    %jit3A_215 = arith.constant 753 : i32
    %broadcast_in_dim3A_216 = vector.broadcast %jit3A_214 : i32 to vector<16xi32>
    %broadcast_in_dim3A_217 = vector.broadcast %jit3A_215 : i32 to vector<16xi32>
    %select_n3A_218 = arith.select %le3A_213, %broadcast_in_dim3A_216, %broadcast_in_dim3A_217 : vector<16xi1>, vector<16xi32>
    %add3A_219 = arith.addi %mul3A_166, %select_n3A_218 : vector<16xi32>
    %swap3A_220 = arith.constant 2080 : index
    %swap3A_221 = tpu.vector_load %arg6[%swap3A_220] {strides = array<i32>} : memref<3072xi32, #tpu.memory_space<vmem>>, vector<16xi32>,
    %swap3A_222 = vector.shape_cast %swap3A_221 : vector<16xi32> to vector<16xi32>
    %swap3A_223 = vector.shape_cast %add3A_219 : vector<16xi32> to vector<16xi32>
    tpu.vector_store %arg6[%swap3A_220], %swap3A_223 {strides = array<i32>} : memref<3072xi32, #tpu.memory_space<vmem>>, vector<16xi32>,
    %le3A_224 = arith.constant 617 : i32
    %le3A_225 = vector.broadcast %le3A_224 : i32 to vector<16xi32>
    %le3A_226 = arith.cmpi sle, %get3A_159, %le3A_225 : vector<16xi32>
    %jit3A_227 = arith.constant 618 : i32
    %jit3A_228 = arith.constant 617 : i32
    %broadcast_in_dim3A_229 = vector.broadcast %jit3A_227 : i32 to vector<16xi32>
    %broadcast_in_dim3A_230 = vector.broadcast %jit3A_228 : i32 to vector<16xi32>
    %select_n3A_231 = arith.select %le3A_226, %broadcast_in_dim3A_229, %broadcast_in_dim3A_230 : vector<16xi1>, vector<16xi32>
    %add3A_232 = arith.addi %mul3A_166, %select_n3A_231 : vector<16xi32>
    %swap3A_233 = arith.constant 2592 : index
    %swap3A_234 = tpu.vector_load %arg6[%swap3A_233] {strides = array<i32>} : memref<3072xi32, #tpu.memory_space<vmem>>, vector<16xi32>,
    %swap3A_235 = vector.shape_cast %swap3A_234 : vector<16xi32> to vector<16xi32>
    %swap3A_236 = vector.shape_cast %add3A_232 : vector<16xi32> to vector<16xi32>
    tpu.vector_store %arg6[%swap3A_233], %swap3A_236 {strides = array<i32>} : memref<3072xi32, #tpu.memory_space<vmem>>, vector<16xi32>,
    %get3A_237 = arith.constant 48 : index
    %get3A_238 = tpu.vector_load %arg5[%get3A_237] {strides = array<i32>} : memref<512xi32, #tpu.memory_space<vmem>>, vector<16xi32>,
    %get3A_239 = vector.shape_cast %get3A_238 : vector<16xi32> to vector<16xi32>
    %add3A_240 = arith.constant 48 : i32
    %add3A_241 = arith.addi %mul3A_2, %add3A_240 : i32
    %add3A_242 = vector.broadcast %add3A_241 : i32 to vector<16xi32>
    %add3A_243 = arith.addi %add3A_242, %iota3A : vector<16xi32>
    %mul3A_244 = arith.constant 1000 : i32
    %mul3A_245 = vector.broadcast %mul3A_244 : i32 to vector<16xi32>
    %mul3A_246 = arith.muli %add3A_243, %mul3A_245 : vector<16xi32>
    %add3A_247 = arith.addi %mul3A_246, %get3A_239 : vector<16xi32>
    %swap3A_248 = arith.constant 48 : index
    %swap3A_249 = tpu.vector_load %arg6[%swap3A_248] {strides = array<i32>} : memref<3072xi32, #tpu.memory_space<vmem>>, vector<16xi32>,
    %swap3A_250 = vector.shape_cast %swap3A_249 : vector<16xi32> to vector<16xi32>
    %swap3A_251 = vector.shape_cast %add3A_247 : vector<16xi32> to vector<16xi32>
    tpu.vector_store %arg6[%swap3A_248], %swap3A_251 {strides = array<i32>} : memref<3072xi32, #tpu.memory_space<vmem>>, vector<16xi32>,
    %le3A_252 = arith.constant 955 : i32
    %le3A_253 = vector.broadcast %le3A_252 : i32 to vector<16xi32>
    %le3A_254 = arith.cmpi sle, %get3A_239, %le3A_253 : vector<16xi32>
    %jit3A_255 = arith.constant 956 : i32
    %jit3A_256 = arith.constant 955 : i32
    %broadcast_in_dim3A_257 = vector.broadcast %jit3A_255 : i32 to vector<16xi32>
    %broadcast_in_dim3A_258 = vector.broadcast %jit3A_256 : i32 to vector<16xi32>
    %select_n3A_259 = arith.select %le3A_254, %broadcast_in_dim3A_257, %broadcast_in_dim3A_258 : vector<16xi1>, vector<16xi32>
    %add3A_260 = arith.addi %mul3A_246, %select_n3A_259 : vector<16xi32>
    %swap3A_261 = arith.constant 560 : index
    %swap3A_262 = tpu.vector_load %arg6[%swap3A_261] {strides = array<i32>} : memref<3072xi32, #tpu.memory_space<vmem>>, vector<16xi32>,
    %swap3A_263 = vector.shape_cast %swap3A_262 : vector<16xi32> to vector<16xi32>
    %swap3A_264 = vector.shape_cast %add3A_260 : vector<16xi32> to vector<16xi32>
    tpu.vector_store %arg6[%swap3A_261], %swap3A_264 {strides = array<i32>} : memref<3072xi32, #tpu.memory_space<vmem>>, vector<16xi32>,
    %le3A_265 = arith.constant 914 : i32
    %le3A_266 = vector.broadcast %le3A_265 : i32 to vector<16xi32>
    %le3A_267 = arith.cmpi sle, %get3A_239, %le3A_266 : vector<16xi32>
    %jit3A_268 = arith.constant 915 : i32
    %jit3A_269 = arith.constant 914 : i32
    %broadcast_in_dim3A_270 = vector.broadcast %jit3A_268 : i32 to vector<16xi32>
    %broadcast_in_dim3A_271 = vector.broadcast %jit3A_269 : i32 to vector<16xi32>
    %select_n3A_272 = arith.select %le3A_267, %broadcast_in_dim3A_270, %broadcast_in_dim3A_271 : vector<16xi1>, vector<16xi32>
    %add3A_273 = arith.addi %mul3A_246, %select_n3A_272 : vector<16xi32>
    %swap3A_274 = arith.constant 1072 : index
    %swap3A_275 = tpu.vector_load %arg6[%swap3A_274] {strides = array<i32>} : memref<3072xi32, #tpu.memory_space<vmem>>, vector<16xi32>,
    %swap3A_276 = vector.shape_cast %swap3A_275 : vector<16xi32> to vector<16xi32>
    %swap3A_277 = vector.shape_cast %add3A_273 : vector<16xi32> to vector<16xi32>
    tpu.vector_store %arg6[%swap3A_274], %swap3A_277 {strides = array<i32>} : memref<3072xi32, #tpu.memory_space<vmem>>, vector<16xi32>,
    %le3A_278 = arith.constant 121 : i32
    %le3A_279 = vector.broadcast %le3A_278 : i32 to vector<16xi32>
    %le3A_280 = arith.cmpi sle, %get3A_239, %le3A_279 : vector<16xi32>
    %jit3A_281 = arith.constant 122 : i32
    %jit3A_282 = arith.constant 121 : i32
    %broadcast_in_dim3A_283 = vector.broadcast %jit3A_281 : i32 to vector<16xi32>
    %broadcast_in_dim3A_284 = vector.broadcast %jit3A_282 : i32 to vector<16xi32>
    %select_n3A_285 = arith.select %le3A_280, %broadcast_in_dim3A_283, %broadcast_in_dim3A_284 : vector<16xi1>, vector<16xi32>
    %add3A_286 = arith.addi %mul3A_246, %select_n3A_285 : vector<16xi32>
    %swap3A_287 = arith.constant 1584 : index
    %swap3A_288 = tpu.vector_load %arg6[%swap3A_287] {strides = array<i32>} : memref<3072xi32, #tpu.memory_space<vmem>>, vector<16xi32>,
    %swap3A_289 = vector.shape_cast %swap3A_288 : vector<16xi32> to vector<16xi32>
    %swap3A_290 = vector.shape_cast %add3A_286 : vector<16xi32> to vector<16xi32>
    tpu.vector_store %arg6[%swap3A_287], %swap3A_290 {strides = array<i32>} : memref<3072xi32, #tpu.memory_space<vmem>>, vector<16xi32>,
    %le3A_291 = arith.constant 753 : i32
    %le3A_292 = vector.broadcast %le3A_291 : i32 to vector<16xi32>
    %le3A_293 = arith.cmpi sle, %get3A_239, %le3A_292 : vector<16xi32>
    %jit3A_294 = arith.constant 754 : i32
    %jit3A_295 = arith.constant 753 : i32
    %broadcast_in_dim3A_296 = vector.broadcast %jit3A_294 : i32 to vector<16xi32>
    %broadcast_in_dim3A_297 = vector.broadcast %jit3A_295 : i32 to vector<16xi32>
    %select_n3A_298 = arith.select %le3A_293, %broadcast_in_dim3A_296, %broadcast_in_dim3A_297 : vector<16xi1>, vector<16xi32>
    %add3A_299 = arith.addi %mul3A_246, %select_n3A_298 : vector<16xi32>
    %swap3A_300 = arith.constant 2096 : index
    %swap3A_301 = tpu.vector_load %arg6[%swap3A_300] {strides = array<i32>} : memref<3072xi32, #tpu.memory_space<vmem>>, vector<16xi32>,
    %swap3A_302 = vector.shape_cast %swap3A_301 : vector<16xi32> to vector<16xi32>
    %swap3A_303 = vector.shape_cast %add3A_299 : vector<16xi32> to vector<16xi32>
    tpu.vector_store %arg6[%swap3A_300], %swap3A_303 {strides = array<i32>} : memref<3072xi32, #tpu.memory_space<vmem>>, vector<16xi32>,
    %le3A_304 = arith.constant 617 : i32
    %le3A_305 = vector.broadcast %le3A_304 : i32 to vector<16xi32>
    %le3A_306 = arith.cmpi sle, %get3A_239, %le3A_305 : vector<16xi32>
    %jit3A_307 = arith.constant 618 : i32
    %jit3A_308 = arith.constant 617 : i32
    %broadcast_in_dim3A_309 = vector.broadcast %jit3A_307 : i32 to vector<16xi32>
    %broadcast_in_dim3A_310 = vector.broadcast %jit3A_308 : i32 to vector<16xi32>
    %select_n3A_311 = arith.select %le3A_306, %broadcast_in_dim3A_309, %broadcast_in_dim3A_310 : vector<16xi1>, vector<16xi32>
    %add3A_312 = arith.addi %mul3A_246, %select_n3A_311 : vector<16xi32>
    %swap3A_313 = arith.constant 2608 : index
    %swap3A_314 = tpu.vector_load %arg6[%swap3A_313] {strides = array<i32>} : memref<3072xi32, #tpu.memory_space<vmem>>, vector<16xi32>,
    %swap3A_315 = vector.shape_cast %swap3A_314 : vector<16xi32> to vector<16xi32>
    %swap3A_316 = vector.shape_cast %add3A_312 : vector<16xi32> to vector<16xi32>
    tpu.vector_store %arg6[%swap3A_313], %swap3A_316 {strides = array<i32>} : memref<3072xi32, #tpu.memory_space<vmem>>, vector<16xi32>,
    %get3A_317 = arith.constant 64 : index
    %get3A_318 = tpu.vector_load %arg5[%get3A_317] {strides = array<i32>} : memref<512xi32, #tpu.memory_space<vmem>>, vector<16xi32>,
    %get3A_319 = vector.shape_cast %get3A_318 : vector<16xi32> to vector<16xi32>
    %add3A_320 = arith.constant 64 : i32
    %add3A_321 = arith.addi %mul3A_2, %add3A_320 : i32
    %add3A_322 = vector.broadcast %add3A_321 : i32 to vector<16xi32>
    %add3A_323 = arith.addi %add3A_322, %iota3A : vector<16xi32>
    %mul3A_324 = arith.constant 1000 : i32
    %mul3A_325 = vector.broadcast %mul3A_324 : i32 to vector<16xi32>
    %mul3A_326 = arith.muli %add3A_323, %mul3A_325 : vector<16xi32>
    %add3A_327 = arith.addi %mul3A_326, %get3A_319 : vector<16xi32>
    %swap3A_328 = arith.constant 64 : index
    %swap3A_329 = tpu.vector_load %arg6[%swap3A_328] {strides = array<i32>} : memref<3072xi32, #tpu.memory_space<vmem>>, vector<16xi32>,
    %swap3A_330 = vector.shape_cast %swap3A_329 : vector<16xi32> to vector<16xi32>
    %swap3A_331 = vector.shape_cast %add3A_327 : vector<16xi32> to vector<16xi32>
    tpu.vector_store %arg6[%swap3A_328], %swap3A_331 {strides = array<i32>} : memref<3072xi32, #tpu.memory_space<vmem>>, vector<16xi32>,
    %le3A_332 = arith.constant 955 : i32
    %le3A_333 = vector.broadcast %le3A_332 : i32 to vector<16xi32>
    %le3A_334 = arith.cmpi sle, %get3A_319, %le3A_333 : vector<16xi32>
    %jit3A_335 = arith.constant 956 : i32
    %jit3A_336 = arith.constant 955 : i32
    %broadcast_in_dim3A_337 = vector.broadcast %jit3A_335 : i32 to vector<16xi32>
    %broadcast_in_dim3A_338 = vector.broadcast %jit3A_336 : i32 to vector<16xi32>
    %select_n3A_339 = arith.select %le3A_334, %broadcast_in_dim3A_337, %broadcast_in_dim3A_338 : vector<16xi1>, vector<16xi32>
    %add3A_340 = arith.addi %mul3A_326, %select_n3A_339 : vector<16xi32>
    %swap3A_341 = arith.constant 576 : index
    %swap3A_342 = tpu.vector_load %arg6[%swap3A_341] {strides = array<i32>} : memref<3072xi32, #tpu.memory_space<vmem>>, vector<16xi32>,
    %swap3A_343 = vector.shape_cast %swap3A_342 : vector<16xi32> to vector<16xi32>
    %swap3A_344 = vector.shape_cast %add3A_340 : vector<16xi32> to vector<16xi32>
    tpu.vector_store %arg6[%swap3A_341], %swap3A_344 {strides = array<i32>} : memref<3072xi32, #tpu.memory_space<vmem>>, vector<16xi32>,
    %le3A_345 = arith.constant 914 : i32
    %le3A_346 = vector.broadcast %le3A_345 : i32 to vector<16xi32>
    %le3A_347 = arith.cmpi sle, %get3A_319, %le3A_346 : vector<16xi32>
    %jit3A_348 = arith.constant 915 : i32
    %jit3A_349 = arith.constant 914 : i32
    %broadcast_in_dim3A_350 = vector.broadcast %jit3A_348 : i32 to vector<16xi32>
    %broadcast_in_dim3A_351 = vector.broadcast %jit3A_349 : i32 to vector<16xi32>
    %select_n3A_352 = arith.select %le3A_347, %broadcast_in_dim3A_350, %broadcast_in_dim3A_351 : vector<16xi1>, vector<16xi32>
    %add3A_353 = arith.addi %mul3A_326, %select_n3A_352 : vector<16xi32>
    %swap3A_354 = arith.constant 1088 : index
    %swap3A_355 = tpu.vector_load %arg6[%swap3A_354] {strides = array<i32>} : memref<3072xi32, #tpu.memory_space<vmem>>, vector<16xi32>,
    %swap3A_356 = vector.shape_cast %swap3A_355 : vector<16xi32> to vector<16xi32>
    %swap3A_357 = vector.shape_cast %add3A_353 : vector<16xi32> to vector<16xi32>
    tpu.vector_store %arg6[%swap3A_354], %swap3A_357 {strides = array<i32>} : memref<3072xi32, #tpu.memory_space<vmem>>, vector<16xi32>,
    %le3A_358 = arith.constant 121 : i32
    %le3A_359 = vector.broadcast %le3A_358 : i32 to vector<16xi32>
    %le3A_360 = arith.cmpi sle, %get3A_319, %le3A_359 : vector<16xi32>
    %jit3A_361 = arith.constant 122 : i32
    %jit3A_362 = arith.constant 121 : i32
    %broadcast_in_dim3A_363 = vector.broadcast %jit3A_361 : i32 to vector<16xi32>
    %broadcast_in_dim3A_364 = vector.broadcast %jit3A_362 : i32 to vector<16xi32>
    %select_n3A_365 = arith.select %le3A_360, %broadcast_in_dim3A_363, %broadcast_in_dim3A_364 : vector<16xi1>, vector<16xi32>
    %add3A_366 = arith.addi %mul3A_326, %select_n3A_365 : vector<16xi32>
    %swap3A_367 = arith.constant 1600 : index
    %swap3A_368 = tpu.vector_load %arg6[%swap3A_367] {strides = array<i32>} : memref<3072xi32, #tpu.memory_space<vmem>>, vector<16xi32>,
    %swap3A_369 = vector.shape_cast %swap3A_368 : vector<16xi32> to vector<16xi32>
    %swap3A_370 = vector.shape_cast %add3A_366 : vector<16xi32> to vector<16xi32>
    tpu.vector_store %arg6[%swap3A_367], %swap3A_370 {strides = array<i32>} : memref<3072xi32, #tpu.memory_space<vmem>>, vector<16xi32>,
    %le3A_371 = arith.constant 753 : i32
    %le3A_372 = vector.broadcast %le3A_371 : i32 to vector<16xi32>
    %le3A_373 = arith.cmpi sle, %get3A_319, %le3A_372 : vector<16xi32>
    %jit3A_374 = arith.constant 754 : i32
    %jit3A_375 = arith.constant 753 : i32
    %broadcast_in_dim3A_376 = vector.broadcast %jit3A_374 : i32 to vector<16xi32>
    %broadcast_in_dim3A_377 = vector.broadcast %jit3A_375 : i32 to vector<16xi32>
    %select_n3A_378 = arith.select %le3A_373, %broadcast_in_dim3A_376, %broadcast_in_dim3A_377 : vector<16xi1>, vector<16xi32>
    %add3A_379 = arith.addi %mul3A_326, %select_n3A_378 : vector<16xi32>
    %swap3A_380 = arith.constant 2112 : index
    %swap3A_381 = tpu.vector_load %arg6[%swap3A_380] {strides = array<i32>} : memref<3072xi32, #tpu.memory_space<vmem>>, vector<16xi32>,
    %swap3A_382 = vector.shape_cast %swap3A_381 : vector<16xi32> to vector<16xi32>
    %swap3A_383 = vector.shape_cast %add3A_379 : vector<16xi32> to vector<16xi32>
    tpu.vector_store %arg6[%swap3A_380], %swap3A_383 {strides = array<i32>} : memref<3072xi32, #tpu.memory_space<vmem>>, vector<16xi32>,
    %le3A_384 = arith.constant 617 : i32
    %le3A_385 = vector.broadcast %le3A_384 : i32 to vector<16xi32>
    %le3A_386 = arith.cmpi sle, %get3A_319, %le3A_385 : vector<16xi32>
    %jit3A_387 = arith.constant 618 : i32
    %jit3A_388 = arith.constant 617 : i32
    %broadcast_in_dim3A_389 = vector.broadcast %jit3A_387 : i32 to vector<16xi32>
    %broadcast_in_dim3A_390 = vector.broadcast %jit3A_388 : i32 to vector<16xi32>
    %select_n3A_391 = arith.select %le3A_386, %broadcast_in_dim3A_389, %broadcast_in_dim3A_390 : vector<16xi1>, vector<16xi32>
    %add3A_392 = arith.addi %mul3A_326, %select_n3A_391 : vector<16xi32>
    %swap3A_393 = arith.constant 2624 : index
    %swap3A_394 = tpu.vector_load %arg6[%swap3A_393] {strides = array<i32>} : memref<3072xi32, #tpu.memory_space<vmem>>, vector<16xi32>,
    %swap3A_395 = vector.shape_cast %swap3A_394 : vector<16xi32> to vector<16xi32>
    %swap3A_396 = vector.shape_cast %add3A_392 : vector<16xi32> to vector<16xi32>
    tpu.vector_store %arg6[%swap3A_393], %swap3A_396 {strides = array<i32>} : memref<3072xi32, #tpu.memory_space<vmem>>, vector<16xi32>,
    %get3A_397 = arith.constant 80 : index
    %get3A_398 = tpu.vector_load %arg5[%get3A_397] {strides = array<i32>} : memref<512xi32, #tpu.memory_space<vmem>>, vector<16xi32>,
    %get3A_399 = vector.shape_cast %get3A_398 : vector<16xi32> to vector<16xi32>
    %add3A_400 = arith.constant 80 : i32
    %add3A_401 = arith.addi %mul3A_2, %add3A_400 : i32
    %add3A_402 = vector.broadcast %add3A_401 : i32 to vector<16xi32>
    %add3A_403 = arith.addi %add3A_402, %iota3A : vector<16xi32>
    %mul3A_404 = arith.constant 1000 : i32
    %mul3A_405 = vector.broadcast %mul3A_404 : i32 to vector<16xi32>
    %mul3A_406 = arith.muli %add3A_403, %mul3A_405 : vector<16xi32>
    %add3A_407 = arith.addi %mul3A_406, %get3A_399 : vector<16xi32>
    %swap3A_408 = arith.constant 80 : index
    %swap3A_409 = tpu.vector_load %arg6[%swap3A_408] {strides = array<i32>} : memref<3072xi32, #tpu.memory_space<vmem>>, vector<16xi32>,
    %swap3A_410 = vector.shape_cast %swap3A_409 : vector<16xi32> to vector<16xi32>
    %swap3A_411 = vector.shape_cast %add3A_407 : vector<16xi32> to vector<16xi32>
    tpu.vector_store %arg6[%swap3A_408], %swap3A_411 {strides = array<i32>} : memref<3072xi32, #tpu.memory_space<vmem>>, vector<16xi32>,
    %le3A_412 = arith.constant 955 : i32
    %le3A_413 = vector.broadcast %le3A_412 : i32 to vector<16xi32>
    %le3A_414 = arith.cmpi sle, %get3A_399, %le3A_413 : vector<16xi32>
    %jit3A_415 = arith.constant 956 : i32
    %jit3A_416 = arith.constant 955 : i32
    %broadcast_in_dim3A_417 = vector.broadcast %jit3A_415 : i32 to vector<16xi32>
    %broadcast_in_dim3A_418 = vector.broadcast %jit3A_416 : i32 to vector<16xi32>
    %select_n3A_419 = arith.select %le3A_414, %broadcast_in_dim3A_417, %broadcast_in_dim3A_418 : vector<16xi1>, vector<16xi32>
    %add3A_420 = arith.addi %mul3A_406, %select_n3A_419 : vector<16xi32>
    %swap3A_421 = arith.constant 592 : index
    %swap3A_422 = tpu.vector_load %arg6[%swap3A_421] {strides = array<i32>} : memref<3072xi32, #tpu.memory_space<vmem>>, vector<16xi32>,
    %swap3A_423 = vector.shape_cast %swap3A_422 : vector<16xi32> to vector<16xi32>
    %swap3A_424 = vector.shape_cast %add3A_420 : vector<16xi32> to vector<16xi32>
    tpu.vector_store %arg6[%swap3A_421], %swap3A_424 {strides = array<i32>} : memref<3072xi32, #tpu.memory_space<vmem>>, vector<16xi32>,
    %le3A_425 = arith.constant 914 : i32
    %le3A_426 = vector.broadcast %le3A_425 : i32 to vector<16xi32>
    %le3A_427 = arith.cmpi sle, %get3A_399, %le3A_426 : vector<16xi32>
    %jit3A_428 = arith.constant 915 : i32
    %jit3A_429 = arith.constant 914 : i32
    %broadcast_in_dim3A_430 = vector.broadcast %jit3A_428 : i32 to vector<16xi32>
    %broadcast_in_dim3A_431 = vector.broadcast %jit3A_429 : i32 to vector<16xi32>
    %select_n3A_432 = arith.select %le3A_427, %broadcast_in_dim3A_430, %broadcast_in_dim3A_431 : vector<16xi1>, vector<16xi32>
    %add3A_433 = arith.addi %mul3A_406, %select_n3A_432 : vector<16xi32>
    %swap3A_434 = arith.constant 1104 : index
    %swap3A_435 = tpu.vector_load %arg6[%swap3A_434] {strides = array<i32>} : memref<3072xi32, #tpu.memory_space<vmem>>, vector<16xi32>,
    %swap3A_436 = vector.shape_cast %swap3A_435 : vector<16xi32> to vector<16xi32>
    %swap3A_437 = vector.shape_cast %add3A_433 : vector<16xi32> to vector<16xi32>
    tpu.vector_store %arg6[%swap3A_434], %swap3A_437 {strides = array<i32>} : memref<3072xi32, #tpu.memory_space<vmem>>, vector<16xi32>,
    %le3A_438 = arith.constant 121 : i32
    %le3A_439 = vector.broadcast %le3A_438 : i32 to vector<16xi32>
    %le3A_440 = arith.cmpi sle, %get3A_399, %le3A_439 : vector<16xi32>
    %jit3A_441 = arith.constant 122 : i32
    %jit3A_442 = arith.constant 121 : i32
    %broadcast_in_dim3A_443 = vector.broadcast %jit3A_441 : i32 to vector<16xi32>
    %broadcast_in_dim3A_444 = vector.broadcast %jit3A_442 : i32 to vector<16xi32>
    %select_n3A_445 = arith.select %le3A_440, %broadcast_in_dim3A_443, %broadcast_in_dim3A_444 : vector<16xi1>, vector<16xi32>
    %add3A_446 = arith.addi %mul3A_406, %select_n3A_445 : vector<16xi32>
    %swap3A_447 = arith.constant 1616 : index
    %swap3A_448 = tpu.vector_load %arg6[%swap3A_447] {strides = array<i32>} : memref<3072xi32, #tpu.memory_space<vmem>>, vector<16xi32>,
    %swap3A_449 = vector.shape_cast %swap3A_448 : vector<16xi32> to vector<16xi32>
    %swap3A_450 = vector.shape_cast %add3A_446 : vector<16xi32> to vector<16xi32>
    tpu.vector_store %arg6[%swap3A_447], %swap3A_450 {strides = array<i32>} : memref<3072xi32, #tpu.memory_space<vmem>>, vector<16xi32>,
    %le3A_451 = arith.constant 753 : i32
    %le3A_452 = vector.broadcast %le3A_451 : i32 to vector<16xi32>
    %le3A_453 = arith.cmpi sle, %get3A_399, %le3A_452 : vector<16xi32>
    %jit3A_454 = arith.constant 754 : i32
    %jit3A_455 = arith.constant 753 : i32
    %broadcast_in_dim3A_456 = vector.broadcast %jit3A_454 : i32 to vector<16xi32>
    %broadcast_in_dim3A_457 = vector.broadcast %jit3A_455 : i32 to vector<16xi32>
    %select_n3A_458 = arith.select %le3A_453, %broadcast_in_dim3A_456, %broadcast_in_dim3A_457 : vector<16xi1>, vector<16xi32>
    %add3A_459 = arith.addi %mul3A_406, %select_n3A_458 : vector<16xi32>
    %swap3A_460 = arith.constant 2128 : index
    %swap3A_461 = tpu.vector_load %arg6[%swap3A_460] {strides = array<i32>} : memref<3072xi32, #tpu.memory_space<vmem>>, vector<16xi32>,
    %swap3A_462 = vector.shape_cast %swap3A_461 : vector<16xi32> to vector<16xi32>
    %swap3A_463 = vector.shape_cast %add3A_459 : vector<16xi32> to vector<16xi32>
    tpu.vector_store %arg6[%swap3A_460], %swap3A_463 {strides = array<i32>} : memref<3072xi32, #tpu.memory_space<vmem>>, vector<16xi32>,
    %le3A_464 = arith.constant 617 : i32
    %le3A_465 = vector.broadcast %le3A_464 : i32 to vector<16xi32>
    %le3A_466 = arith.cmpi sle, %get3A_399, %le3A_465 : vector<16xi32>
    %jit3A_467 = arith.constant 618 : i32
    %jit3A_468 = arith.constant 617 : i32
    %broadcast_in_dim3A_469 = vector.broadcast %jit3A_467 : i32 to vector<16xi32>
    %broadcast_in_dim3A_470 = vector.broadcast %jit3A_468 : i32 to vector<16xi32>
    %select_n3A_471 = arith.select %le3A_466, %broadcast_in_dim3A_469, %broadcast_in_dim3A_470 : vector<16xi1>, vector<16xi32>
    %add3A_472 = arith.addi %mul3A_406, %select_n3A_471 : vector<16xi32>
    %swap3A_473 = arith.constant 2640 : index
    %swap3A_474 = tpu.vector_load %arg6[%swap3A_473] {strides = array<i32>} : memref<3072xi32, #tpu.memory_space<vmem>>, vector<16xi32>,
    %swap3A_475 = vector.shape_cast %swap3A_474 : vector<16xi32> to vector<16xi32>
    %swap3A_476 = vector.shape_cast %add3A_472 : vector<16xi32> to vector<16xi32>
    tpu.vector_store %arg6[%swap3A_473], %swap3A_476 {strides = array<i32>} : memref<3072xi32, #tpu.memory_space<vmem>>, vector<16xi32>,
    %get3A_477 = arith.constant 96 : index
    %get3A_478 = tpu.vector_load %arg5[%get3A_477] {strides = array<i32>} : memref<512xi32, #tpu.memory_space<vmem>>, vector<16xi32>,
    %get3A_479 = vector.shape_cast %get3A_478 : vector<16xi32> to vector<16xi32>
    %add3A_480 = arith.constant 96 : i32
    %add3A_481 = arith.addi %mul3A_2, %add3A_480 : i32
    %add3A_482 = vector.broadcast %add3A_481 : i32 to vector<16xi32>
    %add3A_483 = arith.addi %add3A_482, %iota3A : vector<16xi32>
    %mul3A_484 = arith.constant 1000 : i32
    %mul3A_485 = vector.broadcast %mul3A_484 : i32 to vector<16xi32>
    %mul3A_486 = arith.muli %add3A_483, %mul3A_485 : vector<16xi32>
    %add3A_487 = arith.addi %mul3A_486, %get3A_479 : vector<16xi32>
    %swap3A_488 = arith.constant 96 : index
    %swap3A_489 = tpu.vector_load %arg6[%swap3A_488] {strides = array<i32>} : memref<3072xi32, #tpu.memory_space<vmem>>, vector<16xi32>,
    %swap3A_490 = vector.shape_cast %swap3A_489 : vector<16xi32> to vector<16xi32>
    %swap3A_491 = vector.shape_cast %add3A_487 : vector<16xi32> to vector<16xi32>
    tpu.vector_store %arg6[%swap3A_488], %swap3A_491 {strides = array<i32>} : memref<3072xi32, #tpu.memory_space<vmem>>, vector<16xi32>,
    %le3A_492 = arith.constant 955 : i32
    %le3A_493 = vector.broadcast %le3A_492 : i32 to vector<16xi32>
    %le3A_494 = arith.cmpi sle, %get3A_479, %le3A_493 : vector<16xi32>
    %jit3A_495 = arith.constant 956 : i32
    %jit3A_496 = arith.constant 955 : i32
    %broadcast_in_dim3A_497 = vector.broadcast %jit3A_495 : i32 to vector<16xi32>
    %broadcast_in_dim3A_498 = vector.broadcast %jit3A_496 : i32 to vector<16xi32>
    %select_n3A_499 = arith.select %le3A_494, %broadcast_in_dim3A_497, %broadcast_in_dim3A_498 : vector<16xi1>, vector<16xi32>
    %add3A_500 = arith.addi %mul3A_486, %select_n3A_499 : vector<16xi32>
    %swap3A_501 = arith.constant 608 : index
    %swap3A_502 = tpu.vector_load %arg6[%swap3A_501] {strides = array<i32>} : memref<3072xi32, #tpu.memory_space<vmem>>, vector<16xi32>,
    %swap3A_503 = vector.shape_cast %swap3A_502 : vector<16xi32> to vector<16xi32>
    %swap3A_504 = vector.shape_cast %add3A_500 : vector<16xi32> to vector<16xi32>
    tpu.vector_store %arg6[%swap3A_501], %swap3A_504 {strides = array<i32>} : memref<3072xi32, #tpu.memory_space<vmem>>, vector<16xi32>,
    %le3A_505 = arith.constant 914 : i32
    %le3A_506 = vector.broadcast %le3A_505 : i32 to vector<16xi32>
    %le3A_507 = arith.cmpi sle, %get3A_479, %le3A_506 : vector<16xi32>
    %jit3A_508 = arith.constant 915 : i32
    %jit3A_509 = arith.constant 914 : i32
    %broadcast_in_dim3A_510 = vector.broadcast %jit3A_508 : i32 to vector<16xi32>
    %broadcast_in_dim3A_511 = vector.broadcast %jit3A_509 : i32 to vector<16xi32>
    %select_n3A_512 = arith.select %le3A_507, %broadcast_in_dim3A_510, %broadcast_in_dim3A_511 : vector<16xi1>, vector<16xi32>
    %add3A_513 = arith.addi %mul3A_486, %select_n3A_512 : vector<16xi32>
    %swap3A_514 = arith.constant 1120 : index
    %swap3A_515 = tpu.vector_load %arg6[%swap3A_514] {strides = array<i32>} : memref<3072xi32, #tpu.memory_space<vmem>>, vector<16xi32>,
    %swap3A_516 = vector.shape_cast %swap3A_515 : vector<16xi32> to vector<16xi32>
    %swap3A_517 = vector.shape_cast %add3A_513 : vector<16xi32> to vector<16xi32>
    tpu.vector_store %arg6[%swap3A_514], %swap3A_517 {strides = array<i32>} : memref<3072xi32, #tpu.memory_space<vmem>>, vector<16xi32>,
    %le3A_518 = arith.constant 121 : i32
    %le3A_519 = vector.broadcast %le3A_518 : i32 to vector<16xi32>
    %le3A_520 = arith.cmpi sle, %get3A_479, %le3A_519 : vector<16xi32>
    %jit3A_521 = arith.constant 122 : i32
    %jit3A_522 = arith.constant 121 : i32
    %broadcast_in_dim3A_523 = vector.broadcast %jit3A_521 : i32 to vector<16xi32>
    %broadcast_in_dim3A_524 = vector.broadcast %jit3A_522 : i32 to vector<16xi32>
    %select_n3A_525 = arith.select %le3A_520, %broadcast_in_dim3A_523, %broadcast_in_dim3A_524 : vector<16xi1>, vector<16xi32>
    %add3A_526 = arith.addi %mul3A_486, %select_n3A_525 : vector<16xi32>
    %swap3A_527 = arith.constant 1632 : index
    %swap3A_528 = tpu.vector_load %arg6[%swap3A_527] {strides = array<i32>} : memref<3072xi32, #tpu.memory_space<vmem>>, vector<16xi32>,
    %swap3A_529 = vector.shape_cast %swap3A_528 : vector<16xi32> to vector<16xi32>
    %swap3A_530 = vector.shape_cast %add3A_526 : vector<16xi32> to vector<16xi32>
    tpu.vector_store %arg6[%swap3A_527], %swap3A_530 {strides = array<i32>} : memref<3072xi32, #tpu.memory_space<vmem>>, vector<16xi32>,
    %le3A_531 = arith.constant 753 : i32
    %le3A_532 = vector.broadcast %le3A_531 : i32 to vector<16xi32>
    %le3A_533 = arith.cmpi sle, %get3A_479, %le3A_532 : vector<16xi32>
    %jit3A_534 = arith.constant 754 : i32
    %jit3A_535 = arith.constant 753 : i32
    %broadcast_in_dim3A_536 = vector.broadcast %jit3A_534 : i32 to vector<16xi32>
    %broadcast_in_dim3A_537 = vector.broadcast %jit3A_535 : i32 to vector<16xi32>
    %select_n3A_538 = arith.select %le3A_533, %broadcast_in_dim3A_536, %broadcast_in_dim3A_537 : vector<16xi1>, vector<16xi32>
    %add3A_539 = arith.addi %mul3A_486, %select_n3A_538 : vector<16xi32>
    %swap3A_540 = arith.constant 2144 : index
    %swap3A_541 = tpu.vector_load %arg6[%swap3A_540] {strides = array<i32>} : memref<3072xi32, #tpu.memory_space<vmem>>, vector<16xi32>,
    %swap3A_542 = vector.shape_cast %swap3A_541 : vector<16xi32> to vector<16xi32>
    %swap3A_543 = vector.shape_cast %add3A_539 : vector<16xi32> to vector<16xi32>
    tpu.vector_store %arg6[%swap3A_540], %swap3A_543 {strides = array<i32>} : memref<3072xi32, #tpu.memory_space<vmem>>, vector<16xi32>,
    %le3A_544 = arith.constant 617 : i32
    %le3A_545 = vector.broadcast %le3A_544 : i32 to vector<16xi32>
    %le3A_546 = arith.cmpi sle, %get3A_479, %le3A_545 : vector<16xi32>
    %jit3A_547 = arith.constant 618 : i32
    %jit3A_548 = arith.constant 617 : i32
    %broadcast_in_dim3A_549 = vector.broadcast %jit3A_547 : i32 to vector<16xi32>
    %broadcast_in_dim3A_550 = vector.broadcast %jit3A_548 : i32 to vector<16xi32>
    %select_n3A_551 = arith.select %le3A_546, %broadcast_in_dim3A_549, %broadcast_in_dim3A_550 : vector<16xi1>, vector<16xi32>
    %add3A_552 = arith.addi %mul3A_486, %select_n3A_551 : vector<16xi32>
    %swap3A_553 = arith.constant 2656 : index
    %swap3A_554 = tpu.vector_load %arg6[%swap3A_553] {strides = array<i32>} : memref<3072xi32, #tpu.memory_space<vmem>>, vector<16xi32>,
    %swap3A_555 = vector.shape_cast %swap3A_554 : vector<16xi32> to vector<16xi32>
    %swap3A_556 = vector.shape_cast %add3A_552 : vector<16xi32> to vector<16xi32>
    tpu.vector_store %arg6[%swap3A_553], %swap3A_556 {strides = array<i32>} : memref<3072xi32, #tpu.memory_space<vmem>>, vector<16xi32>,
    %get3A_557 = arith.constant 112 : index
    %get3A_558 = tpu.vector_load %arg5[%get3A_557] {strides = array<i32>} : memref<512xi32, #tpu.memory_space<vmem>>, vector<16xi32>,
    %get3A_559 = vector.shape_cast %get3A_558 : vector<16xi32> to vector<16xi32>
    %add3A_560 = arith.constant 112 : i32
    %add3A_561 = arith.addi %mul3A_2, %add3A_560 : i32
    %add3A_562 = vector.broadcast %add3A_561 : i32 to vector<16xi32>
    %add3A_563 = arith.addi %add3A_562, %iota3A : vector<16xi32>
    %mul3A_564 = arith.constant 1000 : i32
    %mul3A_565 = vector.broadcast %mul3A_564 : i32 to vector<16xi32>
    %mul3A_566 = arith.muli %add3A_563, %mul3A_565 : vector<16xi32>
    %add3A_567 = arith.addi %mul3A_566, %get3A_559 : vector<16xi32>
    %swap3A_568 = arith.constant 112 : index
    %swap3A_569 = tpu.vector_load %arg6[%swap3A_568] {strides = array<i32>} : memref<3072xi32, #tpu.memory_space<vmem>>, vector<16xi32>,
    %swap3A_570 = vector.shape_cast %swap3A_569 : vector<16xi32> to vector<16xi32>
    %swap3A_571 = vector.shape_cast %add3A_567 : vector<16xi32> to vector<16xi32>
    tpu.vector_store %arg6[%swap3A_568], %swap3A_571 {strides = array<i32>} : memref<3072xi32, #tpu.memory_space<vmem>>, vector<16xi32>,
    %le3A_572 = arith.constant 955 : i32
    %le3A_573 = vector.broadcast %le3A_572 : i32 to vector<16xi32>
    %le3A_574 = arith.cmpi sle, %get3A_559, %le3A_573 : vector<16xi32>
    %jit3A_575 = arith.constant 956 : i32
    %jit3A_576 = arith.constant 955 : i32
    %broadcast_in_dim3A_577 = vector.broadcast %jit3A_575 : i32 to vector<16xi32>
    %broadcast_in_dim3A_578 = vector.broadcast %jit3A_576 : i32 to vector<16xi32>
    %select_n3A_579 = arith.select %le3A_574, %broadcast_in_dim3A_577, %broadcast_in_dim3A_578 : vector<16xi1>, vector<16xi32>
    %add3A_580 = arith.addi %mul3A_566, %select_n3A_579 : vector<16xi32>
    %swap3A_581 = arith.constant 624 : index
    %swap3A_582 = tpu.vector_load %arg6[%swap3A_581] {strides = array<i32>} : memref<3072xi32, #tpu.memory_space<vmem>>, vector<16xi32>,
    %swap3A_583 = vector.shape_cast %swap3A_582 : vector<16xi32> to vector<16xi32>
    %swap3A_584 = vector.shape_cast %add3A_580 : vector<16xi32> to vector<16xi32>
    tpu.vector_store %arg6[%swap3A_581], %swap3A_584 {strides = array<i32>} : memref<3072xi32, #tpu.memory_space<vmem>>, vector<16xi32>,
    %le3A_585 = arith.constant 914 : i32
    %le3A_586 = vector.broadcast %le3A_585 : i32 to vector<16xi32>
    %le3A_587 = arith.cmpi sle, %get3A_559, %le3A_586 : vector<16xi32>
    %jit3A_588 = arith.constant 915 : i32
    %jit3A_589 = arith.constant 914 : i32
    %broadcast_in_dim3A_590 = vector.broadcast %jit3A_588 : i32 to vector<16xi32>
    %broadcast_in_dim3A_591 = vector.broadcast %jit3A_589 : i32 to vector<16xi32>
    %select_n3A_592 = arith.select %le3A_587, %broadcast_in_dim3A_590, %broadcast_in_dim3A_591 : vector<16xi1>, vector<16xi32>
    %add3A_593 = arith.addi %mul3A_566, %select_n3A_592 : vector<16xi32>
    %swap3A_594 = arith.constant 1136 : index
    %swap3A_595 = tpu.vector_load %arg6[%swap3A_594] {strides = array<i32>} : memref<3072xi32, #tpu.memory_space<vmem>>, vector<16xi32>,
    %swap3A_596 = vector.shape_cast %swap3A_595 : vector<16xi32> to vector<16xi32>
    %swap3A_597 = vector.shape_cast %add3A_593 : vector<16xi32> to vector<16xi32>
    tpu.vector_store %arg6[%swap3A_594], %swap3A_597 {strides = array<i32>} : memref<3072xi32, #tpu.memory_space<vmem>>, vector<16xi32>,
    %le3A_598 = arith.constant 121 : i32
    %le3A_599 = vector.broadcast %le3A_598 : i32 to vector<16xi32>
    %le3A_600 = arith.cmpi sle, %get3A_559, %le3A_599 : vector<16xi32>
    %jit3A_601 = arith.constant 122 : i32
    %jit3A_602 = arith.constant 121 : i32
    %broadcast_in_dim3A_603 = vector.broadcast %jit3A_601 : i32 to vector<16xi32>
    %broadcast_in_dim3A_604 = vector.broadcast %jit3A_602 : i32 to vector<16xi32>
    %select_n3A_605 = arith.select %le3A_600, %broadcast_in_dim3A_603, %broadcast_in_dim3A_604 : vector<16xi1>, vector<16xi32>
    %add3A_606 = arith.addi %mul3A_566, %select_n3A_605 : vector<16xi32>
    %swap3A_607 = arith.constant 1648 : index
    %swap3A_608 = tpu.vector_load %arg6[%swap3A_607] {strides = array<i32>} : memref<3072xi32, #tpu.memory_space<vmem>>, vector<16xi32>,
    %swap3A_609 = vector.shape_cast %swap3A_608 : vector<16xi32> to vector<16xi32>
    %swap3A_610 = vector.shape_cast %add3A_606 : vector<16xi32> to vector<16xi32>
    tpu.vector_store %arg6[%swap3A_607], %swap3A_610 {strides = array<i32>} : memref<3072xi32, #tpu.memory_space<vmem>>, vector<16xi32>,
    %le3A_611 = arith.constant 753 : i32
    %le3A_612 = vector.broadcast %le3A_611 : i32 to vector<16xi32>
    %le3A_613 = arith.cmpi sle, %get3A_559, %le3A_612 : vector<16xi32>
    %jit3A_614 = arith.constant 754 : i32
    %jit3A_615 = arith.constant 753 : i32
    %broadcast_in_dim3A_616 = vector.broadcast %jit3A_614 : i32 to vector<16xi32>
    %broadcast_in_dim3A_617 = vector.broadcast %jit3A_615 : i32 to vector<16xi32>
    %select_n3A_618 = arith.select %le3A_613, %broadcast_in_dim3A_616, %broadcast_in_dim3A_617 : vector<16xi1>, vector<16xi32>
    %add3A_619 = arith.addi %mul3A_566, %select_n3A_618 : vector<16xi32>
    %swap3A_620 = arith.constant 2160 : index
    %swap3A_621 = tpu.vector_load %arg6[%swap3A_620] {strides = array<i32>} : memref<3072xi32, #tpu.memory_space<vmem>>, vector<16xi32>,
    %swap3A_622 = vector.shape_cast %swap3A_621 : vector<16xi32> to vector<16xi32>
    %swap3A_623 = vector.shape_cast %add3A_619 : vector<16xi32> to vector<16xi32>
    tpu.vector_store %arg6[%swap3A_620], %swap3A_623 {strides = array<i32>} : memref<3072xi32, #tpu.memory_space<vmem>>, vector<16xi32>,
    %le3A_624 = arith.constant 617 : i32
    %le3A_625 = vector.broadcast %le3A_624 : i32 to vector<16xi32>
    %le3A_626 = arith.cmpi sle, %get3A_559, %le3A_625 : vector<16xi32>
    %jit3A_627 = arith.constant 618 : i32
    %jit3A_628 = arith.constant 617 : i32
    %broadcast_in_dim3A_629 = vector.broadcast %jit3A_627 : i32 to vector<16xi32>
    %broadcast_in_dim3A_630 = vector.broadcast %jit3A_628 : i32 to vector<16xi32>
    %select_n3A_631 = arith.select %le3A_626, %broadcast_in_dim3A_629, %broadcast_in_dim3A_630 : vector<16xi1>, vector<16xi32>
    %add3A_632 = arith.addi %mul3A_566, %select_n3A_631 : vector<16xi32>
    %swap3A_633 = arith.constant 2672 : index
    %swap3A_634 = tpu.vector_load %arg6[%swap3A_633] {strides = array<i32>} : memref<3072xi32, #tpu.memory_space<vmem>>, vector<16xi32>,
    %swap3A_635 = vector.shape_cast %swap3A_634 : vector<16xi32> to vector<16xi32>
    %swap3A_636 = vector.shape_cast %add3A_632 : vector<16xi32> to vector<16xi32>
    tpu.vector_store %arg6[%swap3A_633], %swap3A_636 {strides = array<i32>} : memref<3072xi32, #tpu.memory_space<vmem>>, vector<16xi32>,
    %get3A_637 = arith.constant 128 : index
    %get3A_638 = tpu.vector_load %arg5[%get3A_637] {strides = array<i32>} : memref<512xi32, #tpu.memory_space<vmem>>, vector<16xi32>,
    %get3A_639 = vector.shape_cast %get3A_638 : vector<16xi32> to vector<16xi32>
    %add3A_640 = arith.constant 128 : i32
    %add3A_641 = arith.addi %mul3A_2, %add3A_640 : i32
    %add3A_642 = vector.broadcast %add3A_641 : i32 to vector<16xi32>
    %add3A_643 = arith.addi %add3A_642, %iota3A : vector<16xi32>
    %mul3A_644 = arith.constant 1000 : i32
    %mul3A_645 = vector.broadcast %mul3A_644 : i32 to vector<16xi32>
    %mul3A_646 = arith.muli %add3A_643, %mul3A_645 : vector<16xi32>
    %add3A_647 = arith.addi %mul3A_646, %get3A_639 : vector<16xi32>
    %swap3A_648 = arith.constant 128 : index
    %swap3A_649 = tpu.vector_load %arg6[%swap3A_648] {strides = array<i32>} : memref<3072xi32, #tpu.memory_space<vmem>>, vector<16xi32>,
    %swap3A_650 = vector.shape_cast %swap3A_649 : vector<16xi32> to vector<16xi32>
    %swap3A_651 = vector.shape_cast %add3A_647 : vector<16xi32> to vector<16xi32>
    tpu.vector_store %arg6[%swap3A_648], %swap3A_651 {strides = array<i32>} : memref<3072xi32, #tpu.memory_space<vmem>>, vector<16xi32>,
    %le3A_652 = arith.constant 955 : i32
    %le3A_653 = vector.broadcast %le3A_652 : i32 to vector<16xi32>
    %le3A_654 = arith.cmpi sle, %get3A_639, %le3A_653 : vector<16xi32>
    %jit3A_655 = arith.constant 956 : i32
    %jit3A_656 = arith.constant 955 : i32
    %broadcast_in_dim3A_657 = vector.broadcast %jit3A_655 : i32 to vector<16xi32>
    %broadcast_in_dim3A_658 = vector.broadcast %jit3A_656 : i32 to vector<16xi32>
    %select_n3A_659 = arith.select %le3A_654, %broadcast_in_dim3A_657, %broadcast_in_dim3A_658 : vector<16xi1>, vector<16xi32>
    %add3A_660 = arith.addi %mul3A_646, %select_n3A_659 : vector<16xi32>
    %swap3A_661 = arith.constant 640 : index
    %swap3A_662 = tpu.vector_load %arg6[%swap3A_661] {strides = array<i32>} : memref<3072xi32, #tpu.memory_space<vmem>>, vector<16xi32>,
    %swap3A_663 = vector.shape_cast %swap3A_662 : vector<16xi32> to vector<16xi32>
    %swap3A_664 = vector.shape_cast %add3A_660 : vector<16xi32> to vector<16xi32>
    tpu.vector_store %arg6[%swap3A_661], %swap3A_664 {strides = array<i32>} : memref<3072xi32, #tpu.memory_space<vmem>>, vector<16xi32>,
    %le3A_665 = arith.constant 914 : i32
    %le3A_666 = vector.broadcast %le3A_665 : i32 to vector<16xi32>
    %le3A_667 = arith.cmpi sle, %get3A_639, %le3A_666 : vector<16xi32>
    %jit3A_668 = arith.constant 915 : i32
    %jit3A_669 = arith.constant 914 : i32
    %broadcast_in_dim3A_670 = vector.broadcast %jit3A_668 : i32 to vector<16xi32>
    %broadcast_in_dim3A_671 = vector.broadcast %jit3A_669 : i32 to vector<16xi32>
    %select_n3A_672 = arith.select %le3A_667, %broadcast_in_dim3A_670, %broadcast_in_dim3A_671 : vector<16xi1>, vector<16xi32>
    %add3A_673 = arith.addi %mul3A_646, %select_n3A_672 : vector<16xi32>
    %swap3A_674 = arith.constant 1152 : index
    %swap3A_675 = tpu.vector_load %arg6[%swap3A_674] {strides = array<i32>} : memref<3072xi32, #tpu.memory_space<vmem>>, vector<16xi32>,
    %swap3A_676 = vector.shape_cast %swap3A_675 : vector<16xi32> to vector<16xi32>
    %swap3A_677 = vector.shape_cast %add3A_673 : vector<16xi32> to vector<16xi32>
    tpu.vector_store %arg6[%swap3A_674], %swap3A_677 {strides = array<i32>} : memref<3072xi32, #tpu.memory_space<vmem>>, vector<16xi32>,
    %le3A_678 = arith.constant 121 : i32
    %le3A_679 = vector.broadcast %le3A_678 : i32 to vector<16xi32>
    %le3A_680 = arith.cmpi sle, %get3A_639, %le3A_679 : vector<16xi32>
    %jit3A_681 = arith.constant 122 : i32
    %jit3A_682 = arith.constant 121 : i32
    %broadcast_in_dim3A_683 = vector.broadcast %jit3A_681 : i32 to vector<16xi32>
    %broadcast_in_dim3A_684 = vector.broadcast %jit3A_682 : i32 to vector<16xi32>
    %select_n3A_685 = arith.select %le3A_680, %broadcast_in_dim3A_683, %broadcast_in_dim3A_684 : vector<16xi1>, vector<16xi32>
    %add3A_686 = arith.addi %mul3A_646, %select_n3A_685 : vector<16xi32>
    %swap3A_687 = arith.constant 1664 : index
    %swap3A_688 = tpu.vector_load %arg6[%swap3A_687] {strides = array<i32>} : memref<3072xi32, #tpu.memory_space<vmem>>, vector<16xi32>,
    %swap3A_689 = vector.shape_cast %swap3A_688 : vector<16xi32> to vector<16xi32>
    %swap3A_690 = vector.shape_cast %add3A_686 : vector<16xi32> to vector<16xi32>
    tpu.vector_store %arg6[%swap3A_687], %swap3A_690 {strides = array<i32>} : memref<3072xi32, #tpu.memory_space<vmem>>, vector<16xi32>,
    %le3A_691 = arith.constant 753 : i32
    %le3A_692 = vector.broadcast %le3A_691 : i32 to vector<16xi32>
    %le3A_693 = arith.cmpi sle, %get3A_639, %le3A_692 : vector<16xi32>
    %jit3A_694 = arith.constant 754 : i32
    %jit3A_695 = arith.constant 753 : i32
    %broadcast_in_dim3A_696 = vector.broadcast %jit3A_694 : i32 to vector<16xi32>
    %broadcast_in_dim3A_697 = vector.broadcast %jit3A_695 : i32 to vector<16xi32>
    %select_n3A_698 = arith.select %le3A_693, %broadcast_in_dim3A_696, %broadcast_in_dim3A_697 : vector<16xi1>, vector<16xi32>
    %add3A_699 = arith.addi %mul3A_646, %select_n3A_698 : vector<16xi32>
    %swap3A_700 = arith.constant 2176 : index
    %swap3A_701 = tpu.vector_load %arg6[%swap3A_700] {strides = array<i32>} : memref<3072xi32, #tpu.memory_space<vmem>>, vector<16xi32>,
    %swap3A_702 = vector.shape_cast %swap3A_701 : vector<16xi32> to vector<16xi32>
    %swap3A_703 = vector.shape_cast %add3A_699 : vector<16xi32> to vector<16xi32>
    tpu.vector_store %arg6[%swap3A_700], %swap3A_703 {strides = array<i32>} : memref<3072xi32, #tpu.memory_space<vmem>>, vector<16xi32>,
    %le3A_704 = arith.constant 617 : i32
    %le3A_705 = vector.broadcast %le3A_704 : i32 to vector<16xi32>
    %le3A_706 = arith.cmpi sle, %get3A_639, %le3A_705 : vector<16xi32>
    %jit3A_707 = arith.constant 618 : i32
    %jit3A_708 = arith.constant 617 : i32
    %broadcast_in_dim3A_709 = vector.broadcast %jit3A_707 : i32 to vector<16xi32>
    %broadcast_in_dim3A_710 = vector.broadcast %jit3A_708 : i32 to vector<16xi32>
    %select_n3A_711 = arith.select %le3A_706, %broadcast_in_dim3A_709, %broadcast_in_dim3A_710 : vector<16xi1>, vector<16xi32>
    %add3A_712 = arith.addi %mul3A_646, %select_n3A_711 : vector<16xi32>
    %swap3A_713 = arith.constant 2688 : index
    %swap3A_714 = tpu.vector_load %arg6[%swap3A_713] {strides = array<i32>} : memref<3072xi32, #tpu.memory_space<vmem>>, vector<16xi32>,
    %swap3A_715 = vector.shape_cast %swap3A_714 : vector<16xi32> to vector<16xi32>
    %swap3A_716 = vector.shape_cast %add3A_712 : vector<16xi32> to vector<16xi32>
    tpu.vector_store %arg6[%swap3A_713], %swap3A_716 {strides = array<i32>} : memref<3072xi32, #tpu.memory_space<vmem>>, vector<16xi32>,
    %get3A_717 = arith.constant 144 : index
    %get3A_718 = tpu.vector_load %arg5[%get3A_717] {strides = array<i32>} : memref<512xi32, #tpu.memory_space<vmem>>, vector<16xi32>,
    %get3A_719 = vector.shape_cast %get3A_718 : vector<16xi32> to vector<16xi32>
    %add3A_720 = arith.constant 144 : i32
    %add3A_721 = arith.addi %mul3A_2, %add3A_720 : i32
    %add3A_722 = vector.broadcast %add3A_721 : i32 to vector<16xi32>
    %add3A_723 = arith.addi %add3A_722, %iota3A : vector<16xi32>
    %mul3A_724 = arith.constant 1000 : i32
    %mul3A_725 = vector.broadcast %mul3A_724 : i32 to vector<16xi32>
    %mul3A_726 = arith.muli %add3A_723, %mul3A_725 : vector<16xi32>
    %add3A_727 = arith.addi %mul3A_726, %get3A_719 : vector<16xi32>
    %swap3A_728 = arith.constant 144 : index
    %swap3A_729 = tpu.vector_load %arg6[%swap3A_728] {strides = array<i32>} : memref<3072xi32, #tpu.memory_space<vmem>>, vector<16xi32>,
    %swap3A_730 = vector.shape_cast %swap3A_729 : vector<16xi32> to vector<16xi32>
    %swap3A_731 = vector.shape_cast %add3A_727 : vector<16xi32> to vector<16xi32>
    tpu.vector_store %arg6[%swap3A_728], %swap3A_731 {strides = array<i32>} : memref<3072xi32, #tpu.memory_space<vmem>>, vector<16xi32>,
    %le3A_732 = arith.constant 955 : i32
    %le3A_733 = vector.broadcast %le3A_732 : i32 to vector<16xi32>
    %le3A_734 = arith.cmpi sle, %get3A_719, %le3A_733 : vector<16xi32>
    %jit3A_735 = arith.constant 956 : i32
    %jit3A_736 = arith.constant 955 : i32
    %broadcast_in_dim3A_737 = vector.broadcast %jit3A_735 : i32 to vector<16xi32>
    %broadcast_in_dim3A_738 = vector.broadcast %jit3A_736 : i32 to vector<16xi32>
    %select_n3A_739 = arith.select %le3A_734, %broadcast_in_dim3A_737, %broadcast_in_dim3A_738 : vector<16xi1>, vector<16xi32>
    %add3A_740 = arith.addi %mul3A_726, %select_n3A_739 : vector<16xi32>
    %swap3A_741 = arith.constant 656 : index
    %swap3A_742 = tpu.vector_load %arg6[%swap3A_741] {strides = array<i32>} : memref<3072xi32, #tpu.memory_space<vmem>>, vector<16xi32>,
    %swap3A_743 = vector.shape_cast %swap3A_742 : vector<16xi32> to vector<16xi32>
    %swap3A_744 = vector.shape_cast %add3A_740 : vector<16xi32> to vector<16xi32>
    tpu.vector_store %arg6[%swap3A_741], %swap3A_744 {strides = array<i32>} : memref<3072xi32, #tpu.memory_space<vmem>>, vector<16xi32>,
    %le3A_745 = arith.constant 914 : i32
    %le3A_746 = vector.broadcast %le3A_745 : i32 to vector<16xi32>
    %le3A_747 = arith.cmpi sle, %get3A_719, %le3A_746 : vector<16xi32>
    %jit3A_748 = arith.constant 915 : i32
    %jit3A_749 = arith.constant 914 : i32
    %broadcast_in_dim3A_750 = vector.broadcast %jit3A_748 : i32 to vector<16xi32>
    %broadcast_in_dim3A_751 = vector.broadcast %jit3A_749 : i32 to vector<16xi32>
    %select_n3A_752 = arith.select %le3A_747, %broadcast_in_dim3A_750, %broadcast_in_dim3A_751 : vector<16xi1>, vector<16xi32>
    %add3A_753 = arith.addi %mul3A_726, %select_n3A_752 : vector<16xi32>
    %swap3A_754 = arith.constant 1168 : index
    %swap3A_755 = tpu.vector_load %arg6[%swap3A_754] {strides = array<i32>} : memref<3072xi32, #tpu.memory_space<vmem>>, vector<16xi32>,
    %swap3A_756 = vector.shape_cast %swap3A_755 : vector<16xi32> to vector<16xi32>
    %swap3A_757 = vector.shape_cast %add3A_753 : vector<16xi32> to vector<16xi32>
    tpu.vector_store %arg6[%swap3A_754], %swap3A_757 {strides = array<i32>} : memref<3072xi32, #tpu.memory_space<vmem>>, vector<16xi32>,
    %le3A_758 = arith.constant 121 : i32
    %le3A_759 = vector.broadcast %le3A_758 : i32 to vector<16xi32>
    %le3A_760 = arith.cmpi sle, %get3A_719, %le3A_759 : vector<16xi32>
    %jit3A_761 = arith.constant 122 : i32
    %jit3A_762 = arith.constant 121 : i32
    %broadcast_in_dim3A_763 = vector.broadcast %jit3A_761 : i32 to vector<16xi32>
    %broadcast_in_dim3A_764 = vector.broadcast %jit3A_762 : i32 to vector<16xi32>
    %select_n3A_765 = arith.select %le3A_760, %broadcast_in_dim3A_763, %broadcast_in_dim3A_764 : vector<16xi1>, vector<16xi32>
    %add3A_766 = arith.addi %mul3A_726, %select_n3A_765 : vector<16xi32>
    %swap3A_767 = arith.constant 1680 : index
    %swap3A_768 = tpu.vector_load %arg6[%swap3A_767] {strides = array<i32>} : memref<3072xi32, #tpu.memory_space<vmem>>, vector<16xi32>,
    %swap3A_769 = vector.shape_cast %swap3A_768 : vector<16xi32> to vector<16xi32>
    %swap3A_770 = vector.shape_cast %add3A_766 : vector<16xi32> to vector<16xi32>
    tpu.vector_store %arg6[%swap3A_767], %swap3A_770 {strides = array<i32>} : memref<3072xi32, #tpu.memory_space<vmem>>, vector<16xi32>,
    %le3A_771 = arith.constant 753 : i32
    %le3A_772 = vector.broadcast %le3A_771 : i32 to vector<16xi32>
    %le3A_773 = arith.cmpi sle, %get3A_719, %le3A_772 : vector<16xi32>
    %jit3A_774 = arith.constant 754 : i32
    %jit3A_775 = arith.constant 753 : i32
    %broadcast_in_dim3A_776 = vector.broadcast %jit3A_774 : i32 to vector<16xi32>
    %broadcast_in_dim3A_777 = vector.broadcast %jit3A_775 : i32 to vector<16xi32>
    %select_n3A_778 = arith.select %le3A_773, %broadcast_in_dim3A_776, %broadcast_in_dim3A_777 : vector<16xi1>, vector<16xi32>
    %add3A_779 = arith.addi %mul3A_726, %select_n3A_778 : vector<16xi32>
    %swap3A_780 = arith.constant 2192 : index
    %swap3A_781 = tpu.vector_load %arg6[%swap3A_780] {strides = array<i32>} : memref<3072xi32, #tpu.memory_space<vmem>>, vector<16xi32>,
    %swap3A_782 = vector.shape_cast %swap3A_781 : vector<16xi32> to vector<16xi32>
    %swap3A_783 = vector.shape_cast %add3A_779 : vector<16xi32> to vector<16xi32>
    tpu.vector_store %arg6[%swap3A_780], %swap3A_783 {strides = array<i32>} : memref<3072xi32, #tpu.memory_space<vmem>>, vector<16xi32>,
    %le3A_784 = arith.constant 617 : i32
    %le3A_785 = vector.broadcast %le3A_784 : i32 to vector<16xi32>
    %le3A_786 = arith.cmpi sle, %get3A_719, %le3A_785 : vector<16xi32>
    %jit3A_787 = arith.constant 618 : i32
    %jit3A_788 = arith.constant 617 : i32
    %broadcast_in_dim3A_789 = vector.broadcast %jit3A_787 : i32 to vector<16xi32>
    %broadcast_in_dim3A_790 = vector.broadcast %jit3A_788 : i32 to vector<16xi32>
    %select_n3A_791 = arith.select %le3A_786, %broadcast_in_dim3A_789, %broadcast_in_dim3A_790 : vector<16xi1>, vector<16xi32>
    %add3A_792 = arith.addi %mul3A_726, %select_n3A_791 : vector<16xi32>
    %swap3A_793 = arith.constant 2704 : index
    %swap3A_794 = tpu.vector_load %arg6[%swap3A_793] {strides = array<i32>} : memref<3072xi32, #tpu.memory_space<vmem>>, vector<16xi32>,
    %swap3A_795 = vector.shape_cast %swap3A_794 : vector<16xi32> to vector<16xi32>
    %swap3A_796 = vector.shape_cast %add3A_792 : vector<16xi32> to vector<16xi32>
    tpu.vector_store %arg6[%swap3A_793], %swap3A_796 {strides = array<i32>} : memref<3072xi32, #tpu.memory_space<vmem>>, vector<16xi32>,
    %get3A_797 = arith.constant 160 : index
    %get3A_798 = tpu.vector_load %arg5[%get3A_797] {strides = array<i32>} : memref<512xi32, #tpu.memory_space<vmem>>, vector<16xi32>,
    %get3A_799 = vector.shape_cast %get3A_798 : vector<16xi32> to vector<16xi32>
    %add3A_800 = arith.constant 160 : i32
    %add3A_801 = arith.addi %mul3A_2, %add3A_800 : i32
    %add3A_802 = vector.broadcast %add3A_801 : i32 to vector<16xi32>
    %add3A_803 = arith.addi %add3A_802, %iota3A : vector<16xi32>
    %mul3A_804 = arith.constant 1000 : i32
    %mul3A_805 = vector.broadcast %mul3A_804 : i32 to vector<16xi32>
    %mul3A_806 = arith.muli %add3A_803, %mul3A_805 : vector<16xi32>
    %add3A_807 = arith.addi %mul3A_806, %get3A_799 : vector<16xi32>
    %swap3A_808 = arith.constant 160 : index
    %swap3A_809 = tpu.vector_load %arg6[%swap3A_808] {strides = array<i32>} : memref<3072xi32, #tpu.memory_space<vmem>>, vector<16xi32>,
    %swap3A_810 = vector.shape_cast %swap3A_809 : vector<16xi32> to vector<16xi32>
    %swap3A_811 = vector.shape_cast %add3A_807 : vector<16xi32> to vector<16xi32>
    tpu.vector_store %arg6[%swap3A_808], %swap3A_811 {strides = array<i32>} : memref<3072xi32, #tpu.memory_space<vmem>>, vector<16xi32>,
    %le3A_812 = arith.constant 955 : i32
    %le3A_813 = vector.broadcast %le3A_812 : i32 to vector<16xi32>
    %le3A_814 = arith.cmpi sle, %get3A_799, %le3A_813 : vector<16xi32>
    %jit3A_815 = arith.constant 956 : i32
    %jit3A_816 = arith.constant 955 : i32
    %broadcast_in_dim3A_817 = vector.broadcast %jit3A_815 : i32 to vector<16xi32>
    %broadcast_in_dim3A_818 = vector.broadcast %jit3A_816 : i32 to vector<16xi32>
    %select_n3A_819 = arith.select %le3A_814, %broadcast_in_dim3A_817, %broadcast_in_dim3A_818 : vector<16xi1>, vector<16xi32>
    %add3A_820 = arith.addi %mul3A_806, %select_n3A_819 : vector<16xi32>
    %swap3A_821 = arith.constant 672 : index
    %swap3A_822 = tpu.vector_load %arg6[%swap3A_821] {strides = array<i32>} : memref<3072xi32, #tpu.memory_space<vmem>>, vector<16xi32>,
    %swap3A_823 = vector.shape_cast %swap3A_822 : vector<16xi32> to vector<16xi32>
    %swap3A_824 = vector.shape_cast %add3A_820 : vector<16xi32> to vector<16xi32>
    tpu.vector_store %arg6[%swap3A_821], %swap3A_824 {strides = array<i32>} : memref<3072xi32, #tpu.memory_space<vmem>>, vector<16xi32>,
    %le3A_825 = arith.constant 914 : i32
    %le3A_826 = vector.broadcast %le3A_825 : i32 to vector<16xi32>
    %le3A_827 = arith.cmpi sle, %get3A_799, %le3A_826 : vector<16xi32>
    %jit3A_828 = arith.constant 915 : i32
    %jit3A_829 = arith.constant 914 : i32
    %broadcast_in_dim3A_830 = vector.broadcast %jit3A_828 : i32 to vector<16xi32>
    %broadcast_in_dim3A_831 = vector.broadcast %jit3A_829 : i32 to vector<16xi32>
    %select_n3A_832 = arith.select %le3A_827, %broadcast_in_dim3A_830, %broadcast_in_dim3A_831 : vector<16xi1>, vector<16xi32>
    %add3A_833 = arith.addi %mul3A_806, %select_n3A_832 : vector<16xi32>
    %swap3A_834 = arith.constant 1184 : index
    %swap3A_835 = tpu.vector_load %arg6[%swap3A_834] {strides = array<i32>} : memref<3072xi32, #tpu.memory_space<vmem>>, vector<16xi32>,
    %swap3A_836 = vector.shape_cast %swap3A_835 : vector<16xi32> to vector<16xi32>
    %swap3A_837 = vector.shape_cast %add3A_833 : vector<16xi32> to vector<16xi32>
    tpu.vector_store %arg6[%swap3A_834], %swap3A_837 {strides = array<i32>} : memref<3072xi32, #tpu.memory_space<vmem>>, vector<16xi32>,
    %le3A_838 = arith.constant 121 : i32
    %le3A_839 = vector.broadcast %le3A_838 : i32 to vector<16xi32>
    %le3A_840 = arith.cmpi sle, %get3A_799, %le3A_839 : vector<16xi32>
    %jit3A_841 = arith.constant 122 : i32
    %jit3A_842 = arith.constant 121 : i32
    %broadcast_in_dim3A_843 = vector.broadcast %jit3A_841 : i32 to vector<16xi32>
    %broadcast_in_dim3A_844 = vector.broadcast %jit3A_842 : i32 to vector<16xi32>
    %select_n3A_845 = arith.select %le3A_840, %broadcast_in_dim3A_843, %broadcast_in_dim3A_844 : vector<16xi1>, vector<16xi32>
    %add3A_846 = arith.addi %mul3A_806, %select_n3A_845 : vector<16xi32>
    %swap3A_847 = arith.constant 1696 : index
    %swap3A_848 = tpu.vector_load %arg6[%swap3A_847] {strides = array<i32>} : memref<3072xi32, #tpu.memory_space<vmem>>, vector<16xi32>,
    %swap3A_849 = vector.shape_cast %swap3A_848 : vector<16xi32> to vector<16xi32>
    %swap3A_850 = vector.shape_cast %add3A_846 : vector<16xi32> to vector<16xi32>
    tpu.vector_store %arg6[%swap3A_847], %swap3A_850 {strides = array<i32>} : memref<3072xi32, #tpu.memory_space<vmem>>, vector<16xi32>,
    %le3A_851 = arith.constant 753 : i32
    %le3A_852 = vector.broadcast %le3A_851 : i32 to vector<16xi32>
    %le3A_853 = arith.cmpi sle, %get3A_799, %le3A_852 : vector<16xi32>
    %jit3A_854 = arith.constant 754 : i32
    %jit3A_855 = arith.constant 753 : i32
    %broadcast_in_dim3A_856 = vector.broadcast %jit3A_854 : i32 to vector<16xi32>
    %broadcast_in_dim3A_857 = vector.broadcast %jit3A_855 : i32 to vector<16xi32>
    %select_n3A_858 = arith.select %le3A_853, %broadcast_in_dim3A_856, %broadcast_in_dim3A_857 : vector<16xi1>, vector<16xi32>
    %add3A_859 = arith.addi %mul3A_806, %select_n3A_858 : vector<16xi32>
    %swap3A_860 = arith.constant 2208 : index
    %swap3A_861 = tpu.vector_load %arg6[%swap3A_860] {strides = array<i32>} : memref<3072xi32, #tpu.memory_space<vmem>>, vector<16xi32>,
    %swap3A_862 = vector.shape_cast %swap3A_861 : vector<16xi32> to vector<16xi32>
    %swap3A_863 = vector.shape_cast %add3A_859 : vector<16xi32> to vector<16xi32>
    tpu.vector_store %arg6[%swap3A_860], %swap3A_863 {strides = array<i32>} : memref<3072xi32, #tpu.memory_space<vmem>>, vector<16xi32>,
    %le3A_864 = arith.constant 617 : i32
    %le3A_865 = vector.broadcast %le3A_864 : i32 to vector<16xi32>
    %le3A_866 = arith.cmpi sle, %get3A_799, %le3A_865 : vector<16xi32>
    %jit3A_867 = arith.constant 618 : i32
    %jit3A_868 = arith.constant 617 : i32
    %broadcast_in_dim3A_869 = vector.broadcast %jit3A_867 : i32 to vector<16xi32>
    %broadcast_in_dim3A_870 = vector.broadcast %jit3A_868 : i32 to vector<16xi32>
    %select_n3A_871 = arith.select %le3A_866, %broadcast_in_dim3A_869, %broadcast_in_dim3A_870 : vector<16xi1>, vector<16xi32>
    %add3A_872 = arith.addi %mul3A_806, %select_n3A_871 : vector<16xi32>
    %swap3A_873 = arith.constant 2720 : index
    %swap3A_874 = tpu.vector_load %arg6[%swap3A_873] {strides = array<i32>} : memref<3072xi32, #tpu.memory_space<vmem>>, vector<16xi32>,
    %swap3A_875 = vector.shape_cast %swap3A_874 : vector<16xi32> to vector<16xi32>
    %swap3A_876 = vector.shape_cast %add3A_872 : vector<16xi32> to vector<16xi32>
    tpu.vector_store %arg6[%swap3A_873], %swap3A_876 {strides = array<i32>} : memref<3072xi32, #tpu.memory_space<vmem>>, vector<16xi32>,
    %get3A_877 = arith.constant 176 : index
    %get3A_878 = tpu.vector_load %arg5[%get3A_877] {strides = array<i32>} : memref<512xi32, #tpu.memory_space<vmem>>, vector<16xi32>,
    %get3A_879 = vector.shape_cast %get3A_878 : vector<16xi32> to vector<16xi32>
    %add3A_880 = arith.constant 176 : i32
    %add3A_881 = arith.addi %mul3A_2, %add3A_880 : i32
    %add3A_882 = vector.broadcast %add3A_881 : i32 to vector<16xi32>
    %add3A_883 = arith.addi %add3A_882, %iota3A : vector<16xi32>
    %mul3A_884 = arith.constant 1000 : i32
    %mul3A_885 = vector.broadcast %mul3A_884 : i32 to vector<16xi32>
    %mul3A_886 = arith.muli %add3A_883, %mul3A_885 : vector<16xi32>
    %add3A_887 = arith.addi %mul3A_886, %get3A_879 : vector<16xi32>
    %swap3A_888 = arith.constant 176 : index
    %swap3A_889 = tpu.vector_load %arg6[%swap3A_888] {strides = array<i32>} : memref<3072xi32, #tpu.memory_space<vmem>>, vector<16xi32>,
    %swap3A_890 = vector.shape_cast %swap3A_889 : vector<16xi32> to vector<16xi32>
    %swap3A_891 = vector.shape_cast %add3A_887 : vector<16xi32> to vector<16xi32>
    tpu.vector_store %arg6[%swap3A_888], %swap3A_891 {strides = array<i32>} : memref<3072xi32, #tpu.memory_space<vmem>>, vector<16xi32>,
    %le3A_892 = arith.constant 955 : i32
    %le3A_893 = vector.broadcast %le3A_892 : i32 to vector<16xi32>
    %le3A_894 = arith.cmpi sle, %get3A_879, %le3A_893 : vector<16xi32>
    %jit3A_895 = arith.constant 956 : i32
    %jit3A_896 = arith.constant 955 : i32
    %broadcast_in_dim3A_897 = vector.broadcast %jit3A_895 : i32 to vector<16xi32>
    %broadcast_in_dim3A_898 = vector.broadcast %jit3A_896 : i32 to vector<16xi32>
    %select_n3A_899 = arith.select %le3A_894, %broadcast_in_dim3A_897, %broadcast_in_dim3A_898 : vector<16xi1>, vector<16xi32>
    %add3A_900 = arith.addi %mul3A_886, %select_n3A_899 : vector<16xi32>
    %swap3A_901 = arith.constant 688 : index
    %swap3A_902 = tpu.vector_load %arg6[%swap3A_901] {strides = array<i32>} : memref<3072xi32, #tpu.memory_space<vmem>>, vector<16xi32>,
    %swap3A_903 = vector.shape_cast %swap3A_902 : vector<16xi32> to vector<16xi32>
    %swap3A_904 = vector.shape_cast %add3A_900 : vector<16xi32> to vector<16xi32>
    tpu.vector_store %arg6[%swap3A_901], %swap3A_904 {strides = array<i32>} : memref<3072xi32, #tpu.memory_space<vmem>>, vector<16xi32>,
    %le3A_905 = arith.constant 914 : i32
    %le3A_906 = vector.broadcast %le3A_905 : i32 to vector<16xi32>
    %le3A_907 = arith.cmpi sle, %get3A_879, %le3A_906 : vector<16xi32>
    %jit3A_908 = arith.constant 915 : i32
    %jit3A_909 = arith.constant 914 : i32
    %broadcast_in_dim3A_910 = vector.broadcast %jit3A_908 : i32 to vector<16xi32>
    %broadcast_in_dim3A_911 = vector.broadcast %jit3A_909 : i32 to vector<16xi32>
    %select_n3A_912 = arith.select %le3A_907, %broadcast_in_dim3A_910, %broadcast_in_dim3A_911 : vector<16xi1>, vector<16xi32>
    %add3A_913 = arith.addi %mul3A_886, %select_n3A_912 : vector<16xi32>
    %swap3A_914 = arith.constant 1200 : index
    %swap3A_915 = tpu.vector_load %arg6[%swap3A_914] {strides = array<i32>} : memref<3072xi32, #tpu.memory_space<vmem>>, vector<16xi32>,
    %swap3A_916 = vector.shape_cast %swap3A_915 : vector<16xi32> to vector<16xi32>
    %swap3A_917 = vector.shape_cast %add3A_913 : vector<16xi32> to vector<16xi32>
    tpu.vector_store %arg6[%swap3A_914], %swap3A_917 {strides = array<i32>} : memref<3072xi32, #tpu.memory_space<vmem>>, vector<16xi32>,
    %le3A_918 = arith.constant 121 : i32
    %le3A_919 = vector.broadcast %le3A_918 : i32 to vector<16xi32>
    %le3A_920 = arith.cmpi sle, %get3A_879, %le3A_919 : vector<16xi32>
    %jit3A_921 = arith.constant 122 : i32
    %jit3A_922 = arith.constant 121 : i32
    %broadcast_in_dim3A_923 = vector.broadcast %jit3A_921 : i32 to vector<16xi32>
    %broadcast_in_dim3A_924 = vector.broadcast %jit3A_922 : i32 to vector<16xi32>
    %select_n3A_925 = arith.select %le3A_920, %broadcast_in_dim3A_923, %broadcast_in_dim3A_924 : vector<16xi1>, vector<16xi32>
    %add3A_926 = arith.addi %mul3A_886, %select_n3A_925 : vector<16xi32>
    %swap3A_927 = arith.constant 1712 : index
    %swap3A_928 = tpu.vector_load %arg6[%swap3A_927] {strides = array<i32>} : memref<3072xi32, #tpu.memory_space<vmem>>, vector<16xi32>,
    %swap3A_929 = vector.shape_cast %swap3A_928 : vector<16xi32> to vector<16xi32>
    %swap3A_930 = vector.shape_cast %add3A_926 : vector<16xi32> to vector<16xi32>
    tpu.vector_store %arg6[%swap3A_927], %swap3A_930 {strides = array<i32>} : memref<3072xi32, #tpu.memory_space<vmem>>, vector<16xi32>,
    %le3A_931 = arith.constant 753 : i32
    %le3A_932 = vector.broadcast %le3A_931 : i32 to vector<16xi32>
    %le3A_933 = arith.cmpi sle, %get3A_879, %le3A_932 : vector<16xi32>
    %jit3A_934 = arith.constant 754 : i32
    %jit3A_935 = arith.constant 753 : i32
    %broadcast_in_dim3A_936 = vector.broadcast %jit3A_934 : i32 to vector<16xi32>
    %broadcast_in_dim3A_937 = vector.broadcast %jit3A_935 : i32 to vector<16xi32>
    %select_n3A_938 = arith.select %le3A_933, %broadcast_in_dim3A_936, %broadcast_in_dim3A_937 : vector<16xi1>, vector<16xi32>
    %add3A_939 = arith.addi %mul3A_886, %select_n3A_938 : vector<16xi32>
    %swap3A_940 = arith.constant 2224 : index
    %swap3A_941 = tpu.vector_load %arg6[%swap3A_940] {strides = array<i32>} : memref<3072xi32, #tpu.memory_space<vmem>>, vector<16xi32>,
    %swap3A_942 = vector.shape_cast %swap3A_941 : vector<16xi32> to vector<16xi32>
    %swap3A_943 = vector.shape_cast %add3A_939 : vector<16xi32> to vector<16xi32>
    tpu.vector_store %arg6[%swap3A_940], %swap3A_943 {strides = array<i32>} : memref<3072xi32, #tpu.memory_space<vmem>>, vector<16xi32>,
    %le3A_944 = arith.constant 617 : i32
    %le3A_945 = vector.broadcast %le3A_944 : i32 to vector<16xi32>
    %le3A_946 = arith.cmpi sle, %get3A_879, %le3A_945 : vector<16xi32>
    %jit3A_947 = arith.constant 618 : i32
    %jit3A_948 = arith.constant 617 : i32
    %broadcast_in_dim3A_949 = vector.broadcast %jit3A_947 : i32 to vector<16xi32>
    %broadcast_in_dim3A_950 = vector.broadcast %jit3A_948 : i32 to vector<16xi32>
    %select_n3A_951 = arith.select %le3A_946, %broadcast_in_dim3A_949, %broadcast_in_dim3A_950 : vector<16xi1>, vector<16xi32>
    %add3A_952 = arith.addi %mul3A_886, %select_n3A_951 : vector<16xi32>
    %swap3A_953 = arith.constant 2736 : index
    %swap3A_954 = tpu.vector_load %arg6[%swap3A_953] {strides = array<i32>} : memref<3072xi32, #tpu.memory_space<vmem>>, vector<16xi32>,
    %swap3A_955 = vector.shape_cast %swap3A_954 : vector<16xi32> to vector<16xi32>
    %swap3A_956 = vector.shape_cast %add3A_952 : vector<16xi32> to vector<16xi32>
    tpu.vector_store %arg6[%swap3A_953], %swap3A_956 {strides = array<i32>} : memref<3072xi32, #tpu.memory_space<vmem>>, vector<16xi32>,
    %get3A_957 = arith.constant 192 : index
    %get3A_958 = tpu.vector_load %arg5[%get3A_957] {strides = array<i32>} : memref<512xi32, #tpu.memory_space<vmem>>, vector<16xi32>,
    %get3A_959 = vector.shape_cast %get3A_958 : vector<16xi32> to vector<16xi32>
    %add3A_960 = arith.constant 192 : i32
    %add3A_961 = arith.addi %mul3A_2, %add3A_960 : i32
    %add3A_962 = vector.broadcast %add3A_961 : i32 to vector<16xi32>
    %add3A_963 = arith.addi %add3A_962, %iota3A : vector<16xi32>
    %mul3A_964 = arith.constant 1000 : i32
    %mul3A_965 = vector.broadcast %mul3A_964 : i32 to vector<16xi32>
    %mul3A_966 = arith.muli %add3A_963, %mul3A_965 : vector<16xi32>
    %add3A_967 = arith.addi %mul3A_966, %get3A_959 : vector<16xi32>
    %swap3A_968 = arith.constant 192 : index
    %swap3A_969 = tpu.vector_load %arg6[%swap3A_968] {strides = array<i32>} : memref<3072xi32, #tpu.memory_space<vmem>>, vector<16xi32>,
    %swap3A_970 = vector.shape_cast %swap3A_969 : vector<16xi32> to vector<16xi32>
    %swap3A_971 = vector.shape_cast %add3A_967 : vector<16xi32> to vector<16xi32>
    tpu.vector_store %arg6[%swap3A_968], %swap3A_971 {strides = array<i32>} : memref<3072xi32, #tpu.memory_space<vmem>>, vector<16xi32>,
    %le3A_972 = arith.constant 955 : i32
    %le3A_973 = vector.broadcast %le3A_972 : i32 to vector<16xi32>
    %le3A_974 = arith.cmpi sle, %get3A_959, %le3A_973 : vector<16xi32>
    %jit3A_975 = arith.constant 956 : i32
    %jit3A_976 = arith.constant 955 : i32
    %broadcast_in_dim3A_977 = vector.broadcast %jit3A_975 : i32 to vector<16xi32>
    %broadcast_in_dim3A_978 = vector.broadcast %jit3A_976 : i32 to vector<16xi32>
    %select_n3A_979 = arith.select %le3A_974, %broadcast_in_dim3A_977, %broadcast_in_dim3A_978 : vector<16xi1>, vector<16xi32>
    %add3A_980 = arith.addi %mul3A_966, %select_n3A_979 : vector<16xi32>
    %swap3A_981 = arith.constant 704 : index
    %swap3A_982 = tpu.vector_load %arg6[%swap3A_981] {strides = array<i32>} : memref<3072xi32, #tpu.memory_space<vmem>>, vector<16xi32>,
    %swap3A_983 = vector.shape_cast %swap3A_982 : vector<16xi32> to vector<16xi32>
    %swap3A_984 = vector.shape_cast %add3A_980 : vector<16xi32> to vector<16xi32>
    tpu.vector_store %arg6[%swap3A_981], %swap3A_984 {strides = array<i32>} : memref<3072xi32, #tpu.memory_space<vmem>>, vector<16xi32>,
    %le3A_985 = arith.constant 914 : i32
    %le3A_986 = vector.broadcast %le3A_985 : i32 to vector<16xi32>
    %le3A_987 = arith.cmpi sle, %get3A_959, %le3A_986 : vector<16xi32>
    %jit3A_988 = arith.constant 915 : i32
    %jit3A_989 = arith.constant 914 : i32
    %broadcast_in_dim3A_990 = vector.broadcast %jit3A_988 : i32 to vector<16xi32>
    %broadcast_in_dim3A_991 = vector.broadcast %jit3A_989 : i32 to vector<16xi32>
    %select_n3A_992 = arith.select %le3A_987, %broadcast_in_dim3A_990, %broadcast_in_dim3A_991 : vector<16xi1>, vector<16xi32>
    %add3A_993 = arith.addi %mul3A_966, %select_n3A_992 : vector<16xi32>
    %swap3A_994 = arith.constant 1216 : index
    %swap3A_995 = tpu.vector_load %arg6[%swap3A_994] {strides = array<i32>} : memref<3072xi32, #tpu.memory_space<vmem>>, vector<16xi32>,
    %swap3A_996 = vector.shape_cast %swap3A_995 : vector<16xi32> to vector<16xi32>
    %swap3A_997 = vector.shape_cast %add3A_993 : vector<16xi32> to vector<16xi32>
    tpu.vector_store %arg6[%swap3A_994], %swap3A_997 {strides = array<i32>} : memref<3072xi32, #tpu.memory_space<vmem>>, vector<16xi32>,
    %le3A_998 = arith.constant 121 : i32
    %le3A_999 = vector.broadcast %le3A_998 : i32 to vector<16xi32>
    %le3A_1000 = arith.cmpi sle, %get3A_959, %le3A_999 : vector<16xi32>
    %jit3A_1001 = arith.constant 122 : i32
    %jit3A_1002 = arith.constant 121 : i32
    %broadcast_in_dim3A_1003 = vector.broadcast %jit3A_1001 : i32 to vector<16xi32>
    %broadcast_in_dim3A_1004 = vector.broadcast %jit3A_1002 : i32 to vector<16xi32>
    %select_n3A_1005 = arith.select %le3A_1000, %broadcast_in_dim3A_1003, %broadcast_in_dim3A_1004 : vector<16xi1>, vector<16xi32>
    %add3A_1006 = arith.addi %mul3A_966, %select_n3A_1005 : vector<16xi32>
    %swap3A_1007 = arith.constant 1728 : index
    %swap3A_1008 = tpu.vector_load %arg6[%swap3A_1007] {strides = array<i32>} : memref<3072xi32, #tpu.memory_space<vmem>>, vector<16xi32>,
    %swap3A_1009 = vector.shape_cast %swap3A_1008 : vector<16xi32> to vector<16xi32>
    %swap3A_1010 = vector.shape_cast %add3A_1006 : vector<16xi32> to vector<16xi32>
    tpu.vector_store %arg6[%swap3A_1007], %swap3A_1010 {strides = array<i32>} : memref<3072xi32, #tpu.memory_space<vmem>>, vector<16xi32>,
    %le3A_1011 = arith.constant 753 : i32
    %le3A_1012 = vector.broadcast %le3A_1011 : i32 to vector<16xi32>
    %le3A_1013 = arith.cmpi sle, %get3A_959, %le3A_1012 : vector<16xi32>
    %jit3A_1014 = arith.constant 754 : i32
    %jit3A_1015 = arith.constant 753 : i32
    %broadcast_in_dim3A_1016 = vector.broadcast %jit3A_1014 : i32 to vector<16xi32>
    %broadcast_in_dim3A_1017 = vector.broadcast %jit3A_1015 : i32 to vector<16xi32>
    %select_n3A_1018 = arith.select %le3A_1013, %broadcast_in_dim3A_1016, %broadcast_in_dim3A_1017 : vector<16xi1>, vector<16xi32>
    %add3A_1019 = arith.addi %mul3A_966, %select_n3A_1018 : vector<16xi32>
    %swap3A_1020 = arith.constant 2240 : index
    %swap3A_1021 = tpu.vector_load %arg6[%swap3A_1020] {strides = array<i32>} : memref<3072xi32, #tpu.memory_space<vmem>>, vector<16xi32>,
    %swap3A_1022 = vector.shape_cast %swap3A_1021 : vector<16xi32> to vector<16xi32>
    %swap3A_1023 = vector.shape_cast %add3A_1019 : vector<16xi32> to vector<16xi32>
    tpu.vector_store %arg6[%swap3A_1020], %swap3A_1023 {strides = array<i32>} : memref<3072xi32, #tpu.memory_space<vmem>>, vector<16xi32>,
    %le3A_1024 = arith.constant 617 : i32
    %le3A_1025 = vector.broadcast %le3A_1024 : i32 to vector<16xi32>
    %le3A_1026 = arith.cmpi sle, %get3A_959, %le3A_1025 : vector<16xi32>
    %jit3A_1027 = arith.constant 618 : i32
    %jit3A_1028 = arith.constant 617 : i32
    %broadcast_in_dim3A_1029 = vector.broadcast %jit3A_1027 : i32 to vector<16xi32>
    %broadcast_in_dim3A_1030 = vector.broadcast %jit3A_1028 : i32 to vector<16xi32>
    %select_n3A_1031 = arith.select %le3A_1026, %broadcast_in_dim3A_1029, %broadcast_in_dim3A_1030 : vector<16xi1>, vector<16xi32>
    %add3A_1032 = arith.addi %mul3A_966, %select_n3A_1031 : vector<16xi32>
    %swap3A_1033 = arith.constant 2752 : index
    %swap3A_1034 = tpu.vector_load %arg6[%swap3A_1033] {strides = array<i32>} : memref<3072xi32, #tpu.memory_space<vmem>>, vector<16xi32>,
    %swap3A_1035 = vector.shape_cast %swap3A_1034 : vector<16xi32> to vector<16xi32>
    %swap3A_1036 = vector.shape_cast %add3A_1032 : vector<16xi32> to vector<16xi32>
    tpu.vector_store %arg6[%swap3A_1033], %swap3A_1036 {strides = array<i32>} : memref<3072xi32, #tpu.memory_space<vmem>>, vector<16xi32>,
    %get3A_1037 = arith.constant 208 : index
    %get3A_1038 = tpu.vector_load %arg5[%get3A_1037] {strides = array<i32>} : memref<512xi32, #tpu.memory_space<vmem>>, vector<16xi32>,
    %get3A_1039 = vector.shape_cast %get3A_1038 : vector<16xi32> to vector<16xi32>
    %add3A_1040 = arith.constant 208 : i32
    %add3A_1041 = arith.addi %mul3A_2, %add3A_1040 : i32
    %add3A_1042 = vector.broadcast %add3A_1041 : i32 to vector<16xi32>
    %add3A_1043 = arith.addi %add3A_1042, %iota3A : vector<16xi32>
    %mul3A_1044 = arith.constant 1000 : i32
    %mul3A_1045 = vector.broadcast %mul3A_1044 : i32 to vector<16xi32>
    %mul3A_1046 = arith.muli %add3A_1043, %mul3A_1045 : vector<16xi32>
    %add3A_1047 = arith.addi %mul3A_1046, %get3A_1039 : vector<16xi32>
    %swap3A_1048 = arith.constant 208 : index
    %swap3A_1049 = tpu.vector_load %arg6[%swap3A_1048] {strides = array<i32>} : memref<3072xi32, #tpu.memory_space<vmem>>, vector<16xi32>,
    %swap3A_1050 = vector.shape_cast %swap3A_1049 : vector<16xi32> to vector<16xi32>
    %swap3A_1051 = vector.shape_cast %add3A_1047 : vector<16xi32> to vector<16xi32>
    tpu.vector_store %arg6[%swap3A_1048], %swap3A_1051 {strides = array<i32>} : memref<3072xi32, #tpu.memory_space<vmem>>, vector<16xi32>,
    %le3A_1052 = arith.constant 955 : i32
    %le3A_1053 = vector.broadcast %le3A_1052 : i32 to vector<16xi32>
    %le3A_1054 = arith.cmpi sle, %get3A_1039, %le3A_1053 : vector<16xi32>
    %jit3A_1055 = arith.constant 956 : i32
    %jit3A_1056 = arith.constant 955 : i32
    %broadcast_in_dim3A_1057 = vector.broadcast %jit3A_1055 : i32 to vector<16xi32>
    %broadcast_in_dim3A_1058 = vector.broadcast %jit3A_1056 : i32 to vector<16xi32>
    %select_n3A_1059 = arith.select %le3A_1054, %broadcast_in_dim3A_1057, %broadcast_in_dim3A_1058 : vector<16xi1>, vector<16xi32>
    %add3A_1060 = arith.addi %mul3A_1046, %select_n3A_1059 : vector<16xi32>
    %swap3A_1061 = arith.constant 720 : index
    %swap3A_1062 = tpu.vector_load %arg6[%swap3A_1061] {strides = array<i32>} : memref<3072xi32, #tpu.memory_space<vmem>>, vector<16xi32>,
    %swap3A_1063 = vector.shape_cast %swap3A_1062 : vector<16xi32> to vector<16xi32>
    %swap3A_1064 = vector.shape_cast %add3A_1060 : vector<16xi32> to vector<16xi32>
    tpu.vector_store %arg6[%swap3A_1061], %swap3A_1064 {strides = array<i32>} : memref<3072xi32, #tpu.memory_space<vmem>>, vector<16xi32>,
    %le3A_1065 = arith.constant 914 : i32
    %le3A_1066 = vector.broadcast %le3A_1065 : i32 to vector<16xi32>
    %le3A_1067 = arith.cmpi sle, %get3A_1039, %le3A_1066 : vector<16xi32>
    %jit3A_1068 = arith.constant 915 : i32
    %jit3A_1069 = arith.constant 914 : i32
    %broadcast_in_dim3A_1070 = vector.broadcast %jit3A_1068 : i32 to vector<16xi32>
    %broadcast_in_dim3A_1071 = vector.broadcast %jit3A_1069 : i32 to vector<16xi32>
    %select_n3A_1072 = arith.select %le3A_1067, %broadcast_in_dim3A_1070, %broadcast_in_dim3A_1071 : vector<16xi1>, vector<16xi32>
    %add3A_1073 = arith.addi %mul3A_1046, %select_n3A_1072 : vector<16xi32>
    %swap3A_1074 = arith.constant 1232 : index
    %swap3A_1075 = tpu.vector_load %arg6[%swap3A_1074] {strides = array<i32>} : memref<3072xi32, #tpu.memory_space<vmem>>, vector<16xi32>,
    %swap3A_1076 = vector.shape_cast %swap3A_1075 : vector<16xi32> to vector<16xi32>
    %swap3A_1077 = vector.shape_cast %add3A_1073 : vector<16xi32> to vector<16xi32>
    tpu.vector_store %arg6[%swap3A_1074], %swap3A_1077 {strides = array<i32>} : memref<3072xi32, #tpu.memory_space<vmem>>, vector<16xi32>,
    %le3A_1078 = arith.constant 121 : i32
    %le3A_1079 = vector.broadcast %le3A_1078 : i32 to vector<16xi32>
    %le3A_1080 = arith.cmpi sle, %get3A_1039, %le3A_1079 : vector<16xi32>
    %jit3A_1081 = arith.constant 122 : i32
    %jit3A_1082 = arith.constant 121 : i32
    %broadcast_in_dim3A_1083 = vector.broadcast %jit3A_1081 : i32 to vector<16xi32>
    %broadcast_in_dim3A_1084 = vector.broadcast %jit3A_1082 : i32 to vector<16xi32>
    %select_n3A_1085 = arith.select %le3A_1080, %broadcast_in_dim3A_1083, %broadcast_in_dim3A_1084 : vector<16xi1>, vector<16xi32>
    %add3A_1086 = arith.addi %mul3A_1046, %select_n3A_1085 : vector<16xi32>
    %swap3A_1087 = arith.constant 1744 : index
    %swap3A_1088 = tpu.vector_load %arg6[%swap3A_1087] {strides = array<i32>} : memref<3072xi32, #tpu.memory_space<vmem>>, vector<16xi32>,
    %swap3A_1089 = vector.shape_cast %swap3A_1088 : vector<16xi32> to vector<16xi32>
    %swap3A_1090 = vector.shape_cast %add3A_1086 : vector<16xi32> to vector<16xi32>
    tpu.vector_store %arg6[%swap3A_1087], %swap3A_1090 {strides = array<i32>} : memref<3072xi32, #tpu.memory_space<vmem>>, vector<16xi32>,
    %le3A_1091 = arith.constant 753 : i32
    %le3A_1092 = vector.broadcast %le3A_1091 : i32 to vector<16xi32>
    %le3A_1093 = arith.cmpi sle, %get3A_1039, %le3A_1092 : vector<16xi32>
    %jit3A_1094 = arith.constant 754 : i32
    %jit3A_1095 = arith.constant 753 : i32
    %broadcast_in_dim3A_1096 = vector.broadcast %jit3A_1094 : i32 to vector<16xi32>
    %broadcast_in_dim3A_1097 = vector.broadcast %jit3A_1095 : i32 to vector<16xi32>
    %select_n3A_1098 = arith.select %le3A_1093, %broadcast_in_dim3A_1096, %broadcast_in_dim3A_1097 : vector<16xi1>, vector<16xi32>
    %add3A_1099 = arith.addi %mul3A_1046, %select_n3A_1098 : vector<16xi32>
    %swap3A_1100 = arith.constant 2256 : index
    %swap3A_1101 = tpu.vector_load %arg6[%swap3A_1100] {strides = array<i32>} : memref<3072xi32, #tpu.memory_space<vmem>>, vector<16xi32>,
    %swap3A_1102 = vector.shape_cast %swap3A_1101 : vector<16xi32> to vector<16xi32>
    %swap3A_1103 = vector.shape_cast %add3A_1099 : vector<16xi32> to vector<16xi32>
    tpu.vector_store %arg6[%swap3A_1100], %swap3A_1103 {strides = array<i32>} : memref<3072xi32, #tpu.memory_space<vmem>>, vector<16xi32>,
    %le3A_1104 = arith.constant 617 : i32
    %le3A_1105 = vector.broadcast %le3A_1104 : i32 to vector<16xi32>
    %le3A_1106 = arith.cmpi sle, %get3A_1039, %le3A_1105 : vector<16xi32>
    %jit3A_1107 = arith.constant 618 : i32
    %jit3A_1108 = arith.constant 617 : i32
    %broadcast_in_dim3A_1109 = vector.broadcast %jit3A_1107 : i32 to vector<16xi32>
    %broadcast_in_dim3A_1110 = vector.broadcast %jit3A_1108 : i32 to vector<16xi32>
    %select_n3A_1111 = arith.select %le3A_1106, %broadcast_in_dim3A_1109, %broadcast_in_dim3A_1110 : vector<16xi1>, vector<16xi32>
    %add3A_1112 = arith.addi %mul3A_1046, %select_n3A_1111 : vector<16xi32>
    %swap3A_1113 = arith.constant 2768 : index
    %swap3A_1114 = tpu.vector_load %arg6[%swap3A_1113] {strides = array<i32>} : memref<3072xi32, #tpu.memory_space<vmem>>, vector<16xi32>,
    %swap3A_1115 = vector.shape_cast %swap3A_1114 : vector<16xi32> to vector<16xi32>
    %swap3A_1116 = vector.shape_cast %add3A_1112 : vector<16xi32> to vector<16xi32>
    tpu.vector_store %arg6[%swap3A_1113], %swap3A_1116 {strides = array<i32>} : memref<3072xi32, #tpu.memory_space<vmem>>, vector<16xi32>,
    %get3A_1117 = arith.constant 224 : index
    %get3A_1118 = tpu.vector_load %arg5[%get3A_1117] {strides = array<i32>} : memref<512xi32, #tpu.memory_space<vmem>>, vector<16xi32>,
    %get3A_1119 = vector.shape_cast %get3A_1118 : vector<16xi32> to vector<16xi32>
    %add3A_1120 = arith.constant 224 : i32
    %add3A_1121 = arith.addi %mul3A_2, %add3A_1120 : i32
    %add3A_1122 = vector.broadcast %add3A_1121 : i32 to vector<16xi32>
    %add3A_1123 = arith.addi %add3A_1122, %iota3A : vector<16xi32>
    %mul3A_1124 = arith.constant 1000 : i32
    %mul3A_1125 = vector.broadcast %mul3A_1124 : i32 to vector<16xi32>
    %mul3A_1126 = arith.muli %add3A_1123, %mul3A_1125 : vector<16xi32>
    %add3A_1127 = arith.addi %mul3A_1126, %get3A_1119 : vector<16xi32>
    %swap3A_1128 = arith.constant 224 : index
    %swap3A_1129 = tpu.vector_load %arg6[%swap3A_1128] {strides = array<i32>} : memref<3072xi32, #tpu.memory_space<vmem>>, vector<16xi32>,
    %swap3A_1130 = vector.shape_cast %swap3A_1129 : vector<16xi32> to vector<16xi32>
    %swap3A_1131 = vector.shape_cast %add3A_1127 : vector<16xi32> to vector<16xi32>
    tpu.vector_store %arg6[%swap3A_1128], %swap3A_1131 {strides = array<i32>} : memref<3072xi32, #tpu.memory_space<vmem>>, vector<16xi32>,
    %le3A_1132 = arith.constant 955 : i32
    %le3A_1133 = vector.broadcast %le3A_1132 : i32 to vector<16xi32>
    %le3A_1134 = arith.cmpi sle, %get3A_1119, %le3A_1133 : vector<16xi32>
    %jit3A_1135 = arith.constant 956 : i32
    %jit3A_1136 = arith.constant 955 : i32
    %broadcast_in_dim3A_1137 = vector.broadcast %jit3A_1135 : i32 to vector<16xi32>
    %broadcast_in_dim3A_1138 = vector.broadcast %jit3A_1136 : i32 to vector<16xi32>
    %select_n3A_1139 = arith.select %le3A_1134, %broadcast_in_dim3A_1137, %broadcast_in_dim3A_1138 : vector<16xi1>, vector<16xi32>
    %add3A_1140 = arith.addi %mul3A_1126, %select_n3A_1139 : vector<16xi32>
    %swap3A_1141 = arith.constant 736 : index
    %swap3A_1142 = tpu.vector_load %arg6[%swap3A_1141] {strides = array<i32>} : memref<3072xi32, #tpu.memory_space<vmem>>, vector<16xi32>,
    %swap3A_1143 = vector.shape_cast %swap3A_1142 : vector<16xi32> to vector<16xi32>
    %swap3A_1144 = vector.shape_cast %add3A_1140 : vector<16xi32> to vector<16xi32>
    tpu.vector_store %arg6[%swap3A_1141], %swap3A_1144 {strides = array<i32>} : memref<3072xi32, #tpu.memory_space<vmem>>, vector<16xi32>,
    %le3A_1145 = arith.constant 914 : i32
    %le3A_1146 = vector.broadcast %le3A_1145 : i32 to vector<16xi32>
    %le3A_1147 = arith.cmpi sle, %get3A_1119, %le3A_1146 : vector<16xi32>
    %jit3A_1148 = arith.constant 915 : i32
    %jit3A_1149 = arith.constant 914 : i32
    %broadcast_in_dim3A_1150 = vector.broadcast %jit3A_1148 : i32 to vector<16xi32>
    %broadcast_in_dim3A_1151 = vector.broadcast %jit3A_1149 : i32 to vector<16xi32>
    %select_n3A_1152 = arith.select %le3A_1147, %broadcast_in_dim3A_1150, %broadcast_in_dim3A_1151 : vector<16xi1>, vector<16xi32>
    %add3A_1153 = arith.addi %mul3A_1126, %select_n3A_1152 : vector<16xi32>
    %swap3A_1154 = arith.constant 1248 : index
    %swap3A_1155 = tpu.vector_load %arg6[%swap3A_1154] {strides = array<i32>} : memref<3072xi32, #tpu.memory_space<vmem>>, vector<16xi32>,
    %swap3A_1156 = vector.shape_cast %swap3A_1155 : vector<16xi32> to vector<16xi32>
    %swap3A_1157 = vector.shape_cast %add3A_1153 : vector<16xi32> to vector<16xi32>
    tpu.vector_store %arg6[%swap3A_1154], %swap3A_1157 {strides = array<i32>} : memref<3072xi32, #tpu.memory_space<vmem>>, vector<16xi32>,
    %le3A_1158 = arith.constant 121 : i32
    %le3A_1159 = vector.broadcast %le3A_1158 : i32 to vector<16xi32>
    %le3A_1160 = arith.cmpi sle, %get3A_1119, %le3A_1159 : vector<16xi32>
    %jit3A_1161 = arith.constant 122 : i32
    %jit3A_1162 = arith.constant 121 : i32
    %broadcast_in_dim3A_1163 = vector.broadcast %jit3A_1161 : i32 to vector<16xi32>
    %broadcast_in_dim3A_1164 = vector.broadcast %jit3A_1162 : i32 to vector<16xi32>
    %select_n3A_1165 = arith.select %le3A_1160, %broadcast_in_dim3A_1163, %broadcast_in_dim3A_1164 : vector<16xi1>, vector<16xi32>
    %add3A_1166 = arith.addi %mul3A_1126, %select_n3A_1165 : vector<16xi32>
    %swap3A_1167 = arith.constant 1760 : index
    %swap3A_1168 = tpu.vector_load %arg6[%swap3A_1167] {strides = array<i32>} : memref<3072xi32, #tpu.memory_space<vmem>>, vector<16xi32>,
    %swap3A_1169 = vector.shape_cast %swap3A_1168 : vector<16xi32> to vector<16xi32>
    %swap3A_1170 = vector.shape_cast %add3A_1166 : vector<16xi32> to vector<16xi32>
    tpu.vector_store %arg6[%swap3A_1167], %swap3A_1170 {strides = array<i32>} : memref<3072xi32, #tpu.memory_space<vmem>>, vector<16xi32>,
    %le3A_1171 = arith.constant 753 : i32
    %le3A_1172 = vector.broadcast %le3A_1171 : i32 to vector<16xi32>
    %le3A_1173 = arith.cmpi sle, %get3A_1119, %le3A_1172 : vector<16xi32>
    %jit3A_1174 = arith.constant 754 : i32
    %jit3A_1175 = arith.constant 753 : i32
    %broadcast_in_dim3A_1176 = vector.broadcast %jit3A_1174 : i32 to vector<16xi32>
    %broadcast_in_dim3A_1177 = vector.broadcast %jit3A_1175 : i32 to vector<16xi32>
    %select_n3A_1178 = arith.select %le3A_1173, %broadcast_in_dim3A_1176, %broadcast_in_dim3A_1177 : vector<16xi1>, vector<16xi32>
    %add3A_1179 = arith.addi %mul3A_1126, %select_n3A_1178 : vector<16xi32>
    %swap3A_1180 = arith.constant 2272 : index
    %swap3A_1181 = tpu.vector_load %arg6[%swap3A_1180] {strides = array<i32>} : memref<3072xi32, #tpu.memory_space<vmem>>, vector<16xi32>,
    %swap3A_1182 = vector.shape_cast %swap3A_1181 : vector<16xi32> to vector<16xi32>
    %swap3A_1183 = vector.shape_cast %add3A_1179 : vector<16xi32> to vector<16xi32>
    tpu.vector_store %arg6[%swap3A_1180], %swap3A_1183 {strides = array<i32>} : memref<3072xi32, #tpu.memory_space<vmem>>, vector<16xi32>,
    %le3A_1184 = arith.constant 617 : i32
    %le3A_1185 = vector.broadcast %le3A_1184 : i32 to vector<16xi32>
    %le3A_1186 = arith.cmpi sle, %get3A_1119, %le3A_1185 : vector<16xi32>
    %jit3A_1187 = arith.constant 618 : i32
    %jit3A_1188 = arith.constant 617 : i32
    %broadcast_in_dim3A_1189 = vector.broadcast %jit3A_1187 : i32 to vector<16xi32>
    %broadcast_in_dim3A_1190 = vector.broadcast %jit3A_1188 : i32 to vector<16xi32>
    %select_n3A_1191 = arith.select %le3A_1186, %broadcast_in_dim3A_1189, %broadcast_in_dim3A_1190 : vector<16xi1>, vector<16xi32>
    %add3A_1192 = arith.addi %mul3A_1126, %select_n3A_1191 : vector<16xi32>
    %swap3A_1193 = arith.constant 2784 : index
    %swap3A_1194 = tpu.vector_load %arg6[%swap3A_1193] {strides = array<i32>} : memref<3072xi32, #tpu.memory_space<vmem>>, vector<16xi32>,
    %swap3A_1195 = vector.shape_cast %swap3A_1194 : vector<16xi32> to vector<16xi32>
    %swap3A_1196 = vector.shape_cast %add3A_1192 : vector<16xi32> to vector<16xi32>
    tpu.vector_store %arg6[%swap3A_1193], %swap3A_1196 {strides = array<i32>} : memref<3072xi32, #tpu.memory_space<vmem>>, vector<16xi32>,
    %get3A_1197 = arith.constant 240 : index
    %get3A_1198 = tpu.vector_load %arg5[%get3A_1197] {strides = array<i32>} : memref<512xi32, #tpu.memory_space<vmem>>, vector<16xi32>,
    %get3A_1199 = vector.shape_cast %get3A_1198 : vector<16xi32> to vector<16xi32>
    %add3A_1200 = arith.constant 240 : i32
    %add3A_1201 = arith.addi %mul3A_2, %add3A_1200 : i32
    %add3A_1202 = vector.broadcast %add3A_1201 : i32 to vector<16xi32>
    %add3A_1203 = arith.addi %add3A_1202, %iota3A : vector<16xi32>
    %mul3A_1204 = arith.constant 1000 : i32
    %mul3A_1205 = vector.broadcast %mul3A_1204 : i32 to vector<16xi32>
    %mul3A_1206 = arith.muli %add3A_1203, %mul3A_1205 : vector<16xi32>
    %add3A_1207 = arith.addi %mul3A_1206, %get3A_1199 : vector<16xi32>
    %swap3A_1208 = arith.constant 240 : index
    %swap3A_1209 = tpu.vector_load %arg6[%swap3A_1208] {strides = array<i32>} : memref<3072xi32, #tpu.memory_space<vmem>>, vector<16xi32>,
    %swap3A_1210 = vector.shape_cast %swap3A_1209 : vector<16xi32> to vector<16xi32>
    %swap3A_1211 = vector.shape_cast %add3A_1207 : vector<16xi32> to vector<16xi32>
    tpu.vector_store %arg6[%swap3A_1208], %swap3A_1211 {strides = array<i32>} : memref<3072xi32, #tpu.memory_space<vmem>>, vector<16xi32>,
    %le3A_1212 = arith.constant 955 : i32
    %le3A_1213 = vector.broadcast %le3A_1212 : i32 to vector<16xi32>
    %le3A_1214 = arith.cmpi sle, %get3A_1199, %le3A_1213 : vector<16xi32>
    %jit3A_1215 = arith.constant 956 : i32
    %jit3A_1216 = arith.constant 955 : i32
    %broadcast_in_dim3A_1217 = vector.broadcast %jit3A_1215 : i32 to vector<16xi32>
    %broadcast_in_dim3A_1218 = vector.broadcast %jit3A_1216 : i32 to vector<16xi32>
    %select_n3A_1219 = arith.select %le3A_1214, %broadcast_in_dim3A_1217, %broadcast_in_dim3A_1218 : vector<16xi1>, vector<16xi32>
    %add3A_1220 = arith.addi %mul3A_1206, %select_n3A_1219 : vector<16xi32>
    %swap3A_1221 = arith.constant 752 : index
    %swap3A_1222 = tpu.vector_load %arg6[%swap3A_1221] {strides = array<i32>} : memref<3072xi32, #tpu.memory_space<vmem>>, vector<16xi32>,
    %swap3A_1223 = vector.shape_cast %swap3A_1222 : vector<16xi32> to vector<16xi32>
    %swap3A_1224 = vector.shape_cast %add3A_1220 : vector<16xi32> to vector<16xi32>
    tpu.vector_store %arg6[%swap3A_1221], %swap3A_1224 {strides = array<i32>} : memref<3072xi32, #tpu.memory_space<vmem>>, vector<16xi32>,
    %le3A_1225 = arith.constant 914 : i32
    %le3A_1226 = vector.broadcast %le3A_1225 : i32 to vector<16xi32>
    %le3A_1227 = arith.cmpi sle, %get3A_1199, %le3A_1226 : vector<16xi32>
    %jit3A_1228 = arith.constant 915 : i32
    %jit3A_1229 = arith.constant 914 : i32
    %broadcast_in_dim3A_1230 = vector.broadcast %jit3A_1228 : i32 to vector<16xi32>
    %broadcast_in_dim3A_1231 = vector.broadcast %jit3A_1229 : i32 to vector<16xi32>
    %select_n3A_1232 = arith.select %le3A_1227, %broadcast_in_dim3A_1230, %broadcast_in_dim3A_1231 : vector<16xi1>, vector<16xi32>
    %add3A_1233 = arith.addi %mul3A_1206, %select_n3A_1232 : vector<16xi32>
    %swap3A_1234 = arith.constant 1264 : index
    %swap3A_1235 = tpu.vector_load %arg6[%swap3A_1234] {strides = array<i32>} : memref<3072xi32, #tpu.memory_space<vmem>>, vector<16xi32>,
    %swap3A_1236 = vector.shape_cast %swap3A_1235 : vector<16xi32> to vector<16xi32>
    %swap3A_1237 = vector.shape_cast %add3A_1233 : vector<16xi32> to vector<16xi32>
    tpu.vector_store %arg6[%swap3A_1234], %swap3A_1237 {strides = array<i32>} : memref<3072xi32, #tpu.memory_space<vmem>>, vector<16xi32>,
    %le3A_1238 = arith.constant 121 : i32
    %le3A_1239 = vector.broadcast %le3A_1238 : i32 to vector<16xi32>
    %le3A_1240 = arith.cmpi sle, %get3A_1199, %le3A_1239 : vector<16xi32>
    %jit3A_1241 = arith.constant 122 : i32
    %jit3A_1242 = arith.constant 121 : i32
    %broadcast_in_dim3A_1243 = vector.broadcast %jit3A_1241 : i32 to vector<16xi32>
    %broadcast_in_dim3A_1244 = vector.broadcast %jit3A_1242 : i32 to vector<16xi32>
    %select_n3A_1245 = arith.select %le3A_1240, %broadcast_in_dim3A_1243, %broadcast_in_dim3A_1244 : vector<16xi1>, vector<16xi32>
    %add3A_1246 = arith.addi %mul3A_1206, %select_n3A_1245 : vector<16xi32>
    %swap3A_1247 = arith.constant 1776 : index
    %swap3A_1248 = tpu.vector_load %arg6[%swap3A_1247] {strides = array<i32>} : memref<3072xi32, #tpu.memory_space<vmem>>, vector<16xi32>,
    %swap3A_1249 = vector.shape_cast %swap3A_1248 : vector<16xi32> to vector<16xi32>
    %swap3A_1250 = vector.shape_cast %add3A_1246 : vector<16xi32> to vector<16xi32>
    tpu.vector_store %arg6[%swap3A_1247], %swap3A_1250 {strides = array<i32>} : memref<3072xi32, #tpu.memory_space<vmem>>, vector<16xi32>,
    %le3A_1251 = arith.constant 753 : i32
    %le3A_1252 = vector.broadcast %le3A_1251 : i32 to vector<16xi32>
    %le3A_1253 = arith.cmpi sle, %get3A_1199, %le3A_1252 : vector<16xi32>
    %jit3A_1254 = arith.constant 754 : i32
    %jit3A_1255 = arith.constant 753 : i32
    %broadcast_in_dim3A_1256 = vector.broadcast %jit3A_1254 : i32 to vector<16xi32>
    %broadcast_in_dim3A_1257 = vector.broadcast %jit3A_1255 : i32 to vector<16xi32>
    %select_n3A_1258 = arith.select %le3A_1253, %broadcast_in_dim3A_1256, %broadcast_in_dim3A_1257 : vector<16xi1>, vector<16xi32>
    %add3A_1259 = arith.addi %mul3A_1206, %select_n3A_1258 : vector<16xi32>
    %swap3A_1260 = arith.constant 2288 : index
    %swap3A_1261 = tpu.vector_load %arg6[%swap3A_1260] {strides = array<i32>} : memref<3072xi32, #tpu.memory_space<vmem>>, vector<16xi32>,
    %swap3A_1262 = vector.shape_cast %swap3A_1261 : vector<16xi32> to vector<16xi32>
    %swap3A_1263 = vector.shape_cast %add3A_1259 : vector<16xi32> to vector<16xi32>
    tpu.vector_store %arg6[%swap3A_1260], %swap3A_1263 {strides = array<i32>} : memref<3072xi32, #tpu.memory_space<vmem>>, vector<16xi32>,
    %le3A_1264 = arith.constant 617 : i32
    %le3A_1265 = vector.broadcast %le3A_1264 : i32 to vector<16xi32>
    %le3A_1266 = arith.cmpi sle, %get3A_1199, %le3A_1265 : vector<16xi32>
    %jit3A_1267 = arith.constant 618 : i32
    %jit3A_1268 = arith.constant 617 : i32
    %broadcast_in_dim3A_1269 = vector.broadcast %jit3A_1267 : i32 to vector<16xi32>
    %broadcast_in_dim3A_1270 = vector.broadcast %jit3A_1268 : i32 to vector<16xi32>
    %select_n3A_1271 = arith.select %le3A_1266, %broadcast_in_dim3A_1269, %broadcast_in_dim3A_1270 : vector<16xi1>, vector<16xi32>
    %add3A_1272 = arith.addi %mul3A_1206, %select_n3A_1271 : vector<16xi32>
    %swap3A_1273 = arith.constant 2800 : index
    %swap3A_1274 = tpu.vector_load %arg6[%swap3A_1273] {strides = array<i32>} : memref<3072xi32, #tpu.memory_space<vmem>>, vector<16xi32>,
    %swap3A_1275 = vector.shape_cast %swap3A_1274 : vector<16xi32> to vector<16xi32>
    %swap3A_1276 = vector.shape_cast %add3A_1272 : vector<16xi32> to vector<16xi32>
    tpu.vector_store %arg6[%swap3A_1273], %swap3A_1276 {strides = array<i32>} : memref<3072xi32, #tpu.memory_space<vmem>>, vector<16xi32>,
    %get3A_1277 = arith.constant 256 : index
    %get3A_1278 = tpu.vector_load %arg5[%get3A_1277] {strides = array<i32>} : memref<512xi32, #tpu.memory_space<vmem>>, vector<16xi32>,
    %get3A_1279 = vector.shape_cast %get3A_1278 : vector<16xi32> to vector<16xi32>
    %add3A_1280 = arith.constant 256 : i32
    %add3A_1281 = arith.addi %mul3A_2, %add3A_1280 : i32
    %add3A_1282 = vector.broadcast %add3A_1281 : i32 to vector<16xi32>
    %add3A_1283 = arith.addi %add3A_1282, %iota3A : vector<16xi32>
    %mul3A_1284 = arith.constant 1000 : i32
    %mul3A_1285 = vector.broadcast %mul3A_1284 : i32 to vector<16xi32>
    %mul3A_1286 = arith.muli %add3A_1283, %mul3A_1285 : vector<16xi32>
    %add3A_1287 = arith.addi %mul3A_1286, %get3A_1279 : vector<16xi32>
    %swap3A_1288 = arith.constant 256 : index
    %swap3A_1289 = tpu.vector_load %arg6[%swap3A_1288] {strides = array<i32>} : memref<3072xi32, #tpu.memory_space<vmem>>, vector<16xi32>,
    %swap3A_1290 = vector.shape_cast %swap3A_1289 : vector<16xi32> to vector<16xi32>
    %swap3A_1291 = vector.shape_cast %add3A_1287 : vector<16xi32> to vector<16xi32>
    tpu.vector_store %arg6[%swap3A_1288], %swap3A_1291 {strides = array<i32>} : memref<3072xi32, #tpu.memory_space<vmem>>, vector<16xi32>,
    %le3A_1292 = arith.constant 955 : i32
    %le3A_1293 = vector.broadcast %le3A_1292 : i32 to vector<16xi32>
    %le3A_1294 = arith.cmpi sle, %get3A_1279, %le3A_1293 : vector<16xi32>
    %jit3A_1295 = arith.constant 956 : i32
    %jit3A_1296 = arith.constant 955 : i32
    %broadcast_in_dim3A_1297 = vector.broadcast %jit3A_1295 : i32 to vector<16xi32>
    %broadcast_in_dim3A_1298 = vector.broadcast %jit3A_1296 : i32 to vector<16xi32>
    %select_n3A_1299 = arith.select %le3A_1294, %broadcast_in_dim3A_1297, %broadcast_in_dim3A_1298 : vector<16xi1>, vector<16xi32>
    %add3A_1300 = arith.addi %mul3A_1286, %select_n3A_1299 : vector<16xi32>
    %swap3A_1301 = arith.constant 768 : index
    %swap3A_1302 = tpu.vector_load %arg6[%swap3A_1301] {strides = array<i32>} : memref<3072xi32, #tpu.memory_space<vmem>>, vector<16xi32>,
    %swap3A_1303 = vector.shape_cast %swap3A_1302 : vector<16xi32> to vector<16xi32>
    %swap3A_1304 = vector.shape_cast %add3A_1300 : vector<16xi32> to vector<16xi32>
    tpu.vector_store %arg6[%swap3A_1301], %swap3A_1304 {strides = array<i32>} : memref<3072xi32, #tpu.memory_space<vmem>>, vector<16xi32>,
    %le3A_1305 = arith.constant 914 : i32
    %le3A_1306 = vector.broadcast %le3A_1305 : i32 to vector<16xi32>
    %le3A_1307 = arith.cmpi sle, %get3A_1279, %le3A_1306 : vector<16xi32>
    %jit3A_1308 = arith.constant 915 : i32
    %jit3A_1309 = arith.constant 914 : i32
    %broadcast_in_dim3A_1310 = vector.broadcast %jit3A_1308 : i32 to vector<16xi32>
    %broadcast_in_dim3A_1311 = vector.broadcast %jit3A_1309 : i32 to vector<16xi32>
    %select_n3A_1312 = arith.select %le3A_1307, %broadcast_in_dim3A_1310, %broadcast_in_dim3A_1311 : vector<16xi1>, vector<16xi32>
    %add3A_1313 = arith.addi %mul3A_1286, %select_n3A_1312 : vector<16xi32>
    %swap3A_1314 = arith.constant 1280 : index
    %swap3A_1315 = tpu.vector_load %arg6[%swap3A_1314] {strides = array<i32>} : memref<3072xi32, #tpu.memory_space<vmem>>, vector<16xi32>,
    %swap3A_1316 = vector.shape_cast %swap3A_1315 : vector<16xi32> to vector<16xi32>
    %swap3A_1317 = vector.shape_cast %add3A_1313 : vector<16xi32> to vector<16xi32>
    tpu.vector_store %arg6[%swap3A_1314], %swap3A_1317 {strides = array<i32>} : memref<3072xi32, #tpu.memory_space<vmem>>, vector<16xi32>,
    %le3A_1318 = arith.constant 121 : i32
    %le3A_1319 = vector.broadcast %le3A_1318 : i32 to vector<16xi32>
    %le3A_1320 = arith.cmpi sle, %get3A_1279, %le3A_1319 : vector<16xi32>
    %jit3A_1321 = arith.constant 122 : i32
    %jit3A_1322 = arith.constant 121 : i32
    %broadcast_in_dim3A_1323 = vector.broadcast %jit3A_1321 : i32 to vector<16xi32>
    %broadcast_in_dim3A_1324 = vector.broadcast %jit3A_1322 : i32 to vector<16xi32>
    %select_n3A_1325 = arith.select %le3A_1320, %broadcast_in_dim3A_1323, %broadcast_in_dim3A_1324 : vector<16xi1>, vector<16xi32>
    %add3A_1326 = arith.addi %mul3A_1286, %select_n3A_1325 : vector<16xi32>
    %swap3A_1327 = arith.constant 1792 : index
    %swap3A_1328 = tpu.vector_load %arg6[%swap3A_1327] {strides = array<i32>} : memref<3072xi32, #tpu.memory_space<vmem>>, vector<16xi32>,
    %swap3A_1329 = vector.shape_cast %swap3A_1328 : vector<16xi32> to vector<16xi32>
    %swap3A_1330 = vector.shape_cast %add3A_1326 : vector<16xi32> to vector<16xi32>
    tpu.vector_store %arg6[%swap3A_1327], %swap3A_1330 {strides = array<i32>} : memref<3072xi32, #tpu.memory_space<vmem>>, vector<16xi32>,
    %le3A_1331 = arith.constant 753 : i32
    %le3A_1332 = vector.broadcast %le3A_1331 : i32 to vector<16xi32>
    %le3A_1333 = arith.cmpi sle, %get3A_1279, %le3A_1332 : vector<16xi32>
    %jit3A_1334 = arith.constant 754 : i32
    %jit3A_1335 = arith.constant 753 : i32
    %broadcast_in_dim3A_1336 = vector.broadcast %jit3A_1334 : i32 to vector<16xi32>
    %broadcast_in_dim3A_1337 = vector.broadcast %jit3A_1335 : i32 to vector<16xi32>
    %select_n3A_1338 = arith.select %le3A_1333, %broadcast_in_dim3A_1336, %broadcast_in_dim3A_1337 : vector<16xi1>, vector<16xi32>
    %add3A_1339 = arith.addi %mul3A_1286, %select_n3A_1338 : vector<16xi32>
    %swap3A_1340 = arith.constant 2304 : index
    %swap3A_1341 = tpu.vector_load %arg6[%swap3A_1340] {strides = array<i32>} : memref<3072xi32, #tpu.memory_space<vmem>>, vector<16xi32>,
    %swap3A_1342 = vector.shape_cast %swap3A_1341 : vector<16xi32> to vector<16xi32>
    %swap3A_1343 = vector.shape_cast %add3A_1339 : vector<16xi32> to vector<16xi32>
    tpu.vector_store %arg6[%swap3A_1340], %swap3A_1343 {strides = array<i32>} : memref<3072xi32, #tpu.memory_space<vmem>>, vector<16xi32>,
    %le3A_1344 = arith.constant 617 : i32
    %le3A_1345 = vector.broadcast %le3A_1344 : i32 to vector<16xi32>
    %le3A_1346 = arith.cmpi sle, %get3A_1279, %le3A_1345 : vector<16xi32>
    %jit3A_1347 = arith.constant 618 : i32
    %jit3A_1348 = arith.constant 617 : i32
    %broadcast_in_dim3A_1349 = vector.broadcast %jit3A_1347 : i32 to vector<16xi32>
    %broadcast_in_dim3A_1350 = vector.broadcast %jit3A_1348 : i32 to vector<16xi32>
    %select_n3A_1351 = arith.select %le3A_1346, %broadcast_in_dim3A_1349, %broadcast_in_dim3A_1350 : vector<16xi1>, vector<16xi32>
    %add3A_1352 = arith.addi %mul3A_1286, %select_n3A_1351 : vector<16xi32>
    %swap3A_1353 = arith.constant 2816 : index
    %swap3A_1354 = tpu.vector_load %arg6[%swap3A_1353] {strides = array<i32>} : memref<3072xi32, #tpu.memory_space<vmem>>, vector<16xi32>,
    %swap3A_1355 = vector.shape_cast %swap3A_1354 : vector<16xi32> to vector<16xi32>
    %swap3A_1356 = vector.shape_cast %add3A_1352 : vector<16xi32> to vector<16xi32>
    tpu.vector_store %arg6[%swap3A_1353], %swap3A_1356 {strides = array<i32>} : memref<3072xi32, #tpu.memory_space<vmem>>, vector<16xi32>,
    %get3A_1357 = arith.constant 272 : index
    %get3A_1358 = tpu.vector_load %arg5[%get3A_1357] {strides = array<i32>} : memref<512xi32, #tpu.memory_space<vmem>>, vector<16xi32>,
    %get3A_1359 = vector.shape_cast %get3A_1358 : vector<16xi32> to vector<16xi32>
    %add3A_1360 = arith.constant 272 : i32
    %add3A_1361 = arith.addi %mul3A_2, %add3A_1360 : i32
    %add3A_1362 = vector.broadcast %add3A_1361 : i32 to vector<16xi32>
    %add3A_1363 = arith.addi %add3A_1362, %iota3A : vector<16xi32>
    %mul3A_1364 = arith.constant 1000 : i32
    %mul3A_1365 = vector.broadcast %mul3A_1364 : i32 to vector<16xi32>
    %mul3A_1366 = arith.muli %add3A_1363, %mul3A_1365 : vector<16xi32>
    %add3A_1367 = arith.addi %mul3A_1366, %get3A_1359 : vector<16xi32>
    %swap3A_1368 = arith.constant 272 : index
    %swap3A_1369 = tpu.vector_load %arg6[%swap3A_1368] {strides = array<i32>} : memref<3072xi32, #tpu.memory_space<vmem>>, vector<16xi32>,
    %swap3A_1370 = vector.shape_cast %swap3A_1369 : vector<16xi32> to vector<16xi32>
    %swap3A_1371 = vector.shape_cast %add3A_1367 : vector<16xi32> to vector<16xi32>
    tpu.vector_store %arg6[%swap3A_1368], %swap3A_1371 {strides = array<i32>} : memref<3072xi32, #tpu.memory_space<vmem>>, vector<16xi32>,
    %le3A_1372 = arith.constant 955 : i32
    %le3A_1373 = vector.broadcast %le3A_1372 : i32 to vector<16xi32>
    %le3A_1374 = arith.cmpi sle, %get3A_1359, %le3A_1373 : vector<16xi32>
    %jit3A_1375 = arith.constant 956 : i32
    %jit3A_1376 = arith.constant 955 : i32
    %broadcast_in_dim3A_1377 = vector.broadcast %jit3A_1375 : i32 to vector<16xi32>
    %broadcast_in_dim3A_1378 = vector.broadcast %jit3A_1376 : i32 to vector<16xi32>
    %select_n3A_1379 = arith.select %le3A_1374, %broadcast_in_dim3A_1377, %broadcast_in_dim3A_1378 : vector<16xi1>, vector<16xi32>
    %add3A_1380 = arith.addi %mul3A_1366, %select_n3A_1379 : vector<16xi32>
    %swap3A_1381 = arith.constant 784 : index
    %swap3A_1382 = tpu.vector_load %arg6[%swap3A_1381] {strides = array<i32>} : memref<3072xi32, #tpu.memory_space<vmem>>, vector<16xi32>,
    %swap3A_1383 = vector.shape_cast %swap3A_1382 : vector<16xi32> to vector<16xi32>
    %swap3A_1384 = vector.shape_cast %add3A_1380 : vector<16xi32> to vector<16xi32>
    tpu.vector_store %arg6[%swap3A_1381], %swap3A_1384 {strides = array<i32>} : memref<3072xi32, #tpu.memory_space<vmem>>, vector<16xi32>,
    %le3A_1385 = arith.constant 914 : i32
    %le3A_1386 = vector.broadcast %le3A_1385 : i32 to vector<16xi32>
    %le3A_1387 = arith.cmpi sle, %get3A_1359, %le3A_1386 : vector<16xi32>
    %jit3A_1388 = arith.constant 915 : i32
    %jit3A_1389 = arith.constant 914 : i32
    %broadcast_in_dim3A_1390 = vector.broadcast %jit3A_1388 : i32 to vector<16xi32>
    %broadcast_in_dim3A_1391 = vector.broadcast %jit3A_1389 : i32 to vector<16xi32>
    %select_n3A_1392 = arith.select %le3A_1387, %broadcast_in_dim3A_1390, %broadcast_in_dim3A_1391 : vector<16xi1>, vector<16xi32>
    %add3A_1393 = arith.addi %mul3A_1366, %select_n3A_1392 : vector<16xi32>
    %swap3A_1394 = arith.constant 1296 : index
    %swap3A_1395 = tpu.vector_load %arg6[%swap3A_1394] {strides = array<i32>} : memref<3072xi32, #tpu.memory_space<vmem>>, vector<16xi32>,
    %swap3A_1396 = vector.shape_cast %swap3A_1395 : vector<16xi32> to vector<16xi32>
    %swap3A_1397 = vector.shape_cast %add3A_1393 : vector<16xi32> to vector<16xi32>
    tpu.vector_store %arg6[%swap3A_1394], %swap3A_1397 {strides = array<i32>} : memref<3072xi32, #tpu.memory_space<vmem>>, vector<16xi32>,
    %le3A_1398 = arith.constant 121 : i32
    %le3A_1399 = vector.broadcast %le3A_1398 : i32 to vector<16xi32>
    %le3A_1400 = arith.cmpi sle, %get3A_1359, %le3A_1399 : vector<16xi32>
    %jit3A_1401 = arith.constant 122 : i32
    %jit3A_1402 = arith.constant 121 : i32
    %broadcast_in_dim3A_1403 = vector.broadcast %jit3A_1401 : i32 to vector<16xi32>
    %broadcast_in_dim3A_1404 = vector.broadcast %jit3A_1402 : i32 to vector<16xi32>
    %select_n3A_1405 = arith.select %le3A_1400, %broadcast_in_dim3A_1403, %broadcast_in_dim3A_1404 : vector<16xi1>, vector<16xi32>
    %add3A_1406 = arith.addi %mul3A_1366, %select_n3A_1405 : vector<16xi32>
    %swap3A_1407 = arith.constant 1808 : index
    %swap3A_1408 = tpu.vector_load %arg6[%swap3A_1407] {strides = array<i32>} : memref<3072xi32, #tpu.memory_space<vmem>>, vector<16xi32>,
    %swap3A_1409 = vector.shape_cast %swap3A_1408 : vector<16xi32> to vector<16xi32>
    %swap3A_1410 = vector.shape_cast %add3A_1406 : vector<16xi32> to vector<16xi32>
    tpu.vector_store %arg6[%swap3A_1407], %swap3A_1410 {strides = array<i32>} : memref<3072xi32, #tpu.memory_space<vmem>>, vector<16xi32>,
    %le3A_1411 = arith.constant 753 : i32
    %le3A_1412 = vector.broadcast %le3A_1411 : i32 to vector<16xi32>
    %le3A_1413 = arith.cmpi sle, %get3A_1359, %le3A_1412 : vector<16xi32>
    %jit3A_1414 = arith.constant 754 : i32
    %jit3A_1415 = arith.constant 753 : i32
    %broadcast_in_dim3A_1416 = vector.broadcast %jit3A_1414 : i32 to vector<16xi32>
    %broadcast_in_dim3A_1417 = vector.broadcast %jit3A_1415 : i32 to vector<16xi32>
    %select_n3A_1418 = arith.select %le3A_1413, %broadcast_in_dim3A_1416, %broadcast_in_dim3A_1417 : vector<16xi1>, vector<16xi32>
    %add3A_1419 = arith.addi %mul3A_1366, %select_n3A_1418 : vector<16xi32>
    %swap3A_1420 = arith.constant 2320 : index
    %swap3A_1421 = tpu.vector_load %arg6[%swap3A_1420] {strides = array<i32>} : memref<3072xi32, #tpu.memory_space<vmem>>, vector<16xi32>,
    %swap3A_1422 = vector.shape_cast %swap3A_1421 : vector<16xi32> to vector<16xi32>
    %swap3A_1423 = vector.shape_cast %add3A_1419 : vector<16xi32> to vector<16xi32>
    tpu.vector_store %arg6[%swap3A_1420], %swap3A_1423 {strides = array<i32>} : memref<3072xi32, #tpu.memory_space<vmem>>, vector<16xi32>,
    %le3A_1424 = arith.constant 617 : i32
    %le3A_1425 = vector.broadcast %le3A_1424 : i32 to vector<16xi32>
    %le3A_1426 = arith.cmpi sle, %get3A_1359, %le3A_1425 : vector<16xi32>
    %jit3A_1427 = arith.constant 618 : i32
    %jit3A_1428 = arith.constant 617 : i32
    %broadcast_in_dim3A_1429 = vector.broadcast %jit3A_1427 : i32 to vector<16xi32>
    %broadcast_in_dim3A_1430 = vector.broadcast %jit3A_1428 : i32 to vector<16xi32>
    %select_n3A_1431 = arith.select %le3A_1426, %broadcast_in_dim3A_1429, %broadcast_in_dim3A_1430 : vector<16xi1>, vector<16xi32>
    %add3A_1432 = arith.addi %mul3A_1366, %select_n3A_1431 : vector<16xi32>
    %swap3A_1433 = arith.constant 2832 : index
    %swap3A_1434 = tpu.vector_load %arg6[%swap3A_1433] {strides = array<i32>} : memref<3072xi32, #tpu.memory_space<vmem>>, vector<16xi32>,
    %swap3A_1435 = vector.shape_cast %swap3A_1434 : vector<16xi32> to vector<16xi32>
    %swap3A_1436 = vector.shape_cast %add3A_1432 : vector<16xi32> to vector<16xi32>
    tpu.vector_store %arg6[%swap3A_1433], %swap3A_1436 {strides = array<i32>} : memref<3072xi32, #tpu.memory_space<vmem>>, vector<16xi32>,
    %get3A_1437 = arith.constant 288 : index
    %get3A_1438 = tpu.vector_load %arg5[%get3A_1437] {strides = array<i32>} : memref<512xi32, #tpu.memory_space<vmem>>, vector<16xi32>,
    %get3A_1439 = vector.shape_cast %get3A_1438 : vector<16xi32> to vector<16xi32>
    %add3A_1440 = arith.constant 288 : i32
    %add3A_1441 = arith.addi %mul3A_2, %add3A_1440 : i32
    %add3A_1442 = vector.broadcast %add3A_1441 : i32 to vector<16xi32>
    %add3A_1443 = arith.addi %add3A_1442, %iota3A : vector<16xi32>
    %mul3A_1444 = arith.constant 1000 : i32
    %mul3A_1445 = vector.broadcast %mul3A_1444 : i32 to vector<16xi32>
    %mul3A_1446 = arith.muli %add3A_1443, %mul3A_1445 : vector<16xi32>
    %add3A_1447 = arith.addi %mul3A_1446, %get3A_1439 : vector<16xi32>
    %swap3A_1448 = arith.constant 288 : index
    %swap3A_1449 = tpu.vector_load %arg6[%swap3A_1448] {strides = array<i32>} : memref<3072xi32, #tpu.memory_space<vmem>>, vector<16xi32>,
    %swap3A_1450 = vector.shape_cast %swap3A_1449 : vector<16xi32> to vector<16xi32>
    %swap3A_1451 = vector.shape_cast %add3A_1447 : vector<16xi32> to vector<16xi32>
    tpu.vector_store %arg6[%swap3A_1448], %swap3A_1451 {strides = array<i32>} : memref<3072xi32, #tpu.memory_space<vmem>>, vector<16xi32>,
    %le3A_1452 = arith.constant 955 : i32
    %le3A_1453 = vector.broadcast %le3A_1452 : i32 to vector<16xi32>
    %le3A_1454 = arith.cmpi sle, %get3A_1439, %le3A_1453 : vector<16xi32>
    %jit3A_1455 = arith.constant 956 : i32
    %jit3A_1456 = arith.constant 955 : i32
    %broadcast_in_dim3A_1457 = vector.broadcast %jit3A_1455 : i32 to vector<16xi32>
    %broadcast_in_dim3A_1458 = vector.broadcast %jit3A_1456 : i32 to vector<16xi32>
    %select_n3A_1459 = arith.select %le3A_1454, %broadcast_in_dim3A_1457, %broadcast_in_dim3A_1458 : vector<16xi1>, vector<16xi32>
    %add3A_1460 = arith.addi %mul3A_1446, %select_n3A_1459 : vector<16xi32>
    %swap3A_1461 = arith.constant 800 : index
    %swap3A_1462 = tpu.vector_load %arg6[%swap3A_1461] {strides = array<i32>} : memref<3072xi32, #tpu.memory_space<vmem>>, vector<16xi32>,
    %swap3A_1463 = vector.shape_cast %swap3A_1462 : vector<16xi32> to vector<16xi32>
    %swap3A_1464 = vector.shape_cast %add3A_1460 : vector<16xi32> to vector<16xi32>
    tpu.vector_store %arg6[%swap3A_1461], %swap3A_1464 {strides = array<i32>} : memref<3072xi32, #tpu.memory_space<vmem>>, vector<16xi32>,
    %le3A_1465 = arith.constant 914 : i32
    %le3A_1466 = vector.broadcast %le3A_1465 : i32 to vector<16xi32>
    %le3A_1467 = arith.cmpi sle, %get3A_1439, %le3A_1466 : vector<16xi32>
    %jit3A_1468 = arith.constant 915 : i32
    %jit3A_1469 = arith.constant 914 : i32
    %broadcast_in_dim3A_1470 = vector.broadcast %jit3A_1468 : i32 to vector<16xi32>
    %broadcast_in_dim3A_1471 = vector.broadcast %jit3A_1469 : i32 to vector<16xi32>
    %select_n3A_1472 = arith.select %le3A_1467, %broadcast_in_dim3A_1470, %broadcast_in_dim3A_1471 : vector<16xi1>, vector<16xi32>
    %add3A_1473 = arith.addi %mul3A_1446, %select_n3A_1472 : vector<16xi32>
    %swap3A_1474 = arith.constant 1312 : index
    %swap3A_1475 = tpu.vector_load %arg6[%swap3A_1474] {strides = array<i32>} : memref<3072xi32, #tpu.memory_space<vmem>>, vector<16xi32>,
    %swap3A_1476 = vector.shape_cast %swap3A_1475 : vector<16xi32> to vector<16xi32>
    %swap3A_1477 = vector.shape_cast %add3A_1473 : vector<16xi32> to vector<16xi32>
    tpu.vector_store %arg6[%swap3A_1474], %swap3A_1477 {strides = array<i32>} : memref<3072xi32, #tpu.memory_space<vmem>>, vector<16xi32>,
    %le3A_1478 = arith.constant 121 : i32
    %le3A_1479 = vector.broadcast %le3A_1478 : i32 to vector<16xi32>
    %le3A_1480 = arith.cmpi sle, %get3A_1439, %le3A_1479 : vector<16xi32>
    %jit3A_1481 = arith.constant 122 : i32
    %jit3A_1482 = arith.constant 121 : i32
    %broadcast_in_dim3A_1483 = vector.broadcast %jit3A_1481 : i32 to vector<16xi32>
    %broadcast_in_dim3A_1484 = vector.broadcast %jit3A_1482 : i32 to vector<16xi32>
    %select_n3A_1485 = arith.select %le3A_1480, %broadcast_in_dim3A_1483, %broadcast_in_dim3A_1484 : vector<16xi1>, vector<16xi32>
    %add3A_1486 = arith.addi %mul3A_1446, %select_n3A_1485 : vector<16xi32>
    %swap3A_1487 = arith.constant 1824 : index
    %swap3A_1488 = tpu.vector_load %arg6[%swap3A_1487] {strides = array<i32>} : memref<3072xi32, #tpu.memory_space<vmem>>, vector<16xi32>,
    %swap3A_1489 = vector.shape_cast %swap3A_1488 : vector<16xi32> to vector<16xi32>
    %swap3A_1490 = vector.shape_cast %add3A_1486 : vector<16xi32> to vector<16xi32>
    tpu.vector_store %arg6[%swap3A_1487], %swap3A_1490 {strides = array<i32>} : memref<3072xi32, #tpu.memory_space<vmem>>, vector<16xi32>,
    %le3A_1491 = arith.constant 753 : i32
    %le3A_1492 = vector.broadcast %le3A_1491 : i32 to vector<16xi32>
    %le3A_1493 = arith.cmpi sle, %get3A_1439, %le3A_1492 : vector<16xi32>
    %jit3A_1494 = arith.constant 754 : i32
    %jit3A_1495 = arith.constant 753 : i32
    %broadcast_in_dim3A_1496 = vector.broadcast %jit3A_1494 : i32 to vector<16xi32>
    %broadcast_in_dim3A_1497 = vector.broadcast %jit3A_1495 : i32 to vector<16xi32>
    %select_n3A_1498 = arith.select %le3A_1493, %broadcast_in_dim3A_1496, %broadcast_in_dim3A_1497 : vector<16xi1>, vector<16xi32>
    %add3A_1499 = arith.addi %mul3A_1446, %select_n3A_1498 : vector<16xi32>
    %swap3A_1500 = arith.constant 2336 : index
    %swap3A_1501 = tpu.vector_load %arg6[%swap3A_1500] {strides = array<i32>} : memref<3072xi32, #tpu.memory_space<vmem>>, vector<16xi32>,
    %swap3A_1502 = vector.shape_cast %swap3A_1501 : vector<16xi32> to vector<16xi32>
    %swap3A_1503 = vector.shape_cast %add3A_1499 : vector<16xi32> to vector<16xi32>
    tpu.vector_store %arg6[%swap3A_1500], %swap3A_1503 {strides = array<i32>} : memref<3072xi32, #tpu.memory_space<vmem>>, vector<16xi32>,
    %le3A_1504 = arith.constant 617 : i32
    %le3A_1505 = vector.broadcast %le3A_1504 : i32 to vector<16xi32>
    %le3A_1506 = arith.cmpi sle, %get3A_1439, %le3A_1505 : vector<16xi32>
    %jit3A_1507 = arith.constant 618 : i32
    %jit3A_1508 = arith.constant 617 : i32
    %broadcast_in_dim3A_1509 = vector.broadcast %jit3A_1507 : i32 to vector<16xi32>
    %broadcast_in_dim3A_1510 = vector.broadcast %jit3A_1508 : i32 to vector<16xi32>
    %select_n3A_1511 = arith.select %le3A_1506, %broadcast_in_dim3A_1509, %broadcast_in_dim3A_1510 : vector<16xi1>, vector<16xi32>
    %add3A_1512 = arith.addi %mul3A_1446, %select_n3A_1511 : vector<16xi32>
    %swap3A_1513 = arith.constant 2848 : index
    %swap3A_1514 = tpu.vector_load %arg6[%swap3A_1513] {strides = array<i32>} : memref<3072xi32, #tpu.memory_space<vmem>>, vector<16xi32>,
    %swap3A_1515 = vector.shape_cast %swap3A_1514 : vector<16xi32> to vector<16xi32>
    %swap3A_1516 = vector.shape_cast %add3A_1512 : vector<16xi32> to vector<16xi32>
    tpu.vector_store %arg6[%swap3A_1513], %swap3A_1516 {strides = array<i32>} : memref<3072xi32, #tpu.memory_space<vmem>>, vector<16xi32>,
    %get3A_1517 = arith.constant 304 : index
    %get3A_1518 = tpu.vector_load %arg5[%get3A_1517] {strides = array<i32>} : memref<512xi32, #tpu.memory_space<vmem>>, vector<16xi32>,
    %get3A_1519 = vector.shape_cast %get3A_1518 : vector<16xi32> to vector<16xi32>
    %add3A_1520 = arith.constant 304 : i32
    %add3A_1521 = arith.addi %mul3A_2, %add3A_1520 : i32
    %add3A_1522 = vector.broadcast %add3A_1521 : i32 to vector<16xi32>
    %add3A_1523 = arith.addi %add3A_1522, %iota3A : vector<16xi32>
    %mul3A_1524 = arith.constant 1000 : i32
    %mul3A_1525 = vector.broadcast %mul3A_1524 : i32 to vector<16xi32>
    %mul3A_1526 = arith.muli %add3A_1523, %mul3A_1525 : vector<16xi32>
    %add3A_1527 = arith.addi %mul3A_1526, %get3A_1519 : vector<16xi32>
    %swap3A_1528 = arith.constant 304 : index
    %swap3A_1529 = tpu.vector_load %arg6[%swap3A_1528] {strides = array<i32>} : memref<3072xi32, #tpu.memory_space<vmem>>, vector<16xi32>,
    %swap3A_1530 = vector.shape_cast %swap3A_1529 : vector<16xi32> to vector<16xi32>
    %swap3A_1531 = vector.shape_cast %add3A_1527 : vector<16xi32> to vector<16xi32>
    tpu.vector_store %arg6[%swap3A_1528], %swap3A_1531 {strides = array<i32>} : memref<3072xi32, #tpu.memory_space<vmem>>, vector<16xi32>,
    %le3A_1532 = arith.constant 955 : i32
    %le3A_1533 = vector.broadcast %le3A_1532 : i32 to vector<16xi32>
    %le3A_1534 = arith.cmpi sle, %get3A_1519, %le3A_1533 : vector<16xi32>
    %jit3A_1535 = arith.constant 956 : i32
    %jit3A_1536 = arith.constant 955 : i32
    %broadcast_in_dim3A_1537 = vector.broadcast %jit3A_1535 : i32 to vector<16xi32>
    %broadcast_in_dim3A_1538 = vector.broadcast %jit3A_1536 : i32 to vector<16xi32>
    %select_n3A_1539 = arith.select %le3A_1534, %broadcast_in_dim3A_1537, %broadcast_in_dim3A_1538 : vector<16xi1>, vector<16xi32>
    %add3A_1540 = arith.addi %mul3A_1526, %select_n3A_1539 : vector<16xi32>
    %swap3A_1541 = arith.constant 816 : index
    %swap3A_1542 = tpu.vector_load %arg6[%swap3A_1541] {strides = array<i32>} : memref<3072xi32, #tpu.memory_space<vmem>>, vector<16xi32>,
    %swap3A_1543 = vector.shape_cast %swap3A_1542 : vector<16xi32> to vector<16xi32>
    %swap3A_1544 = vector.shape_cast %add3A_1540 : vector<16xi32> to vector<16xi32>
    tpu.vector_store %arg6[%swap3A_1541], %swap3A_1544 {strides = array<i32>} : memref<3072xi32, #tpu.memory_space<vmem>>, vector<16xi32>,
    %le3A_1545 = arith.constant 914 : i32
    %le3A_1546 = vector.broadcast %le3A_1545 : i32 to vector<16xi32>
    %le3A_1547 = arith.cmpi sle, %get3A_1519, %le3A_1546 : vector<16xi32>
    %jit3A_1548 = arith.constant 915 : i32
    %jit3A_1549 = arith.constant 914 : i32
    %broadcast_in_dim3A_1550 = vector.broadcast %jit3A_1548 : i32 to vector<16xi32>
    %broadcast_in_dim3A_1551 = vector.broadcast %jit3A_1549 : i32 to vector<16xi32>
    %select_n3A_1552 = arith.select %le3A_1547, %broadcast_in_dim3A_1550, %broadcast_in_dim3A_1551 : vector<16xi1>, vector<16xi32>
    %add3A_1553 = arith.addi %mul3A_1526, %select_n3A_1552 : vector<16xi32>
    %swap3A_1554 = arith.constant 1328 : index
    %swap3A_1555 = tpu.vector_load %arg6[%swap3A_1554] {strides = array<i32>} : memref<3072xi32, #tpu.memory_space<vmem>>, vector<16xi32>,
    %swap3A_1556 = vector.shape_cast %swap3A_1555 : vector<16xi32> to vector<16xi32>
    %swap3A_1557 = vector.shape_cast %add3A_1553 : vector<16xi32> to vector<16xi32>
    tpu.vector_store %arg6[%swap3A_1554], %swap3A_1557 {strides = array<i32>} : memref<3072xi32, #tpu.memory_space<vmem>>, vector<16xi32>,
    %le3A_1558 = arith.constant 121 : i32
    %le3A_1559 = vector.broadcast %le3A_1558 : i32 to vector<16xi32>
    %le3A_1560 = arith.cmpi sle, %get3A_1519, %le3A_1559 : vector<16xi32>
    %jit3A_1561 = arith.constant 122 : i32
    %jit3A_1562 = arith.constant 121 : i32
    %broadcast_in_dim3A_1563 = vector.broadcast %jit3A_1561 : i32 to vector<16xi32>
    %broadcast_in_dim3A_1564 = vector.broadcast %jit3A_1562 : i32 to vector<16xi32>
    %select_n3A_1565 = arith.select %le3A_1560, %broadcast_in_dim3A_1563, %broadcast_in_dim3A_1564 : vector<16xi1>, vector<16xi32>
    %add3A_1566 = arith.addi %mul3A_1526, %select_n3A_1565 : vector<16xi32>
    %swap3A_1567 = arith.constant 1840 : index
    %swap3A_1568 = tpu.vector_load %arg6[%swap3A_1567] {strides = array<i32>} : memref<3072xi32, #tpu.memory_space<vmem>>, vector<16xi32>,
    %swap3A_1569 = vector.shape_cast %swap3A_1568 : vector<16xi32> to vector<16xi32>
    %swap3A_1570 = vector.shape_cast %add3A_1566 : vector<16xi32> to vector<16xi32>
    tpu.vector_store %arg6[%swap3A_1567], %swap3A_1570 {strides = array<i32>} : memref<3072xi32, #tpu.memory_space<vmem>>, vector<16xi32>,
    %le3A_1571 = arith.constant 753 : i32
    %le3A_1572 = vector.broadcast %le3A_1571 : i32 to vector<16xi32>
    %le3A_1573 = arith.cmpi sle, %get3A_1519, %le3A_1572 : vector<16xi32>
    %jit3A_1574 = arith.constant 754 : i32
    %jit3A_1575 = arith.constant 753 : i32
    %broadcast_in_dim3A_1576 = vector.broadcast %jit3A_1574 : i32 to vector<16xi32>
    %broadcast_in_dim3A_1577 = vector.broadcast %jit3A_1575 : i32 to vector<16xi32>
    %select_n3A_1578 = arith.select %le3A_1573, %broadcast_in_dim3A_1576, %broadcast_in_dim3A_1577 : vector<16xi1>, vector<16xi32>
    %add3A_1579 = arith.addi %mul3A_1526, %select_n3A_1578 : vector<16xi32>
    %swap3A_1580 = arith.constant 2352 : index
    %swap3A_1581 = tpu.vector_load %arg6[%swap3A_1580] {strides = array<i32>} : memref<3072xi32, #tpu.memory_space<vmem>>, vector<16xi32>,
    %swap3A_1582 = vector.shape_cast %swap3A_1581 : vector<16xi32> to vector<16xi32>
    %swap3A_1583 = vector.shape_cast %add3A_1579 : vector<16xi32> to vector<16xi32>
    tpu.vector_store %arg6[%swap3A_1580], %swap3A_1583 {strides = array<i32>} : memref<3072xi32, #tpu.memory_space<vmem>>, vector<16xi32>,
    %le3A_1584 = arith.constant 617 : i32
    %le3A_1585 = vector.broadcast %le3A_1584 : i32 to vector<16xi32>
    %le3A_1586 = arith.cmpi sle, %get3A_1519, %le3A_1585 : vector<16xi32>
    %jit3A_1587 = arith.constant 618 : i32
    %jit3A_1588 = arith.constant 617 : i32
    %broadcast_in_dim3A_1589 = vector.broadcast %jit3A_1587 : i32 to vector<16xi32>
    %broadcast_in_dim3A_1590 = vector.broadcast %jit3A_1588 : i32 to vector<16xi32>
    %select_n3A_1591 = arith.select %le3A_1586, %broadcast_in_dim3A_1589, %broadcast_in_dim3A_1590 : vector<16xi1>, vector<16xi32>
    %add3A_1592 = arith.addi %mul3A_1526, %select_n3A_1591 : vector<16xi32>
    %swap3A_1593 = arith.constant 2864 : index
    %swap3A_1594 = tpu.vector_load %arg6[%swap3A_1593] {strides = array<i32>} : memref<3072xi32, #tpu.memory_space<vmem>>, vector<16xi32>,
    %swap3A_1595 = vector.shape_cast %swap3A_1594 : vector<16xi32> to vector<16xi32>
    %swap3A_1596 = vector.shape_cast %add3A_1592 : vector<16xi32> to vector<16xi32>
    tpu.vector_store %arg6[%swap3A_1593], %swap3A_1596 {strides = array<i32>} : memref<3072xi32, #tpu.memory_space<vmem>>, vector<16xi32>,
    %get3A_1597 = arith.constant 320 : index
    %get3A_1598 = tpu.vector_load %arg5[%get3A_1597] {strides = array<i32>} : memref<512xi32, #tpu.memory_space<vmem>>, vector<16xi32>,
    %get3A_1599 = vector.shape_cast %get3A_1598 : vector<16xi32> to vector<16xi32>
    %add3A_1600 = arith.constant 320 : i32
    %add3A_1601 = arith.addi %mul3A_2, %add3A_1600 : i32
    %add3A_1602 = vector.broadcast %add3A_1601 : i32 to vector<16xi32>
    %add3A_1603 = arith.addi %add3A_1602, %iota3A : vector<16xi32>
    %mul3A_1604 = arith.constant 1000 : i32
    %mul3A_1605 = vector.broadcast %mul3A_1604 : i32 to vector<16xi32>
    %mul3A_1606 = arith.muli %add3A_1603, %mul3A_1605 : vector<16xi32>
    %add3A_1607 = arith.addi %mul3A_1606, %get3A_1599 : vector<16xi32>
    %swap3A_1608 = arith.constant 320 : index
    %swap3A_1609 = tpu.vector_load %arg6[%swap3A_1608] {strides = array<i32>} : memref<3072xi32, #tpu.memory_space<vmem>>, vector<16xi32>,
    %swap3A_1610 = vector.shape_cast %swap3A_1609 : vector<16xi32> to vector<16xi32>
    %swap3A_1611 = vector.shape_cast %add3A_1607 : vector<16xi32> to vector<16xi32>
    tpu.vector_store %arg6[%swap3A_1608], %swap3A_1611 {strides = array<i32>} : memref<3072xi32, #tpu.memory_space<vmem>>, vector<16xi32>,
    %le3A_1612 = arith.constant 955 : i32
    %le3A_1613 = vector.broadcast %le3A_1612 : i32 to vector<16xi32>
    %le3A_1614 = arith.cmpi sle, %get3A_1599, %le3A_1613 : vector<16xi32>
    %jit3A_1615 = arith.constant 956 : i32
    %jit3A_1616 = arith.constant 955 : i32
    %broadcast_in_dim3A_1617 = vector.broadcast %jit3A_1615 : i32 to vector<16xi32>
    %broadcast_in_dim3A_1618 = vector.broadcast %jit3A_1616 : i32 to vector<16xi32>
    %select_n3A_1619 = arith.select %le3A_1614, %broadcast_in_dim3A_1617, %broadcast_in_dim3A_1618 : vector<16xi1>, vector<16xi32>
    %add3A_1620 = arith.addi %mul3A_1606, %select_n3A_1619 : vector<16xi32>
    %swap3A_1621 = arith.constant 832 : index
    %swap3A_1622 = tpu.vector_load %arg6[%swap3A_1621] {strides = array<i32>} : memref<3072xi32, #tpu.memory_space<vmem>>, vector<16xi32>,
    %swap3A_1623 = vector.shape_cast %swap3A_1622 : vector<16xi32> to vector<16xi32>
    %swap3A_1624 = vector.shape_cast %add3A_1620 : vector<16xi32> to vector<16xi32>
    tpu.vector_store %arg6[%swap3A_1621], %swap3A_1624 {strides = array<i32>} : memref<3072xi32, #tpu.memory_space<vmem>>, vector<16xi32>,
    %le3A_1625 = arith.constant 914 : i32
    %le3A_1626 = vector.broadcast %le3A_1625 : i32 to vector<16xi32>
    %le3A_1627 = arith.cmpi sle, %get3A_1599, %le3A_1626 : vector<16xi32>
    %jit3A_1628 = arith.constant 915 : i32
    %jit3A_1629 = arith.constant 914 : i32
    %broadcast_in_dim3A_1630 = vector.broadcast %jit3A_1628 : i32 to vector<16xi32>
    %broadcast_in_dim3A_1631 = vector.broadcast %jit3A_1629 : i32 to vector<16xi32>
    %select_n3A_1632 = arith.select %le3A_1627, %broadcast_in_dim3A_1630, %broadcast_in_dim3A_1631 : vector<16xi1>, vector<16xi32>
    %add3A_1633 = arith.addi %mul3A_1606, %select_n3A_1632 : vector<16xi32>
    %swap3A_1634 = arith.constant 1344 : index
    %swap3A_1635 = tpu.vector_load %arg6[%swap3A_1634] {strides = array<i32>} : memref<3072xi32, #tpu.memory_space<vmem>>, vector<16xi32>,
    %swap3A_1636 = vector.shape_cast %swap3A_1635 : vector<16xi32> to vector<16xi32>
    %swap3A_1637 = vector.shape_cast %add3A_1633 : vector<16xi32> to vector<16xi32>
    tpu.vector_store %arg6[%swap3A_1634], %swap3A_1637 {strides = array<i32>} : memref<3072xi32, #tpu.memory_space<vmem>>, vector<16xi32>,
    %le3A_1638 = arith.constant 121 : i32
    %le3A_1639 = vector.broadcast %le3A_1638 : i32 to vector<16xi32>
    %le3A_1640 = arith.cmpi sle, %get3A_1599, %le3A_1639 : vector<16xi32>
    %jit3A_1641 = arith.constant 122 : i32
    %jit3A_1642 = arith.constant 121 : i32
    %broadcast_in_dim3A_1643 = vector.broadcast %jit3A_1641 : i32 to vector<16xi32>
    %broadcast_in_dim3A_1644 = vector.broadcast %jit3A_1642 : i32 to vector<16xi32>
    %select_n3A_1645 = arith.select %le3A_1640, %broadcast_in_dim3A_1643, %broadcast_in_dim3A_1644 : vector<16xi1>, vector<16xi32>
    %add3A_1646 = arith.addi %mul3A_1606, %select_n3A_1645 : vector<16xi32>
    %swap3A_1647 = arith.constant 1856 : index
    %swap3A_1648 = tpu.vector_load %arg6[%swap3A_1647] {strides = array<i32>} : memref<3072xi32, #tpu.memory_space<vmem>>, vector<16xi32>,
    %swap3A_1649 = vector.shape_cast %swap3A_1648 : vector<16xi32> to vector<16xi32>
    %swap3A_1650 = vector.shape_cast %add3A_1646 : vector<16xi32> to vector<16xi32>
    tpu.vector_store %arg6[%swap3A_1647], %swap3A_1650 {strides = array<i32>} : memref<3072xi32, #tpu.memory_space<vmem>>, vector<16xi32>,
    %le3A_1651 = arith.constant 753 : i32
    %le3A_1652 = vector.broadcast %le3A_1651 : i32 to vector<16xi32>
    %le3A_1653 = arith.cmpi sle, %get3A_1599, %le3A_1652 : vector<16xi32>
    %jit3A_1654 = arith.constant 754 : i32
    %jit3A_1655 = arith.constant 753 : i32
    %broadcast_in_dim3A_1656 = vector.broadcast %jit3A_1654 : i32 to vector<16xi32>
    %broadcast_in_dim3A_1657 = vector.broadcast %jit3A_1655 : i32 to vector<16xi32>
    %select_n3A_1658 = arith.select %le3A_1653, %broadcast_in_dim3A_1656, %broadcast_in_dim3A_1657 : vector<16xi1>, vector<16xi32>
    %add3A_1659 = arith.addi %mul3A_1606, %select_n3A_1658 : vector<16xi32>
    %swap3A_1660 = arith.constant 2368 : index
    %swap3A_1661 = tpu.vector_load %arg6[%swap3A_1660] {strides = array<i32>} : memref<3072xi32, #tpu.memory_space<vmem>>, vector<16xi32>,
    %swap3A_1662 = vector.shape_cast %swap3A_1661 : vector<16xi32> to vector<16xi32>
    %swap3A_1663 = vector.shape_cast %add3A_1659 : vector<16xi32> to vector<16xi32>
    tpu.vector_store %arg6[%swap3A_1660], %swap3A_1663 {strides = array<i32>} : memref<3072xi32, #tpu.memory_space<vmem>>, vector<16xi32>,
    %le3A_1664 = arith.constant 617 : i32
    %le3A_1665 = vector.broadcast %le3A_1664 : i32 to vector<16xi32>
    %le3A_1666 = arith.cmpi sle, %get3A_1599, %le3A_1665 : vector<16xi32>
    %jit3A_1667 = arith.constant 618 : i32
    %jit3A_1668 = arith.constant 617 : i32
    %broadcast_in_dim3A_1669 = vector.broadcast %jit3A_1667 : i32 to vector<16xi32>
    %broadcast_in_dim3A_1670 = vector.broadcast %jit3A_1668 : i32 to vector<16xi32>
    %select_n3A_1671 = arith.select %le3A_1666, %broadcast_in_dim3A_1669, %broadcast_in_dim3A_1670 : vector<16xi1>, vector<16xi32>
    %add3A_1672 = arith.addi %mul3A_1606, %select_n3A_1671 : vector<16xi32>
    %swap3A_1673 = arith.constant 2880 : index
    %swap3A_1674 = tpu.vector_load %arg6[%swap3A_1673] {strides = array<i32>} : memref<3072xi32, #tpu.memory_space<vmem>>, vector<16xi32>,
    %swap3A_1675 = vector.shape_cast %swap3A_1674 : vector<16xi32> to vector<16xi32>
    %swap3A_1676 = vector.shape_cast %add3A_1672 : vector<16xi32> to vector<16xi32>
    tpu.vector_store %arg6[%swap3A_1673], %swap3A_1676 {strides = array<i32>} : memref<3072xi32, #tpu.memory_space<vmem>>, vector<16xi32>,
    %get3A_1677 = arith.constant 336 : index
    %get3A_1678 = tpu.vector_load %arg5[%get3A_1677] {strides = array<i32>} : memref<512xi32, #tpu.memory_space<vmem>>, vector<16xi32>,
    %get3A_1679 = vector.shape_cast %get3A_1678 : vector<16xi32> to vector<16xi32>
    %add3A_1680 = arith.constant 336 : i32
    %add3A_1681 = arith.addi %mul3A_2, %add3A_1680 : i32
    %add3A_1682 = vector.broadcast %add3A_1681 : i32 to vector<16xi32>
    %add3A_1683 = arith.addi %add3A_1682, %iota3A : vector<16xi32>
    %mul3A_1684 = arith.constant 1000 : i32
    %mul3A_1685 = vector.broadcast %mul3A_1684 : i32 to vector<16xi32>
    %mul3A_1686 = arith.muli %add3A_1683, %mul3A_1685 : vector<16xi32>
    %add3A_1687 = arith.addi %mul3A_1686, %get3A_1679 : vector<16xi32>
    %swap3A_1688 = arith.constant 336 : index
    %swap3A_1689 = tpu.vector_load %arg6[%swap3A_1688] {strides = array<i32>} : memref<3072xi32, #tpu.memory_space<vmem>>, vector<16xi32>,
    %swap3A_1690 = vector.shape_cast %swap3A_1689 : vector<16xi32> to vector<16xi32>
    %swap3A_1691 = vector.shape_cast %add3A_1687 : vector<16xi32> to vector<16xi32>
    tpu.vector_store %arg6[%swap3A_1688], %swap3A_1691 {strides = array<i32>} : memref<3072xi32, #tpu.memory_space<vmem>>, vector<16xi32>,
    %le3A_1692 = arith.constant 955 : i32
    %le3A_1693 = vector.broadcast %le3A_1692 : i32 to vector<16xi32>
    %le3A_1694 = arith.cmpi sle, %get3A_1679, %le3A_1693 : vector<16xi32>
    %jit3A_1695 = arith.constant 956 : i32
    %jit3A_1696 = arith.constant 955 : i32
    %broadcast_in_dim3A_1697 = vector.broadcast %jit3A_1695 : i32 to vector<16xi32>
    %broadcast_in_dim3A_1698 = vector.broadcast %jit3A_1696 : i32 to vector<16xi32>
    %select_n3A_1699 = arith.select %le3A_1694, %broadcast_in_dim3A_1697, %broadcast_in_dim3A_1698 : vector<16xi1>, vector<16xi32>
    %add3A_1700 = arith.addi %mul3A_1686, %select_n3A_1699 : vector<16xi32>
    %swap3A_1701 = arith.constant 848 : index
    %swap3A_1702 = tpu.vector_load %arg6[%swap3A_1701] {strides = array<i32>} : memref<3072xi32, #tpu.memory_space<vmem>>, vector<16xi32>,
    %swap3A_1703 = vector.shape_cast %swap3A_1702 : vector<16xi32> to vector<16xi32>
    %swap3A_1704 = vector.shape_cast %add3A_1700 : vector<16xi32> to vector<16xi32>
    tpu.vector_store %arg6[%swap3A_1701], %swap3A_1704 {strides = array<i32>} : memref<3072xi32, #tpu.memory_space<vmem>>, vector<16xi32>,
    %le3A_1705 = arith.constant 914 : i32
    %le3A_1706 = vector.broadcast %le3A_1705 : i32 to vector<16xi32>
    %le3A_1707 = arith.cmpi sle, %get3A_1679, %le3A_1706 : vector<16xi32>
    %jit3A_1708 = arith.constant 915 : i32
    %jit3A_1709 = arith.constant 914 : i32
    %broadcast_in_dim3A_1710 = vector.broadcast %jit3A_1708 : i32 to vector<16xi32>
    %broadcast_in_dim3A_1711 = vector.broadcast %jit3A_1709 : i32 to vector<16xi32>
    %select_n3A_1712 = arith.select %le3A_1707, %broadcast_in_dim3A_1710, %broadcast_in_dim3A_1711 : vector<16xi1>, vector<16xi32>
    %add3A_1713 = arith.addi %mul3A_1686, %select_n3A_1712 : vector<16xi32>
    %swap3A_1714 = arith.constant 1360 : index
    %swap3A_1715 = tpu.vector_load %arg6[%swap3A_1714] {strides = array<i32>} : memref<3072xi32, #tpu.memory_space<vmem>>, vector<16xi32>,
    %swap3A_1716 = vector.shape_cast %swap3A_1715 : vector<16xi32> to vector<16xi32>
    %swap3A_1717 = vector.shape_cast %add3A_1713 : vector<16xi32> to vector<16xi32>
    tpu.vector_store %arg6[%swap3A_1714], %swap3A_1717 {strides = array<i32>} : memref<3072xi32, #tpu.memory_space<vmem>>, vector<16xi32>,
    %le3A_1718 = arith.constant 121 : i32
    %le3A_1719 = vector.broadcast %le3A_1718 : i32 to vector<16xi32>
    %le3A_1720 = arith.cmpi sle, %get3A_1679, %le3A_1719 : vector<16xi32>
    %jit3A_1721 = arith.constant 122 : i32
    %jit3A_1722 = arith.constant 121 : i32
    %broadcast_in_dim3A_1723 = vector.broadcast %jit3A_1721 : i32 to vector<16xi32>
    %broadcast_in_dim3A_1724 = vector.broadcast %jit3A_1722 : i32 to vector<16xi32>
    %select_n3A_1725 = arith.select %le3A_1720, %broadcast_in_dim3A_1723, %broadcast_in_dim3A_1724 : vector<16xi1>, vector<16xi32>
    %add3A_1726 = arith.addi %mul3A_1686, %select_n3A_1725 : vector<16xi32>
    %swap3A_1727 = arith.constant 1872 : index
    %swap3A_1728 = tpu.vector_load %arg6[%swap3A_1727] {strides = array<i32>} : memref<3072xi32, #tpu.memory_space<vmem>>, vector<16xi32>,
    %swap3A_1729 = vector.shape_cast %swap3A_1728 : vector<16xi32> to vector<16xi32>
    %swap3A_1730 = vector.shape_cast %add3A_1726 : vector<16xi32> to vector<16xi32>
    tpu.vector_store %arg6[%swap3A_1727], %swap3A_1730 {strides = array<i32>} : memref<3072xi32, #tpu.memory_space<vmem>>, vector<16xi32>,
    %le3A_1731 = arith.constant 753 : i32
    %le3A_1732 = vector.broadcast %le3A_1731 : i32 to vector<16xi32>
    %le3A_1733 = arith.cmpi sle, %get3A_1679, %le3A_1732 : vector<16xi32>
    %jit3A_1734 = arith.constant 754 : i32
    %jit3A_1735 = arith.constant 753 : i32
    %broadcast_in_dim3A_1736 = vector.broadcast %jit3A_1734 : i32 to vector<16xi32>
    %broadcast_in_dim3A_1737 = vector.broadcast %jit3A_1735 : i32 to vector<16xi32>
    %select_n3A_1738 = arith.select %le3A_1733, %broadcast_in_dim3A_1736, %broadcast_in_dim3A_1737 : vector<16xi1>, vector<16xi32>
    %add3A_1739 = arith.addi %mul3A_1686, %select_n3A_1738 : vector<16xi32>
    %swap3A_1740 = arith.constant 2384 : index
    %swap3A_1741 = tpu.vector_load %arg6[%swap3A_1740] {strides = array<i32>} : memref<3072xi32, #tpu.memory_space<vmem>>, vector<16xi32>,
    %swap3A_1742 = vector.shape_cast %swap3A_1741 : vector<16xi32> to vector<16xi32>
    %swap3A_1743 = vector.shape_cast %add3A_1739 : vector<16xi32> to vector<16xi32>
    tpu.vector_store %arg6[%swap3A_1740], %swap3A_1743 {strides = array<i32>} : memref<3072xi32, #tpu.memory_space<vmem>>, vector<16xi32>,
    %le3A_1744 = arith.constant 617 : i32
    %le3A_1745 = vector.broadcast %le3A_1744 : i32 to vector<16xi32>
    %le3A_1746 = arith.cmpi sle, %get3A_1679, %le3A_1745 : vector<16xi32>
    %jit3A_1747 = arith.constant 618 : i32
    %jit3A_1748 = arith.constant 617 : i32
    %broadcast_in_dim3A_1749 = vector.broadcast %jit3A_1747 : i32 to vector<16xi32>
    %broadcast_in_dim3A_1750 = vector.broadcast %jit3A_1748 : i32 to vector<16xi32>
    %select_n3A_1751 = arith.select %le3A_1746, %broadcast_in_dim3A_1749, %broadcast_in_dim3A_1750 : vector<16xi1>, vector<16xi32>
    %add3A_1752 = arith.addi %mul3A_1686, %select_n3A_1751 : vector<16xi32>
    %swap3A_1753 = arith.constant 2896 : index
    %swap3A_1754 = tpu.vector_load %arg6[%swap3A_1753] {strides = array<i32>} : memref<3072xi32, #tpu.memory_space<vmem>>, vector<16xi32>,
    %swap3A_1755 = vector.shape_cast %swap3A_1754 : vector<16xi32> to vector<16xi32>
    %swap3A_1756 = vector.shape_cast %add3A_1752 : vector<16xi32> to vector<16xi32>
    tpu.vector_store %arg6[%swap3A_1753], %swap3A_1756 {strides = array<i32>} : memref<3072xi32, #tpu.memory_space<vmem>>, vector<16xi32>,
    %get3A_1757 = arith.constant 352 : index
    %get3A_1758 = tpu.vector_load %arg5[%get3A_1757] {strides = array<i32>} : memref<512xi32, #tpu.memory_space<vmem>>, vector<16xi32>,
    %get3A_1759 = vector.shape_cast %get3A_1758 : vector<16xi32> to vector<16xi32>
    %add3A_1760 = arith.constant 352 : i32
    %add3A_1761 = arith.addi %mul3A_2, %add3A_1760 : i32
    %add3A_1762 = vector.broadcast %add3A_1761 : i32 to vector<16xi32>
    %add3A_1763 = arith.addi %add3A_1762, %iota3A : vector<16xi32>
    %mul3A_1764 = arith.constant 1000 : i32
    %mul3A_1765 = vector.broadcast %mul3A_1764 : i32 to vector<16xi32>
    %mul3A_1766 = arith.muli %add3A_1763, %mul3A_1765 : vector<16xi32>
    %add3A_1767 = arith.addi %mul3A_1766, %get3A_1759 : vector<16xi32>
    %swap3A_1768 = arith.constant 352 : index
    %swap3A_1769 = tpu.vector_load %arg6[%swap3A_1768] {strides = array<i32>} : memref<3072xi32, #tpu.memory_space<vmem>>, vector<16xi32>,
    %swap3A_1770 = vector.shape_cast %swap3A_1769 : vector<16xi32> to vector<16xi32>
    %swap3A_1771 = vector.shape_cast %add3A_1767 : vector<16xi32> to vector<16xi32>
    tpu.vector_store %arg6[%swap3A_1768], %swap3A_1771 {strides = array<i32>} : memref<3072xi32, #tpu.memory_space<vmem>>, vector<16xi32>,
    %le3A_1772 = arith.constant 955 : i32
    %le3A_1773 = vector.broadcast %le3A_1772 : i32 to vector<16xi32>
    %le3A_1774 = arith.cmpi sle, %get3A_1759, %le3A_1773 : vector<16xi32>
    %jit3A_1775 = arith.constant 956 : i32
    %jit3A_1776 = arith.constant 955 : i32
    %broadcast_in_dim3A_1777 = vector.broadcast %jit3A_1775 : i32 to vector<16xi32>
    %broadcast_in_dim3A_1778 = vector.broadcast %jit3A_1776 : i32 to vector<16xi32>
    %select_n3A_1779 = arith.select %le3A_1774, %broadcast_in_dim3A_1777, %broadcast_in_dim3A_1778 : vector<16xi1>, vector<16xi32>
    %add3A_1780 = arith.addi %mul3A_1766, %select_n3A_1779 : vector<16xi32>
    %swap3A_1781 = arith.constant 864 : index
    %swap3A_1782 = tpu.vector_load %arg6[%swap3A_1781] {strides = array<i32>} : memref<3072xi32, #tpu.memory_space<vmem>>, vector<16xi32>,
    %swap3A_1783 = vector.shape_cast %swap3A_1782 : vector<16xi32> to vector<16xi32>
    %swap3A_1784 = vector.shape_cast %add3A_1780 : vector<16xi32> to vector<16xi32>
    tpu.vector_store %arg6[%swap3A_1781], %swap3A_1784 {strides = array<i32>} : memref<3072xi32, #tpu.memory_space<vmem>>, vector<16xi32>,
    %le3A_1785 = arith.constant 914 : i32
    %le3A_1786 = vector.broadcast %le3A_1785 : i32 to vector<16xi32>
    %le3A_1787 = arith.cmpi sle, %get3A_1759, %le3A_1786 : vector<16xi32>
    %jit3A_1788 = arith.constant 915 : i32
    %jit3A_1789 = arith.constant 914 : i32
    %broadcast_in_dim3A_1790 = vector.broadcast %jit3A_1788 : i32 to vector<16xi32>
    %broadcast_in_dim3A_1791 = vector.broadcast %jit3A_1789 : i32 to vector<16xi32>
    %select_n3A_1792 = arith.select %le3A_1787, %broadcast_in_dim3A_1790, %broadcast_in_dim3A_1791 : vector<16xi1>, vector<16xi32>
    %add3A_1793 = arith.addi %mul3A_1766, %select_n3A_1792 : vector<16xi32>
    %swap3A_1794 = arith.constant 1376 : index
    %swap3A_1795 = tpu.vector_load %arg6[%swap3A_1794] {strides = array<i32>} : memref<3072xi32, #tpu.memory_space<vmem>>, vector<16xi32>,
    %swap3A_1796 = vector.shape_cast %swap3A_1795 : vector<16xi32> to vector<16xi32>
    %swap3A_1797 = vector.shape_cast %add3A_1793 : vector<16xi32> to vector<16xi32>
    tpu.vector_store %arg6[%swap3A_1794], %swap3A_1797 {strides = array<i32>} : memref<3072xi32, #tpu.memory_space<vmem>>, vector<16xi32>,
    %le3A_1798 = arith.constant 121 : i32
    %le3A_1799 = vector.broadcast %le3A_1798 : i32 to vector<16xi32>
    %le3A_1800 = arith.cmpi sle, %get3A_1759, %le3A_1799 : vector<16xi32>
    %jit3A_1801 = arith.constant 122 : i32
    %jit3A_1802 = arith.constant 121 : i32
    %broadcast_in_dim3A_1803 = vector.broadcast %jit3A_1801 : i32 to vector<16xi32>
    %broadcast_in_dim3A_1804 = vector.broadcast %jit3A_1802 : i32 to vector<16xi32>
    %select_n3A_1805 = arith.select %le3A_1800, %broadcast_in_dim3A_1803, %broadcast_in_dim3A_1804 : vector<16xi1>, vector<16xi32>
    %add3A_1806 = arith.addi %mul3A_1766, %select_n3A_1805 : vector<16xi32>
    %swap3A_1807 = arith.constant 1888 : index
    %swap3A_1808 = tpu.vector_load %arg6[%swap3A_1807] {strides = array<i32>} : memref<3072xi32, #tpu.memory_space<vmem>>, vector<16xi32>,
    %swap3A_1809 = vector.shape_cast %swap3A_1808 : vector<16xi32> to vector<16xi32>
    %swap3A_1810 = vector.shape_cast %add3A_1806 : vector<16xi32> to vector<16xi32>
    tpu.vector_store %arg6[%swap3A_1807], %swap3A_1810 {strides = array<i32>} : memref<3072xi32, #tpu.memory_space<vmem>>, vector<16xi32>,
    %le3A_1811 = arith.constant 753 : i32
    %le3A_1812 = vector.broadcast %le3A_1811 : i32 to vector<16xi32>
    %le3A_1813 = arith.cmpi sle, %get3A_1759, %le3A_1812 : vector<16xi32>
    %jit3A_1814 = arith.constant 754 : i32
    %jit3A_1815 = arith.constant 753 : i32
    %broadcast_in_dim3A_1816 = vector.broadcast %jit3A_1814 : i32 to vector<16xi32>
    %broadcast_in_dim3A_1817 = vector.broadcast %jit3A_1815 : i32 to vector<16xi32>
    %select_n3A_1818 = arith.select %le3A_1813, %broadcast_in_dim3A_1816, %broadcast_in_dim3A_1817 : vector<16xi1>, vector<16xi32>
    %add3A_1819 = arith.addi %mul3A_1766, %select_n3A_1818 : vector<16xi32>
    %swap3A_1820 = arith.constant 2400 : index
    %swap3A_1821 = tpu.vector_load %arg6[%swap3A_1820] {strides = array<i32>} : memref<3072xi32, #tpu.memory_space<vmem>>, vector<16xi32>,
    %swap3A_1822 = vector.shape_cast %swap3A_1821 : vector<16xi32> to vector<16xi32>
    %swap3A_1823 = vector.shape_cast %add3A_1819 : vector<16xi32> to vector<16xi32>
    tpu.vector_store %arg6[%swap3A_1820], %swap3A_1823 {strides = array<i32>} : memref<3072xi32, #tpu.memory_space<vmem>>, vector<16xi32>,
    %le3A_1824 = arith.constant 617 : i32
    %le3A_1825 = vector.broadcast %le3A_1824 : i32 to vector<16xi32>
    %le3A_1826 = arith.cmpi sle, %get3A_1759, %le3A_1825 : vector<16xi32>
    %jit3A_1827 = arith.constant 618 : i32
    %jit3A_1828 = arith.constant 617 : i32
    %broadcast_in_dim3A_1829 = vector.broadcast %jit3A_1827 : i32 to vector<16xi32>
    %broadcast_in_dim3A_1830 = vector.broadcast %jit3A_1828 : i32 to vector<16xi32>
    %select_n3A_1831 = arith.select %le3A_1826, %broadcast_in_dim3A_1829, %broadcast_in_dim3A_1830 : vector<16xi1>, vector<16xi32>
    %add3A_1832 = arith.addi %mul3A_1766, %select_n3A_1831 : vector<16xi32>
    %swap3A_1833 = arith.constant 2912 : index
    %swap3A_1834 = tpu.vector_load %arg6[%swap3A_1833] {strides = array<i32>} : memref<3072xi32, #tpu.memory_space<vmem>>, vector<16xi32>,
    %swap3A_1835 = vector.shape_cast %swap3A_1834 : vector<16xi32> to vector<16xi32>
    %swap3A_1836 = vector.shape_cast %add3A_1832 : vector<16xi32> to vector<16xi32>
    tpu.vector_store %arg6[%swap3A_1833], %swap3A_1836 {strides = array<i32>} : memref<3072xi32, #tpu.memory_space<vmem>>, vector<16xi32>,
    %get3A_1837 = arith.constant 368 : index
    %get3A_1838 = tpu.vector_load %arg5[%get3A_1837] {strides = array<i32>} : memref<512xi32, #tpu.memory_space<vmem>>, vector<16xi32>,
    %get3A_1839 = vector.shape_cast %get3A_1838 : vector<16xi32> to vector<16xi32>
    %add3A_1840 = arith.constant 368 : i32
    %add3A_1841 = arith.addi %mul3A_2, %add3A_1840 : i32
    %add3A_1842 = vector.broadcast %add3A_1841 : i32 to vector<16xi32>
    %add3A_1843 = arith.addi %add3A_1842, %iota3A : vector<16xi32>
    %mul3A_1844 = arith.constant 1000 : i32
    %mul3A_1845 = vector.broadcast %mul3A_1844 : i32 to vector<16xi32>
    %mul3A_1846 = arith.muli %add3A_1843, %mul3A_1845 : vector<16xi32>
    %add3A_1847 = arith.addi %mul3A_1846, %get3A_1839 : vector<16xi32>
    %swap3A_1848 = arith.constant 368 : index
    %swap3A_1849 = tpu.vector_load %arg6[%swap3A_1848] {strides = array<i32>} : memref<3072xi32, #tpu.memory_space<vmem>>, vector<16xi32>,
    %swap3A_1850 = vector.shape_cast %swap3A_1849 : vector<16xi32> to vector<16xi32>
    %swap3A_1851 = vector.shape_cast %add3A_1847 : vector<16xi32> to vector<16xi32>
    tpu.vector_store %arg6[%swap3A_1848], %swap3A_1851 {strides = array<i32>} : memref<3072xi32, #tpu.memory_space<vmem>>, vector<16xi32>,
    %le3A_1852 = arith.constant 955 : i32
    %le3A_1853 = vector.broadcast %le3A_1852 : i32 to vector<16xi32>
    %le3A_1854 = arith.cmpi sle, %get3A_1839, %le3A_1853 : vector<16xi32>
    %jit3A_1855 = arith.constant 956 : i32
    %jit3A_1856 = arith.constant 955 : i32
    %broadcast_in_dim3A_1857 = vector.broadcast %jit3A_1855 : i32 to vector<16xi32>
    %broadcast_in_dim3A_1858 = vector.broadcast %jit3A_1856 : i32 to vector<16xi32>
    %select_n3A_1859 = arith.select %le3A_1854, %broadcast_in_dim3A_1857, %broadcast_in_dim3A_1858 : vector<16xi1>, vector<16xi32>
    %add3A_1860 = arith.addi %mul3A_1846, %select_n3A_1859 : vector<16xi32>
    %swap3A_1861 = arith.constant 880 : index
    %swap3A_1862 = tpu.vector_load %arg6[%swap3A_1861] {strides = array<i32>} : memref<3072xi32, #tpu.memory_space<vmem>>, vector<16xi32>,
    %swap3A_1863 = vector.shape_cast %swap3A_1862 : vector<16xi32> to vector<16xi32>
    %swap3A_1864 = vector.shape_cast %add3A_1860 : vector<16xi32> to vector<16xi32>
    tpu.vector_store %arg6[%swap3A_1861], %swap3A_1864 {strides = array<i32>} : memref<3072xi32, #tpu.memory_space<vmem>>, vector<16xi32>,
    %le3A_1865 = arith.constant 914 : i32
    %le3A_1866 = vector.broadcast %le3A_1865 : i32 to vector<16xi32>
    %le3A_1867 = arith.cmpi sle, %get3A_1839, %le3A_1866 : vector<16xi32>
    %jit3A_1868 = arith.constant 915 : i32
    %jit3A_1869 = arith.constant 914 : i32
    %broadcast_in_dim3A_1870 = vector.broadcast %jit3A_1868 : i32 to vector<16xi32>
    %broadcast_in_dim3A_1871 = vector.broadcast %jit3A_1869 : i32 to vector<16xi32>
    %select_n3A_1872 = arith.select %le3A_1867, %broadcast_in_dim3A_1870, %broadcast_in_dim3A_1871 : vector<16xi1>, vector<16xi32>
    %add3A_1873 = arith.addi %mul3A_1846, %select_n3A_1872 : vector<16xi32>
    %swap3A_1874 = arith.constant 1392 : index
    %swap3A_1875 = tpu.vector_load %arg6[%swap3A_1874] {strides = array<i32>} : memref<3072xi32, #tpu.memory_space<vmem>>, vector<16xi32>,
    %swap3A_1876 = vector.shape_cast %swap3A_1875 : vector<16xi32> to vector<16xi32>
    %swap3A_1877 = vector.shape_cast %add3A_1873 : vector<16xi32> to vector<16xi32>
    tpu.vector_store %arg6[%swap3A_1874], %swap3A_1877 {strides = array<i32>} : memref<3072xi32, #tpu.memory_space<vmem>>, vector<16xi32>,
    %le3A_1878 = arith.constant 121 : i32
    %le3A_1879 = vector.broadcast %le3A_1878 : i32 to vector<16xi32>
    %le3A_1880 = arith.cmpi sle, %get3A_1839, %le3A_1879 : vector<16xi32>
    %jit3A_1881 = arith.constant 122 : i32
    %jit3A_1882 = arith.constant 121 : i32
    %broadcast_in_dim3A_1883 = vector.broadcast %jit3A_1881 : i32 to vector<16xi32>
    %broadcast_in_dim3A_1884 = vector.broadcast %jit3A_1882 : i32 to vector<16xi32>
    %select_n3A_1885 = arith.select %le3A_1880, %broadcast_in_dim3A_1883, %broadcast_in_dim3A_1884 : vector<16xi1>, vector<16xi32>
    %add3A_1886 = arith.addi %mul3A_1846, %select_n3A_1885 : vector<16xi32>
    %swap3A_1887 = arith.constant 1904 : index
    %swap3A_1888 = tpu.vector_load %arg6[%swap3A_1887] {strides = array<i32>} : memref<3072xi32, #tpu.memory_space<vmem>>, vector<16xi32>,
    %swap3A_1889 = vector.shape_cast %swap3A_1888 : vector<16xi32> to vector<16xi32>
    %swap3A_1890 = vector.shape_cast %add3A_1886 : vector<16xi32> to vector<16xi32>
    tpu.vector_store %arg6[%swap3A_1887], %swap3A_1890 {strides = array<i32>} : memref<3072xi32, #tpu.memory_space<vmem>>, vector<16xi32>,
    %le3A_1891 = arith.constant 753 : i32
    %le3A_1892 = vector.broadcast %le3A_1891 : i32 to vector<16xi32>
    %le3A_1893 = arith.cmpi sle, %get3A_1839, %le3A_1892 : vector<16xi32>
    %jit3A_1894 = arith.constant 754 : i32
    %jit3A_1895 = arith.constant 753 : i32
    %broadcast_in_dim3A_1896 = vector.broadcast %jit3A_1894 : i32 to vector<16xi32>
    %broadcast_in_dim3A_1897 = vector.broadcast %jit3A_1895 : i32 to vector<16xi32>
    %select_n3A_1898 = arith.select %le3A_1893, %broadcast_in_dim3A_1896, %broadcast_in_dim3A_1897 : vector<16xi1>, vector<16xi32>
    %add3A_1899 = arith.addi %mul3A_1846, %select_n3A_1898 : vector<16xi32>
    %swap3A_1900 = arith.constant 2416 : index
    %swap3A_1901 = tpu.vector_load %arg6[%swap3A_1900] {strides = array<i32>} : memref<3072xi32, #tpu.memory_space<vmem>>, vector<16xi32>,
    %swap3A_1902 = vector.shape_cast %swap3A_1901 : vector<16xi32> to vector<16xi32>
    %swap3A_1903 = vector.shape_cast %add3A_1899 : vector<16xi32> to vector<16xi32>
    tpu.vector_store %arg6[%swap3A_1900], %swap3A_1903 {strides = array<i32>} : memref<3072xi32, #tpu.memory_space<vmem>>, vector<16xi32>,
    %le3A_1904 = arith.constant 617 : i32
    %le3A_1905 = vector.broadcast %le3A_1904 : i32 to vector<16xi32>
    %le3A_1906 = arith.cmpi sle, %get3A_1839, %le3A_1905 : vector<16xi32>
    %jit3A_1907 = arith.constant 618 : i32
    %jit3A_1908 = arith.constant 617 : i32
    %broadcast_in_dim3A_1909 = vector.broadcast %jit3A_1907 : i32 to vector<16xi32>
    %broadcast_in_dim3A_1910 = vector.broadcast %jit3A_1908 : i32 to vector<16xi32>
    %select_n3A_1911 = arith.select %le3A_1906, %broadcast_in_dim3A_1909, %broadcast_in_dim3A_1910 : vector<16xi1>, vector<16xi32>
    %add3A_1912 = arith.addi %mul3A_1846, %select_n3A_1911 : vector<16xi32>
    %swap3A_1913 = arith.constant 2928 : index
    %swap3A_1914 = tpu.vector_load %arg6[%swap3A_1913] {strides = array<i32>} : memref<3072xi32, #tpu.memory_space<vmem>>, vector<16xi32>,
    %swap3A_1915 = vector.shape_cast %swap3A_1914 : vector<16xi32> to vector<16xi32>
    %swap3A_1916 = vector.shape_cast %add3A_1912 : vector<16xi32> to vector<16xi32>
    tpu.vector_store %arg6[%swap3A_1913], %swap3A_1916 {strides = array<i32>} : memref<3072xi32, #tpu.memory_space<vmem>>, vector<16xi32>,
    %get3A_1917 = arith.constant 384 : index
    %get3A_1918 = tpu.vector_load %arg5[%get3A_1917] {strides = array<i32>} : memref<512xi32, #tpu.memory_space<vmem>>, vector<16xi32>,
    %get3A_1919 = vector.shape_cast %get3A_1918 : vector<16xi32> to vector<16xi32>
    %add3A_1920 = arith.constant 384 : i32
    %add3A_1921 = arith.addi %mul3A_2, %add3A_1920 : i32
    %add3A_1922 = vector.broadcast %add3A_1921 : i32 to vector<16xi32>
    %add3A_1923 = arith.addi %add3A_1922, %iota3A : vector<16xi32>
    %mul3A_1924 = arith.constant 1000 : i32
    %mul3A_1925 = vector.broadcast %mul3A_1924 : i32 to vector<16xi32>
    %mul3A_1926 = arith.muli %add3A_1923, %mul3A_1925 : vector<16xi32>
    %add3A_1927 = arith.addi %mul3A_1926, %get3A_1919 : vector<16xi32>
    %swap3A_1928 = arith.constant 384 : index
    %swap3A_1929 = tpu.vector_load %arg6[%swap3A_1928] {strides = array<i32>} : memref<3072xi32, #tpu.memory_space<vmem>>, vector<16xi32>,
    %swap3A_1930 = vector.shape_cast %swap3A_1929 : vector<16xi32> to vector<16xi32>
    %swap3A_1931 = vector.shape_cast %add3A_1927 : vector<16xi32> to vector<16xi32>
    tpu.vector_store %arg6[%swap3A_1928], %swap3A_1931 {strides = array<i32>} : memref<3072xi32, #tpu.memory_space<vmem>>, vector<16xi32>,
    %le3A_1932 = arith.constant 955 : i32
    %le3A_1933 = vector.broadcast %le3A_1932 : i32 to vector<16xi32>
    %le3A_1934 = arith.cmpi sle, %get3A_1919, %le3A_1933 : vector<16xi32>
    %jit3A_1935 = arith.constant 956 : i32
    %jit3A_1936 = arith.constant 955 : i32
    %broadcast_in_dim3A_1937 = vector.broadcast %jit3A_1935 : i32 to vector<16xi32>
    %broadcast_in_dim3A_1938 = vector.broadcast %jit3A_1936 : i32 to vector<16xi32>
    %select_n3A_1939 = arith.select %le3A_1934, %broadcast_in_dim3A_1937, %broadcast_in_dim3A_1938 : vector<16xi1>, vector<16xi32>
    %add3A_1940 = arith.addi %mul3A_1926, %select_n3A_1939 : vector<16xi32>
    %swap3A_1941 = arith.constant 896 : index
    %swap3A_1942 = tpu.vector_load %arg6[%swap3A_1941] {strides = array<i32>} : memref<3072xi32, #tpu.memory_space<vmem>>, vector<16xi32>,
    %swap3A_1943 = vector.shape_cast %swap3A_1942 : vector<16xi32> to vector<16xi32>
    %swap3A_1944 = vector.shape_cast %add3A_1940 : vector<16xi32> to vector<16xi32>
    tpu.vector_store %arg6[%swap3A_1941], %swap3A_1944 {strides = array<i32>} : memref<3072xi32, #tpu.memory_space<vmem>>, vector<16xi32>,
    %le3A_1945 = arith.constant 914 : i32
    %le3A_1946 = vector.broadcast %le3A_1945 : i32 to vector<16xi32>
    %le3A_1947 = arith.cmpi sle, %get3A_1919, %le3A_1946 : vector<16xi32>
    %jit3A_1948 = arith.constant 915 : i32
    %jit3A_1949 = arith.constant 914 : i32
    %broadcast_in_dim3A_1950 = vector.broadcast %jit3A_1948 : i32 to vector<16xi32>
    %broadcast_in_dim3A_1951 = vector.broadcast %jit3A_1949 : i32 to vector<16xi32>
    %select_n3A_1952 = arith.select %le3A_1947, %broadcast_in_dim3A_1950, %broadcast_in_dim3A_1951 : vector<16xi1>, vector<16xi32>
    %add3A_1953 = arith.addi %mul3A_1926, %select_n3A_1952 : vector<16xi32>
    %swap3A_1954 = arith.constant 1408 : index
    %swap3A_1955 = tpu.vector_load %arg6[%swap3A_1954] {strides = array<i32>} : memref<3072xi32, #tpu.memory_space<vmem>>, vector<16xi32>,
    %swap3A_1956 = vector.shape_cast %swap3A_1955 : vector<16xi32> to vector<16xi32>
    %swap3A_1957 = vector.shape_cast %add3A_1953 : vector<16xi32> to vector<16xi32>
    tpu.vector_store %arg6[%swap3A_1954], %swap3A_1957 {strides = array<i32>} : memref<3072xi32, #tpu.memory_space<vmem>>, vector<16xi32>,
    %le3A_1958 = arith.constant 121 : i32
    %le3A_1959 = vector.broadcast %le3A_1958 : i32 to vector<16xi32>
    %le3A_1960 = arith.cmpi sle, %get3A_1919, %le3A_1959 : vector<16xi32>
    %jit3A_1961 = arith.constant 122 : i32
    %jit3A_1962 = arith.constant 121 : i32
    %broadcast_in_dim3A_1963 = vector.broadcast %jit3A_1961 : i32 to vector<16xi32>
    %broadcast_in_dim3A_1964 = vector.broadcast %jit3A_1962 : i32 to vector<16xi32>
    %select_n3A_1965 = arith.select %le3A_1960, %broadcast_in_dim3A_1963, %broadcast_in_dim3A_1964 : vector<16xi1>, vector<16xi32>
    %add3A_1966 = arith.addi %mul3A_1926, %select_n3A_1965 : vector<16xi32>
    %swap3A_1967 = arith.constant 1920 : index
    %swap3A_1968 = tpu.vector_load %arg6[%swap3A_1967] {strides = array<i32>} : memref<3072xi32, #tpu.memory_space<vmem>>, vector<16xi32>,
    %swap3A_1969 = vector.shape_cast %swap3A_1968 : vector<16xi32> to vector<16xi32>
    %swap3A_1970 = vector.shape_cast %add3A_1966 : vector<16xi32> to vector<16xi32>
    tpu.vector_store %arg6[%swap3A_1967], %swap3A_1970 {strides = array<i32>} : memref<3072xi32, #tpu.memory_space<vmem>>, vector<16xi32>,
    %le3A_1971 = arith.constant 753 : i32
    %le3A_1972 = vector.broadcast %le3A_1971 : i32 to vector<16xi32>
    %le3A_1973 = arith.cmpi sle, %get3A_1919, %le3A_1972 : vector<16xi32>
    %jit3A_1974 = arith.constant 754 : i32
    %jit3A_1975 = arith.constant 753 : i32
    %broadcast_in_dim3A_1976 = vector.broadcast %jit3A_1974 : i32 to vector<16xi32>
    %broadcast_in_dim3A_1977 = vector.broadcast %jit3A_1975 : i32 to vector<16xi32>
    %select_n3A_1978 = arith.select %le3A_1973, %broadcast_in_dim3A_1976, %broadcast_in_dim3A_1977 : vector<16xi1>, vector<16xi32>
    %add3A_1979 = arith.addi %mul3A_1926, %select_n3A_1978 : vector<16xi32>
    %swap3A_1980 = arith.constant 2432 : index
    %swap3A_1981 = tpu.vector_load %arg6[%swap3A_1980] {strides = array<i32>} : memref<3072xi32, #tpu.memory_space<vmem>>, vector<16xi32>,
    %swap3A_1982 = vector.shape_cast %swap3A_1981 : vector<16xi32> to vector<16xi32>
    %swap3A_1983 = vector.shape_cast %add3A_1979 : vector<16xi32> to vector<16xi32>
    tpu.vector_store %arg6[%swap3A_1980], %swap3A_1983 {strides = array<i32>} : memref<3072xi32, #tpu.memory_space<vmem>>, vector<16xi32>,
    %le3A_1984 = arith.constant 617 : i32
    %le3A_1985 = vector.broadcast %le3A_1984 : i32 to vector<16xi32>
    %le3A_1986 = arith.cmpi sle, %get3A_1919, %le3A_1985 : vector<16xi32>
    %jit3A_1987 = arith.constant 618 : i32
    %jit3A_1988 = arith.constant 617 : i32
    %broadcast_in_dim3A_1989 = vector.broadcast %jit3A_1987 : i32 to vector<16xi32>
    %broadcast_in_dim3A_1990 = vector.broadcast %jit3A_1988 : i32 to vector<16xi32>
    %select_n3A_1991 = arith.select %le3A_1986, %broadcast_in_dim3A_1989, %broadcast_in_dim3A_1990 : vector<16xi1>, vector<16xi32>
    %add3A_1992 = arith.addi %mul3A_1926, %select_n3A_1991 : vector<16xi32>
    %swap3A_1993 = arith.constant 2944 : index
    %swap3A_1994 = tpu.vector_load %arg6[%swap3A_1993] {strides = array<i32>} : memref<3072xi32, #tpu.memory_space<vmem>>, vector<16xi32>,
    %swap3A_1995 = vector.shape_cast %swap3A_1994 : vector<16xi32> to vector<16xi32>
    %swap3A_1996 = vector.shape_cast %add3A_1992 : vector<16xi32> to vector<16xi32>
    tpu.vector_store %arg6[%swap3A_1993], %swap3A_1996 {strides = array<i32>} : memref<3072xi32, #tpu.memory_space<vmem>>, vector<16xi32>,
    %get3A_1997 = arith.constant 400 : index
    %get3A_1998 = tpu.vector_load %arg5[%get3A_1997] {strides = array<i32>} : memref<512xi32, #tpu.memory_space<vmem>>, vector<16xi32>,
    %get3A_1999 = vector.shape_cast %get3A_1998 : vector<16xi32> to vector<16xi32>
    %add3A_2000 = arith.constant 400 : i32
    %add3A_2001 = arith.addi %mul3A_2, %add3A_2000 : i32
    %add3A_2002 = vector.broadcast %add3A_2001 : i32 to vector<16xi32>
    %add3A_2003 = arith.addi %add3A_2002, %iota3A : vector<16xi32>
    %mul3A_2004 = arith.constant 1000 : i32
    %mul3A_2005 = vector.broadcast %mul3A_2004 : i32 to vector<16xi32>
    %mul3A_2006 = arith.muli %add3A_2003, %mul3A_2005 : vector<16xi32>
    %add3A_2007 = arith.addi %mul3A_2006, %get3A_1999 : vector<16xi32>
    %swap3A_2008 = arith.constant 400 : index
    %swap3A_2009 = tpu.vector_load %arg6[%swap3A_2008] {strides = array<i32>} : memref<3072xi32, #tpu.memory_space<vmem>>, vector<16xi32>,
    %swap3A_2010 = vector.shape_cast %swap3A_2009 : vector<16xi32> to vector<16xi32>
    %swap3A_2011 = vector.shape_cast %add3A_2007 : vector<16xi32> to vector<16xi32>
    tpu.vector_store %arg6[%swap3A_2008], %swap3A_2011 {strides = array<i32>} : memref<3072xi32, #tpu.memory_space<vmem>>, vector<16xi32>,
    %le3A_2012 = arith.constant 955 : i32
    %le3A_2013 = vector.broadcast %le3A_2012 : i32 to vector<16xi32>
    %le3A_2014 = arith.cmpi sle, %get3A_1999, %le3A_2013 : vector<16xi32>
    %jit3A_2015 = arith.constant 956 : i32
    %jit3A_2016 = arith.constant 955 : i32
    %broadcast_in_dim3A_2017 = vector.broadcast %jit3A_2015 : i32 to vector<16xi32>
    %broadcast_in_dim3A_2018 = vector.broadcast %jit3A_2016 : i32 to vector<16xi32>
    %select_n3A_2019 = arith.select %le3A_2014, %broadcast_in_dim3A_2017, %broadcast_in_dim3A_2018 : vector<16xi1>, vector<16xi32>
    %add3A_2020 = arith.addi %mul3A_2006, %select_n3A_2019 : vector<16xi32>
    %swap3A_2021 = arith.constant 912 : index
    %swap3A_2022 = tpu.vector_load %arg6[%swap3A_2021] {strides = array<i32>} : memref<3072xi32, #tpu.memory_space<vmem>>, vector<16xi32>,
    %swap3A_2023 = vector.shape_cast %swap3A_2022 : vector<16xi32> to vector<16xi32>
    %swap3A_2024 = vector.shape_cast %add3A_2020 : vector<16xi32> to vector<16xi32>
    tpu.vector_store %arg6[%swap3A_2021], %swap3A_2024 {strides = array<i32>} : memref<3072xi32, #tpu.memory_space<vmem>>, vector<16xi32>,
    %le3A_2025 = arith.constant 914 : i32
    %le3A_2026 = vector.broadcast %le3A_2025 : i32 to vector<16xi32>
    %le3A_2027 = arith.cmpi sle, %get3A_1999, %le3A_2026 : vector<16xi32>
    %jit3A_2028 = arith.constant 915 : i32
    %jit3A_2029 = arith.constant 914 : i32
    %broadcast_in_dim3A_2030 = vector.broadcast %jit3A_2028 : i32 to vector<16xi32>
    %broadcast_in_dim3A_2031 = vector.broadcast %jit3A_2029 : i32 to vector<16xi32>
    %select_n3A_2032 = arith.select %le3A_2027, %broadcast_in_dim3A_2030, %broadcast_in_dim3A_2031 : vector<16xi1>, vector<16xi32>
    %add3A_2033 = arith.addi %mul3A_2006, %select_n3A_2032 : vector<16xi32>
    %swap3A_2034 = arith.constant 1424 : index
    %swap3A_2035 = tpu.vector_load %arg6[%swap3A_2034] {strides = array<i32>} : memref<3072xi32, #tpu.memory_space<vmem>>, vector<16xi32>,
    %swap3A_2036 = vector.shape_cast %swap3A_2035 : vector<16xi32> to vector<16xi32>
    %swap3A_2037 = vector.shape_cast %add3A_2033 : vector<16xi32> to vector<16xi32>
    tpu.vector_store %arg6[%swap3A_2034], %swap3A_2037 {strides = array<i32>} : memref<3072xi32, #tpu.memory_space<vmem>>, vector<16xi32>,
    %le3A_2038 = arith.constant 121 : i32
    %le3A_2039 = vector.broadcast %le3A_2038 : i32 to vector<16xi32>
    %le3A_2040 = arith.cmpi sle, %get3A_1999, %le3A_2039 : vector<16xi32>
    %jit3A_2041 = arith.constant 122 : i32
    %jit3A_2042 = arith.constant 121 : i32
    %broadcast_in_dim3A_2043 = vector.broadcast %jit3A_2041 : i32 to vector<16xi32>
    %broadcast_in_dim3A_2044 = vector.broadcast %jit3A_2042 : i32 to vector<16xi32>
    %select_n3A_2045 = arith.select %le3A_2040, %broadcast_in_dim3A_2043, %broadcast_in_dim3A_2044 : vector<16xi1>, vector<16xi32>
    %add3A_2046 = arith.addi %mul3A_2006, %select_n3A_2045 : vector<16xi32>
    %swap3A_2047 = arith.constant 1936 : index
    %swap3A_2048 = tpu.vector_load %arg6[%swap3A_2047] {strides = array<i32>} : memref<3072xi32, #tpu.memory_space<vmem>>, vector<16xi32>,
    %swap3A_2049 = vector.shape_cast %swap3A_2048 : vector<16xi32> to vector<16xi32>
    %swap3A_2050 = vector.shape_cast %add3A_2046 : vector<16xi32> to vector<16xi32>
    tpu.vector_store %arg6[%swap3A_2047], %swap3A_2050 {strides = array<i32>} : memref<3072xi32, #tpu.memory_space<vmem>>, vector<16xi32>,
    %le3A_2051 = arith.constant 753 : i32
    %le3A_2052 = vector.broadcast %le3A_2051 : i32 to vector<16xi32>
    %le3A_2053 = arith.cmpi sle, %get3A_1999, %le3A_2052 : vector<16xi32>
    %jit3A_2054 = arith.constant 754 : i32
    %jit3A_2055 = arith.constant 753 : i32
    %broadcast_in_dim3A_2056 = vector.broadcast %jit3A_2054 : i32 to vector<16xi32>
    %broadcast_in_dim3A_2057 = vector.broadcast %jit3A_2055 : i32 to vector<16xi32>
    %select_n3A_2058 = arith.select %le3A_2053, %broadcast_in_dim3A_2056, %broadcast_in_dim3A_2057 : vector<16xi1>, vector<16xi32>
    %add3A_2059 = arith.addi %mul3A_2006, %select_n3A_2058 : vector<16xi32>
    %swap3A_2060 = arith.constant 2448 : index
    %swap3A_2061 = tpu.vector_load %arg6[%swap3A_2060] {strides = array<i32>} : memref<3072xi32, #tpu.memory_space<vmem>>, vector<16xi32>,
    %swap3A_2062 = vector.shape_cast %swap3A_2061 : vector<16xi32> to vector<16xi32>
    %swap3A_2063 = vector.shape_cast %add3A_2059 : vector<16xi32> to vector<16xi32>
    tpu.vector_store %arg6[%swap3A_2060], %swap3A_2063 {strides = array<i32>} : memref<3072xi32, #tpu.memory_space<vmem>>, vector<16xi32>,
    %le3A_2064 = arith.constant 617 : i32
    %le3A_2065 = vector.broadcast %le3A_2064 : i32 to vector<16xi32>
    %le3A_2066 = arith.cmpi sle, %get3A_1999, %le3A_2065 : vector<16xi32>
    %jit3A_2067 = arith.constant 618 : i32
    %jit3A_2068 = arith.constant 617 : i32
    %broadcast_in_dim3A_2069 = vector.broadcast %jit3A_2067 : i32 to vector<16xi32>
    %broadcast_in_dim3A_2070 = vector.broadcast %jit3A_2068 : i32 to vector<16xi32>
    %select_n3A_2071 = arith.select %le3A_2066, %broadcast_in_dim3A_2069, %broadcast_in_dim3A_2070 : vector<16xi1>, vector<16xi32>
    %add3A_2072 = arith.addi %mul3A_2006, %select_n3A_2071 : vector<16xi32>
    %swap3A_2073 = arith.constant 2960 : index
    %swap3A_2074 = tpu.vector_load %arg6[%swap3A_2073] {strides = array<i32>} : memref<3072xi32, #tpu.memory_space<vmem>>, vector<16xi32>,
    %swap3A_2075 = vector.shape_cast %swap3A_2074 : vector<16xi32> to vector<16xi32>
    %swap3A_2076 = vector.shape_cast %add3A_2072 : vector<16xi32> to vector<16xi32>
    tpu.vector_store %arg6[%swap3A_2073], %swap3A_2076 {strides = array<i32>} : memref<3072xi32, #tpu.memory_space<vmem>>, vector<16xi32>,
    %get3A_2077 = arith.constant 416 : index
    %get3A_2078 = tpu.vector_load %arg5[%get3A_2077] {strides = array<i32>} : memref<512xi32, #tpu.memory_space<vmem>>, vector<16xi32>,
    %get3A_2079 = vector.shape_cast %get3A_2078 : vector<16xi32> to vector<16xi32>
    %add3A_2080 = arith.constant 416 : i32
    %add3A_2081 = arith.addi %mul3A_2, %add3A_2080 : i32
    %add3A_2082 = vector.broadcast %add3A_2081 : i32 to vector<16xi32>
    %add3A_2083 = arith.addi %add3A_2082, %iota3A : vector<16xi32>
    %mul3A_2084 = arith.constant 1000 : i32
    %mul3A_2085 = vector.broadcast %mul3A_2084 : i32 to vector<16xi32>
    %mul3A_2086 = arith.muli %add3A_2083, %mul3A_2085 : vector<16xi32>
    %add3A_2087 = arith.addi %mul3A_2086, %get3A_2079 : vector<16xi32>
    %swap3A_2088 = arith.constant 416 : index
    %swap3A_2089 = tpu.vector_load %arg6[%swap3A_2088] {strides = array<i32>} : memref<3072xi32, #tpu.memory_space<vmem>>, vector<16xi32>,
    %swap3A_2090 = vector.shape_cast %swap3A_2089 : vector<16xi32> to vector<16xi32>
    %swap3A_2091 = vector.shape_cast %add3A_2087 : vector<16xi32> to vector<16xi32>
    tpu.vector_store %arg6[%swap3A_2088], %swap3A_2091 {strides = array<i32>} : memref<3072xi32, #tpu.memory_space<vmem>>, vector<16xi32>,
    %le3A_2092 = arith.constant 955 : i32
    %le3A_2093 = vector.broadcast %le3A_2092 : i32 to vector<16xi32>
    %le3A_2094 = arith.cmpi sle, %get3A_2079, %le3A_2093 : vector<16xi32>
    %jit3A_2095 = arith.constant 956 : i32
    %jit3A_2096 = arith.constant 955 : i32
    %broadcast_in_dim3A_2097 = vector.broadcast %jit3A_2095 : i32 to vector<16xi32>
    %broadcast_in_dim3A_2098 = vector.broadcast %jit3A_2096 : i32 to vector<16xi32>
    %select_n3A_2099 = arith.select %le3A_2094, %broadcast_in_dim3A_2097, %broadcast_in_dim3A_2098 : vector<16xi1>, vector<16xi32>
    %add3A_2100 = arith.addi %mul3A_2086, %select_n3A_2099 : vector<16xi32>
    %swap3A_2101 = arith.constant 928 : index
    %swap3A_2102 = tpu.vector_load %arg6[%swap3A_2101] {strides = array<i32>} : memref<3072xi32, #tpu.memory_space<vmem>>, vector<16xi32>,
    %swap3A_2103 = vector.shape_cast %swap3A_2102 : vector<16xi32> to vector<16xi32>
    %swap3A_2104 = vector.shape_cast %add3A_2100 : vector<16xi32> to vector<16xi32>
    tpu.vector_store %arg6[%swap3A_2101], %swap3A_2104 {strides = array<i32>} : memref<3072xi32, #tpu.memory_space<vmem>>, vector<16xi32>,
    %le3A_2105 = arith.constant 914 : i32
    %le3A_2106 = vector.broadcast %le3A_2105 : i32 to vector<16xi32>
    %le3A_2107 = arith.cmpi sle, %get3A_2079, %le3A_2106 : vector<16xi32>
    %jit3A_2108 = arith.constant 915 : i32
    %jit3A_2109 = arith.constant 914 : i32
    %broadcast_in_dim3A_2110 = vector.broadcast %jit3A_2108 : i32 to vector<16xi32>
    %broadcast_in_dim3A_2111 = vector.broadcast %jit3A_2109 : i32 to vector<16xi32>
    %select_n3A_2112 = arith.select %le3A_2107, %broadcast_in_dim3A_2110, %broadcast_in_dim3A_2111 : vector<16xi1>, vector<16xi32>
    %add3A_2113 = arith.addi %mul3A_2086, %select_n3A_2112 : vector<16xi32>
    %swap3A_2114 = arith.constant 1440 : index
    %swap3A_2115 = tpu.vector_load %arg6[%swap3A_2114] {strides = array<i32>} : memref<3072xi32, #tpu.memory_space<vmem>>, vector<16xi32>,
    %swap3A_2116 = vector.shape_cast %swap3A_2115 : vector<16xi32> to vector<16xi32>
    %swap3A_2117 = vector.shape_cast %add3A_2113 : vector<16xi32> to vector<16xi32>
    tpu.vector_store %arg6[%swap3A_2114], %swap3A_2117 {strides = array<i32>} : memref<3072xi32, #tpu.memory_space<vmem>>, vector<16xi32>,
    %le3A_2118 = arith.constant 121 : i32
    %le3A_2119 = vector.broadcast %le3A_2118 : i32 to vector<16xi32>
    %le3A_2120 = arith.cmpi sle, %get3A_2079, %le3A_2119 : vector<16xi32>
    %jit3A_2121 = arith.constant 122 : i32
    %jit3A_2122 = arith.constant 121 : i32
    %broadcast_in_dim3A_2123 = vector.broadcast %jit3A_2121 : i32 to vector<16xi32>
    %broadcast_in_dim3A_2124 = vector.broadcast %jit3A_2122 : i32 to vector<16xi32>
    %select_n3A_2125 = arith.select %le3A_2120, %broadcast_in_dim3A_2123, %broadcast_in_dim3A_2124 : vector<16xi1>, vector<16xi32>
    %add3A_2126 = arith.addi %mul3A_2086, %select_n3A_2125 : vector<16xi32>
    %swap3A_2127 = arith.constant 1952 : index
    %swap3A_2128 = tpu.vector_load %arg6[%swap3A_2127] {strides = array<i32>} : memref<3072xi32, #tpu.memory_space<vmem>>, vector<16xi32>,
    %swap3A_2129 = vector.shape_cast %swap3A_2128 : vector<16xi32> to vector<16xi32>
    %swap3A_2130 = vector.shape_cast %add3A_2126 : vector<16xi32> to vector<16xi32>
    tpu.vector_store %arg6[%swap3A_2127], %swap3A_2130 {strides = array<i32>} : memref<3072xi32, #tpu.memory_space<vmem>>, vector<16xi32>,
    %le3A_2131 = arith.constant 753 : i32
    %le3A_2132 = vector.broadcast %le3A_2131 : i32 to vector<16xi32>
    %le3A_2133 = arith.cmpi sle, %get3A_2079, %le3A_2132 : vector<16xi32>
    %jit3A_2134 = arith.constant 754 : i32
    %jit3A_2135 = arith.constant 753 : i32
    %broadcast_in_dim3A_2136 = vector.broadcast %jit3A_2134 : i32 to vector<16xi32>
    %broadcast_in_dim3A_2137 = vector.broadcast %jit3A_2135 : i32 to vector<16xi32>
    %select_n3A_2138 = arith.select %le3A_2133, %broadcast_in_dim3A_2136, %broadcast_in_dim3A_2137 : vector<16xi1>, vector<16xi32>
    %add3A_2139 = arith.addi %mul3A_2086, %select_n3A_2138 : vector<16xi32>
    %swap3A_2140 = arith.constant 2464 : index
    %swap3A_2141 = tpu.vector_load %arg6[%swap3A_2140] {strides = array<i32>} : memref<3072xi32, #tpu.memory_space<vmem>>, vector<16xi32>,
    %swap3A_2142 = vector.shape_cast %swap3A_2141 : vector<16xi32> to vector<16xi32>
    %swap3A_2143 = vector.shape_cast %add3A_2139 : vector<16xi32> to vector<16xi32>
    tpu.vector_store %arg6[%swap3A_2140], %swap3A_2143 {strides = array<i32>} : memref<3072xi32, #tpu.memory_space<vmem>>, vector<16xi32>,
    %le3A_2144 = arith.constant 617 : i32
    %le3A_2145 = vector.broadcast %le3A_2144 : i32 to vector<16xi32>
    %le3A_2146 = arith.cmpi sle, %get3A_2079, %le3A_2145 : vector<16xi32>
    %jit3A_2147 = arith.constant 618 : i32
    %jit3A_2148 = arith.constant 617 : i32
    %broadcast_in_dim3A_2149 = vector.broadcast %jit3A_2147 : i32 to vector<16xi32>
    %broadcast_in_dim3A_2150 = vector.broadcast %jit3A_2148 : i32 to vector<16xi32>
    %select_n3A_2151 = arith.select %le3A_2146, %broadcast_in_dim3A_2149, %broadcast_in_dim3A_2150 : vector<16xi1>, vector<16xi32>
    %add3A_2152 = arith.addi %mul3A_2086, %select_n3A_2151 : vector<16xi32>
    %swap3A_2153 = arith.constant 2976 : index
    %swap3A_2154 = tpu.vector_load %arg6[%swap3A_2153] {strides = array<i32>} : memref<3072xi32, #tpu.memory_space<vmem>>, vector<16xi32>,
    %swap3A_2155 = vector.shape_cast %swap3A_2154 : vector<16xi32> to vector<16xi32>
    %swap3A_2156 = vector.shape_cast %add3A_2152 : vector<16xi32> to vector<16xi32>
    tpu.vector_store %arg6[%swap3A_2153], %swap3A_2156 {strides = array<i32>} : memref<3072xi32, #tpu.memory_space<vmem>>, vector<16xi32>,
    %get3A_2157 = arith.constant 432 : index
    %get3A_2158 = tpu.vector_load %arg5[%get3A_2157] {strides = array<i32>} : memref<512xi32, #tpu.memory_space<vmem>>, vector<16xi32>,
    %get3A_2159 = vector.shape_cast %get3A_2158 : vector<16xi32> to vector<16xi32>
    %add3A_2160 = arith.constant 432 : i32
    %add3A_2161 = arith.addi %mul3A_2, %add3A_2160 : i32
    %add3A_2162 = vector.broadcast %add3A_2161 : i32 to vector<16xi32>
    %add3A_2163 = arith.addi %add3A_2162, %iota3A : vector<16xi32>
    %mul3A_2164 = arith.constant 1000 : i32
    %mul3A_2165 = vector.broadcast %mul3A_2164 : i32 to vector<16xi32>
    %mul3A_2166 = arith.muli %add3A_2163, %mul3A_2165 : vector<16xi32>
    %add3A_2167 = arith.addi %mul3A_2166, %get3A_2159 : vector<16xi32>
    %swap3A_2168 = arith.constant 432 : index
    %swap3A_2169 = tpu.vector_load %arg6[%swap3A_2168] {strides = array<i32>} : memref<3072xi32, #tpu.memory_space<vmem>>, vector<16xi32>,
    %swap3A_2170 = vector.shape_cast %swap3A_2169 : vector<16xi32> to vector<16xi32>
    %swap3A_2171 = vector.shape_cast %add3A_2167 : vector<16xi32> to vector<16xi32>
    tpu.vector_store %arg6[%swap3A_2168], %swap3A_2171 {strides = array<i32>} : memref<3072xi32, #tpu.memory_space<vmem>>, vector<16xi32>,
    %le3A_2172 = arith.constant 955 : i32
    %le3A_2173 = vector.broadcast %le3A_2172 : i32 to vector<16xi32>
    %le3A_2174 = arith.cmpi sle, %get3A_2159, %le3A_2173 : vector<16xi32>
    %jit3A_2175 = arith.constant 956 : i32
    %jit3A_2176 = arith.constant 955 : i32
    %broadcast_in_dim3A_2177 = vector.broadcast %jit3A_2175 : i32 to vector<16xi32>
    %broadcast_in_dim3A_2178 = vector.broadcast %jit3A_2176 : i32 to vector<16xi32>
    %select_n3A_2179 = arith.select %le3A_2174, %broadcast_in_dim3A_2177, %broadcast_in_dim3A_2178 : vector<16xi1>, vector<16xi32>
    %add3A_2180 = arith.addi %mul3A_2166, %select_n3A_2179 : vector<16xi32>
    %swap3A_2181 = arith.constant 944 : index
    %swap3A_2182 = tpu.vector_load %arg6[%swap3A_2181] {strides = array<i32>} : memref<3072xi32, #tpu.memory_space<vmem>>, vector<16xi32>,
    %swap3A_2183 = vector.shape_cast %swap3A_2182 : vector<16xi32> to vector<16xi32>
    %swap3A_2184 = vector.shape_cast %add3A_2180 : vector<16xi32> to vector<16xi32>
    tpu.vector_store %arg6[%swap3A_2181], %swap3A_2184 {strides = array<i32>} : memref<3072xi32, #tpu.memory_space<vmem>>, vector<16xi32>,
    %le3A_2185 = arith.constant 914 : i32
    %le3A_2186 = vector.broadcast %le3A_2185 : i32 to vector<16xi32>
    %le3A_2187 = arith.cmpi sle, %get3A_2159, %le3A_2186 : vector<16xi32>
    %jit3A_2188 = arith.constant 915 : i32
    %jit3A_2189 = arith.constant 914 : i32
    %broadcast_in_dim3A_2190 = vector.broadcast %jit3A_2188 : i32 to vector<16xi32>
    %broadcast_in_dim3A_2191 = vector.broadcast %jit3A_2189 : i32 to vector<16xi32>
    %select_n3A_2192 = arith.select %le3A_2187, %broadcast_in_dim3A_2190, %broadcast_in_dim3A_2191 : vector<16xi1>, vector<16xi32>
    %add3A_2193 = arith.addi %mul3A_2166, %select_n3A_2192 : vector<16xi32>
    %swap3A_2194 = arith.constant 1456 : index
    %swap3A_2195 = tpu.vector_load %arg6[%swap3A_2194] {strides = array<i32>} : memref<3072xi32, #tpu.memory_space<vmem>>, vector<16xi32>,
    %swap3A_2196 = vector.shape_cast %swap3A_2195 : vector<16xi32> to vector<16xi32>
    %swap3A_2197 = vector.shape_cast %add3A_2193 : vector<16xi32> to vector<16xi32>
    tpu.vector_store %arg6[%swap3A_2194], %swap3A_2197 {strides = array<i32>} : memref<3072xi32, #tpu.memory_space<vmem>>, vector<16xi32>,
    %le3A_2198 = arith.constant 121 : i32
    %le3A_2199 = vector.broadcast %le3A_2198 : i32 to vector<16xi32>
    %le3A_2200 = arith.cmpi sle, %get3A_2159, %le3A_2199 : vector<16xi32>
    %jit3A_2201 = arith.constant 122 : i32
    %jit3A_2202 = arith.constant 121 : i32
    %broadcast_in_dim3A_2203 = vector.broadcast %jit3A_2201 : i32 to vector<16xi32>
    %broadcast_in_dim3A_2204 = vector.broadcast %jit3A_2202 : i32 to vector<16xi32>
    %select_n3A_2205 = arith.select %le3A_2200, %broadcast_in_dim3A_2203, %broadcast_in_dim3A_2204 : vector<16xi1>, vector<16xi32>
    %add3A_2206 = arith.addi %mul3A_2166, %select_n3A_2205 : vector<16xi32>
    %swap3A_2207 = arith.constant 1968 : index
    %swap3A_2208 = tpu.vector_load %arg6[%swap3A_2207] {strides = array<i32>} : memref<3072xi32, #tpu.memory_space<vmem>>, vector<16xi32>,
    %swap3A_2209 = vector.shape_cast %swap3A_2208 : vector<16xi32> to vector<16xi32>
    %swap3A_2210 = vector.shape_cast %add3A_2206 : vector<16xi32> to vector<16xi32>
    tpu.vector_store %arg6[%swap3A_2207], %swap3A_2210 {strides = array<i32>} : memref<3072xi32, #tpu.memory_space<vmem>>, vector<16xi32>,
    %le3A_2211 = arith.constant 753 : i32
    %le3A_2212 = vector.broadcast %le3A_2211 : i32 to vector<16xi32>
    %le3A_2213 = arith.cmpi sle, %get3A_2159, %le3A_2212 : vector<16xi32>
    %jit3A_2214 = arith.constant 754 : i32
    %jit3A_2215 = arith.constant 753 : i32
    %broadcast_in_dim3A_2216 = vector.broadcast %jit3A_2214 : i32 to vector<16xi32>
    %broadcast_in_dim3A_2217 = vector.broadcast %jit3A_2215 : i32 to vector<16xi32>
    %select_n3A_2218 = arith.select %le3A_2213, %broadcast_in_dim3A_2216, %broadcast_in_dim3A_2217 : vector<16xi1>, vector<16xi32>
    %add3A_2219 = arith.addi %mul3A_2166, %select_n3A_2218 : vector<16xi32>
    %swap3A_2220 = arith.constant 2480 : index
    %swap3A_2221 = tpu.vector_load %arg6[%swap3A_2220] {strides = array<i32>} : memref<3072xi32, #tpu.memory_space<vmem>>, vector<16xi32>,
    %swap3A_2222 = vector.shape_cast %swap3A_2221 : vector<16xi32> to vector<16xi32>
    %swap3A_2223 = vector.shape_cast %add3A_2219 : vector<16xi32> to vector<16xi32>
    tpu.vector_store %arg6[%swap3A_2220], %swap3A_2223 {strides = array<i32>} : memref<3072xi32, #tpu.memory_space<vmem>>, vector<16xi32>,
    %le3A_2224 = arith.constant 617 : i32
    %le3A_2225 = vector.broadcast %le3A_2224 : i32 to vector<16xi32>
    %le3A_2226 = arith.cmpi sle, %get3A_2159, %le3A_2225 : vector<16xi32>
    %jit3A_2227 = arith.constant 618 : i32
    %jit3A_2228 = arith.constant 617 : i32
    %broadcast_in_dim3A_2229 = vector.broadcast %jit3A_2227 : i32 to vector<16xi32>
    %broadcast_in_dim3A_2230 = vector.broadcast %jit3A_2228 : i32 to vector<16xi32>
    %select_n3A_2231 = arith.select %le3A_2226, %broadcast_in_dim3A_2229, %broadcast_in_dim3A_2230 : vector<16xi1>, vector<16xi32>
    %add3A_2232 = arith.addi %mul3A_2166, %select_n3A_2231 : vector<16xi32>
    %swap3A_2233 = arith.constant 2992 : index
    %swap3A_2234 = tpu.vector_load %arg6[%swap3A_2233] {strides = array<i32>} : memref<3072xi32, #tpu.memory_space<vmem>>, vector<16xi32>,
    %swap3A_2235 = vector.shape_cast %swap3A_2234 : vector<16xi32> to vector<16xi32>
    %swap3A_2236 = vector.shape_cast %add3A_2232 : vector<16xi32> to vector<16xi32>
    tpu.vector_store %arg6[%swap3A_2233], %swap3A_2236 {strides = array<i32>} : memref<3072xi32, #tpu.memory_space<vmem>>, vector<16xi32>,
    %get3A_2237 = arith.constant 448 : index
    %get3A_2238 = tpu.vector_load %arg5[%get3A_2237] {strides = array<i32>} : memref<512xi32, #tpu.memory_space<vmem>>, vector<16xi32>,
    %get3A_2239 = vector.shape_cast %get3A_2238 : vector<16xi32> to vector<16xi32>
    %add3A_2240 = arith.constant 448 : i32
    %add3A_2241 = arith.addi %mul3A_2, %add3A_2240 : i32
    %add3A_2242 = vector.broadcast %add3A_2241 : i32 to vector<16xi32>
    %add3A_2243 = arith.addi %add3A_2242, %iota3A : vector<16xi32>
    %mul3A_2244 = arith.constant 1000 : i32
    %mul3A_2245 = vector.broadcast %mul3A_2244 : i32 to vector<16xi32>
    %mul3A_2246 = arith.muli %add3A_2243, %mul3A_2245 : vector<16xi32>
    %add3A_2247 = arith.addi %mul3A_2246, %get3A_2239 : vector<16xi32>
    %swap3A_2248 = arith.constant 448 : index
    %swap3A_2249 = tpu.vector_load %arg6[%swap3A_2248] {strides = array<i32>} : memref<3072xi32, #tpu.memory_space<vmem>>, vector<16xi32>,
    %swap3A_2250 = vector.shape_cast %swap3A_2249 : vector<16xi32> to vector<16xi32>
    %swap3A_2251 = vector.shape_cast %add3A_2247 : vector<16xi32> to vector<16xi32>
    tpu.vector_store %arg6[%swap3A_2248], %swap3A_2251 {strides = array<i32>} : memref<3072xi32, #tpu.memory_space<vmem>>, vector<16xi32>,
    %le3A_2252 = arith.constant 955 : i32
    %le3A_2253 = vector.broadcast %le3A_2252 : i32 to vector<16xi32>
    %le3A_2254 = arith.cmpi sle, %get3A_2239, %le3A_2253 : vector<16xi32>
    %jit3A_2255 = arith.constant 956 : i32
    %jit3A_2256 = arith.constant 955 : i32
    %broadcast_in_dim3A_2257 = vector.broadcast %jit3A_2255 : i32 to vector<16xi32>
    %broadcast_in_dim3A_2258 = vector.broadcast %jit3A_2256 : i32 to vector<16xi32>
    %select_n3A_2259 = arith.select %le3A_2254, %broadcast_in_dim3A_2257, %broadcast_in_dim3A_2258 : vector<16xi1>, vector<16xi32>
    %add3A_2260 = arith.addi %mul3A_2246, %select_n3A_2259 : vector<16xi32>
    %swap3A_2261 = arith.constant 960 : index
    %swap3A_2262 = tpu.vector_load %arg6[%swap3A_2261] {strides = array<i32>} : memref<3072xi32, #tpu.memory_space<vmem>>, vector<16xi32>,
    %swap3A_2263 = vector.shape_cast %swap3A_2262 : vector<16xi32> to vector<16xi32>
    %swap3A_2264 = vector.shape_cast %add3A_2260 : vector<16xi32> to vector<16xi32>
    tpu.vector_store %arg6[%swap3A_2261], %swap3A_2264 {strides = array<i32>} : memref<3072xi32, #tpu.memory_space<vmem>>, vector<16xi32>,
    %le3A_2265 = arith.constant 914 : i32
    %le3A_2266 = vector.broadcast %le3A_2265 : i32 to vector<16xi32>
    %le3A_2267 = arith.cmpi sle, %get3A_2239, %le3A_2266 : vector<16xi32>
    %jit3A_2268 = arith.constant 915 : i32
    %jit3A_2269 = arith.constant 914 : i32
    %broadcast_in_dim3A_2270 = vector.broadcast %jit3A_2268 : i32 to vector<16xi32>
    %broadcast_in_dim3A_2271 = vector.broadcast %jit3A_2269 : i32 to vector<16xi32>
    %select_n3A_2272 = arith.select %le3A_2267, %broadcast_in_dim3A_2270, %broadcast_in_dim3A_2271 : vector<16xi1>, vector<16xi32>
    %add3A_2273 = arith.addi %mul3A_2246, %select_n3A_2272 : vector<16xi32>
    %swap3A_2274 = arith.constant 1472 : index
    %swap3A_2275 = tpu.vector_load %arg6[%swap3A_2274] {strides = array<i32>} : memref<3072xi32, #tpu.memory_space<vmem>>, vector<16xi32>,
    %swap3A_2276 = vector.shape_cast %swap3A_2275 : vector<16xi32> to vector<16xi32>
    %swap3A_2277 = vector.shape_cast %add3A_2273 : vector<16xi32> to vector<16xi32>
    tpu.vector_store %arg6[%swap3A_2274], %swap3A_2277 {strides = array<i32>} : memref<3072xi32, #tpu.memory_space<vmem>>, vector<16xi32>,
    %le3A_2278 = arith.constant 121 : i32
    %le3A_2279 = vector.broadcast %le3A_2278 : i32 to vector<16xi32>
    %le3A_2280 = arith.cmpi sle, %get3A_2239, %le3A_2279 : vector<16xi32>
    %jit3A_2281 = arith.constant 122 : i32
    %jit3A_2282 = arith.constant 121 : i32
    %broadcast_in_dim3A_2283 = vector.broadcast %jit3A_2281 : i32 to vector<16xi32>
    %broadcast_in_dim3A_2284 = vector.broadcast %jit3A_2282 : i32 to vector<16xi32>
    %select_n3A_2285 = arith.select %le3A_2280, %broadcast_in_dim3A_2283, %broadcast_in_dim3A_2284 : vector<16xi1>, vector<16xi32>
    %add3A_2286 = arith.addi %mul3A_2246, %select_n3A_2285 : vector<16xi32>
    %swap3A_2287 = arith.constant 1984 : index
    %swap3A_2288 = tpu.vector_load %arg6[%swap3A_2287] {strides = array<i32>} : memref<3072xi32, #tpu.memory_space<vmem>>, vector<16xi32>,
    %swap3A_2289 = vector.shape_cast %swap3A_2288 : vector<16xi32> to vector<16xi32>
    %swap3A_2290 = vector.shape_cast %add3A_2286 : vector<16xi32> to vector<16xi32>
    tpu.vector_store %arg6[%swap3A_2287], %swap3A_2290 {strides = array<i32>} : memref<3072xi32, #tpu.memory_space<vmem>>, vector<16xi32>,
    %le3A_2291 = arith.constant 753 : i32
    %le3A_2292 = vector.broadcast %le3A_2291 : i32 to vector<16xi32>
    %le3A_2293 = arith.cmpi sle, %get3A_2239, %le3A_2292 : vector<16xi32>
    %jit3A_2294 = arith.constant 754 : i32
    %jit3A_2295 = arith.constant 753 : i32
    %broadcast_in_dim3A_2296 = vector.broadcast %jit3A_2294 : i32 to vector<16xi32>
    %broadcast_in_dim3A_2297 = vector.broadcast %jit3A_2295 : i32 to vector<16xi32>
    %select_n3A_2298 = arith.select %le3A_2293, %broadcast_in_dim3A_2296, %broadcast_in_dim3A_2297 : vector<16xi1>, vector<16xi32>
    %add3A_2299 = arith.addi %mul3A_2246, %select_n3A_2298 : vector<16xi32>
    %swap3A_2300 = arith.constant 2496 : index
    %swap3A_2301 = tpu.vector_load %arg6[%swap3A_2300] {strides = array<i32>} : memref<3072xi32, #tpu.memory_space<vmem>>, vector<16xi32>,
    %swap3A_2302 = vector.shape_cast %swap3A_2301 : vector<16xi32> to vector<16xi32>
    %swap3A_2303 = vector.shape_cast %add3A_2299 : vector<16xi32> to vector<16xi32>
    tpu.vector_store %arg6[%swap3A_2300], %swap3A_2303 {strides = array<i32>} : memref<3072xi32, #tpu.memory_space<vmem>>, vector<16xi32>,
    %le3A_2304 = arith.constant 617 : i32
    %le3A_2305 = vector.broadcast %le3A_2304 : i32 to vector<16xi32>
    %le3A_2306 = arith.cmpi sle, %get3A_2239, %le3A_2305 : vector<16xi32>
    %jit3A_2307 = arith.constant 618 : i32
    %jit3A_2308 = arith.constant 617 : i32
    %broadcast_in_dim3A_2309 = vector.broadcast %jit3A_2307 : i32 to vector<16xi32>
    %broadcast_in_dim3A_2310 = vector.broadcast %jit3A_2308 : i32 to vector<16xi32>
    %select_n3A_2311 = arith.select %le3A_2306, %broadcast_in_dim3A_2309, %broadcast_in_dim3A_2310 : vector<16xi1>, vector<16xi32>
    %add3A_2312 = arith.addi %mul3A_2246, %select_n3A_2311 : vector<16xi32>
    %swap3A_2313 = arith.constant 3008 : index
    %swap3A_2314 = tpu.vector_load %arg6[%swap3A_2313] {strides = array<i32>} : memref<3072xi32, #tpu.memory_space<vmem>>, vector<16xi32>,
    %swap3A_2315 = vector.shape_cast %swap3A_2314 : vector<16xi32> to vector<16xi32>
    %swap3A_2316 = vector.shape_cast %add3A_2312 : vector<16xi32> to vector<16xi32>
    tpu.vector_store %arg6[%swap3A_2313], %swap3A_2316 {strides = array<i32>} : memref<3072xi32, #tpu.memory_space<vmem>>, vector<16xi32>,
    %get3A_2317 = arith.constant 464 : index
    %get3A_2318 = tpu.vector_load %arg5[%get3A_2317] {strides = array<i32>} : memref<512xi32, #tpu.memory_space<vmem>>, vector<16xi32>,
    %get3A_2319 = vector.shape_cast %get3A_2318 : vector<16xi32> to vector<16xi32>
    %add3A_2320 = arith.constant 464 : i32
    %add3A_2321 = arith.addi %mul3A_2, %add3A_2320 : i32
    %add3A_2322 = vector.broadcast %add3A_2321 : i32 to vector<16xi32>
    %add3A_2323 = arith.addi %add3A_2322, %iota3A : vector<16xi32>
    %mul3A_2324 = arith.constant 1000 : i32
    %mul3A_2325 = vector.broadcast %mul3A_2324 : i32 to vector<16xi32>
    %mul3A_2326 = arith.muli %add3A_2323, %mul3A_2325 : vector<16xi32>
    %add3A_2327 = arith.addi %mul3A_2326, %get3A_2319 : vector<16xi32>
    %swap3A_2328 = arith.constant 464 : index
    %swap3A_2329 = tpu.vector_load %arg6[%swap3A_2328] {strides = array<i32>} : memref<3072xi32, #tpu.memory_space<vmem>>, vector<16xi32>,
    %swap3A_2330 = vector.shape_cast %swap3A_2329 : vector<16xi32> to vector<16xi32>
    %swap3A_2331 = vector.shape_cast %add3A_2327 : vector<16xi32> to vector<16xi32>
    tpu.vector_store %arg6[%swap3A_2328], %swap3A_2331 {strides = array<i32>} : memref<3072xi32, #tpu.memory_space<vmem>>, vector<16xi32>,
    %le3A_2332 = arith.constant 955 : i32
    %le3A_2333 = vector.broadcast %le3A_2332 : i32 to vector<16xi32>
    %le3A_2334 = arith.cmpi sle, %get3A_2319, %le3A_2333 : vector<16xi32>
    %jit3A_2335 = arith.constant 956 : i32
    %jit3A_2336 = arith.constant 955 : i32
    %broadcast_in_dim3A_2337 = vector.broadcast %jit3A_2335 : i32 to vector<16xi32>
    %broadcast_in_dim3A_2338 = vector.broadcast %jit3A_2336 : i32 to vector<16xi32>
    %select_n3A_2339 = arith.select %le3A_2334, %broadcast_in_dim3A_2337, %broadcast_in_dim3A_2338 : vector<16xi1>, vector<16xi32>
    %add3A_2340 = arith.addi %mul3A_2326, %select_n3A_2339 : vector<16xi32>
    %swap3A_2341 = arith.constant 976 : index
    %swap3A_2342 = tpu.vector_load %arg6[%swap3A_2341] {strides = array<i32>} : memref<3072xi32, #tpu.memory_space<vmem>>, vector<16xi32>,
    %swap3A_2343 = vector.shape_cast %swap3A_2342 : vector<16xi32> to vector<16xi32>
    %swap3A_2344 = vector.shape_cast %add3A_2340 : vector<16xi32> to vector<16xi32>
    tpu.vector_store %arg6[%swap3A_2341], %swap3A_2344 {strides = array<i32>} : memref<3072xi32, #tpu.memory_space<vmem>>, vector<16xi32>,
    %le3A_2345 = arith.constant 914 : i32
    %le3A_2346 = vector.broadcast %le3A_2345 : i32 to vector<16xi32>
    %le3A_2347 = arith.cmpi sle, %get3A_2319, %le3A_2346 : vector<16xi32>
    %jit3A_2348 = arith.constant 915 : i32
    %jit3A_2349 = arith.constant 914 : i32
    %broadcast_in_dim3A_2350 = vector.broadcast %jit3A_2348 : i32 to vector<16xi32>
    %broadcast_in_dim3A_2351 = vector.broadcast %jit3A_2349 : i32 to vector<16xi32>
    %select_n3A_2352 = arith.select %le3A_2347, %broadcast_in_dim3A_2350, %broadcast_in_dim3A_2351 : vector<16xi1>, vector<16xi32>
    %add3A_2353 = arith.addi %mul3A_2326, %select_n3A_2352 : vector<16xi32>
    %swap3A_2354 = arith.constant 1488 : index
    %swap3A_2355 = tpu.vector_load %arg6[%swap3A_2354] {strides = array<i32>} : memref<3072xi32, #tpu.memory_space<vmem>>, vector<16xi32>,
    %swap3A_2356 = vector.shape_cast %swap3A_2355 : vector<16xi32> to vector<16xi32>
    %swap3A_2357 = vector.shape_cast %add3A_2353 : vector<16xi32> to vector<16xi32>
    tpu.vector_store %arg6[%swap3A_2354], %swap3A_2357 {strides = array<i32>} : memref<3072xi32, #tpu.memory_space<vmem>>, vector<16xi32>,
    %le3A_2358 = arith.constant 121 : i32
    %le3A_2359 = vector.broadcast %le3A_2358 : i32 to vector<16xi32>
    %le3A_2360 = arith.cmpi sle, %get3A_2319, %le3A_2359 : vector<16xi32>
    %jit3A_2361 = arith.constant 122 : i32
    %jit3A_2362 = arith.constant 121 : i32
    %broadcast_in_dim3A_2363 = vector.broadcast %jit3A_2361 : i32 to vector<16xi32>
    %broadcast_in_dim3A_2364 = vector.broadcast %jit3A_2362 : i32 to vector<16xi32>
    %select_n3A_2365 = arith.select %le3A_2360, %broadcast_in_dim3A_2363, %broadcast_in_dim3A_2364 : vector<16xi1>, vector<16xi32>
    %add3A_2366 = arith.addi %mul3A_2326, %select_n3A_2365 : vector<16xi32>
    %swap3A_2367 = arith.constant 2000 : index
    %swap3A_2368 = tpu.vector_load %arg6[%swap3A_2367] {strides = array<i32>} : memref<3072xi32, #tpu.memory_space<vmem>>, vector<16xi32>,
    %swap3A_2369 = vector.shape_cast %swap3A_2368 : vector<16xi32> to vector<16xi32>
    %swap3A_2370 = vector.shape_cast %add3A_2366 : vector<16xi32> to vector<16xi32>
    tpu.vector_store %arg6[%swap3A_2367], %swap3A_2370 {strides = array<i32>} : memref<3072xi32, #tpu.memory_space<vmem>>, vector<16xi32>,
    %le3A_2371 = arith.constant 753 : i32
    %le3A_2372 = vector.broadcast %le3A_2371 : i32 to vector<16xi32>
    %le3A_2373 = arith.cmpi sle, %get3A_2319, %le3A_2372 : vector<16xi32>
    %jit3A_2374 = arith.constant 754 : i32
    %jit3A_2375 = arith.constant 753 : i32
    %broadcast_in_dim3A_2376 = vector.broadcast %jit3A_2374 : i32 to vector<16xi32>
    %broadcast_in_dim3A_2377 = vector.broadcast %jit3A_2375 : i32 to vector<16xi32>
    %select_n3A_2378 = arith.select %le3A_2373, %broadcast_in_dim3A_2376, %broadcast_in_dim3A_2377 : vector<16xi1>, vector<16xi32>
    %add3A_2379 = arith.addi %mul3A_2326, %select_n3A_2378 : vector<16xi32>
    %swap3A_2380 = arith.constant 2512 : index
    %swap3A_2381 = tpu.vector_load %arg6[%swap3A_2380] {strides = array<i32>} : memref<3072xi32, #tpu.memory_space<vmem>>, vector<16xi32>,
    %swap3A_2382 = vector.shape_cast %swap3A_2381 : vector<16xi32> to vector<16xi32>
    %swap3A_2383 = vector.shape_cast %add3A_2379 : vector<16xi32> to vector<16xi32>
    tpu.vector_store %arg6[%swap3A_2380], %swap3A_2383 {strides = array<i32>} : memref<3072xi32, #tpu.memory_space<vmem>>, vector<16xi32>,
    %le3A_2384 = arith.constant 617 : i32
    %le3A_2385 = vector.broadcast %le3A_2384 : i32 to vector<16xi32>
    %le3A_2386 = arith.cmpi sle, %get3A_2319, %le3A_2385 : vector<16xi32>
    %jit3A_2387 = arith.constant 618 : i32
    %jit3A_2388 = arith.constant 617 : i32
    %broadcast_in_dim3A_2389 = vector.broadcast %jit3A_2387 : i32 to vector<16xi32>
    %broadcast_in_dim3A_2390 = vector.broadcast %jit3A_2388 : i32 to vector<16xi32>
    %select_n3A_2391 = arith.select %le3A_2386, %broadcast_in_dim3A_2389, %broadcast_in_dim3A_2390 : vector<16xi1>, vector<16xi32>
    %add3A_2392 = arith.addi %mul3A_2326, %select_n3A_2391 : vector<16xi32>
    %swap3A_2393 = arith.constant 3024 : index
    %swap3A_2394 = tpu.vector_load %arg6[%swap3A_2393] {strides = array<i32>} : memref<3072xi32, #tpu.memory_space<vmem>>, vector<16xi32>,
    %swap3A_2395 = vector.shape_cast %swap3A_2394 : vector<16xi32> to vector<16xi32>
    %swap3A_2396 = vector.shape_cast %add3A_2392 : vector<16xi32> to vector<16xi32>
    tpu.vector_store %arg6[%swap3A_2393], %swap3A_2396 {strides = array<i32>} : memref<3072xi32, #tpu.memory_space<vmem>>, vector<16xi32>,
    %get3A_2397 = arith.constant 480 : index
    %get3A_2398 = tpu.vector_load %arg5[%get3A_2397] {strides = array<i32>} : memref<512xi32, #tpu.memory_space<vmem>>, vector<16xi32>,
    %get3A_2399 = vector.shape_cast %get3A_2398 : vector<16xi32> to vector<16xi32>
    %add3A_2400 = arith.constant 480 : i32
    %add3A_2401 = arith.addi %mul3A_2, %add3A_2400 : i32
    %add3A_2402 = vector.broadcast %add3A_2401 : i32 to vector<16xi32>
    %add3A_2403 = arith.addi %add3A_2402, %iota3A : vector<16xi32>
    %mul3A_2404 = arith.constant 1000 : i32
    %mul3A_2405 = vector.broadcast %mul3A_2404 : i32 to vector<16xi32>
    %mul3A_2406 = arith.muli %add3A_2403, %mul3A_2405 : vector<16xi32>
    %add3A_2407 = arith.addi %mul3A_2406, %get3A_2399 : vector<16xi32>
    %swap3A_2408 = arith.constant 480 : index
    %swap3A_2409 = tpu.vector_load %arg6[%swap3A_2408] {strides = array<i32>} : memref<3072xi32, #tpu.memory_space<vmem>>, vector<16xi32>,
    %swap3A_2410 = vector.shape_cast %swap3A_2409 : vector<16xi32> to vector<16xi32>
    %swap3A_2411 = vector.shape_cast %add3A_2407 : vector<16xi32> to vector<16xi32>
    tpu.vector_store %arg6[%swap3A_2408], %swap3A_2411 {strides = array<i32>} : memref<3072xi32, #tpu.memory_space<vmem>>, vector<16xi32>,
    %le3A_2412 = arith.constant 955 : i32
    %le3A_2413 = vector.broadcast %le3A_2412 : i32 to vector<16xi32>
    %le3A_2414 = arith.cmpi sle, %get3A_2399, %le3A_2413 : vector<16xi32>
    %jit3A_2415 = arith.constant 956 : i32
    %jit3A_2416 = arith.constant 955 : i32
    %broadcast_in_dim3A_2417 = vector.broadcast %jit3A_2415 : i32 to vector<16xi32>
    %broadcast_in_dim3A_2418 = vector.broadcast %jit3A_2416 : i32 to vector<16xi32>
    %select_n3A_2419 = arith.select %le3A_2414, %broadcast_in_dim3A_2417, %broadcast_in_dim3A_2418 : vector<16xi1>, vector<16xi32>
    %add3A_2420 = arith.addi %mul3A_2406, %select_n3A_2419 : vector<16xi32>
    %swap3A_2421 = arith.constant 992 : index
    %swap3A_2422 = tpu.vector_load %arg6[%swap3A_2421] {strides = array<i32>} : memref<3072xi32, #tpu.memory_space<vmem>>, vector<16xi32>,
    %swap3A_2423 = vector.shape_cast %swap3A_2422 : vector<16xi32> to vector<16xi32>
    %swap3A_2424 = vector.shape_cast %add3A_2420 : vector<16xi32> to vector<16xi32>
    tpu.vector_store %arg6[%swap3A_2421], %swap3A_2424 {strides = array<i32>} : memref<3072xi32, #tpu.memory_space<vmem>>, vector<16xi32>,
    %le3A_2425 = arith.constant 914 : i32
    %le3A_2426 = vector.broadcast %le3A_2425 : i32 to vector<16xi32>
    %le3A_2427 = arith.cmpi sle, %get3A_2399, %le3A_2426 : vector<16xi32>
    %jit3A_2428 = arith.constant 915 : i32
    %jit3A_2429 = arith.constant 914 : i32
    %broadcast_in_dim3A_2430 = vector.broadcast %jit3A_2428 : i32 to vector<16xi32>
    %broadcast_in_dim3A_2431 = vector.broadcast %jit3A_2429 : i32 to vector<16xi32>
    %select_n3A_2432 = arith.select %le3A_2427, %broadcast_in_dim3A_2430, %broadcast_in_dim3A_2431 : vector<16xi1>, vector<16xi32>
    %add3A_2433 = arith.addi %mul3A_2406, %select_n3A_2432 : vector<16xi32>
    %swap3A_2434 = arith.constant 1504 : index
    %swap3A_2435 = tpu.vector_load %arg6[%swap3A_2434] {strides = array<i32>} : memref<3072xi32, #tpu.memory_space<vmem>>, vector<16xi32>,
    %swap3A_2436 = vector.shape_cast %swap3A_2435 : vector<16xi32> to vector<16xi32>
    %swap3A_2437 = vector.shape_cast %add3A_2433 : vector<16xi32> to vector<16xi32>
    tpu.vector_store %arg6[%swap3A_2434], %swap3A_2437 {strides = array<i32>} : memref<3072xi32, #tpu.memory_space<vmem>>, vector<16xi32>,
    %le3A_2438 = arith.constant 121 : i32
    %le3A_2439 = vector.broadcast %le3A_2438 : i32 to vector<16xi32>
    %le3A_2440 = arith.cmpi sle, %get3A_2399, %le3A_2439 : vector<16xi32>
    %jit3A_2441 = arith.constant 122 : i32
    %jit3A_2442 = arith.constant 121 : i32
    %broadcast_in_dim3A_2443 = vector.broadcast %jit3A_2441 : i32 to vector<16xi32>
    %broadcast_in_dim3A_2444 = vector.broadcast %jit3A_2442 : i32 to vector<16xi32>
    %select_n3A_2445 = arith.select %le3A_2440, %broadcast_in_dim3A_2443, %broadcast_in_dim3A_2444 : vector<16xi1>, vector<16xi32>
    %add3A_2446 = arith.addi %mul3A_2406, %select_n3A_2445 : vector<16xi32>
    %swap3A_2447 = arith.constant 2016 : index
    %swap3A_2448 = tpu.vector_load %arg6[%swap3A_2447] {strides = array<i32>} : memref<3072xi32, #tpu.memory_space<vmem>>, vector<16xi32>,
    %swap3A_2449 = vector.shape_cast %swap3A_2448 : vector<16xi32> to vector<16xi32>
    %swap3A_2450 = vector.shape_cast %add3A_2446 : vector<16xi32> to vector<16xi32>
    tpu.vector_store %arg6[%swap3A_2447], %swap3A_2450 {strides = array<i32>} : memref<3072xi32, #tpu.memory_space<vmem>>, vector<16xi32>,
    %le3A_2451 = arith.constant 753 : i32
    %le3A_2452 = vector.broadcast %le3A_2451 : i32 to vector<16xi32>
    %le3A_2453 = arith.cmpi sle, %get3A_2399, %le3A_2452 : vector<16xi32>
    %jit3A_2454 = arith.constant 754 : i32
    %jit3A_2455 = arith.constant 753 : i32
    %broadcast_in_dim3A_2456 = vector.broadcast %jit3A_2454 : i32 to vector<16xi32>
    %broadcast_in_dim3A_2457 = vector.broadcast %jit3A_2455 : i32 to vector<16xi32>
    %select_n3A_2458 = arith.select %le3A_2453, %broadcast_in_dim3A_2456, %broadcast_in_dim3A_2457 : vector<16xi1>, vector<16xi32>
    %add3A_2459 = arith.addi %mul3A_2406, %select_n3A_2458 : vector<16xi32>
    %swap3A_2460 = arith.constant 2528 : index
    %swap3A_2461 = tpu.vector_load %arg6[%swap3A_2460] {strides = array<i32>} : memref<3072xi32, #tpu.memory_space<vmem>>, vector<16xi32>,
    %swap3A_2462 = vector.shape_cast %swap3A_2461 : vector<16xi32> to vector<16xi32>
    %swap3A_2463 = vector.shape_cast %add3A_2459 : vector<16xi32> to vector<16xi32>
    tpu.vector_store %arg6[%swap3A_2460], %swap3A_2463 {strides = array<i32>} : memref<3072xi32, #tpu.memory_space<vmem>>, vector<16xi32>,
    %le3A_2464 = arith.constant 617 : i32
    %le3A_2465 = vector.broadcast %le3A_2464 : i32 to vector<16xi32>
    %le3A_2466 = arith.cmpi sle, %get3A_2399, %le3A_2465 : vector<16xi32>
    %jit3A_2467 = arith.constant 618 : i32
    %jit3A_2468 = arith.constant 617 : i32
    %broadcast_in_dim3A_2469 = vector.broadcast %jit3A_2467 : i32 to vector<16xi32>
    %broadcast_in_dim3A_2470 = vector.broadcast %jit3A_2468 : i32 to vector<16xi32>
    %select_n3A_2471 = arith.select %le3A_2466, %broadcast_in_dim3A_2469, %broadcast_in_dim3A_2470 : vector<16xi1>, vector<16xi32>
    %add3A_2472 = arith.addi %mul3A_2406, %select_n3A_2471 : vector<16xi32>
    %swap3A_2473 = arith.constant 3040 : index
    %swap3A_2474 = tpu.vector_load %arg6[%swap3A_2473] {strides = array<i32>} : memref<3072xi32, #tpu.memory_space<vmem>>, vector<16xi32>,
    %swap3A_2475 = vector.shape_cast %swap3A_2474 : vector<16xi32> to vector<16xi32>
    %swap3A_2476 = vector.shape_cast %add3A_2472 : vector<16xi32> to vector<16xi32>
    tpu.vector_store %arg6[%swap3A_2473], %swap3A_2476 {strides = array<i32>} : memref<3072xi32, #tpu.memory_space<vmem>>, vector<16xi32>,
    %get3A_2477 = arith.constant 496 : index
    %get3A_2478 = tpu.vector_load %arg5[%get3A_2477] {strides = array<i32>} : memref<512xi32, #tpu.memory_space<vmem>>, vector<16xi32>,
    %get3A_2479 = vector.shape_cast %get3A_2478 : vector<16xi32> to vector<16xi32>
    %add3A_2480 = arith.constant 496 : i32
    %add3A_2481 = arith.addi %mul3A_2, %add3A_2480 : i32
    %add3A_2482 = vector.broadcast %add3A_2481 : i32 to vector<16xi32>
    %add3A_2483 = arith.addi %add3A_2482, %iota3A : vector<16xi32>
    %mul3A_2484 = arith.constant 1000 : i32
    %mul3A_2485 = vector.broadcast %mul3A_2484 : i32 to vector<16xi32>
    %mul3A_2486 = arith.muli %add3A_2483, %mul3A_2485 : vector<16xi32>
    %add3A_2487 = arith.addi %mul3A_2486, %get3A_2479 : vector<16xi32>
    %swap3A_2488 = arith.constant 496 : index
    %swap3A_2489 = tpu.vector_load %arg6[%swap3A_2488] {strides = array<i32>} : memref<3072xi32, #tpu.memory_space<vmem>>, vector<16xi32>,
    %swap3A_2490 = vector.shape_cast %swap3A_2489 : vector<16xi32> to vector<16xi32>
    %swap3A_2491 = vector.shape_cast %add3A_2487 : vector<16xi32> to vector<16xi32>
    tpu.vector_store %arg6[%swap3A_2488], %swap3A_2491 {strides = array<i32>} : memref<3072xi32, #tpu.memory_space<vmem>>, vector<16xi32>,
    %le3A_2492 = arith.constant 955 : i32
    %le3A_2493 = vector.broadcast %le3A_2492 : i32 to vector<16xi32>
    %le3A_2494 = arith.cmpi sle, %get3A_2479, %le3A_2493 : vector<16xi32>
    %jit3A_2495 = arith.constant 956 : i32
    %jit3A_2496 = arith.constant 955 : i32
    %broadcast_in_dim3A_2497 = vector.broadcast %jit3A_2495 : i32 to vector<16xi32>
    %broadcast_in_dim3A_2498 = vector.broadcast %jit3A_2496 : i32 to vector<16xi32>
    %select_n3A_2499 = arith.select %le3A_2494, %broadcast_in_dim3A_2497, %broadcast_in_dim3A_2498 : vector<16xi1>, vector<16xi32>
    %add3A_2500 = arith.addi %mul3A_2486, %select_n3A_2499 : vector<16xi32>
    %swap3A_2501 = arith.constant 1008 : index
    %swap3A_2502 = tpu.vector_load %arg6[%swap3A_2501] {strides = array<i32>} : memref<3072xi32, #tpu.memory_space<vmem>>, vector<16xi32>,
    %swap3A_2503 = vector.shape_cast %swap3A_2502 : vector<16xi32> to vector<16xi32>
    %swap3A_2504 = vector.shape_cast %add3A_2500 : vector<16xi32> to vector<16xi32>
    tpu.vector_store %arg6[%swap3A_2501], %swap3A_2504 {strides = array<i32>} : memref<3072xi32, #tpu.memory_space<vmem>>, vector<16xi32>,
    %le3A_2505 = arith.constant 914 : i32
    %le3A_2506 = vector.broadcast %le3A_2505 : i32 to vector<16xi32>
    %le3A_2507 = arith.cmpi sle, %get3A_2479, %le3A_2506 : vector<16xi32>
    %jit3A_2508 = arith.constant 915 : i32
    %jit3A_2509 = arith.constant 914 : i32
    %broadcast_in_dim3A_2510 = vector.broadcast %jit3A_2508 : i32 to vector<16xi32>
    %broadcast_in_dim3A_2511 = vector.broadcast %jit3A_2509 : i32 to vector<16xi32>
    %select_n3A_2512 = arith.select %le3A_2507, %broadcast_in_dim3A_2510, %broadcast_in_dim3A_2511 : vector<16xi1>, vector<16xi32>
    %add3A_2513 = arith.addi %mul3A_2486, %select_n3A_2512 : vector<16xi32>
    %swap3A_2514 = arith.constant 1520 : index
    %swap3A_2515 = tpu.vector_load %arg6[%swap3A_2514] {strides = array<i32>} : memref<3072xi32, #tpu.memory_space<vmem>>, vector<16xi32>,
    %swap3A_2516 = vector.shape_cast %swap3A_2515 : vector<16xi32> to vector<16xi32>
    %swap3A_2517 = vector.shape_cast %add3A_2513 : vector<16xi32> to vector<16xi32>
    tpu.vector_store %arg6[%swap3A_2514], %swap3A_2517 {strides = array<i32>} : memref<3072xi32, #tpu.memory_space<vmem>>, vector<16xi32>,
    %le3A_2518 = arith.constant 121 : i32
    %le3A_2519 = vector.broadcast %le3A_2518 : i32 to vector<16xi32>
    %le3A_2520 = arith.cmpi sle, %get3A_2479, %le3A_2519 : vector<16xi32>
    %jit3A_2521 = arith.constant 122 : i32
    %jit3A_2522 = arith.constant 121 : i32
    %broadcast_in_dim3A_2523 = vector.broadcast %jit3A_2521 : i32 to vector<16xi32>
    %broadcast_in_dim3A_2524 = vector.broadcast %jit3A_2522 : i32 to vector<16xi32>
    %select_n3A_2525 = arith.select %le3A_2520, %broadcast_in_dim3A_2523, %broadcast_in_dim3A_2524 : vector<16xi1>, vector<16xi32>
    %add3A_2526 = arith.addi %mul3A_2486, %select_n3A_2525 : vector<16xi32>
    %swap3A_2527 = arith.constant 2032 : index
    %swap3A_2528 = tpu.vector_load %arg6[%swap3A_2527] {strides = array<i32>} : memref<3072xi32, #tpu.memory_space<vmem>>, vector<16xi32>,
    %swap3A_2529 = vector.shape_cast %swap3A_2528 : vector<16xi32> to vector<16xi32>
    %swap3A_2530 = vector.shape_cast %add3A_2526 : vector<16xi32> to vector<16xi32>
    tpu.vector_store %arg6[%swap3A_2527], %swap3A_2530 {strides = array<i32>} : memref<3072xi32, #tpu.memory_space<vmem>>, vector<16xi32>,
    %le3A_2531 = arith.constant 753 : i32
    %le3A_2532 = vector.broadcast %le3A_2531 : i32 to vector<16xi32>
    %le3A_2533 = arith.cmpi sle, %get3A_2479, %le3A_2532 : vector<16xi32>
    %jit3A_2534 = arith.constant 754 : i32
    %jit3A_2535 = arith.constant 753 : i32
    %broadcast_in_dim3A_2536 = vector.broadcast %jit3A_2534 : i32 to vector<16xi32>
    %broadcast_in_dim3A_2537 = vector.broadcast %jit3A_2535 : i32 to vector<16xi32>
    %select_n3A_2538 = arith.select %le3A_2533, %broadcast_in_dim3A_2536, %broadcast_in_dim3A_2537 : vector<16xi1>, vector<16xi32>
    %add3A_2539 = arith.addi %mul3A_2486, %select_n3A_2538 : vector<16xi32>
    %swap3A_2540 = arith.constant 2544 : index
    %swap3A_2541 = tpu.vector_load %arg6[%swap3A_2540] {strides = array<i32>} : memref<3072xi32, #tpu.memory_space<vmem>>, vector<16xi32>,
    %swap3A_2542 = vector.shape_cast %swap3A_2541 : vector<16xi32> to vector<16xi32>
    %swap3A_2543 = vector.shape_cast %add3A_2539 : vector<16xi32> to vector<16xi32>
    tpu.vector_store %arg6[%swap3A_2540], %swap3A_2543 {strides = array<i32>} : memref<3072xi32, #tpu.memory_space<vmem>>, vector<16xi32>,
    %le3A_2544 = arith.constant 617 : i32
    %le3A_2545 = vector.broadcast %le3A_2544 : i32 to vector<16xi32>
    %le3A_2546 = arith.cmpi sle, %get3A_2479, %le3A_2545 : vector<16xi32>
    %jit3A_2547 = arith.constant 618 : i32
    %jit3A_2548 = arith.constant 617 : i32
    %broadcast_in_dim3A_2549 = vector.broadcast %jit3A_2547 : i32 to vector<16xi32>
    %broadcast_in_dim3A_2550 = vector.broadcast %jit3A_2548 : i32 to vector<16xi32>
    %select_n3A_2551 = arith.select %le3A_2546, %broadcast_in_dim3A_2549, %broadcast_in_dim3A_2550 : vector<16xi1>, vector<16xi32>
    %add3A_2552 = arith.addi %mul3A_2486, %select_n3A_2551 : vector<16xi32>
    %swap3A_2553 = arith.constant 3056 : index
    %swap3A_2554 = tpu.vector_load %arg6[%swap3A_2553] {strides = array<i32>} : memref<3072xi32, #tpu.memory_space<vmem>>, vector<16xi32>,
    %swap3A_2555 = vector.shape_cast %swap3A_2554 : vector<16xi32> to vector<16xi32>
    %swap3A_2556 = vector.shape_cast %add3A_2552 : vector<16xi32> to vector<16xi32>
    tpu.vector_store %arg6[%swap3A_2553], %swap3A_2556 {strides = array<i32>} : memref<3072xi32, #tpu.memory_space<vmem>>, vector<16xi32>,
    %dma_start3A = arith.constant 0 : i32
    %dma_start3A_2557 = tpu.memref_slice %arg7[%dma_start3A] : memref<3072xf32, #tpu.memory_space<vmem>> -> memref<128xf32, #tpu.memory_space<vmem>>
    %dma_start3A_2558 = arith.constant 0 : i32
    %dma_start3A_2559 = tpu.memref_slice %arg6[%dma_start3A_2558] : memref<3072xi32, #tpu.memory_space<vmem>> -> memref<128xi32, #tpu.memory_space<vmem>>
    %dma_start3A_2560 = arith.constant 0 : i32
    %dma_start3A_2561 = tpu.memref_slice %arg2[%dma_start3A_2560] : memref<16384000xf32, #tpu.memory_space<hbm>> -> memref<16384000xf32, #tpu.memory_space<hbm>>
    tpu.enqueue_indirect_dma source(%dma_start3A_2561 : memref<16384000xf32, #tpu.memory_space<hbm>>) target(%dma_start3A_2557 : memref<128xf32, #tpu.memory_space<vmem>>) offsets(%dma_start3A_2559 : memref<128xi32, #tpu.memory_space<vmem>>) semaphore(%arg8 : memref<!tpu.dma_semaphore, #tpu.memory_space<semaphore_mem>>)
    %dma_start3A_2562 = arith.constant 128 : i32
    %dma_start3A_2563 = tpu.memref_slice %arg7[%dma_start3A_2562] : memref<3072xf32, #tpu.memory_space<vmem>> -> memref<128xf32, #tpu.memory_space<vmem>>
    %dma_start3A_2564 = arith.constant 128 : i32
    %dma_start3A_2565 = tpu.memref_slice %arg6[%dma_start3A_2564] : memref<3072xi32, #tpu.memory_space<vmem>> -> memref<128xi32, #tpu.memory_space<vmem>>
    %dma_start3A_2566 = arith.constant 0 : i32
    %dma_start3A_2567 = tpu.memref_slice %arg2[%dma_start3A_2566] : memref<16384000xf32, #tpu.memory_space<hbm>> -> memref<16384000xf32, #tpu.memory_space<hbm>>
    tpu.enqueue_indirect_dma source(%dma_start3A_2567 : memref<16384000xf32, #tpu.memory_space<hbm>>) target(%dma_start3A_2563 : memref<128xf32, #tpu.memory_space<vmem>>) offsets(%dma_start3A_2565 : memref<128xi32, #tpu.memory_space<vmem>>) semaphore(%arg8 : memref<!tpu.dma_semaphore, #tpu.memory_space<semaphore_mem>>)
    %dma_start3A_2568 = arith.constant 256 : i32
    %dma_start3A_2569 = tpu.memref_slice %arg7[%dma_start3A_2568] : memref<3072xf32, #tpu.memory_space<vmem>> -> memref<128xf32, #tpu.memory_space<vmem>>
    %dma_start3A_2570 = arith.constant 256 : i32
    %dma_start3A_2571 = tpu.memref_slice %arg6[%dma_start3A_2570] : memref<3072xi32, #tpu.memory_space<vmem>> -> memref<128xi32, #tpu.memory_space<vmem>>
    %dma_start3A_2572 = arith.constant 0 : i32
    %dma_start3A_2573 = tpu.memref_slice %arg2[%dma_start3A_2572] : memref<16384000xf32, #tpu.memory_space<hbm>> -> memref<16384000xf32, #tpu.memory_space<hbm>>
    tpu.enqueue_indirect_dma source(%dma_start3A_2573 : memref<16384000xf32, #tpu.memory_space<hbm>>) target(%dma_start3A_2569 : memref<128xf32, #tpu.memory_space<vmem>>) offsets(%dma_start3A_2571 : memref<128xi32, #tpu.memory_space<vmem>>) semaphore(%arg8 : memref<!tpu.dma_semaphore, #tpu.memory_space<semaphore_mem>>)
    %dma_start3A_2574 = arith.constant 384 : i32
    %dma_start3A_2575 = tpu.memref_slice %arg7[%dma_start3A_2574] : memref<3072xf32, #tpu.memory_space<vmem>> -> memref<128xf32, #tpu.memory_space<vmem>>
    %dma_start3A_2576 = arith.constant 384 : i32
    %dma_start3A_2577 = tpu.memref_slice %arg6[%dma_start3A_2576] : memref<3072xi32, #tpu.memory_space<vmem>> -> memref<128xi32, #tpu.memory_space<vmem>>
    %dma_start3A_2578 = arith.constant 0 : i32
    %dma_start3A_2579 = tpu.memref_slice %arg2[%dma_start3A_2578] : memref<16384000xf32, #tpu.memory_space<hbm>> -> memref<16384000xf32, #tpu.memory_space<hbm>>
    tpu.enqueue_indirect_dma source(%dma_start3A_2579 : memref<16384000xf32, #tpu.memory_space<hbm>>) target(%dma_start3A_2575 : memref<128xf32, #tpu.memory_space<vmem>>) offsets(%dma_start3A_2577 : memref<128xi32, #tpu.memory_space<vmem>>) semaphore(%arg8 : memref<!tpu.dma_semaphore, #tpu.memory_space<semaphore_mem>>)
    %dma_start3A_2580 = arith.constant 512 : i32
    %dma_start3A_2581 = tpu.memref_slice %arg7[%dma_start3A_2580] : memref<3072xf32, #tpu.memory_space<vmem>> -> memref<128xf32, #tpu.memory_space<vmem>>
    %dma_start3A_2582 = arith.constant 512 : i32
    %dma_start3A_2583 = tpu.memref_slice %arg6[%dma_start3A_2582] : memref<3072xi32, #tpu.memory_space<vmem>> -> memref<128xi32, #tpu.memory_space<vmem>>
    %dma_start3A_2584 = arith.constant 0 : i32
    %dma_start3A_2585 = tpu.memref_slice %arg2[%dma_start3A_2584] : memref<16384000xf32, #tpu.memory_space<hbm>> -> memref<16384000xf32, #tpu.memory_space<hbm>>
    tpu.enqueue_indirect_dma source(%dma_start3A_2585 : memref<16384000xf32, #tpu.memory_space<hbm>>) target(%dma_start3A_2581 : memref<128xf32, #tpu.memory_space<vmem>>) offsets(%dma_start3A_2583 : memref<128xi32, #tpu.memory_space<vmem>>) semaphore(%arg8 : memref<!tpu.dma_semaphore, #tpu.memory_space<semaphore_mem>>)
    %dma_start3A_2586 = arith.constant 640 : i32
    %dma_start3A_2587 = tpu.memref_slice %arg7[%dma_start3A_2586] : memref<3072xf32, #tpu.memory_space<vmem>> -> memref<128xf32, #tpu.memory_space<vmem>>
    %dma_start3A_2588 = arith.constant 640 : i32
    %dma_start3A_2589 = tpu.memref_slice %arg6[%dma_start3A_2588] : memref<3072xi32, #tpu.memory_space<vmem>> -> memref<128xi32, #tpu.memory_space<vmem>>
    %dma_start3A_2590 = arith.constant 0 : i32
    %dma_start3A_2591 = tpu.memref_slice %arg2[%dma_start3A_2590] : memref<16384000xf32, #tpu.memory_space<hbm>> -> memref<16384000xf32, #tpu.memory_space<hbm>>
    tpu.enqueue_indirect_dma source(%dma_start3A_2591 : memref<16384000xf32, #tpu.memory_space<hbm>>) target(%dma_start3A_2587 : memref<128xf32, #tpu.memory_space<vmem>>) offsets(%dma_start3A_2589 : memref<128xi32, #tpu.memory_space<vmem>>) semaphore(%arg8 : memref<!tpu.dma_semaphore, #tpu.memory_space<semaphore_mem>>)
    %dma_start3A_2592 = arith.constant 768 : i32
    %dma_start3A_2593 = tpu.memref_slice %arg7[%dma_start3A_2592] : memref<3072xf32, #tpu.memory_space<vmem>> -> memref<128xf32, #tpu.memory_space<vmem>>
    %dma_start3A_2594 = arith.constant 768 : i32
    %dma_start3A_2595 = tpu.memref_slice %arg6[%dma_start3A_2594] : memref<3072xi32, #tpu.memory_space<vmem>> -> memref<128xi32, #tpu.memory_space<vmem>>
    %dma_start3A_2596 = arith.constant 0 : i32
    %dma_start3A_2597 = tpu.memref_slice %arg2[%dma_start3A_2596] : memref<16384000xf32, #tpu.memory_space<hbm>> -> memref<16384000xf32, #tpu.memory_space<hbm>>
    tpu.enqueue_indirect_dma source(%dma_start3A_2597 : memref<16384000xf32, #tpu.memory_space<hbm>>) target(%dma_start3A_2593 : memref<128xf32, #tpu.memory_space<vmem>>) offsets(%dma_start3A_2595 : memref<128xi32, #tpu.memory_space<vmem>>) semaphore(%arg8 : memref<!tpu.dma_semaphore, #tpu.memory_space<semaphore_mem>>)
    %dma_start3A_2598 = arith.constant 896 : i32
    %dma_start3A_2599 = tpu.memref_slice %arg7[%dma_start3A_2598] : memref<3072xf32, #tpu.memory_space<vmem>> -> memref<128xf32, #tpu.memory_space<vmem>>
    %dma_start3A_2600 = arith.constant 896 : i32
    %dma_start3A_2601 = tpu.memref_slice %arg6[%dma_start3A_2600] : memref<3072xi32, #tpu.memory_space<vmem>> -> memref<128xi32, #tpu.memory_space<vmem>>
    %dma_start3A_2602 = arith.constant 0 : i32
    %dma_start3A_2603 = tpu.memref_slice %arg2[%dma_start3A_2602] : memref<16384000xf32, #tpu.memory_space<hbm>> -> memref<16384000xf32, #tpu.memory_space<hbm>>
    tpu.enqueue_indirect_dma source(%dma_start3A_2603 : memref<16384000xf32, #tpu.memory_space<hbm>>) target(%dma_start3A_2599 : memref<128xf32, #tpu.memory_space<vmem>>) offsets(%dma_start3A_2601 : memref<128xi32, #tpu.memory_space<vmem>>) semaphore(%arg8 : memref<!tpu.dma_semaphore, #tpu.memory_space<semaphore_mem>>)
    %dma_start3A_2604 = arith.constant 1024 : i32
    %dma_start3A_2605 = tpu.memref_slice %arg7[%dma_start3A_2604] : memref<3072xf32, #tpu.memory_space<vmem>> -> memref<128xf32, #tpu.memory_space<vmem>>
    %dma_start3A_2606 = arith.constant 1024 : i32
    %dma_start3A_2607 = tpu.memref_slice %arg6[%dma_start3A_2606] : memref<3072xi32, #tpu.memory_space<vmem>> -> memref<128xi32, #tpu.memory_space<vmem>>
    %dma_start3A_2608 = arith.constant 0 : i32
    %dma_start3A_2609 = tpu.memref_slice %arg2[%dma_start3A_2608] : memref<16384000xf32, #tpu.memory_space<hbm>> -> memref<16384000xf32, #tpu.memory_space<hbm>>
    tpu.enqueue_indirect_dma source(%dma_start3A_2609 : memref<16384000xf32, #tpu.memory_space<hbm>>) target(%dma_start3A_2605 : memref<128xf32, #tpu.memory_space<vmem>>) offsets(%dma_start3A_2607 : memref<128xi32, #tpu.memory_space<vmem>>) semaphore(%arg8 : memref<!tpu.dma_semaphore, #tpu.memory_space<semaphore_mem>>)
    %dma_start3A_2610 = arith.constant 1152 : i32
    %dma_start3A_2611 = tpu.memref_slice %arg7[%dma_start3A_2610] : memref<3072xf32, #tpu.memory_space<vmem>> -> memref<128xf32, #tpu.memory_space<vmem>>
    %dma_start3A_2612 = arith.constant 1152 : i32
    %dma_start3A_2613 = tpu.memref_slice %arg6[%dma_start3A_2612] : memref<3072xi32, #tpu.memory_space<vmem>> -> memref<128xi32, #tpu.memory_space<vmem>>
    %dma_start3A_2614 = arith.constant 0 : i32
    %dma_start3A_2615 = tpu.memref_slice %arg2[%dma_start3A_2614] : memref<16384000xf32, #tpu.memory_space<hbm>> -> memref<16384000xf32, #tpu.memory_space<hbm>>
    tpu.enqueue_indirect_dma source(%dma_start3A_2615 : memref<16384000xf32, #tpu.memory_space<hbm>>) target(%dma_start3A_2611 : memref<128xf32, #tpu.memory_space<vmem>>) offsets(%dma_start3A_2613 : memref<128xi32, #tpu.memory_space<vmem>>) semaphore(%arg8 : memref<!tpu.dma_semaphore, #tpu.memory_space<semaphore_mem>>)
    %dma_start3A_2616 = arith.constant 1280 : i32
    %dma_start3A_2617 = tpu.memref_slice %arg7[%dma_start3A_2616] : memref<3072xf32, #tpu.memory_space<vmem>> -> memref<128xf32, #tpu.memory_space<vmem>>
    %dma_start3A_2618 = arith.constant 1280 : i32
    %dma_start3A_2619 = tpu.memref_slice %arg6[%dma_start3A_2618] : memref<3072xi32, #tpu.memory_space<vmem>> -> memref<128xi32, #tpu.memory_space<vmem>>
    %dma_start3A_2620 = arith.constant 0 : i32
    %dma_start3A_2621 = tpu.memref_slice %arg2[%dma_start3A_2620] : memref<16384000xf32, #tpu.memory_space<hbm>> -> memref<16384000xf32, #tpu.memory_space<hbm>>
    tpu.enqueue_indirect_dma source(%dma_start3A_2621 : memref<16384000xf32, #tpu.memory_space<hbm>>) target(%dma_start3A_2617 : memref<128xf32, #tpu.memory_space<vmem>>) offsets(%dma_start3A_2619 : memref<128xi32, #tpu.memory_space<vmem>>) semaphore(%arg8 : memref<!tpu.dma_semaphore, #tpu.memory_space<semaphore_mem>>)
    %dma_start3A_2622 = arith.constant 1408 : i32
    %dma_start3A_2623 = tpu.memref_slice %arg7[%dma_start3A_2622] : memref<3072xf32, #tpu.memory_space<vmem>> -> memref<128xf32, #tpu.memory_space<vmem>>
    %dma_start3A_2624 = arith.constant 1408 : i32
    %dma_start3A_2625 = tpu.memref_slice %arg6[%dma_start3A_2624] : memref<3072xi32, #tpu.memory_space<vmem>> -> memref<128xi32, #tpu.memory_space<vmem>>
    %dma_start3A_2626 = arith.constant 0 : i32
    %dma_start3A_2627 = tpu.memref_slice %arg2[%dma_start3A_2626] : memref<16384000xf32, #tpu.memory_space<hbm>> -> memref<16384000xf32, #tpu.memory_space<hbm>>
    tpu.enqueue_indirect_dma source(%dma_start3A_2627 : memref<16384000xf32, #tpu.memory_space<hbm>>) target(%dma_start3A_2623 : memref<128xf32, #tpu.memory_space<vmem>>) offsets(%dma_start3A_2625 : memref<128xi32, #tpu.memory_space<vmem>>) semaphore(%arg8 : memref<!tpu.dma_semaphore, #tpu.memory_space<semaphore_mem>>)
    %dma_start3A_2628 = arith.constant 1536 : i32
    %dma_start3A_2629 = tpu.memref_slice %arg7[%dma_start3A_2628] : memref<3072xf32, #tpu.memory_space<vmem>> -> memref<128xf32, #tpu.memory_space<vmem>>
    %dma_start3A_2630 = arith.constant 1536 : i32
    %dma_start3A_2631 = tpu.memref_slice %arg6[%dma_start3A_2630] : memref<3072xi32, #tpu.memory_space<vmem>> -> memref<128xi32, #tpu.memory_space<vmem>>
    %dma_start3A_2632 = arith.constant 0 : i32
    %dma_start3A_2633 = tpu.memref_slice %arg2[%dma_start3A_2632] : memref<16384000xf32, #tpu.memory_space<hbm>> -> memref<16384000xf32, #tpu.memory_space<hbm>>
    tpu.enqueue_indirect_dma source(%dma_start3A_2633 : memref<16384000xf32, #tpu.memory_space<hbm>>) target(%dma_start3A_2629 : memref<128xf32, #tpu.memory_space<vmem>>) offsets(%dma_start3A_2631 : memref<128xi32, #tpu.memory_space<vmem>>) semaphore(%arg8 : memref<!tpu.dma_semaphore, #tpu.memory_space<semaphore_mem>>)
    %dma_start3A_2634 = arith.constant 1664 : i32
    %dma_start3A_2635 = tpu.memref_slice %arg7[%dma_start3A_2634] : memref<3072xf32, #tpu.memory_space<vmem>> -> memref<128xf32, #tpu.memory_space<vmem>>
    %dma_start3A_2636 = arith.constant 1664 : i32
    %dma_start3A_2637 = tpu.memref_slice %arg6[%dma_start3A_2636] : memref<3072xi32, #tpu.memory_space<vmem>> -> memref<128xi32, #tpu.memory_space<vmem>>
    %dma_start3A_2638 = arith.constant 0 : i32
    %dma_start3A_2639 = tpu.memref_slice %arg2[%dma_start3A_2638] : memref<16384000xf32, #tpu.memory_space<hbm>> -> memref<16384000xf32, #tpu.memory_space<hbm>>
    tpu.enqueue_indirect_dma source(%dma_start3A_2639 : memref<16384000xf32, #tpu.memory_space<hbm>>) target(%dma_start3A_2635 : memref<128xf32, #tpu.memory_space<vmem>>) offsets(%dma_start3A_2637 : memref<128xi32, #tpu.memory_space<vmem>>) semaphore(%arg8 : memref<!tpu.dma_semaphore, #tpu.memory_space<semaphore_mem>>)
    %dma_start3A_2640 = arith.constant 1792 : i32
    %dma_start3A_2641 = tpu.memref_slice %arg7[%dma_start3A_2640] : memref<3072xf32, #tpu.memory_space<vmem>> -> memref<128xf32, #tpu.memory_space<vmem>>
    %dma_start3A_2642 = arith.constant 1792 : i32
    %dma_start3A_2643 = tpu.memref_slice %arg6[%dma_start3A_2642] : memref<3072xi32, #tpu.memory_space<vmem>> -> memref<128xi32, #tpu.memory_space<vmem>>
    %dma_start3A_2644 = arith.constant 0 : i32
    %dma_start3A_2645 = tpu.memref_slice %arg2[%dma_start3A_2644] : memref<16384000xf32, #tpu.memory_space<hbm>> -> memref<16384000xf32, #tpu.memory_space<hbm>>
    tpu.enqueue_indirect_dma source(%dma_start3A_2645 : memref<16384000xf32, #tpu.memory_space<hbm>>) target(%dma_start3A_2641 : memref<128xf32, #tpu.memory_space<vmem>>) offsets(%dma_start3A_2643 : memref<128xi32, #tpu.memory_space<vmem>>) semaphore(%arg8 : memref<!tpu.dma_semaphore, #tpu.memory_space<semaphore_mem>>)
    %dma_start3A_2646 = arith.constant 1920 : i32
    %dma_start3A_2647 = tpu.memref_slice %arg7[%dma_start3A_2646] : memref<3072xf32, #tpu.memory_space<vmem>> -> memref<128xf32, #tpu.memory_space<vmem>>
    %dma_start3A_2648 = arith.constant 1920 : i32
    %dma_start3A_2649 = tpu.memref_slice %arg6[%dma_start3A_2648] : memref<3072xi32, #tpu.memory_space<vmem>> -> memref<128xi32, #tpu.memory_space<vmem>>
    %dma_start3A_2650 = arith.constant 0 : i32
    %dma_start3A_2651 = tpu.memref_slice %arg2[%dma_start3A_2650] : memref<16384000xf32, #tpu.memory_space<hbm>> -> memref<16384000xf32, #tpu.memory_space<hbm>>
    tpu.enqueue_indirect_dma source(%dma_start3A_2651 : memref<16384000xf32, #tpu.memory_space<hbm>>) target(%dma_start3A_2647 : memref<128xf32, #tpu.memory_space<vmem>>) offsets(%dma_start3A_2649 : memref<128xi32, #tpu.memory_space<vmem>>) semaphore(%arg8 : memref<!tpu.dma_semaphore, #tpu.memory_space<semaphore_mem>>)
    %dma_start3A_2652 = arith.constant 2048 : i32
    %dma_start3A_2653 = tpu.memref_slice %arg7[%dma_start3A_2652] : memref<3072xf32, #tpu.memory_space<vmem>> -> memref<128xf32, #tpu.memory_space<vmem>>
    %dma_start3A_2654 = arith.constant 2048 : i32
    %dma_start3A_2655 = tpu.memref_slice %arg6[%dma_start3A_2654] : memref<3072xi32, #tpu.memory_space<vmem>> -> memref<128xi32, #tpu.memory_space<vmem>>
    %dma_start3A_2656 = arith.constant 0 : i32
    %dma_start3A_2657 = tpu.memref_slice %arg2[%dma_start3A_2656] : memref<16384000xf32, #tpu.memory_space<hbm>> -> memref<16384000xf32, #tpu.memory_space<hbm>>
    tpu.enqueue_indirect_dma source(%dma_start3A_2657 : memref<16384000xf32, #tpu.memory_space<hbm>>) target(%dma_start3A_2653 : memref<128xf32, #tpu.memory_space<vmem>>) offsets(%dma_start3A_2655 : memref<128xi32, #tpu.memory_space<vmem>>) semaphore(%arg8 : memref<!tpu.dma_semaphore, #tpu.memory_space<semaphore_mem>>)
    %dma_start3A_2658 = arith.constant 2176 : i32
    %dma_start3A_2659 = tpu.memref_slice %arg7[%dma_start3A_2658] : memref<3072xf32, #tpu.memory_space<vmem>> -> memref<128xf32, #tpu.memory_space<vmem>>
    %dma_start3A_2660 = arith.constant 2176 : i32
    %dma_start3A_2661 = tpu.memref_slice %arg6[%dma_start3A_2660] : memref<3072xi32, #tpu.memory_space<vmem>> -> memref<128xi32, #tpu.memory_space<vmem>>
    %dma_start3A_2662 = arith.constant 0 : i32
    %dma_start3A_2663 = tpu.memref_slice %arg2[%dma_start3A_2662] : memref<16384000xf32, #tpu.memory_space<hbm>> -> memref<16384000xf32, #tpu.memory_space<hbm>>
    tpu.enqueue_indirect_dma source(%dma_start3A_2663 : memref<16384000xf32, #tpu.memory_space<hbm>>) target(%dma_start3A_2659 : memref<128xf32, #tpu.memory_space<vmem>>) offsets(%dma_start3A_2661 : memref<128xi32, #tpu.memory_space<vmem>>) semaphore(%arg8 : memref<!tpu.dma_semaphore, #tpu.memory_space<semaphore_mem>>)
    %dma_start3A_2664 = arith.constant 2304 : i32
    %dma_start3A_2665 = tpu.memref_slice %arg7[%dma_start3A_2664] : memref<3072xf32, #tpu.memory_space<vmem>> -> memref<128xf32, #tpu.memory_space<vmem>>
    %dma_start3A_2666 = arith.constant 2304 : i32
    %dma_start3A_2667 = tpu.memref_slice %arg6[%dma_start3A_2666] : memref<3072xi32, #tpu.memory_space<vmem>> -> memref<128xi32, #tpu.memory_space<vmem>>
    %dma_start3A_2668 = arith.constant 0 : i32
    %dma_start3A_2669 = tpu.memref_slice %arg2[%dma_start3A_2668] : memref<16384000xf32, #tpu.memory_space<hbm>> -> memref<16384000xf32, #tpu.memory_space<hbm>>
    tpu.enqueue_indirect_dma source(%dma_start3A_2669 : memref<16384000xf32, #tpu.memory_space<hbm>>) target(%dma_start3A_2665 : memref<128xf32, #tpu.memory_space<vmem>>) offsets(%dma_start3A_2667 : memref<128xi32, #tpu.memory_space<vmem>>) semaphore(%arg8 : memref<!tpu.dma_semaphore, #tpu.memory_space<semaphore_mem>>)
    %dma_start3A_2670 = arith.constant 2432 : i32
    %dma_start3A_2671 = tpu.memref_slice %arg7[%dma_start3A_2670] : memref<3072xf32, #tpu.memory_space<vmem>> -> memref<128xf32, #tpu.memory_space<vmem>>
    %dma_start3A_2672 = arith.constant 2432 : i32
    %dma_start3A_2673 = tpu.memref_slice %arg6[%dma_start3A_2672] : memref<3072xi32, #tpu.memory_space<vmem>> -> memref<128xi32, #tpu.memory_space<vmem>>
    %dma_start3A_2674 = arith.constant 0 : i32
    %dma_start3A_2675 = tpu.memref_slice %arg2[%dma_start3A_2674] : memref<16384000xf32, #tpu.memory_space<hbm>> -> memref<16384000xf32, #tpu.memory_space<hbm>>
    tpu.enqueue_indirect_dma source(%dma_start3A_2675 : memref<16384000xf32, #tpu.memory_space<hbm>>) target(%dma_start3A_2671 : memref<128xf32, #tpu.memory_space<vmem>>) offsets(%dma_start3A_2673 : memref<128xi32, #tpu.memory_space<vmem>>) semaphore(%arg8 : memref<!tpu.dma_semaphore, #tpu.memory_space<semaphore_mem>>)
    %dma_start3A_2676 = arith.constant 2560 : i32
    %dma_start3A_2677 = tpu.memref_slice %arg7[%dma_start3A_2676] : memref<3072xf32, #tpu.memory_space<vmem>> -> memref<128xf32, #tpu.memory_space<vmem>>
    %dma_start3A_2678 = arith.constant 2560 : i32
    %dma_start3A_2679 = tpu.memref_slice %arg6[%dma_start3A_2678] : memref<3072xi32, #tpu.memory_space<vmem>> -> memref<128xi32, #tpu.memory_space<vmem>>
    %dma_start3A_2680 = arith.constant 0 : i32
    %dma_start3A_2681 = tpu.memref_slice %arg2[%dma_start3A_2680] : memref<16384000xf32, #tpu.memory_space<hbm>> -> memref<16384000xf32, #tpu.memory_space<hbm>>
    tpu.enqueue_indirect_dma source(%dma_start3A_2681 : memref<16384000xf32, #tpu.memory_space<hbm>>) target(%dma_start3A_2677 : memref<128xf32, #tpu.memory_space<vmem>>) offsets(%dma_start3A_2679 : memref<128xi32, #tpu.memory_space<vmem>>) semaphore(%arg8 : memref<!tpu.dma_semaphore, #tpu.memory_space<semaphore_mem>>)
    %dma_start3A_2682 = arith.constant 2688 : i32
    %dma_start3A_2683 = tpu.memref_slice %arg7[%dma_start3A_2682] : memref<3072xf32, #tpu.memory_space<vmem>> -> memref<128xf32, #tpu.memory_space<vmem>>
    %dma_start3A_2684 = arith.constant 2688 : i32
    %dma_start3A_2685 = tpu.memref_slice %arg6[%dma_start3A_2684] : memref<3072xi32, #tpu.memory_space<vmem>> -> memref<128xi32, #tpu.memory_space<vmem>>
    %dma_start3A_2686 = arith.constant 0 : i32
    %dma_start3A_2687 = tpu.memref_slice %arg2[%dma_start3A_2686] : memref<16384000xf32, #tpu.memory_space<hbm>> -> memref<16384000xf32, #tpu.memory_space<hbm>>
    tpu.enqueue_indirect_dma source(%dma_start3A_2687 : memref<16384000xf32, #tpu.memory_space<hbm>>) target(%dma_start3A_2683 : memref<128xf32, #tpu.memory_space<vmem>>) offsets(%dma_start3A_2685 : memref<128xi32, #tpu.memory_space<vmem>>) semaphore(%arg8 : memref<!tpu.dma_semaphore, #tpu.memory_space<semaphore_mem>>)
    %dma_start3A_2688 = arith.constant 2816 : i32
    %dma_start3A_2689 = tpu.memref_slice %arg7[%dma_start3A_2688] : memref<3072xf32, #tpu.memory_space<vmem>> -> memref<128xf32, #tpu.memory_space<vmem>>
    %dma_start3A_2690 = arith.constant 2816 : i32
    %dma_start3A_2691 = tpu.memref_slice %arg6[%dma_start3A_2690] : memref<3072xi32, #tpu.memory_space<vmem>> -> memref<128xi32, #tpu.memory_space<vmem>>
    %dma_start3A_2692 = arith.constant 0 : i32
    %dma_start3A_2693 = tpu.memref_slice %arg2[%dma_start3A_2692] : memref<16384000xf32, #tpu.memory_space<hbm>> -> memref<16384000xf32, #tpu.memory_space<hbm>>
    tpu.enqueue_indirect_dma source(%dma_start3A_2693 : memref<16384000xf32, #tpu.memory_space<hbm>>) target(%dma_start3A_2689 : memref<128xf32, #tpu.memory_space<vmem>>) offsets(%dma_start3A_2691 : memref<128xi32, #tpu.memory_space<vmem>>) semaphore(%arg8 : memref<!tpu.dma_semaphore, #tpu.memory_space<semaphore_mem>>)
    %dma_start3A_2694 = arith.constant 2944 : i32
    %dma_start3A_2695 = tpu.memref_slice %arg7[%dma_start3A_2694] : memref<3072xf32, #tpu.memory_space<vmem>> -> memref<128xf32, #tpu.memory_space<vmem>>
    %dma_start3A_2696 = arith.constant 2944 : i32
    %dma_start3A_2697 = tpu.memref_slice %arg6[%dma_start3A_2696] : memref<3072xi32, #tpu.memory_space<vmem>> -> memref<128xi32, #tpu.memory_space<vmem>>
    %dma_start3A_2698 = arith.constant 0 : i32
    %dma_start3A_2699 = tpu.memref_slice %arg2[%dma_start3A_2698] : memref<16384000xf32, #tpu.memory_space<hbm>> -> memref<16384000xf32, #tpu.memory_space<hbm>>
    tpu.enqueue_indirect_dma source(%dma_start3A_2699 : memref<16384000xf32, #tpu.memory_space<hbm>>) target(%dma_start3A_2695 : memref<128xf32, #tpu.memory_space<vmem>>) offsets(%dma_start3A_2697 : memref<128xi32, #tpu.memory_space<vmem>>) semaphore(%arg8 : memref<!tpu.dma_semaphore, #tpu.memory_space<semaphore_mem>>)
    %dma_wait3A = arith.constant 0 : i32
    %dma_wait3A_2700 = tpu.memref_slice %arg7[%dma_wait3A] : memref<3072xf32, #tpu.memory_space<vmem>> -> memref<128xf32, #tpu.memory_space<vmem>>
    %dma_wait3A_2701 = arith.constant 0 : i32
    %dma_wait3A_2702 = tpu.memref_slice %arg6[%dma_wait3A_2701] : memref<3072xi32, #tpu.memory_space<vmem>> -> memref<128xi32, #tpu.memory_space<vmem>>
    %dma_wait3A_2703 = arith.constant 0 : i32
    %dma_wait3A_2704 = tpu.memref_slice %arg2[%dma_wait3A_2703] : memref<16384000xf32, #tpu.memory_space<hbm>> -> memref<16384000xf32, #tpu.memory_space<hbm>>
    tpu.wait_indirect_dma semaphore(%arg8 : memref<!tpu.dma_semaphore, #tpu.memory_space<semaphore_mem>>) src(%dma_wait3A_2704 : memref<16384000xf32, #tpu.memory_space<hbm>>) dst(%dma_wait3A_2700 : memref<128xf32, #tpu.memory_space<vmem>>)
    %dma_wait3A_2705 = arith.constant 128 : i32
    %dma_wait3A_2706 = tpu.memref_slice %arg7[%dma_wait3A_2705] : memref<3072xf32, #tpu.memory_space<vmem>> -> memref<128xf32, #tpu.memory_space<vmem>>
    %dma_wait3A_2707 = arith.constant 128 : i32
    %dma_wait3A_2708 = tpu.memref_slice %arg6[%dma_wait3A_2707] : memref<3072xi32, #tpu.memory_space<vmem>> -> memref<128xi32, #tpu.memory_space<vmem>>
    %dma_wait3A_2709 = arith.constant 0 : i32
    %dma_wait3A_2710 = tpu.memref_slice %arg2[%dma_wait3A_2709] : memref<16384000xf32, #tpu.memory_space<hbm>> -> memref<16384000xf32, #tpu.memory_space<hbm>>
    tpu.wait_indirect_dma semaphore(%arg8 : memref<!tpu.dma_semaphore, #tpu.memory_space<semaphore_mem>>) src(%dma_wait3A_2710 : memref<16384000xf32, #tpu.memory_space<hbm>>) dst(%dma_wait3A_2706 : memref<128xf32, #tpu.memory_space<vmem>>)
    %dma_wait3A_2711 = arith.constant 256 : i32
    %dma_wait3A_2712 = tpu.memref_slice %arg7[%dma_wait3A_2711] : memref<3072xf32, #tpu.memory_space<vmem>> -> memref<128xf32, #tpu.memory_space<vmem>>
    %dma_wait3A_2713 = arith.constant 256 : i32
    %dma_wait3A_2714 = tpu.memref_slice %arg6[%dma_wait3A_2713] : memref<3072xi32, #tpu.memory_space<vmem>> -> memref<128xi32, #tpu.memory_space<vmem>>
    %dma_wait3A_2715 = arith.constant 0 : i32
    %dma_wait3A_2716 = tpu.memref_slice %arg2[%dma_wait3A_2715] : memref<16384000xf32, #tpu.memory_space<hbm>> -> memref<16384000xf32, #tpu.memory_space<hbm>>
    tpu.wait_indirect_dma semaphore(%arg8 : memref<!tpu.dma_semaphore, #tpu.memory_space<semaphore_mem>>) src(%dma_wait3A_2716 : memref<16384000xf32, #tpu.memory_space<hbm>>) dst(%dma_wait3A_2712 : memref<128xf32, #tpu.memory_space<vmem>>)
    %dma_wait3A_2717 = arith.constant 384 : i32
    %dma_wait3A_2718 = tpu.memref_slice %arg7[%dma_wait3A_2717] : memref<3072xf32, #tpu.memory_space<vmem>> -> memref<128xf32, #tpu.memory_space<vmem>>
    %dma_wait3A_2719 = arith.constant 384 : i32
    %dma_wait3A_2720 = tpu.memref_slice %arg6[%dma_wait3A_2719] : memref<3072xi32, #tpu.memory_space<vmem>> -> memref<128xi32, #tpu.memory_space<vmem>>
    %dma_wait3A_2721 = arith.constant 0 : i32
    %dma_wait3A_2722 = tpu.memref_slice %arg2[%dma_wait3A_2721] : memref<16384000xf32, #tpu.memory_space<hbm>> -> memref<16384000xf32, #tpu.memory_space<hbm>>
    tpu.wait_indirect_dma semaphore(%arg8 : memref<!tpu.dma_semaphore, #tpu.memory_space<semaphore_mem>>) src(%dma_wait3A_2722 : memref<16384000xf32, #tpu.memory_space<hbm>>) dst(%dma_wait3A_2718 : memref<128xf32, #tpu.memory_space<vmem>>)
    %dma_wait3A_2723 = arith.constant 512 : i32
    %dma_wait3A_2724 = tpu.memref_slice %arg7[%dma_wait3A_2723] : memref<3072xf32, #tpu.memory_space<vmem>> -> memref<128xf32, #tpu.memory_space<vmem>>
    %dma_wait3A_2725 = arith.constant 512 : i32
    %dma_wait3A_2726 = tpu.memref_slice %arg6[%dma_wait3A_2725] : memref<3072xi32, #tpu.memory_space<vmem>> -> memref<128xi32, #tpu.memory_space<vmem>>
    %dma_wait3A_2727 = arith.constant 0 : i32
    %dma_wait3A_2728 = tpu.memref_slice %arg2[%dma_wait3A_2727] : memref<16384000xf32, #tpu.memory_space<hbm>> -> memref<16384000xf32, #tpu.memory_space<hbm>>
    tpu.wait_indirect_dma semaphore(%arg8 : memref<!tpu.dma_semaphore, #tpu.memory_space<semaphore_mem>>) src(%dma_wait3A_2728 : memref<16384000xf32, #tpu.memory_space<hbm>>) dst(%dma_wait3A_2724 : memref<128xf32, #tpu.memory_space<vmem>>)
    %dma_wait3A_2729 = arith.constant 640 : i32
    %dma_wait3A_2730 = tpu.memref_slice %arg7[%dma_wait3A_2729] : memref<3072xf32, #tpu.memory_space<vmem>> -> memref<128xf32, #tpu.memory_space<vmem>>
    %dma_wait3A_2731 = arith.constant 640 : i32
    %dma_wait3A_2732 = tpu.memref_slice %arg6[%dma_wait3A_2731] : memref<3072xi32, #tpu.memory_space<vmem>> -> memref<128xi32, #tpu.memory_space<vmem>>
    %dma_wait3A_2733 = arith.constant 0 : i32
    %dma_wait3A_2734 = tpu.memref_slice %arg2[%dma_wait3A_2733] : memref<16384000xf32, #tpu.memory_space<hbm>> -> memref<16384000xf32, #tpu.memory_space<hbm>>
    tpu.wait_indirect_dma semaphore(%arg8 : memref<!tpu.dma_semaphore, #tpu.memory_space<semaphore_mem>>) src(%dma_wait3A_2734 : memref<16384000xf32, #tpu.memory_space<hbm>>) dst(%dma_wait3A_2730 : memref<128xf32, #tpu.memory_space<vmem>>)
    %dma_wait3A_2735 = arith.constant 768 : i32
    %dma_wait3A_2736 = tpu.memref_slice %arg7[%dma_wait3A_2735] : memref<3072xf32, #tpu.memory_space<vmem>> -> memref<128xf32, #tpu.memory_space<vmem>>
    %dma_wait3A_2737 = arith.constant 768 : i32
    %dma_wait3A_2738 = tpu.memref_slice %arg6[%dma_wait3A_2737] : memref<3072xi32, #tpu.memory_space<vmem>> -> memref<128xi32, #tpu.memory_space<vmem>>
    %dma_wait3A_2739 = arith.constant 0 : i32
    %dma_wait3A_2740 = tpu.memref_slice %arg2[%dma_wait3A_2739] : memref<16384000xf32, #tpu.memory_space<hbm>> -> memref<16384000xf32, #tpu.memory_space<hbm>>
    tpu.wait_indirect_dma semaphore(%arg8 : memref<!tpu.dma_semaphore, #tpu.memory_space<semaphore_mem>>) src(%dma_wait3A_2740 : memref<16384000xf32, #tpu.memory_space<hbm>>) dst(%dma_wait3A_2736 : memref<128xf32, #tpu.memory_space<vmem>>)
    %dma_wait3A_2741 = arith.constant 896 : i32
    %dma_wait3A_2742 = tpu.memref_slice %arg7[%dma_wait3A_2741] : memref<3072xf32, #tpu.memory_space<vmem>> -> memref<128xf32, #tpu.memory_space<vmem>>
    %dma_wait3A_2743 = arith.constant 896 : i32
    %dma_wait3A_2744 = tpu.memref_slice %arg6[%dma_wait3A_2743] : memref<3072xi32, #tpu.memory_space<vmem>> -> memref<128xi32, #tpu.memory_space<vmem>>
    %dma_wait3A_2745 = arith.constant 0 : i32
    %dma_wait3A_2746 = tpu.memref_slice %arg2[%dma_wait3A_2745] : memref<16384000xf32, #tpu.memory_space<hbm>> -> memref<16384000xf32, #tpu.memory_space<hbm>>
    tpu.wait_indirect_dma semaphore(%arg8 : memref<!tpu.dma_semaphore, #tpu.memory_space<semaphore_mem>>) src(%dma_wait3A_2746 : memref<16384000xf32, #tpu.memory_space<hbm>>) dst(%dma_wait3A_2742 : memref<128xf32, #tpu.memory_space<vmem>>)
    %dma_wait3A_2747 = arith.constant 1024 : i32
    %dma_wait3A_2748 = tpu.memref_slice %arg7[%dma_wait3A_2747] : memref<3072xf32, #tpu.memory_space<vmem>> -> memref<128xf32, #tpu.memory_space<vmem>>
    %dma_wait3A_2749 = arith.constant 1024 : i32
    %dma_wait3A_2750 = tpu.memref_slice %arg6[%dma_wait3A_2749] : memref<3072xi32, #tpu.memory_space<vmem>> -> memref<128xi32, #tpu.memory_space<vmem>>
    %dma_wait3A_2751 = arith.constant 0 : i32
    %dma_wait3A_2752 = tpu.memref_slice %arg2[%dma_wait3A_2751] : memref<16384000xf32, #tpu.memory_space<hbm>> -> memref<16384000xf32, #tpu.memory_space<hbm>>
    tpu.wait_indirect_dma semaphore(%arg8 : memref<!tpu.dma_semaphore, #tpu.memory_space<semaphore_mem>>) src(%dma_wait3A_2752 : memref<16384000xf32, #tpu.memory_space<hbm>>) dst(%dma_wait3A_2748 : memref<128xf32, #tpu.memory_space<vmem>>)
    %dma_wait3A_2753 = arith.constant 1152 : i32
    %dma_wait3A_2754 = tpu.memref_slice %arg7[%dma_wait3A_2753] : memref<3072xf32, #tpu.memory_space<vmem>> -> memref<128xf32, #tpu.memory_space<vmem>>
    %dma_wait3A_2755 = arith.constant 1152 : i32
    %dma_wait3A_2756 = tpu.memref_slice %arg6[%dma_wait3A_2755] : memref<3072xi32, #tpu.memory_space<vmem>> -> memref<128xi32, #tpu.memory_space<vmem>>
    %dma_wait3A_2757 = arith.constant 0 : i32
    %dma_wait3A_2758 = tpu.memref_slice %arg2[%dma_wait3A_2757] : memref<16384000xf32, #tpu.memory_space<hbm>> -> memref<16384000xf32, #tpu.memory_space<hbm>>
    tpu.wait_indirect_dma semaphore(%arg8 : memref<!tpu.dma_semaphore, #tpu.memory_space<semaphore_mem>>) src(%dma_wait3A_2758 : memref<16384000xf32, #tpu.memory_space<hbm>>) dst(%dma_wait3A_2754 : memref<128xf32, #tpu.memory_space<vmem>>)
    %dma_wait3A_2759 = arith.constant 1280 : i32
    %dma_wait3A_2760 = tpu.memref_slice %arg7[%dma_wait3A_2759] : memref<3072xf32, #tpu.memory_space<vmem>> -> memref<128xf32, #tpu.memory_space<vmem>>
    %dma_wait3A_2761 = arith.constant 1280 : i32
    %dma_wait3A_2762 = tpu.memref_slice %arg6[%dma_wait3A_2761] : memref<3072xi32, #tpu.memory_space<vmem>> -> memref<128xi32, #tpu.memory_space<vmem>>
    %dma_wait3A_2763 = arith.constant 0 : i32
    %dma_wait3A_2764 = tpu.memref_slice %arg2[%dma_wait3A_2763] : memref<16384000xf32, #tpu.memory_space<hbm>> -> memref<16384000xf32, #tpu.memory_space<hbm>>
    tpu.wait_indirect_dma semaphore(%arg8 : memref<!tpu.dma_semaphore, #tpu.memory_space<semaphore_mem>>) src(%dma_wait3A_2764 : memref<16384000xf32, #tpu.memory_space<hbm>>) dst(%dma_wait3A_2760 : memref<128xf32, #tpu.memory_space<vmem>>)
    %dma_wait3A_2765 = arith.constant 1408 : i32
    %dma_wait3A_2766 = tpu.memref_slice %arg7[%dma_wait3A_2765] : memref<3072xf32, #tpu.memory_space<vmem>> -> memref<128xf32, #tpu.memory_space<vmem>>
    %dma_wait3A_2767 = arith.constant 1408 : i32
    %dma_wait3A_2768 = tpu.memref_slice %arg6[%dma_wait3A_2767] : memref<3072xi32, #tpu.memory_space<vmem>> -> memref<128xi32, #tpu.memory_space<vmem>>
    %dma_wait3A_2769 = arith.constant 0 : i32
    %dma_wait3A_2770 = tpu.memref_slice %arg2[%dma_wait3A_2769] : memref<16384000xf32, #tpu.memory_space<hbm>> -> memref<16384000xf32, #tpu.memory_space<hbm>>
    tpu.wait_indirect_dma semaphore(%arg8 : memref<!tpu.dma_semaphore, #tpu.memory_space<semaphore_mem>>) src(%dma_wait3A_2770 : memref<16384000xf32, #tpu.memory_space<hbm>>) dst(%dma_wait3A_2766 : memref<128xf32, #tpu.memory_space<vmem>>)
    %dma_wait3A_2771 = arith.constant 1536 : i32
    %dma_wait3A_2772 = tpu.memref_slice %arg7[%dma_wait3A_2771] : memref<3072xf32, #tpu.memory_space<vmem>> -> memref<128xf32, #tpu.memory_space<vmem>>
    %dma_wait3A_2773 = arith.constant 1536 : i32
    %dma_wait3A_2774 = tpu.memref_slice %arg6[%dma_wait3A_2773] : memref<3072xi32, #tpu.memory_space<vmem>> -> memref<128xi32, #tpu.memory_space<vmem>>
    %dma_wait3A_2775 = arith.constant 0 : i32
    %dma_wait3A_2776 = tpu.memref_slice %arg2[%dma_wait3A_2775] : memref<16384000xf32, #tpu.memory_space<hbm>> -> memref<16384000xf32, #tpu.memory_space<hbm>>
    tpu.wait_indirect_dma semaphore(%arg8 : memref<!tpu.dma_semaphore, #tpu.memory_space<semaphore_mem>>) src(%dma_wait3A_2776 : memref<16384000xf32, #tpu.memory_space<hbm>>) dst(%dma_wait3A_2772 : memref<128xf32, #tpu.memory_space<vmem>>)
    %dma_wait3A_2777 = arith.constant 1664 : i32
    %dma_wait3A_2778 = tpu.memref_slice %arg7[%dma_wait3A_2777] : memref<3072xf32, #tpu.memory_space<vmem>> -> memref<128xf32, #tpu.memory_space<vmem>>
    %dma_wait3A_2779 = arith.constant 1664 : i32
    %dma_wait3A_2780 = tpu.memref_slice %arg6[%dma_wait3A_2779] : memref<3072xi32, #tpu.memory_space<vmem>> -> memref<128xi32, #tpu.memory_space<vmem>>
    %dma_wait3A_2781 = arith.constant 0 : i32
    %dma_wait3A_2782 = tpu.memref_slice %arg2[%dma_wait3A_2781] : memref<16384000xf32, #tpu.memory_space<hbm>> -> memref<16384000xf32, #tpu.memory_space<hbm>>
    tpu.wait_indirect_dma semaphore(%arg8 : memref<!tpu.dma_semaphore, #tpu.memory_space<semaphore_mem>>) src(%dma_wait3A_2782 : memref<16384000xf32, #tpu.memory_space<hbm>>) dst(%dma_wait3A_2778 : memref<128xf32, #tpu.memory_space<vmem>>)
    %dma_wait3A_2783 = arith.constant 1792 : i32
    %dma_wait3A_2784 = tpu.memref_slice %arg7[%dma_wait3A_2783] : memref<3072xf32, #tpu.memory_space<vmem>> -> memref<128xf32, #tpu.memory_space<vmem>>
    %dma_wait3A_2785 = arith.constant 1792 : i32
    %dma_wait3A_2786 = tpu.memref_slice %arg6[%dma_wait3A_2785] : memref<3072xi32, #tpu.memory_space<vmem>> -> memref<128xi32, #tpu.memory_space<vmem>>
    %dma_wait3A_2787 = arith.constant 0 : i32
    %dma_wait3A_2788 = tpu.memref_slice %arg2[%dma_wait3A_2787] : memref<16384000xf32, #tpu.memory_space<hbm>> -> memref<16384000xf32, #tpu.memory_space<hbm>>
    tpu.wait_indirect_dma semaphore(%arg8 : memref<!tpu.dma_semaphore, #tpu.memory_space<semaphore_mem>>) src(%dma_wait3A_2788 : memref<16384000xf32, #tpu.memory_space<hbm>>) dst(%dma_wait3A_2784 : memref<128xf32, #tpu.memory_space<vmem>>)
    %dma_wait3A_2789 = arith.constant 1920 : i32
    %dma_wait3A_2790 = tpu.memref_slice %arg7[%dma_wait3A_2789] : memref<3072xf32, #tpu.memory_space<vmem>> -> memref<128xf32, #tpu.memory_space<vmem>>
    %dma_wait3A_2791 = arith.constant 1920 : i32
    %dma_wait3A_2792 = tpu.memref_slice %arg6[%dma_wait3A_2791] : memref<3072xi32, #tpu.memory_space<vmem>> -> memref<128xi32, #tpu.memory_space<vmem>>
    %dma_wait3A_2793 = arith.constant 0 : i32
    %dma_wait3A_2794 = tpu.memref_slice %arg2[%dma_wait3A_2793] : memref<16384000xf32, #tpu.memory_space<hbm>> -> memref<16384000xf32, #tpu.memory_space<hbm>>
    tpu.wait_indirect_dma semaphore(%arg8 : memref<!tpu.dma_semaphore, #tpu.memory_space<semaphore_mem>>) src(%dma_wait3A_2794 : memref<16384000xf32, #tpu.memory_space<hbm>>) dst(%dma_wait3A_2790 : memref<128xf32, #tpu.memory_space<vmem>>)
    %dma_wait3A_2795 = arith.constant 2048 : i32
    %dma_wait3A_2796 = tpu.memref_slice %arg7[%dma_wait3A_2795] : memref<3072xf32, #tpu.memory_space<vmem>> -> memref<128xf32, #tpu.memory_space<vmem>>
    %dma_wait3A_2797 = arith.constant 2048 : i32
    %dma_wait3A_2798 = tpu.memref_slice %arg6[%dma_wait3A_2797] : memref<3072xi32, #tpu.memory_space<vmem>> -> memref<128xi32, #tpu.memory_space<vmem>>
    %dma_wait3A_2799 = arith.constant 0 : i32
    %dma_wait3A_2800 = tpu.memref_slice %arg2[%dma_wait3A_2799] : memref<16384000xf32, #tpu.memory_space<hbm>> -> memref<16384000xf32, #tpu.memory_space<hbm>>
    tpu.wait_indirect_dma semaphore(%arg8 : memref<!tpu.dma_semaphore, #tpu.memory_space<semaphore_mem>>) src(%dma_wait3A_2800 : memref<16384000xf32, #tpu.memory_space<hbm>>) dst(%dma_wait3A_2796 : memref<128xf32, #tpu.memory_space<vmem>>)
    %dma_wait3A_2801 = arith.constant 2176 : i32
    %dma_wait3A_2802 = tpu.memref_slice %arg7[%dma_wait3A_2801] : memref<3072xf32, #tpu.memory_space<vmem>> -> memref<128xf32, #tpu.memory_space<vmem>>
    %dma_wait3A_2803 = arith.constant 2176 : i32
    %dma_wait3A_2804 = tpu.memref_slice %arg6[%dma_wait3A_2803] : memref<3072xi32, #tpu.memory_space<vmem>> -> memref<128xi32, #tpu.memory_space<vmem>>
    %dma_wait3A_2805 = arith.constant 0 : i32
    %dma_wait3A_2806 = tpu.memref_slice %arg2[%dma_wait3A_2805] : memref<16384000xf32, #tpu.memory_space<hbm>> -> memref<16384000xf32, #tpu.memory_space<hbm>>
    tpu.wait_indirect_dma semaphore(%arg8 : memref<!tpu.dma_semaphore, #tpu.memory_space<semaphore_mem>>) src(%dma_wait3A_2806 : memref<16384000xf32, #tpu.memory_space<hbm>>) dst(%dma_wait3A_2802 : memref<128xf32, #tpu.memory_space<vmem>>)
    %dma_wait3A_2807 = arith.constant 2304 : i32
    %dma_wait3A_2808 = tpu.memref_slice %arg7[%dma_wait3A_2807] : memref<3072xf32, #tpu.memory_space<vmem>> -> memref<128xf32, #tpu.memory_space<vmem>>
    %dma_wait3A_2809 = arith.constant 2304 : i32
    %dma_wait3A_2810 = tpu.memref_slice %arg6[%dma_wait3A_2809] : memref<3072xi32, #tpu.memory_space<vmem>> -> memref<128xi32, #tpu.memory_space<vmem>>
    %dma_wait3A_2811 = arith.constant 0 : i32
    %dma_wait3A_2812 = tpu.memref_slice %arg2[%dma_wait3A_2811] : memref<16384000xf32, #tpu.memory_space<hbm>> -> memref<16384000xf32, #tpu.memory_space<hbm>>
    tpu.wait_indirect_dma semaphore(%arg8 : memref<!tpu.dma_semaphore, #tpu.memory_space<semaphore_mem>>) src(%dma_wait3A_2812 : memref<16384000xf32, #tpu.memory_space<hbm>>) dst(%dma_wait3A_2808 : memref<128xf32, #tpu.memory_space<vmem>>)
    %dma_wait3A_2813 = arith.constant 2432 : i32
    %dma_wait3A_2814 = tpu.memref_slice %arg7[%dma_wait3A_2813] : memref<3072xf32, #tpu.memory_space<vmem>> -> memref<128xf32, #tpu.memory_space<vmem>>
    %dma_wait3A_2815 = arith.constant 2432 : i32
    %dma_wait3A_2816 = tpu.memref_slice %arg6[%dma_wait3A_2815] : memref<3072xi32, #tpu.memory_space<vmem>> -> memref<128xi32, #tpu.memory_space<vmem>>
    %dma_wait3A_2817 = arith.constant 0 : i32
    %dma_wait3A_2818 = tpu.memref_slice %arg2[%dma_wait3A_2817] : memref<16384000xf32, #tpu.memory_space<hbm>> -> memref<16384000xf32, #tpu.memory_space<hbm>>
    tpu.wait_indirect_dma semaphore(%arg8 : memref<!tpu.dma_semaphore, #tpu.memory_space<semaphore_mem>>) src(%dma_wait3A_2818 : memref<16384000xf32, #tpu.memory_space<hbm>>) dst(%dma_wait3A_2814 : memref<128xf32, #tpu.memory_space<vmem>>)
    %dma_wait3A_2819 = arith.constant 2560 : i32
    %dma_wait3A_2820 = tpu.memref_slice %arg7[%dma_wait3A_2819] : memref<3072xf32, #tpu.memory_space<vmem>> -> memref<128xf32, #tpu.memory_space<vmem>>
    %dma_wait3A_2821 = arith.constant 2560 : i32
    %dma_wait3A_2822 = tpu.memref_slice %arg6[%dma_wait3A_2821] : memref<3072xi32, #tpu.memory_space<vmem>> -> memref<128xi32, #tpu.memory_space<vmem>>
    %dma_wait3A_2823 = arith.constant 0 : i32
    %dma_wait3A_2824 = tpu.memref_slice %arg2[%dma_wait3A_2823] : memref<16384000xf32, #tpu.memory_space<hbm>> -> memref<16384000xf32, #tpu.memory_space<hbm>>
    tpu.wait_indirect_dma semaphore(%arg8 : memref<!tpu.dma_semaphore, #tpu.memory_space<semaphore_mem>>) src(%dma_wait3A_2824 : memref<16384000xf32, #tpu.memory_space<hbm>>) dst(%dma_wait3A_2820 : memref<128xf32, #tpu.memory_space<vmem>>)
    %dma_wait3A_2825 = arith.constant 2688 : i32
    %dma_wait3A_2826 = tpu.memref_slice %arg7[%dma_wait3A_2825] : memref<3072xf32, #tpu.memory_space<vmem>> -> memref<128xf32, #tpu.memory_space<vmem>>
    %dma_wait3A_2827 = arith.constant 2688 : i32
    %dma_wait3A_2828 = tpu.memref_slice %arg6[%dma_wait3A_2827] : memref<3072xi32, #tpu.memory_space<vmem>> -> memref<128xi32, #tpu.memory_space<vmem>>
    %dma_wait3A_2829 = arith.constant 0 : i32
    %dma_wait3A_2830 = tpu.memref_slice %arg2[%dma_wait3A_2829] : memref<16384000xf32, #tpu.memory_space<hbm>> -> memref<16384000xf32, #tpu.memory_space<hbm>>
    tpu.wait_indirect_dma semaphore(%arg8 : memref<!tpu.dma_semaphore, #tpu.memory_space<semaphore_mem>>) src(%dma_wait3A_2830 : memref<16384000xf32, #tpu.memory_space<hbm>>) dst(%dma_wait3A_2826 : memref<128xf32, #tpu.memory_space<vmem>>)
    %dma_wait3A_2831 = arith.constant 2816 : i32
    %dma_wait3A_2832 = tpu.memref_slice %arg7[%dma_wait3A_2831] : memref<3072xf32, #tpu.memory_space<vmem>> -> memref<128xf32, #tpu.memory_space<vmem>>
    %dma_wait3A_2833 = arith.constant 2816 : i32
    %dma_wait3A_2834 = tpu.memref_slice %arg6[%dma_wait3A_2833] : memref<3072xi32, #tpu.memory_space<vmem>> -> memref<128xi32, #tpu.memory_space<vmem>>
    %dma_wait3A_2835 = arith.constant 0 : i32
    %dma_wait3A_2836 = tpu.memref_slice %arg2[%dma_wait3A_2835] : memref<16384000xf32, #tpu.memory_space<hbm>> -> memref<16384000xf32, #tpu.memory_space<hbm>>
    tpu.wait_indirect_dma semaphore(%arg8 : memref<!tpu.dma_semaphore, #tpu.memory_space<semaphore_mem>>) src(%dma_wait3A_2836 : memref<16384000xf32, #tpu.memory_space<hbm>>) dst(%dma_wait3A_2832 : memref<128xf32, #tpu.memory_space<vmem>>)
    %dma_wait3A_2837 = arith.constant 2944 : i32
    %dma_wait3A_2838 = tpu.memref_slice %arg7[%dma_wait3A_2837] : memref<3072xf32, #tpu.memory_space<vmem>> -> memref<128xf32, #tpu.memory_space<vmem>>
    %dma_wait3A_2839 = arith.constant 2944 : i32
    %dma_wait3A_2840 = tpu.memref_slice %arg6[%dma_wait3A_2839] : memref<3072xi32, #tpu.memory_space<vmem>> -> memref<128xi32, #tpu.memory_space<vmem>>
    %dma_wait3A_2841 = arith.constant 0 : i32
    %dma_wait3A_2842 = tpu.memref_slice %arg2[%dma_wait3A_2841] : memref<16384000xf32, #tpu.memory_space<hbm>> -> memref<16384000xf32, #tpu.memory_space<hbm>>
    tpu.wait_indirect_dma semaphore(%arg8 : memref<!tpu.dma_semaphore, #tpu.memory_space<semaphore_mem>>) src(%dma_wait3A_2842 : memref<16384000xf32, #tpu.memory_space<hbm>>) dst(%dma_wait3A_2838 : memref<128xf32, #tpu.memory_space<vmem>>)
    %mul3A_2843 = arith.constant 3072 : i32
    %mul3A_2844 = arith.muli %add3A, %mul3A_2843 : i32
    "tpu.region"() ({
      %run_scoped3A = tpu.sem_alloc : memref<!tpu.dma_semaphore, #tpu.memory_space<semaphore_mem>>
      %dma_start3A_2845 = tpu.memref_slice %arg4[%mul3A_2844] : memref<98304xf32, #tpu.memory_space<hbm>> -> memref<3072xf32, #tpu.memory_space<hbm>>
      %dma_start3A_2846 = tpu.memref_slice %arg4[%mul3A_2844] : memref<98304xf32, #tpu.memory_space<hbm>> -> memref<3072xf32, #tpu.memory_space<hbm>>
      tpu.enqueue_dma source(%arg7 : memref<3072xf32, #tpu.memory_space<vmem>>) target(%dma_start3A_2846 : memref<3072xf32, #tpu.memory_space<hbm>>) target_semaphore(%run_scoped3A : memref<!tpu.dma_semaphore, #tpu.memory_space<semaphore_mem>>)
      %dma_wait3A_2847 = tpu.memref_slice %arg4[%mul3A_2844] : memref<98304xf32, #tpu.memory_space<hbm>> -> memref<3072xf32, #tpu.memory_space<hbm>>
      %dma_wait3A_2848 = tpu.memref_slice %arg4[%mul3A_2844] : memref<98304xf32, #tpu.memory_space<hbm>> -> memref<3072xf32, #tpu.memory_space<hbm>>
      tpu.wait_dma2 semaphore(%run_scoped3A : memref<!tpu.dma_semaphore, #tpu.memory_space<semaphore_mem>>) src(%arg7 : memref<3072xf32, #tpu.memory_space<vmem>>) dst(%dma_wait3A_2848 : memref<3072xf32, #tpu.memory_space<hbm>>)
      tpu.yield
    }) : () -> ()
    return
  }
}

module attributes {stable_mosaic.version = 14 : i64} {
  func.func @_tc_loss_body(%arg0: memref<32x6x512xf32, #tpu.memory_space<vmem>>, %arg1: memref<1x1xf32, #tpu.memory_space<vmem>>) attributes {dimension_semantics = [], scalar_prefetch = 0 : i64, scratch_operands = 0 : i64, tpu.core_type = #tpu.core_type<tc>} {
    %get3A = arith.constant 0 : index
    %get3A_0 = arith.constant 0 : index
    %get3A_1 = arith.constant 0 : index
    %get3A_2 = vector.load %arg0[%get3A, %get3A_0, %get3A_1] : memref<32x6x512xf32, #tpu.memory_space<vmem>>, vector<32x6x512xf32>
    %reduce_max3A = arith.constant dense<0xFF800000> : vector<32x512xf32>
    %reduce_max3A_3 = vector.multi_reduction <maximumf>, %get3A_2, %reduce_max3A [1] : vector<32x6x512xf32> to vector<32x512xf32>
    %broadcast_in_dim3A = vector.shape_cast %reduce_max3A_3 : vector<32x512xf32> to vector<32x1x512xf32>
    %sub3A = vector.broadcast %broadcast_in_dim3A : vector<32x1x512xf32> to vector<32x6x512xf32>
    %sub3A_4 = arith.subf %get3A_2, %sub3A : vector<32x6x512xf32>
    %exp3A = math.exp %sub3A_4 : vector<32x6x512xf32>
    %reduce_sum3A = arith.constant dense<0.000000e+00> : vector<32x512xf32>
    %reduce_sum3A_5 = vector.multi_reduction <add>, %exp3A, %reduce_sum3A [1] : vector<32x6x512xf32> to vector<32x512xf32>
    %broadcast_in_dim3A_6 = vector.shape_cast %reduce_sum3A_5 : vector<32x512xf32> to vector<32x1x512xf32>
    %div3A = vector.broadcast %broadcast_in_dim3A_6 : vector<32x1x512xf32> to vector<32x6x512xf32>
    %div3A_7 = arith.divf %exp3A, %div3A : vector<32x6x512xf32>
    %slice3A = vector.extract_strided_slice %div3A_7 {offsets = [0, 0, 0], sizes = [32, 1, 512], strides = [1, 1, 1]} : vector<32x6x512xf32> to vector<32x1x512xf32>
    %squeeze3A = vector.shape_cast %slice3A : vector<32x1x512xf32> to vector<32x512xf32>
    %add3A = arith.constant 1.000000e-10 : f32
    %add3A_8 = vector.broadcast %add3A : f32 to vector<32x512xf32>
    %add3A_9 = arith.addf %squeeze3A, %add3A_8 : vector<32x512xf32>
    %log3A = math.log %add3A_9 : vector<32x512xf32>
    %slice3A_10 = vector.extract_strided_slice %div3A_7 {offsets = [0, 1, 0], sizes = [32, 5, 512], strides = [1, 1, 1]} : vector<32x6x512xf32> to vector<32x5x512xf32>
    %sub3A_11 = arith.constant 1.000000e+00 : f32
    %sub3A_12 = vector.broadcast %sub3A_11 : f32 to vector<32x5x512xf32>
    %sub3A_13 = arith.subf %sub3A_12, %slice3A_10 : vector<32x5x512xf32>
    %add3A_14 = arith.constant 1.000000e-10 : f32
    %add3A_15 = vector.broadcast %add3A_14 : f32 to vector<32x5x512xf32>
    %add3A_16 = arith.addf %sub3A_13, %add3A_15 : vector<32x5x512xf32>
    %log3A_17 = math.log %add3A_16 : vector<32x5x512xf32>
    %reduce_sum3A_18 = arith.constant dense<0.000000e+00> : vector<32x512xf32>
    %reduce_sum3A_19 = vector.multi_reduction <add>, %log3A_17, %reduce_sum3A_18 [1] : vector<32x5x512xf32> to vector<32x512xf32>
    %mul3A = arith.constant 1.000000e-01 : f32
    %mul3A_20 = vector.broadcast %mul3A : f32 to vector<32x512xf32>
    %mul3A_21 = arith.mulf %mul3A_20, %reduce_sum3A_19 : vector<32x512xf32>
    %add3A_22 = arith.addf %log3A, %mul3A_21 : vector<32x512xf32>
    %reduce_sum3A_23 = vector.shape_cast %add3A_22 : vector<32x512xf32> to vector<1x32x512xf32>
    %reduce_sum3A_24 = arith.constant dense<0.000000e+00> : vector<1xf32>
    %reduce_sum3A_25 = vector.multi_reduction <add>, %reduce_sum3A_23, %reduce_sum3A_24 [1, 2] : vector<1x32x512xf32> to vector<1xf32>
    %reduce_sum3A_26 = vector.shape_cast %reduce_sum3A_25 : vector<1xf32> to vector<1x1x1xf32>
    %reduce_sum3A_27 = vector.extract %reduce_sum3A_26[0, 0, 0] : f32 from vector<1x1x1xf32>
    %neg3A = arith.constant 0.000000e+00 : f32
    %neg3A_28 = arith.subf %neg3A, %reduce_sum3A_27 : f32
    %div3A_29 = arith.constant 1.638400e+04 : f32
    %div3A_30 = arith.divf %neg3A_28, %div3A_29 : f32
    %reshape3A = vector.broadcast %div3A_30 : f32 to vector<1x1xf32>
    %swap3A = arith.constant 0 : index
    %swap3A_31 = arith.constant 0 : index
    %swap3A_32 = vector.load %arg1[%swap3A, %swap3A_31] : memref<1x1xf32, #tpu.memory_space<vmem>>, vector<1x1xf32>
    tpu.vector_store %arg1[%swap3A, %swap3A_31], %reshape3A {strides = array<i32>} : memref<1x1xf32, #tpu.memory_space<vmem>>, vector<1x1xf32>,
    return
  }
}

</mosaic_0001>

<sc_bundles>
// kernel: kernel.4.cloned.1.call-start
scs
__scs_entry_jumppad:
0x0: {  	(pc) =	sbr.rel $0x88, $3  }
0x1: {  	(tag) =	ssettag $0x0;
	lr =	simm.s32 $0x1  }
0x2: {  	[smem:$0x3F9F] =	sst lr;
	_ =	strace $0xD0000000  }
0x3: {  	_ = 	snop  }
0x4: {  	_ = 	snop  }
0x5: {  	_ = 	snop  }
0x6: {  	_ = 	snop  }
0x7: {  	_ = 	snop  }
__scs_overlays_trampoline_lowered:
0x8: {  	[smem:$0x3FAE] =	sst s0  }
0x9: {  	[smem:$0x3FAF] =	sst s1  }
0xa: {  	[smem:$0x3FB0] =	sst s2  }
0xb: {  	[smem:$0x3FB1] =	sst s3  }
0xc: {  	[smem:$0x3FB2] =	sst s4  }
0xd: {  	[smem:$0x3FB3] =	sst s5  }
0xe: {  	[smem:$0x3FB4] =	sst s6  }
0xf: {  	[smem:$0x3FB5] =	sst s7  }
0x10: {  	[smem:$0x3FB6] =	sst s8  }
0x11: {  	[smem:$0x3FB7] =	sst s9;
	s0 =	simm.s32 @!p0 $0x0  }
0x12: {  	s1 =	sld [smem:$0x3F9D];
	s0 =	simm.s32 @p0 $0x1  }
0x13: {  	[smem:$0x3FB8] =	sst s0;
	s0 =	simm.s32 @!p1 $0x0  }
0x14: {  	s2 =	sld [smem:$0x3F9C];
	s0 =	simm.s32 @p1 $0x1  }
0x15: {  	[smem:$0x3FB9] =	sst s0;
	s0 =	simm.s32 @!p2 $0x0  }
0x16: {  	s3 =	sld [smem:$0x3FDB];
	s0 =	simm.s32 @p2 $0x1  }
0x17: {  	s4 =	simm.s32 $0x1BF5;
	[smem:$0x3FBB] =	sst s0  }
0x18: {  	s0 =	sld [smem:$0x3F9E];
	_ =	swait.ge [sflag:s4], $0x0  }
0x19: {  	s7 =	sld [smem:$0x3F9F]  }
0x1a: {  	s8 =	sadd.s32 $0xFFFFE003, lr  }
0x1b: {  	s9 =	sadd.s32 $0xFFFFFEF7, lr;
	s5 =	simm.s32 $0xFFFFFFFF;
	p2 =	slt.u32 s8, $0xFFFFF086  }
0x1c: {  	p1 =	slt.u32 s9, $0xF7A;
	s5 =	simm.s32 @!p2 $0x0  }
0x1d: {  	s5 =	simm.s32 @p1 $0x1;
	p0 =	seq.s32 s7, s2  }
0x1e: {  	s7 =	smul.u32 @!p0 $0xF7A, s2;
	p2 =	seq.s32 @!p0 s5, $0x0  }
0x1f: {  	s9 =	smul.u32 $0xF7A, s1;
	s8 =	simm.s32 @!p0 $0x1BF5;
	p2 =	por !p2, p0  }
0x20: {  	[sflag:s8] =	ssyncset.s32 @!p0 $0xFFFFF086;
	s6 =	sadd.s32 @!p0 s3, s7;
	s7 =	simm.s32 @!p0 $0x108  }
0x21: {  	s3 =	sadd.s32 s3, s9;
	s6 =	sadd.s32 @!p0 $0x88, s6;
	s7 =	simm.s32 @p2 $0x1082  }
0x22: {  	[simem:s7], [sflag:s8] =	dma.local @!p0 [hbm:s6], $0xF7A  }
0x23: {  	s9 =	sor.u32 $0xD0000000, s2;
	s6 =	simm.s32 $0x108;
	_ =	swait.ge @!p0 [sflag:s8], $0x0  }
0x24: {  	s3 =	sadd.s32 $0x88, s3;
	s6 =	simm.s32 @!p1 $0x1082;
	[sflag:s4] =	ssyncset.s32 $0xFFFFF086  }
0x25: {  	[simem:s6], [sflag:s4] =	dma.local [hbm:s3], $0xF7A  }
0x26: {  	[smem:$0x3F9F] =	sst s1;
	(tag) =	ssettag s2;
	_ =	strace s9  }
0x27: {  	s1 =	sld [smem:$0x3FAF]  }
0x28: {  	s2 =	sld [smem:$0x3FB0]  }
0x29: {  	s4 =	sld [smem:$0x3FB2]  }
0x2a: {  	p0 =	seq.s32 s5, $0x0;
	s5 =	sld [smem:$0x3FB3]  }
0x2b: {  	s6 =	sld [smem:$0x3FB4]  }
0x2c: {  	s7 =	sld [smem:$0x3FB5]  }
0x2d: {  	s3 =	simm.s32 $0x108;
	s8 =	sld [smem:$0x3FB6]  }
0x2e: {  	s3 =	simm.s32 @!p0 $0x1082;
	s9 =	sld [smem:$0x3FB7]  }
0x2f: {  	lr =	sadd.s32 s0, s3;
	s0 =	sld [smem:$0x3FAE]  }
0x30: {  	s3 =	sld [smem:$0x3FB1]  }
0x31: {  	[smem:$0x3FBA] =	sst s10  }
0x32: {  	s10 =	sld [smem:$0x3FB8];
	_ =	sdelay $0x3  }
0x33: {  	p0 =	seq.s32 s10, $0x1;
	s10 =	sld [smem:$0x3FBA];
	_ =	sdelay $0x3  }
0x34: {  	[smem:$0x3FBA] =	sst s10  }
0x35: {  	s10 =	sld [smem:$0x3FB9];
	_ =	sdelay $0x3  }
0x36: {  	p1 =	seq.s32 s10, $0x1;
	s10 =	sld [smem:$0x3FBA];
	_ =	sdelay $0x3  }
0x37: {  	[smem:$0x3FBA] =	sst s10  }
0x38: {  	s10 =	sld [smem:$0x3FBB]  }
0x39: {  	_ = 	snop;
	(pc) =	sbr.ind lr, $3  }
0x3a: {  	_ = 	snop  }
0x3b: {  	_ = 	snop  }
0x3c: {  	p2 =	seq.s32 s10, $0x1;
	s10 =	sld [smem:$0x3FBA]  }
0x3d: {  	_ =	shalt  }
0x3e: {  	_ =	shalt  }
0x3f: {  	_ =	shalt  }
0x40: {  	_ =	shalt  }
0x41: {  	_ =	shalt  }
0x42: {  	_ =	shalt  }
0x43: {  	_ =	shalt  }
0x44: {  	_ =	shalt  }
0x45: {  	_ =	shalt  }
0x46: {  	_ =	shalt  }
0x47: {  	_ =	shalt  }
0x48: {  	_ =	shalt  }
0x49: {  	_ =	shalt  }
0x4a: {  	_ =	shalt  }
0x4b: {  	_ =	shalt  }
0x4c: {  	_ =	shalt  }
0x4d: {  	_ =	shalt  }
0x4e: {  	_ =	shalt  }
0x4f: {  	_ =	shalt  }
0x50: {  	_ =	shalt  }
0x51: {  	_ =	shalt  }
0x52: {  	_ =	shalt  }
0x53: {  	_ =	shalt  }
0x54: {  	_ =	shalt  }
0x55: {  	_ =	shalt  }
0x56: {  	_ =	shalt  }
0x57: {  	_ =	shalt  }
0x58: {  	_ =	shalt  }
0x59: {  	_ =	shalt  }
0x5a: {  	_ =	shalt  }
0x5b: {  	_ =	shalt  }
0x5c: {  	_ =	shalt  }
0x5d: {  	_ =	shalt  }
0x5e: {  	_ =	shalt  }
0x5f: {  	_ =	shalt  }
0x60: {  	_ =	shalt  }
0x61: {  	_ =	shalt  }
0x62: {  	_ =	shalt  }
0x63: {  	_ =	shalt  }
0x64: {  	_ =	shalt  }
0x65: {  	_ =	shalt  }
0x66: {  	_ =	shalt  }
0x67: {  	_ =	shalt  }
0x68: {  	_ =	shalt  }
0x69: {  	_ =	shalt  }
0x6a: {  	_ =	shalt  }
0x6b: {  	_ =	shalt  }
0x6c: {  	_ =	shalt  }
0x6d: {  	_ =	shalt  }
0x6e: {  	_ =	shalt  }
0x6f: {  	_ =	shalt  }
0x70: {  	_ =	shalt  }
0x71: {  	_ =	shalt  }
0x72: {  	_ =	shalt  }
0x73: {  	_ =	shalt  }
0x74: {  	_ =	shalt  }
0x75: {  	_ =	shalt  }
0x76: {  	_ =	shalt  }
0x77: {  	_ =	shalt  }
0x78: {  	_ =	shalt  }
0x79: {  	_ =	shalt  }
0x7a: {  	_ =	shalt  }
0x7b: {  	_ =	shalt  }
0x7c: {  	_ =	shalt  }
0x7d: {  	_ =	shalt  }
0x7e: {  	_ =	shalt  }
0x7f: {  	_ =	shalt  }
0x80: {  	_ =	shalt  }
0x81: {  	_ =	shalt  }
0x82: {  	_ =	shalt  }
0x83: {  	_ =	shalt  }
0x84: {  	_ =	shalt  }
0x85: {  	_ =	shalt  }
0x86: {  	_ =	shalt  }
0x87: {  	_ =	shalt  }
.Lfunc_end0:
.L_simem_size_0:
called_computation_lowered:
.L_overlay_start_0:
0x88: {  	s2 =	sld [smem:$0x3FD9]  }
0x89: {  	s3 =	sld [smem:$0x3FFE];
	_ =	sdelay $0x1  }
0x8a: {  	s1 =	srdreg.scid  }
0x8b: {  	s0 =	sand.u32 $0x1, s1  }
0x8c: {  	s17 =	sshll.u32 s0, $0xA;
	s2 =	sadd.s32 s3, s2  }
0x8d: {  	s2 =	sadd.s32 s2, s17  }
0x8e: {  	[smem:$0x3FC6] =	sst s2  }
0x8f: {  	_ = 	snop  }
0x90: {  	s2 =	sld [smem:$0x3FC8];
	(tm) =	ssettm $0x1  }
0x91: {  	s18 =	sld [smem:$0x3FFB];
	_ =	sdelay $0x3  }
0x92: {  	_ =	strace s18  }
0x93: {  	s3 =	sld [smem:$0x3FFC];
	_ =	sdelay $0x3  }
0x94: {  	_ =	strace s3  }
0x95: {  	s3 =	sld [smem:$0x3FFD];
	_ =	sdelay $0x3  }
0x96: {  	_ =	strace s3  }
0x97: {  	_ =	strace $0x8FFFFFFF  }
0x98: {  	s19 =	sld [smem:$0x3FDB];
	_ =	sdelay $0x1  }
0x99: {  	s4 =	simm.s32 $_scs_section_size  }
0x9a: {  	s5 =	simm.s32 $_size__tile_overlayer_lowered;
	s6 =	simm.s32 $_tile_overlayer_lowered  }
0x9b: {  	s22 =	simm.s32 $0x1BFF;
	s21 =	sshll.u32 s6, $0x1;
	s3 =	sadd.s32 s4, s19  }
0x9c: {  	s7 =	simm.s32 $0x0;
	s20 =	sshll.u32 s5, $0x1;
	s5 =	sadd.s32 s21, s3  }
0x9d: {  	[timem:s7], [sflag:s22] =	dma.local [hbm:s5], s20  }
0x9e: {  	_ =	swait.ge [sflag:s22], s20  }
0x9f: {  	s4 =	ssub.s32 $0x0, s20;
	[sflag:s22] =	ssyncset.done $0x0  }
0xa0: {  	[sflag:s22] =	ssyncadd.s32 s4;
	_ =	sdelay $0x1  }
0xa1: {  	s23 =	simm.s32 $0x1B8B  }
0xa2: {  	_ =	swait.ge [sflag:s23], $0x1  }
0xa3: {  	[sflag:s23] =	ssyncset.done $0x0  }
0xa4: {  	s25 =	simm.s32 $0x1B8E;
	s24 =	sld [smem:$0x3FFE];
	[sflag:s23] =	ssyncadd.s32 $0xFFFFFFFF  }
0xa5: {  	s26 =	simm.s32 $execute0_lowered;
	[smem:$0x3FD2] =	sst s25  }
0xa6: {  	s5 =	sshll.u32 s26, $0x1;
	_ =	strace $0x80000046;
	[dreg:$0x1] =	wrdreg $0xFFFFFFFF  }
0xa7: {  	s28 =	simm.s32 $_size_execute0_lowered;
	s3 =	sadd.s32 s3, s5;
	[dreg:$0x0] =	wrdreg $0x0  }
0xa8: {  	s5 =	sshll.u32 s28, $0x1;
	[dreg:$0x2] =	wrdreg s3  }
0xa9: {  	[dreg:$0x3] =	wrdreg s5  }
0xaa: {  	[dreg:$0x4] =	wrdreg $0xC0  }
0xab: {  	_ =	task [dreg:s7], $0x5FFFF  }
0xac: {  	[dreg:$0x1] =	wrdreg $0xFFFFFFFF  }
0xad: {  	[dreg:$0x0] =	wrdreg $0x60  }
0xae: {  	[dreg:$0x2] =	wrdreg s24  }
0xaf: {  	[dreg:$0x3] =	wrdreg s2  }
0xb0: {  	[dreg:$0x4] =	wrdreg $0x9  }
0xb1: {  	_ =	task.clear_ibuf [dreg:s7], $0x5FFFF;
	_ =	strace $0x90000046  }
0xb2: {  	s29 =	simm.s32 $0x9;
	_ =	strace $0x80000048  }
0xb3: {  	_ =	swait.ge [sflag:s29], $0x1  }
0xb4: {  	[sflag:s29] =	ssyncadd.s32 $0xFFFFFFFF  }
0xb5: {  	_ =	strace $0x90000048  }
0xb6: {  	_ =	sfence  }
0xb7: {  	s30 =	sld [smem:$0x0];
	_ =	sdelay $0x2  }
0xb8: {  	s31 =	sshll.u32 s1, $0xD;
	s1 =	sshrl.u32 s1, $0x2  }
0xb9: {  	s3 =	sand.u32 $0x4000, s31;
	s1 =	sadd.s32 s1, s30  }
0xba: {  	s0 =	sor.u32 s3, s0;
	s1 =	sshll.u32 s1, $0x11  }
0xbb: {  	s0 =	sor.u32 s1, s0  }
0xbc: {  	s0 =	sadd.s32 $0x8F2B, s0  }
0xbd: {  	[sflag:s0] =	ssyncadd.remote.s32 $0x1  }
0xbe: {  	_ =	sfence.sel $0xFFFF  }
0xbf: {  	[dreg:$0x0] =	wrdreg $0xFFFFFFFF;
	(pc) =	sbr.abs _section_cstart, $3  }
0xc0: {  	[dreg:$0x1] =	wrdreg $0xFFFFFFFF  }
0xc1: {  	_ =	task.clear_ibuf [dreg:s7], $0x2FFFF;
	_ =	strace $0x9FFFFFFF  }
0xc2: {  	(tm) =	ssettm $0x7FFFFFFF  }
0xc3: {  	_ =	shalt  }
tec
execute0_lowered:
.L_overlay_start_1:
0x0: {  	(tag) =	ssettag $0x1  }
0x1: {  	s1 =	srdreg.scid;
	s0 =	stileid.u32  }
0x2: {  	s4 =	sand.u32 $0x1, s1;
	s13 =	sshll.u32 s0, $0x1  }
0x3: {  	s5 =	sor.u32 s4, s13  }
0x4: {  	v4 =	vlaneseq.u32;
	v33 =	vimm.s32 $0x392;
	v34 =	vimm.s32 $0x79;
	s4 =	ssub.s32 $0x2, s4;
	s1 =	sshll.u32 s5, $0x9  }
0x5: {  	v35 =	vimm.s32 $0x2F1;
	v36 =	vimm.s32 $0x269;
	s20 =	sshrl.u32 s4, $0x1;
	v0 =	vmov s1;
	s2 =	sor.u32 $0x10, s1  }
0x6: {  	v31 =	vmul.u32 $0x3E8, v4;
	s14 =	sor.u32 $0x20, s1;
	s3 =	sor.u32 $0x30, s1;
	s15 =	sor.u32 $0x40, s1;
	v0 =	vmul.u32 $0x3E8, v0;
	v1 =	vmov s2  }
0x7: {  	s16 =	sor.u32 $0x50, s1;
	s17 =	sor.u32 $0x60, s1;
	s18 =	sor.u32 $0x70, s1;
	v2 =	vmov s14;
	v3 =	vmov s3;
	v4 =	vmov s15  }
0x8: {  	s8 =	sor.u32 $0x80, s1;
	s19 =	sor.u32 $0x90, s1;
	s21 =	sor.u32 $0xA0, s1;
	v5 =	vmov s16;
	v6 =	vmov s17;
	v7 =	vmov s18  }
0x9: {  	s22 =	sor.u32 $0xB0, s1;
	s24 =	sor.u32 $0xC0, s1;
	s26 =	sor.u32 $0xD0, s1;
	v8 =	vmov s8;
	v9 =	vmov s19;
	v10 =	vmov s21  }
0xa: {  	s4 =	ssub.s32 s4, s20;
	s12 =	sor.u32 $0xF0, s1;
	s20 =	sor.u32 $0x130, s1;
	v11 =	vmov s22;
	v12 =	vmov s24;
	v13 =	vmov s26  }
0xb: {  	v15 =	vmov s12;
	v19 =	vmov s20;
	v1 =	vmul.u32 $0x3E8, v1  }
0xc: {  	v2 =	vmul.u32 $0x3E8, v2;
	v3 =	vmul.u32 $0x3E8, v3;
	v4 =	vmul.u32 $0x3E8, v4  }
0xd: {  	s6 =	rddreg [dreg:$0x0];
	s9 =	smul.u32 $0x180, s5;
	v5 =	vmul.u32 $0x3E8, v5;
	v6 =	vmul.u32 $0x3E8, v6;
	v7 =	vmul.u32 $0x3E8, v7  }
0xe: {  	s3 =	sadd.s32 $0x200400, s6;
	v8 =	vmul.u32 $0x3E8, v8;
	v9 =	vmul.u32 $0x3E8, v9;
	v10 =	vmul.u32 $0x3E8, v10  }
0xf: {  	s6 =	sadd.s32 s9, s6;
	s9 =	sor.u32 $0xE0, s1;
	s14 =	sor.u32 $0x100, s1;
	v11 =	vmul.u32 $0x3E8, v11;
	v12 =	vmul.u32 $0x3E8, v12;
	v13 =	vmul.u32 $0x3E8, v13  }
0x10: {  	s16 =	sor.u32 $0x110, s1;
	s18 =	sor.u32 $0x120, s1;
	v14 =	vmov s9;
	v15 =	vmul.u32 $0x3E8, v15;
	v16 =	vmov s14  }
0x11: {  	s22 =	sor.u32 $0x140, s1;
	s24 =	sor.u32 $0x150, s1;
	s26 =	sor.u32 $0x160, s1;
	v17 =	vmov s16;
	v18 =	vmov s18;
	v19 =	vmul.u32 $0x3E8, v19  }
0x12: {  	s20 =	sor.u32 $0x1D0, s1;
	v20 =	vmov s22;
	v21 =	vmov s24;
	v22 =	vmov s26  }
0x13: {  	s7 =	rddreg [dreg:$0x1];
	s5 =	sshll.u32 s5, $0x6;
	s2 =	simm.s32 $0x0;
	v29 =	vmov s20;
	v0 =	vbroadcast v0, $0x0;
	v14 =	vmul.u32 $0x3E8, v14  }
0x14: {  	s5 =	sadd.s32 s7, s5;
	[smem:$0x7FF] =	sst s2;
	s6 =	sadd.s32 $0x400, s6;
	v16 =	vmul.u32 $0x3E8, v16;
	v17 =	vmul.u32 $0x3E8, v17;
	v18 =	vmul.u32 $0x3E8, v18  }
0x15: {  	s9 =	sor.u32 $0x170, s1;
	_ =	strace $0x80000047;
	[dreg:$0x3] =	wrdreg s5;
	v20 =	vmul.u32 $0x3E8, v20;
	v21 =	vmul.u32 $0x3E8, v21;
	v1 =	vbroadcast v1, $0x0  }
0x16: {  	s23 =	simm.s32 $0x200;
	s25 =	simm.s32 $0x280;
	[dreg:$0x4] =	wrdreg s6;
	v23 =	vmov s9;
	v2 =	vbroadcast v2, $0x0;
	v3 =	vbroadcast v3, $0x0  }
0x17: {  	s10 =	simm.s32 $0x300;
	s16 =	sor.u32 $0x1B0, s1;
	[dreg:$0x5] =	wrdreg s23;
	v22 =	vmul.u32 $0x3E8, v22;
	v4 =	vbroadcast v4, $0x0;
	v5 =	vbroadcast v5, $0x0  }
0x18: {  	s0 =	simm.s32 $0xE80;
	s18 =	sor.u32 $0x1C0, s1;
	[dreg:$0x6] =	wrdreg s25;
	v27 =	vmov s16;
	v6 =	vbroadcast v6, $0x0;
	v7 =	vbroadcast v7, $0x0  }
0x19: {  	s11 =	simm.s32 $0xF00;
	s22 =	sor.u32 $0x1E0, s1;
	[dreg:$0x7] =	wrdreg s0;
	v28 =	vmov s18;
	v8 =	vbroadcast v8, $0x0;
	v9 =	vbroadcast v9, $0x0  }
0x1a: {  	s28 =	simm.s32 $0xD00;
	s29 =	simm.s32 $0x1900;
	[dreg:$0x8] =	wrdreg s10;
	v30 =	vmov s22;
	v10 =	vbroadcast v10, $0x0;
	v11 =	vbroadcast v11, $0x0  }
0x1b: {  	s13 =	simm.s32 $0x380;
	s15 =	simm.s32 $0xF80;
	[dreg:$0x9] =	wrdreg s11;
	v29 =	vmul.u32 $0x3E8, v29;
	v12 =	vbroadcast v12, $0x0;
	v13 =	vbroadcast v13, $0x0  }
0x1c: {  	[dreg:$0xa] =	wrdreg s13;
	s11 =	sor.u32 $0x180, s1;
	s13 =	sor.u32 $0x190, s1;
	v15 =	vbroadcast v15, $0x0;
	v19 =	vbroadcast v19, $0x0;
	v23 =	vmul.u32 $0x3E8, v23  }
0x1d: {  	s30 =	simm.s32 $0xD80;
	s17 =	simm.s32 $0x400;
	[dreg:$0xb] =	wrdreg s15;
	v24 =	vmov s11;
	v25 =	vmov s13;
	v27 =	vmul.u32 $0x3E8, v27  }
0x1e: {  	s31 =	simm.s32 $0x1980;
	s19 =	simm.s32 $0x1000;
	[dreg:$0xc] =	wrdreg s17;
	v28 =	vmul.u32 $0x3E8, v28;
	v14 =	vbroadcast v14, $0x0;
	v16 =	vbroadcast v16, $0x0  }
0x1f: {  	s7 =	simm.s32 $0xE00;
	s21 =	simm.s32 $0x480;
	[dreg:$0xd] =	wrdreg s19;
	v30 =	vmul.u32 $0x3E8, v30;
	v17 =	vbroadcast v17, $0x0;
	v18 =	vbroadcast v18, $0x0  }
0x20: {  	s12 =	simm.s32 $0x1180;
	[dreg:$0xe] =	wrdreg s21;
	s10 =	simm.s32 $0x580;
	v0 =	vadd.s32 v31, v0;
	v20 =	vbroadcast v20, $0x0;
	v21 =	vbroadcast v21, $0x0  }
0x21: {  	[dreg:$0x12] =	wrdreg s10;
	s10 =	sor.u32 $0x1A0, s1;
	s1 =	sor.u32 $0x1F0, s1;
	v24 =	vmul.u32 $0x3E8, v24;
	v22 =	vbroadcast v22, $0x0;
	v25 =	vmul.u32 $0x3E8, v25  }
0x22: {  	s4 =	smax.u32 s4, $0x1;
	s14 =	simm.s32 $0x600;
	[dreg:$0x13] =	wrdreg s12;
	v26 =	vmov s10;
	v32 =	vmov s1;
	v29 =	vbroadcast v29, $0x0  }
0x23: {  	s24 =	simm.s32 $0x780;
	s26 =	simm.s32 $0x800;
	[dreg:$0x14] =	wrdreg s14;
	v1 =	vadd.s32 v31, v1;
	v2 =	vadd.s32 v31, v2;
	v3 =	vadd.s32 v31, v3  }
0x24: {  	s20 =	simm.s32 $0x1700;
	s23 =	simm.s32 $0x1080;
	[dreg:$0x1a] =	wrdreg s24;
	v4 =	vadd.s32 v31, v4;
	v5 =	vadd.s32 v31, v5;
	v6 =	vadd.s32 v31, v6  }
0x25: {  	s25 =	simm.s32 $0x500;
	s0 =	simm.s32 $0x1100;
	[dreg:$0x1c] =	wrdreg s26;
	v7 =	vadd.s32 v31, v7;
	v8 =	vadd.s32 v31, v8;
	v9 =	vadd.s32 v31, v9  }
0x26: {  	s15 =	simm.s32 $0x1200;
	s17 =	simm.s32 $0x680;
	[dreg:$0xf] =	wrdreg s23;
	v10 =	vadd.s32 v31, v10;
	v11 =	vadd.s32 v31, v11;
	v12 =	vadd.s32 v31, v12  }
0x27: {  	s19 =	simm.s32 $0x1280;
	s21 =	simm.s32 $0x700;
	[dreg:$0x10] =	wrdreg s25;
	v13 =	vadd.s32 v31, v13;
	v15 =	vadd.s32 v31, v15;
	v19 =	vadd.s32 v31, v19  }
0x28: {  	s5 =	simm.s32 $0x2;
	s6 =	simm.s32 $0x80;
	[dreg:$0x11] =	wrdreg s0;
	v23 =	vbroadcast v23, $0x0;
	v26 =	vmul.u32 $0x3E8, v26;
	v27 =	vbroadcast v27, $0x0  }
0x29: {  	s12 =	simm.s32 $0x1500;
	s14 =	simm.s32 $0x1580;
	[dreg:$0x15] =	wrdreg s15;
	v28 =	vbroadcast v28, $0x0;
	v32 =	vmul.u32 $0x3E8, v32;
	v30 =	vbroadcast v30, $0x0  }
0x2a: {  	s16 =	simm.s32 $0x1600;
	s18 =	simm.s32 $0x1680;
	[dreg:$0x16] =	wrdreg s17;
	v14 =	vadd.s32 v31, v14;
	v16 =	vadd.s32 v31, v16;
	v17 =	vadd.s32 v31, v17  }
0x2b: {  	s22 =	simm.s32 $0x1780;
	s24 =	simm.s32 $0x1800;
	[dreg:$0x17] =	wrdreg s19;
	v18 =	vadd.s32 v31, v18;
	v20 =	vadd.s32 v31, v20;
	v21 =	vadd.s32 v31, v21  }
0x2c: {  	s26 =	simm.s32 $0x1880;
	[dreg:$0x18] =	wrdreg s21;
	s23 =	simm.s32 $0x1300;
	v24 =	vbroadcast v24, $0x0;
	v22 =	vadd.s32 v31, v22;
	v25 =	vbroadcast v25, $0x0  }
0x2d: {  	s25 =	simm.s32 $0x1380;
	s11 =	simm.s32 $0x900;
	s13 =	simm.s32 $0x980;
	v29 =	vadd.s32 v31, v29;
	v23 =	vadd.s32 v31, v23;
	v26 =	vbroadcast v26, $0x0  }
0x2e: {  	s15 =	simm.s32 $0xA00;
	s17 =	simm.s32 $0xA80;
	[dreg:$0x19] =	wrdreg s23;
	v27 =	vadd.s32 v31, v27;
	v32 =	vbroadcast v32, $0x0;
	v28 =	vadd.s32 v31, v28  }
0x2f: {  	s19 =	simm.s32 $0xB00;
	s21 =	simm.s32 $0xB80;
	[dreg:$0x1b] =	wrdreg s25;
	v30 =	vadd.s32 v31, v30;
	v24 =	vadd.s32 v31, v24;
	v25 =	vadd.s32 v31, v25  }
0x30: {  	s23 =	simm.s32 $0xC00;
	s25 =	simm.s32 $0xC80;
	s1 =	simm.s32 $0x1;
	v26 =	vadd.s32 v31, v26;
	v31 =	vadd.s32 v31, v32;
	v32 =	vimm.s32 $0x3BB  }
.LBB2_1:
0x31: {  	s0 =	rddreg [dreg:$0x3]  }
0x32: {  	[tilespmem:s2], [sflag:$0x2] =	stream.linear.gather [hbm4b:s0+s2], $0x200, $0x38;
	[tilespmem:$0x1A00] =	vst v63  }
0x33: {  	_ =	swait.ge [sflag:s5], $0x200  }
0x34: {  	[sflag:s5] =	ssyncset.done $0x0  }
0x35: {  	[sflag:s5] =	ssyncadd.s32 $0xFFFFFE00  }
0x36: {  	v37 =	vld [tilespmem:$0x0]  }
0x37: {  	v40 =	vld [tilespmem:$0x10]  }
0x38: {  	v60 =	vld [tilespmem:$0x20];
	_ =	sdelay $0x2  }
0x39: {  	v38 =	vadd.s32 v0, v37  }
0x3a: {  	vm0 =	vlt.s32 v37, $0x3BC;
	v58 =	vadd.s32 v1, v40;
	[tilespmem:$0x200] =	vst v38  }
0x3b: {  	vm13 =	vlt.s32 v37, $0x393;
	v47 =	vadd.s32 v2, v60;
	v39 =	vsel vm0, $0x3BC, v32;
	[tilespmem:$0x210] =	vst v58  }
0x3c: {  	vm14 =	vlt.s32 v37, $0x7A;
	v50 =	vsel vm13, $0x393, v33;
	[tilespmem:$0x220] =	vst v47;
	v49 =	vadd.s32 v0, v39  }
0x3d: {  	vm15 =	vlt.s32 v37, $0x2F2;
	v52 =	vsel vm14, $0x7A, v34;
	v51 =	vadd.s32 v0, v50;
	[tilespmem:$0x400] =	vst v49  }
0x3e: {  	vm4 =	vlt.s32 v37, $0x26A;
	v54 =	vsel vm15, $0x2F2, v35;
	v53 =	vadd.s32 v0, v52;
	[tilespmem:$0x600] =	vst v51  }
0x3f: {  	vm5 =	vlt.s32 v40, $0x3BC;
	v56 =	vsel vm4, $0x26A, v36;
	v55 =	vadd.s32 v0, v54;
	[tilespmem:$0x800] =	vst v53  }
0x40: {  	vm6 =	vlt.s32 v40, $0x393;
	v59 =	vsel vm5, $0x3BC, v32;
	v57 =	vadd.s32 v0, v56;
	[tilespmem:$0xA00] =	vst v55  }
0x41: {  	vm7 =	vlt.s32 v40, $0x7A;
	v62 =	vsel vm6, $0x393, v33;
	v61 =	vadd.s32 v1, v59;
	[tilespmem:$0xC00] =	vst v57  }
0x42: {  	vm8 =	vlt.s32 v40, $0x2F2;
	v41 =	vsel vm7, $0x7A, v34;
	v63 =	vadd.s32 v1, v62;
	[tilespmem:$0x410] =	vst v61  }
0x43: {  	vm9 =	vlt.s32 v40, $0x26A;
	v43 =	vsel vm8, $0x2F2, v35;
	v42 =	vadd.s32 v1, v41;
	[tilespmem:$0x610] =	vst v63  }
0x44: {  	vm10 =	vlt.s32 v60, $0x3BC;
	v45 =	vsel vm9, $0x26A, v36;
	v44 =	vadd.s32 v1, v43;
	[tilespmem:$0x810] =	vst v42  }
0x45: {  	vm11 =	vlt.s32 v60, $0x393;
	v48 =	vsel vm10, $0x3BC, v32;
	v46 =	vadd.s32 v1, v45;
	[tilespmem:$0xA10] =	vst v44  }
0x46: {  	vm12 =	vlt.s32 v60, $0x7A;
	v50 =	vadd.s32 v2, v48;
	[tilespmem:$0xC10] =	vst v46;
	v49 =	vld [tilespmem:$0x30];
	v51 =	vsel vm11, $0x393, v33  }
0x47: {  	vm13 =	vlt.s32 v60, $0x2F2;
	[tilespmem:$0x420] =	vst v50;
	v53 =	vsel vm12, $0x7A, v34;
	v61 =	vld [tilespmem:$0x40];
	v52 =	vadd.s32 v2, v51  }
0x48: {  	vm14 =	vlt.s32 v60, $0x26A;
	v55 =	vsel vm13, $0x2F2, v35;
	v54 =	vadd.s32 v2, v53;
	[tilespmem:$0x620] =	vst v52  }
0x49: {  	v57 =	vsel vm14, $0x26A, v36;
	v56 =	vadd.s32 v2, v55;
	[tilespmem:$0x820] =	vst v54  }
0x4a: {  	v58 =	vadd.s32 v2, v57;
	[tilespmem:$0xA20] =	vst v56  }
0x4b: {  	[tilespmem:$0xC20] =	vst v58;
	vm15 =	vlt.s32 v49, $0x3BC;
	v59 =	vadd.s32 v3, v49  }
0x4c: {  	vm4 =	vlt.s32 v49, $0x393;
	v48 =	vadd.s32 v4, v61;
	v60 =	vsel vm15, $0x3BC, v32;
	[tilespmem:$0x230] =	vst v59  }
0x4d: {  	vm5 =	vlt.s32 v49, $0x7A;
	v63 =	vsel vm4, $0x393, v33;
	[tilespmem:$0x240] =	vst v48;
	v62 =	vadd.s32 v3, v60  }
0x4e: {  	vm6 =	vlt.s32 v49, $0x2F2;
	v42 =	vsel vm5, $0x7A, v34;
	v41 =	vadd.s32 v3, v63;
	[tilespmem:$0x430] =	vst v62  }
0x4f: {  	vm7 =	vlt.s32 v49, $0x26A;
	v44 =	vsel vm6, $0x2F2, v35;
	v43 =	vadd.s32 v3, v42;
	[tilespmem:$0x630] =	vst v41  }
0x50: {  	vm8 =	vlt.s32 v61, $0x3BC;
	v46 =	vsel vm7, $0x26A, v36;
	v45 =	vadd.s32 v3, v44;
	[tilespmem:$0x830] =	vst v43  }
0x51: {  	v50 =	vld [tilespmem:$0x50];
	vm9 =	vlt.s32 v61, $0x393;
	v49 =	vsel vm8, $0x3BC, v32;
	v47 =	vadd.s32 v3, v46;
	[tilespmem:$0xA30] =	vst v45  }
0x52: {  	vm10 =	vlt.s32 v61, $0x7A;
	v52 =	vsel vm9, $0x393, v33;
	v51 =	vadd.s32 v4, v49;
	[tilespmem:$0xC30] =	vst v47  }
0x53: {  	vm11 =	vlt.s32 v61, $0x2F2;
	v54 =	vsel vm10, $0x7A, v34;
	v53 =	vadd.s32 v4, v52;
	[tilespmem:$0x440] =	vst v51  }
0x54: {  	vm12 =	vlt.s32 v61, $0x26A;
	v56 =	vsel vm11, $0x2F2, v35;
	v55 =	vadd.s32 v4, v54;
	[tilespmem:$0x640] =	vst v53  }
0x55: {  	v58 =	vsel vm12, $0x26A, v36;
	v57 =	vadd.s32 v4, v56;
	[tilespmem:$0x840] =	vst v55  }
0x56: {  	vm13 =	vlt.s32 v50, $0x3BC;
	v59 =	vadd.s32 v4, v58;
	[tilespmem:$0xA40] =	vst v57  }
0x57: {  	vm14 =	vlt.s32 v50, $0x393;
	v61 =	vsel vm13, $0x3BC, v32;
	v60 =	vadd.s32 v5, v50;
	[tilespmem:$0xC40] =	vst v59  }
0x58: {  	vm15 =	vlt.s32 v50, $0x7A;
	v63 =	vadd.s32 v5, v61;
	v62 =	vld [tilespmem:$0x60];
	[tilespmem:$0x250] =	vst v60;
	v41 =	vsel vm14, $0x393, v33  }
0x59: {  	vm4 =	vlt.s32 v50, $0x2F2;
	[tilespmem:$0x450] =	vst v63;
	v43 =	vsel vm15, $0x7A, v34;
	v51 =	vld [tilespmem:$0x70];
	v42 =	vadd.s32 v5, v41  }
0x5a: {  	vm5 =	vlt.s32 v50, $0x26A;
	v45 =	vsel vm4, $0x2F2, v35;
	v44 =	vadd.s32 v5, v43;
	[tilespmem:$0x650] =	vst v42  }
0x5b: {  	v47 =	vsel vm5, $0x26A, v36;
	v46 =	vadd.s32 v5, v45;
	[tilespmem:$0x850] =	vst v44  }
0x5c: {  	v48 =	vadd.s32 v5, v47;
	[tilespmem:$0xA50] =	vst v46  }
0x5d: {  	[tilespmem:$0xC50] =	vst v48;
	vm6 =	vlt.s32 v62, $0x3BC;
	v49 =	vadd.s32 v6, v62  }
0x5e: {  	vm7 =	vlt.s32 v62, $0x393;
	v61 =	vadd.s32 v7, v51;
	v50 =	vsel vm6, $0x3BC, v32;
	[tilespmem:$0x260] =	vst v49  }
0x5f: {  	vm8 =	vlt.s32 v62, $0x7A;
	v53 =	vsel vm7, $0x393, v33;
	[tilespmem:$0x270] =	vst v61;
	v52 =	vadd.s32 v6, v50  }
0x60: {  	vm9 =	vlt.s32 v62, $0x2F2;
	v55 =	vsel vm8, $0x7A, v34;
	v54 =	vadd.s32 v6, v53;
	[tilespmem:$0x460] =	vst v52  }
0x61: {  	vm10 =	vlt.s32 v62, $0x26A;
	v57 =	vsel vm9, $0x2F2, v35;
	v56 =	vadd.s32 v6, v55;
	[tilespmem:$0x660] =	vst v54  }
0x62: {  	vm11 =	vlt.s32 v51, $0x3BC;
	v59 =	vsel vm10, $0x26A, v36;
	v58 =	vadd.s32 v6, v57;
	[tilespmem:$0x860] =	vst v56  }
0x63: {  	v63 =	vld [tilespmem:$0x80];
	vm12 =	vlt.s32 v51, $0x393;
	v62 =	vsel vm11, $0x3BC, v32;
	v60 =	vadd.s32 v6, v59;
	[tilespmem:$0xA60] =	vst v58  }
0x64: {  	vm13 =	vlt.s32 v51, $0x7A;
	v45 =	vsel vm12, $0x393, v33;
	v44 =	vadd.s32 v7, v62;
	[tilespmem:$0xC60] =	vst v60  }
0x65: {  	vm14 =	vlt.s32 v51, $0x2F2;
	v47 =	vsel vm13, $0x7A, v34;
	v46 =	vadd.s32 v7, v45;
	[tilespmem:$0x470] =	vst v44  }
0x66: {  	v49 =	vsel vm14, $0x2F2, v35;
	v48 =	vadd.s32 v7, v47;
	[tilespmem:$0x670] =	vst v46  }
0x67: {  	vm15 =	vlt.s32 v51, $0x26A;
	v50 =	vadd.s32 v7, v49;
	[tilespmem:$0x870] =	vst v48  }
0x68: {  	vm5 =	vlt.s32 v63, $0x393;
	v51 =	vsel vm15, $0x26A, v36;
	v53 =	vadd.s32 v8, v63;
	[tilespmem:$0xA70] =	vst v50  }
0x69: {  	vm6 =	vlt.s32 v63, $0x7A;
	v57 =	vsel vm5, $0x393, v33;
	v52 =	vadd.s32 v7, v51;
	[tilespmem:$0x280] =	vst v53  }
0x6a: {  	vm7 =	vlt.s32 v63, $0x2F2;
	v55 =	vld [tilespmem:$0x90];
	v59 =	vsel vm6, $0x7A, v34;
	v58 =	vadd.s32 v8, v57;
	[tilespmem:$0xC70] =	vst v52  }
0x6b: {  	vm8 =	vlt.s32 v63, $0x26A;
	v61 =	vsel vm7, $0x2F2, v35;
	v60 =	vadd.s32 v8, v59;
	v44 =	vld [tilespmem:$0xA0];
	[tilespmem:$0x680] =	vst v58  }
0x6c: {  	vm4 =	vlt.s32 v63, $0x3BC;
	v63 =	vsel vm8, $0x26A, v36;
	v62 =	vadd.s32 v8, v61;
	[tilespmem:$0x880] =	vst v60  }
0x6d: {  	v54 =	vsel vm4, $0x3BC, v32;
	v41 =	vadd.s32 v8, v63;
	[tilespmem:$0xA80] =	vst v62  }
0x6e: {  	v56 =	vadd.s32 v8, v54;
	[tilespmem:$0xC80] =	vst v41  }
0x6f: {  	[tilespmem:$0x480] =	vst v56;
	vm9 =	vlt.s32 v55, $0x3BC;
	v42 =	vadd.s32 v9, v55  }
0x70: {  	vm10 =	vlt.s32 v55, $0x393;
	v43 =	vsel vm9, $0x3BC, v32;
	[tilespmem:$0x290] =	vst v42;
	v54 =	vadd.s32 v10, v44  }
0x71: {  	vm11 =	vlt.s32 v55, $0x7A;
	v46 =	vsel vm10, $0x393, v33;
	v45 =	vadd.s32 v9, v43;
	[tilespmem:$0x2A0] =	vst v54  }
0x72: {  	vm12 =	vlt.s32 v55, $0x2F2;
	v48 =	vsel vm11, $0x7A, v34;
	v47 =	vadd.s32 v9, v46;
	[tilespmem:$0x490] =	vst v45  }
0x73: {  	vm13 =	vlt.s32 v55, $0x26A;
	v50 =	vsel vm12, $0x2F2, v35;
	v49 =	vadd.s32 v9, v48;
	[tilespmem:$0x690] =	vst v47  }
0x74: {  	v52 =	vsel vm13, $0x26A, v36;
	vm14 =	vlt.s32 v44, $0x3BC;
	v51 =	vadd.s32 v9, v50;
	[tilespmem:$0x890] =	vst v49  }
0x75: {  	v56 =	vld [tilespmem:$0xB0];
	vm15 =	vlt.s32 v44, $0x393;
	v53 =	vadd.s32 v9, v52;
	v55 =	vsel vm14, $0x3BC, v32;
	[tilespmem:$0xA90] =	vst v51  }
0x76: {  	vm4 =	vlt.s32 v44, $0x7A;
	v58 =	vsel vm15, $0x393, v33;
	[tilespmem:$0xC90] =	vst v53;
	v57 =	vadd.s32 v10, v55  }
0x77: {  	vm5 =	vlt.s32 v44, $0x2F2;
	v60 =	vsel vm4, $0x7A, v34;
	v59 =	vadd.s32 v10, v58;
	[tilespmem:$0x4A0] =	vst v57  }
0x78: {  	vm6 =	vlt.s32 v44, $0x26A;
	v62 =	vsel vm5, $0x2F2, v35;
	v61 =	vadd.s32 v10, v60;
	[tilespmem:$0x6A0] =	vst v59  }
0x79: {  	v41 =	vsel vm6, $0x26A, v36;
	v63 =	vadd.s32 v10, v62;
	[tilespmem:$0x8A0] =	vst v61  }
0x7a: {  	v42 =	vadd.s32 v10, v41;
	vm7 =	vlt.s32 v56, $0x3BC;
	[tilespmem:$0xAA0] =	vst v63  }
0x7b: {  	v43 =	vadd.s32 v11, v56;
	vm8 =	vlt.s32 v56, $0x393;
	[tilespmem:$0xCA0] =	vst v42;
	v44 =	vsel vm7, $0x3BC, v32  }
0x7c: {  	v45 =	vld [tilespmem:$0xC0];
	vm9 =	vlt.s32 v56, $0x7A;
	[tilespmem:$0x2B0] =	vst v43;
	v47 =	vsel vm8, $0x393, v33;
	v46 =	vadd.s32 v11, v44  }
0x7d: {  	vm10 =	vlt.s32 v56, $0x2F2;
	v49 =	vsel vm9, $0x7A, v34;
	v57 =	vld [tilespmem:$0xD0];
	v48 =	vadd.s32 v11, v47;
	[tilespmem:$0x4B0] =	vst v46  }
0x7e: {  	vm11 =	vlt.s32 v56, $0x26A;
	v51 =	vsel vm10, $0x2F2, v35;
	v50 =	vadd.s32 v11, v49;
	[tilespmem:$0x6B0] =	vst v48  }
0x7f: {  	v53 =	vsel vm11, $0x26A, v36;
	v52 =	vadd.s32 v11, v51;
	[tilespmem:$0x8B0] =	vst v50  }
0x80: {  	v54 =	vadd.s32 v11, v53;
	[tilespmem:$0xAB0] =	vst v52  }
0x81: {  	[tilespmem:$0xCB0] =	vst v54;
	vm12 =	vlt.s32 v45, $0x3BC;
	v55 =	vadd.s32 v12, v45  }
0x82: {  	vm13 =	vlt.s32 v45, $0x393;
	v56 =	vsel vm12, $0x3BC, v32;
	[tilespmem:$0x2C0] =	vst v55;
	v44 =	vadd.s32 v13, v57  }
0x83: {  	vm14 =	vlt.s32 v45, $0x7A;
	v59 =	vsel vm13, $0x393, v33;
	v58 =	vadd.s32 v12, v56;
	[tilespmem:$0x2D0] =	vst v44  }
0x84: {  	vm15 =	vlt.s32 v45, $0x2F2;
	v61 =	vsel vm14, $0x7A, v34;
	v60 =	vadd.s32 v12, v59;
	[tilespmem:$0x4C0] =	vst v58  }
0x85: {  	vm4 =	vlt.s32 v45, $0x26A;
	v63 =	vsel vm15, $0x2F2, v35;
	v62 =	vadd.s32 v12, v61;
	[tilespmem:$0x6C0] =	vst v60  }
0x86: {  	v42 =	vsel vm4, $0x26A, v36;
	vm5 =	vlt.s32 v57, $0x3BC;
	v41 =	vadd.s32 v12, v63;
	[tilespmem:$0x8C0] =	vst v62  }
0x87: {  	v46 =	vld [tilespmem:$0xE0];
	vm6 =	vlt.s32 v57, $0x393;
	v43 =	vadd.s32 v12, v42;
	v45 =	vsel vm5, $0x3BC, v32;
	[tilespmem:$0xAC0] =	vst v41  }
0x88: {  	vm7 =	vlt.s32 v57, $0x7A;
	v48 =	vsel vm6, $0x393, v33;
	[tilespmem:$0xCC0] =	vst v43;
	v47 =	vadd.s32 v13, v45  }
0x89: {  	vm8 =	vlt.s32 v57, $0x2F2;
	v50 =	vsel vm7, $0x7A, v34;
	v49 =	vadd.s32 v13, v48;
	[tilespmem:$0x4D0] =	vst v47  }
0x8a: {  	vm9 =	vlt.s32 v57, $0x26A;
	v52 =	vsel vm8, $0x2F2, v35;
	v51 =	vadd.s32 v13, v50;
	[tilespmem:$0x6D0] =	vst v49  }
0x8b: {  	v54 =	vsel vm9, $0x26A, v36;
	v53 =	vadd.s32 v13, v52;
	[tilespmem:$0x8D0] =	vst v51  }
0x8c: {  	v55 =	vadd.s32 v13, v54;
	vm10 =	vlt.s32 v46, $0x3BC;
	[tilespmem:$0xAD0] =	vst v53  }
0x8d: {  	v56 =	vadd.s32 v14, v46;
	vm11 =	vlt.s32 v46, $0x393;
	[tilespmem:$0xCD0] =	vst v55;
	v57 =	vsel vm10, $0x3BC, v32  }
0x8e: {  	v58 =	vld [tilespmem:$0xF0];
	vm12 =	vlt.s32 v46, $0x7A;
	[tilespmem:$0x2E0] =	vst v56;
	v60 =	vsel vm11, $0x393, v33;
	v59 =	vadd.s32 v14, v57  }
0x8f: {  	vm13 =	vlt.s32 v46, $0x2F2;
	v62 =	vsel vm12, $0x7A, v34;
	v47 =	vld [tilespmem:$0x100];
	v61 =	vadd.s32 v14, v60;
	[tilespmem:$0x4E0] =	vst v59  }
0x90: {  	vm14 =	vlt.s32 v46, $0x26A;
	v41 =	vsel vm13, $0x2F2, v35;
	v63 =	vadd.s32 v14, v62;
	[tilespmem:$0x6E0] =	vst v61  }
0x91: {  	v43 =	vsel vm14, $0x26A, v36;
	v42 =	vadd.s32 v14, v41;
	[tilespmem:$0x8E0] =	vst v63  }
0x92: {  	v44 =	vadd.s32 v14, v43;
	[tilespmem:$0xAE0] =	vst v42  }
0x93: {  	[tilespmem:$0xCE0] =	vst v44;
	vm15 =	vlt.s32 v58, $0x3BC;
	v45 =	vadd.s32 v15, v58  }
0x94: {  	vm4 =	vlt.s32 v58, $0x393;
	v46 =	vsel vm15, $0x3BC, v32;
	[tilespmem:$0x2F0] =	vst v45;
	v57 =	vadd.s32 v16, v47  }
0x95: {  	vm5 =	vlt.s32 v58, $0x7A;
	v49 =	vsel vm4, $0x393, v33;
	v48 =	vadd.s32 v15, v46;
	[tilespmem:$0x300] =	vst v57  }
0x96: {  	vm6 =	vlt.s32 v58, $0x2F2;
	v51 =	vsel vm5, $0x7A, v34;
	v50 =	vadd.s32 v15, v49;
	[tilespmem:$0x4F0] =	vst v48  }
0x97: {  	vm7 =	vlt.s32 v58, $0x26A;
	v53 =	vsel vm6, $0x2F2, v35;
	v52 =	vadd.s32 v15, v51;
	[tilespmem:$0x6F0] =	vst v50  }
0x98: {  	v55 =	vsel vm7, $0x26A, v36;
	vm8 =	vlt.s32 v47, $0x3BC;
	v54 =	vadd.s32 v15, v53;
	[tilespmem:$0x8F0] =	vst v52  }
0x99: {  	v59 =	vld [tilespmem:$0x110];
	vm9 =	vlt.s32 v47, $0x393;
	v56 =	vadd.s32 v15, v55;
	v58 =	vsel vm8, $0x3BC, v32;
	[tilespmem:$0xAF0] =	vst v54  }
0x9a: {  	vm10 =	vlt.s32 v47, $0x7A;
	v61 =	vsel vm9, $0x393, v33;
	[tilespmem:$0xCF0] =	vst v56;
	v60 =	vadd.s32 v16, v58  }
0x9b: {  	vm11 =	vlt.s32 v47, $0x2F2;
	v63 =	vsel vm10, $0x7A, v34;
	v62 =	vadd.s32 v16, v61;
	[tilespmem:$0x500] =	vst v60  }
0x9c: {  	vm12 =	vlt.s32 v47, $0x26A;
	v42 =	vsel vm11, $0x2F2, v35;
	v41 =	vadd.s32 v16, v63;
	[tilespmem:$0x700] =	vst v62  }
0x9d: {  	v44 =	vsel vm12, $0x26A, v36;
	v43 =	vadd.s32 v16, v42;
	[tilespmem:$0x900] =	vst v41  }
0x9e: {  	v45 =	vadd.s32 v16, v44;
	vm13 =	vlt.s32 v59, $0x3BC;
	[tilespmem:$0xB00] =	vst v43  }
0x9f: {  	v46 =	vadd.s32 v17, v59;
	vm14 =	vlt.s32 v59, $0x393;
	[tilespmem:$0xD00] =	vst v45;
	v47 =	vsel vm13, $0x3BC, v32  }
0xa0: {  	v48 =	vld [tilespmem:$0x120];
	vm15 =	vlt.s32 v59, $0x7A;
	[tilespmem:$0x310] =	vst v46;
	v50 =	vsel vm14, $0x393, v33;
	v49 =	vadd.s32 v17, v47  }
0xa1: {  	vm4 =	vlt.s32 v59, $0x2F2;
	v52 =	vsel vm15, $0x7A, v34;
	v60 =	vld [tilespmem:$0x130];
	v51 =	vadd.s32 v17, v50;
	[tilespmem:$0x510] =	vst v49  }
0xa2: {  	vm5 =	vlt.s32 v59, $0x26A;
	v54 =	vsel vm4, $0x2F2, v35;
	v53 =	vadd.s32 v17, v52;
	[tilespmem:$0x710] =	vst v51  }
0xa3: {  	v56 =	vsel vm5, $0x26A, v36;
	v55 =	vadd.s32 v17, v54;
	[tilespmem:$0x910] =	vst v53  }
0xa4: {  	v57 =	vadd.s32 v17, v56;
	[tilespmem:$0xB10] =	vst v55  }
0xa5: {  	[tilespmem:$0xD10] =	vst v57;
	vm6 =	vlt.s32 v48, $0x3BC;
	v58 =	vadd.s32 v18, v48  }
0xa6: {  	vm7 =	vlt.s32 v48, $0x393;
	v59 =	vsel vm6, $0x3BC, v32;
	[tilespmem:$0x320] =	vst v58;
	v47 =	vadd.s32 v19, v60  }
0xa7: {  	vm8 =	vlt.s32 v48, $0x7A;
	v62 =	vsel vm7, $0x393, v33;
	v61 =	vadd.s32 v18, v59;
	[tilespmem:$0x330] =	vst v47  }
0xa8: {  	vm9 =	vlt.s32 v48, $0x2F2;
	v41 =	vsel vm8, $0x7A, v34;
	v63 =	vadd.s32 v18, v62;
	[tilespmem:$0x520] =	vst v61  }
0xa9: {  	vm10 =	vlt.s32 v48, $0x26A;
	v43 =	vsel vm9, $0x2F2, v35;
	v42 =	vadd.s32 v18, v41;
	[tilespmem:$0x720] =	vst v63  }
0xaa: {  	v45 =	vsel vm10, $0x26A, v36;
	vm11 =	vlt.s32 v60, $0x3BC;
	v44 =	vadd.s32 v18, v43;
	[tilespmem:$0x920] =	vst v42  }
0xab: {  	v49 =	vld [tilespmem:$0x140];
	vm12 =	vlt.s32 v60, $0x393;
	v46 =	vadd.s32 v18, v45;
	v48 =	vsel vm11, $0x3BC, v32;
	[tilespmem:$0xB20] =	vst v44  }
0xac: {  	vm13 =	vlt.s32 v60, $0x7A;
	v51 =	vsel vm12, $0x393, v33;
	[tilespmem:$0xD20] =	vst v46;
	v50 =	vadd.s32 v19, v48  }
0xad: {  	vm14 =	vlt.s32 v60, $0x2F2;
	v53 =	vsel vm13, $0x7A, v34;
	v52 =	vadd.s32 v19, v51;
	[tilespmem:$0x530] =	vst v50  }
0xae: {  	vm15 =	vlt.s32 v60, $0x26A;
	v55 =	vsel vm14, $0x2F2, v35;
	v54 =	vadd.s32 v19, v53;
	[tilespmem:$0x730] =	vst v52  }
0xaf: {  	v57 =	vsel vm15, $0x26A, v36;
	v56 =	vadd.s32 v19, v55;
	[tilespmem:$0x930] =	vst v54  }
0xb0: {  	v58 =	vadd.s32 v19, v57;
	vm4 =	vlt.s32 v49, $0x3BC;
	[tilespmem:$0xB30] =	vst v56  }
0xb1: {  	v59 =	vadd.s32 v20, v49;
	vm5 =	vlt.s32 v49, $0x393;
	[tilespmem:$0xD30] =	vst v58;
	v60 =	vsel vm4, $0x3BC, v32  }
0xb2: {  	v61 =	vld [tilespmem:$0x150];
	vm6 =	vlt.s32 v49, $0x7A;
	[tilespmem:$0x340] =	vst v59;
	v63 =	vsel vm5, $0x393, v33;
	v62 =	vadd.s32 v20, v60  }
0xb3: {  	vm7 =	vlt.s32 v49, $0x2F2;
	v42 =	vsel vm6, $0x7A, v34;
	v50 =	vld [tilespmem:$0x160];
	v41 =	vadd.s32 v20, v63;
	[tilespmem:$0x540] =	vst v62  }
0xb4: {  	vm8 =	vlt.s32 v49, $0x26A;
	v44 =	vsel vm7, $0x2F2, v35;
	v43 =	vadd.s32 v20, v42;
	[tilespmem:$0x740] =	vst v41  }
0xb5: {  	v46 =	vsel vm8, $0x26A, v36;
	v45 =	vadd.s32 v20, v44;
	[tilespmem:$0x940] =	vst v43  }
0xb6: {  	v47 =	vadd.s32 v20, v46;
	[tilespmem:$0xB40] =	vst v45  }
0xb7: {  	[tilespmem:$0xD40] =	vst v47;
	vm9 =	vlt.s32 v61, $0x3BC;
	v48 =	vadd.s32 v21, v61  }
0xb8: {  	vm10 =	vlt.s32 v61, $0x393;
	v49 =	vsel vm9, $0x3BC, v32;
	[tilespmem:$0x350] =	vst v48;
	v60 =	vadd.s32 v22, v50  }
0xb9: {  	vm11 =	vlt.s32 v61, $0x7A;
	v52 =	vsel vm10, $0x393, v33;
	v51 =	vadd.s32 v21, v49;
	[tilespmem:$0x360] =	vst v60  }
0xba: {  	vm12 =	vlt.s32 v61, $0x2F2;
	v54 =	vsel vm11, $0x7A, v34;
	v53 =	vadd.s32 v21, v52;
	[tilespmem:$0x550] =	vst v51  }
0xbb: {  	vm13 =	vlt.s32 v61, $0x26A;
	v56 =	vsel vm12, $0x2F2, v35;
	v55 =	vadd.s32 v21, v54;
	[tilespmem:$0x750] =	vst v53  }
0xbc: {  	v58 =	vsel vm13, $0x26A, v36;
	vm14 =	vlt.s32 v50, $0x3BC;
	v57 =	vadd.s32 v21, v56;
	[tilespmem:$0x950] =	vst v55  }
0xbd: {  	v62 =	vld [tilespmem:$0x170];
	vm15 =	vlt.s32 v50, $0x393;
	v59 =	vadd.s32 v21, v58;
	v61 =	vsel vm14, $0x3BC, v32;
	[tilespmem:$0xB50] =	vst v57  }
0xbe: {  	vm4 =	vlt.s32 v50, $0x7A;
	v41 =	vsel vm15, $0x393, v33;
	[tilespmem:$0xD50] =	vst v59;
	v63 =	vadd.s32 v22, v61  }
0xbf: {  	vm5 =	vlt.s32 v50, $0x2F2;
	v43 =	vsel vm4, $0x7A, v34;
	v42 =	vadd.s32 v22, v41;
	[tilespmem:$0x560] =	vst v63  }
0xc0: {  	vm6 =	vlt.s32 v50, $0x26A;
	v45 =	vsel vm5, $0x2F2, v35;
	v44 =	vadd.s32 v22, v43;
	[tilespmem:$0x760] =	vst v42  }
0xc1: {  	v47 =	vsel vm6, $0x26A, v36;
	v46 =	vadd.s32 v22, v45;
	[tilespmem:$0x960] =	vst v44  }
0xc2: {  	v48 =	vadd.s32 v22, v47;
	vm7 =	vlt.s32 v62, $0x3BC;
	[tilespmem:$0xB60] =	vst v46  }
0xc3: {  	v49 =	vadd.s32 v23, v62;
	vm8 =	vlt.s32 v62, $0x393;
	v51 =	vld [tilespmem:$0x180];
	[tilespmem:$0xD60] =	vst v48;
	v50 =	vsel vm7, $0x3BC, v32  }
0xc4: {  	vm9 =	vlt.s32 v62, $0x7A;
	[tilespmem:$0x370] =	vst v49;
	v53 =	vsel vm8, $0x393, v33;
	v52 =	vadd.s32 v23, v50  }
0xc5: {  	vm10 =	vlt.s32 v62, $0x2F2;
	v55 =	vsel vm9, $0x7A, v34;
	v63 =	vld [tilespmem:$0x190];
	v54 =	vadd.s32 v23, v53;
	[tilespmem:$0x570] =	vst v52  }
0xc6: {  	vm11 =	vlt.s32 v62, $0x26A;
	v57 =	vsel vm10, $0x2F2, v35;
	v56 =	vadd.s32 v23, v55;
	[tilespmem:$0x770] =	vst v54  }
0xc7: {  	v59 =	vsel vm11, $0x26A, v36;
	v58 =	vadd.s32 v23, v57;
	[tilespmem:$0x970] =	vst v56  }
0xc8: {  	v60 =	vadd.s32 v23, v59;
	[tilespmem:$0xB70] =	vst v58;
	vm12 =	vlt.s32 v51, $0x3BC;
	v61 =	vadd.s32 v24, v51  }
0xc9: {  	[tilespmem:$0xD70] =	vst v60;
	vm13 =	vlt.s32 v51, $0x393;
	vm14 =	vlt.s32 v51, $0x7A;
	vm15 =	vlt.s32 v51, $0x2F2  }
0xca: {  	vm4 =	vlt.s32 v51, $0x26A;
	v62 =	vsel vm12, $0x3BC, v32;
	[tilespmem:$0x380] =	vst v61;
	v51 =	vadd.s32 v25, v63  }
0xcb: {  	v53 =	vld [tilespmem:$0x1A0];
	v43 =	vsel vm13, $0x393, v33;
	v42 =	vadd.s32 v24, v62;
	[tilespmem:$0x390] =	vst v51  }
0xcc: {  	v45 =	vsel vm14, $0x7A, v34;
	v44 =	vadd.s32 v24, v43;
	[tilespmem:$0x580] =	vst v42  }
0xcd: {  	v47 =	vsel vm15, $0x2F2, v35;
	v49 =	vsel vm4, $0x26A, v36;
	v46 =	vadd.s32 v24, v45;
	[tilespmem:$0x780] =	vst v44  }
0xce: {  	vm5 =	vlt.s32 v63, $0x3BC;
	vm6 =	vlt.s32 v63, $0x393;
	v48 =	vadd.s32 v24, v47;
	[tilespmem:$0x980] =	vst v46  }
0xcf: {  	vm7 =	vlt.s32 v63, $0x7A;
	vm8 =	vlt.s32 v63, $0x2F2;
	v50 =	vadd.s32 v24, v49;
	[tilespmem:$0xB80] =	vst v48  }
0xd0: {  	vm9 =	vlt.s32 v63, $0x26A;
	v52 =	vsel vm5, $0x3BC, v32;
	v63 =	vadd.s32 v26, v53;
	[tilespmem:$0xD80] =	vst v50  }
0xd1: {  	v55 =	vsel vm6, $0x393, v33;
	v54 =	vadd.s32 v25, v52;
	[tilespmem:$0x3A0] =	vst v63  }
0xd2: {  	v57 =	vsel vm7, $0x7A, v34;
	v56 =	vadd.s32 v25, v55;
	[tilespmem:$0x590] =	vst v54  }
0xd3: {  	v59 =	vsel vm8, $0x2F2, v35;
	v58 =	vadd.s32 v25, v57;
	[tilespmem:$0x790] =	vst v56  }
0xd4: {  	v61 =	vsel vm9, $0x26A, v36;
	vm10 =	vlt.s32 v53, $0x3BC;
	v60 =	vadd.s32 v25, v59;
	[tilespmem:$0x990] =	vst v58  }
0xd5: {  	vm11 =	vlt.s32 v53, $0x393;
	v62 =	vadd.s32 v25, v61;
	v44 =	vsel vm10, $0x3BC, v32;
	[tilespmem:$0xB90] =	vst v60  }
0xd6: {  	v45 =	vld [tilespmem:$0x1B0];
	vm12 =	vlt.s32 v53, $0x7A;
	v47 =	vsel vm11, $0x393, v33;
	[tilespmem:$0xD90] =	vst v62;
	v46 =	vadd.s32 v26, v44  }
0xd7: {  	vm13 =	vlt.s32 v53, $0x2F2;
	v49 =	vsel vm12, $0x7A, v34;
	v57 =	vld [tilespmem:$0x1C0];
	v48 =	vadd.s32 v26, v47;
	[tilespmem:$0x5A0] =	vst v46  }
0xd8: {  	vm14 =	vlt.s32 v53, $0x26A;
	v51 =	vsel vm13, $0x2F2, v35;
	v50 =	vadd.s32 v26, v49;
	[tilespmem:$0x7A0] =	vst v48  }
0xd9: {  	v53 =	vsel vm14, $0x26A, v36;
	v52 =	vadd.s32 v26, v51;
	[tilespmem:$0x9A0] =	vst v50  }
0xda: {  	v54 =	vadd.s32 v26, v53;
	[tilespmem:$0xBA0] =	vst v52  }
0xdb: {  	[tilespmem:$0xDA0] =	vst v54;
	vm15 =	vlt.s32 v45, $0x3BC;
	v55 =	vadd.s32 v27, v45  }
0xdc: {  	vm4 =	vlt.s32 v45, $0x393;
	v56 =	vsel vm15, $0x3BC, v32;
	[tilespmem:$0x3B0] =	vst v55;
	v44 =	vadd.s32 v28, v57  }
0xdd: {  	vm5 =	vlt.s32 v45, $0x7A;
	v59 =	vsel vm4, $0x393, v33;
	v58 =	vadd.s32 v27, v56;
	[tilespmem:$0x3C0] =	vst v44  }
0xde: {  	vm6 =	vlt.s32 v45, $0x2F2;
	v61 =	vsel vm5, $0x7A, v34;
	v60 =	vadd.s32 v27, v59;
	[tilespmem:$0x5B0] =	vst v58  }
0xdf: {  	vm7 =	vlt.s32 v45, $0x26A;
	v63 =	vsel vm6, $0x2F2, v35;
	v62 =	vadd.s32 v27, v61;
	[tilespmem:$0x7B0] =	vst v60  }
0xe0: {  	v42 =	vsel vm7, $0x26A, v36;
	vm8 =	vlt.s32 v57, $0x3BC;
	v41 =	vadd.s32 v27, v63;
	[tilespmem:$0x9B0] =	vst v62  }
0xe1: {  	v46 =	vld [tilespmem:$0x1D0];
	vm9 =	vlt.s32 v57, $0x393;
	v43 =	vadd.s32 v27, v42;
	v45 =	vsel vm8, $0x3BC, v32;
	[tilespmem:$0xBB0] =	vst v41  }
0xe2: {  	vm10 =	vlt.s32 v57, $0x7A;
	v48 =	vsel vm9, $0x393, v33;
	[tilespmem:$0xDB0] =	vst v43;
	v47 =	vadd.s32 v28, v45  }
0xe3: {  	vm11 =	vlt.s32 v57, $0x2F2;
	v50 =	vsel vm10, $0x7A, v34;
	v49 =	vadd.s32 v28, v48;
	[tilespmem:$0x5C0] =	vst v47  }
0xe4: {  	vm12 =	vlt.s32 v57, $0x26A;
	v52 =	vsel vm11, $0x2F2, v35;
	v51 =	vadd.s32 v28, v50;
	[tilespmem:$0x7C0] =	vst v49  }
0xe5: {  	v54 =	vsel vm12, $0x26A, v36;
	v53 =	vadd.s32 v28, v52;
	[tilespmem:$0x9C0] =	vst v51  }
0xe6: {  	v55 =	vadd.s32 v28, v54;
	vm13 =	vlt.s32 v46, $0x3BC;
	[tilespmem:$0xBC0] =	vst v53  }
0xe7: {  	v56 =	vadd.s32 v29, v46;
	vm14 =	vlt.s32 v46, $0x393;
	[tilespmem:$0xDC0] =	vst v55;
	v57 =	vsel vm13, $0x3BC, v32  }
0xe8: {  	v58 =	vld [tilespmem:$0x1E0];
	vm15 =	vlt.s32 v46, $0x7A;
	[tilespmem:$0x3D0] =	vst v56;
	v60 =	vsel vm14, $0x393, v33;
	v59 =	vadd.s32 v29, v57  }
0xe9: {  	vm4 =	vlt.s32 v46, $0x2F2;
	v62 =	vsel vm15, $0x7A, v34;
	v47 =	vld [tilespmem:$0x1F0];
	v61 =	vadd.s32 v29, v60;
	[tilespmem:$0x5D0] =	vst v59  }
0xea: {  	vm5 =	vlt.s32 v46, $0x26A;
	v41 =	vsel vm4, $0x2F2, v35;
	v63 =	vadd.s32 v29, v62;
	[tilespmem:$0x7D0] =	vst v61  }
0xeb: {  	v43 =	vsel vm5, $0x26A, v36;
	v42 =	vadd.s32 v29, v41;
	[tilespmem:$0x9D0] =	vst v63  }
0xec: {  	v44 =	vadd.s32 v29, v43;
	[tilespmem:$0xBD0] =	vst v42  }
0xed: {  	[tilespmem:$0xDD0] =	vst v44;
	vm6 =	vlt.s32 v58, $0x3BC;
	v45 =	vadd.s32 v30, v58  }
0xee: {  	vm7 =	vlt.s32 v58, $0x393;
	v46 =	vsel vm6, $0x3BC, v32;
	[tilespmem:$0x3E0] =	vst v45;
	v55 =	vadd.s32 v31, v47  }
0xef: {  	vm8 =	vlt.s32 v58, $0x7A;
	v49 =	vsel vm7, $0x393, v33;
	v48 =	vadd.s32 v30, v46;
	[tilespmem:$0x3F0] =	vst v55  }
0xf0: {  	vm9 =	vlt.s32 v58, $0x2F2;
	v51 =	vsel vm8, $0x7A, v34;
	v50 =	vadd.s32 v30, v49;
	[tilespmem:$0x5E0] =	vst v48  }
0xf1: {  	vm10 =	vlt.s32 v58, $0x26A;
	v52 =	vsel vm9, $0x2F2, v35;
	v38 =	vadd.s32 v30, v51;
	[tilespmem:$0x7E0] =	vst v50  }
0xf2: {  	v53 =	vsel vm10, $0x26A, v36;
	vm11 =	vlt.s32 v47, $0x3BC;
	v37 =	vadd.s32 v30, v52;
	[tilespmem:$0x9E0] =	vst v38  }
0xf3: {  	vm12 =	vlt.s32 v47, $0x393;
	v54 =	vadd.s32 v30, v53;
	v56 =	vsel vm11, $0x3BC, v32;
	[tilespmem:$0xBE0] =	vst v37  }
0xf4: {  	vm13 =	vlt.s32 v47, $0x7A;
	v58 =	vsel vm12, $0x393, v33;
	[tilespmem:$0xDE0] =	vst v54;
	v57 =	vadd.s32 v31, v56  }
0xf5: {  	vm14 =	vlt.s32 v47, $0x2F2;
	v60 =	vsel vm13, $0x7A, v34;
	v59 =	vadd.s32 v31, v58;
	[tilespmem:$0x5F0] =	vst v57  }
0xf6: {  	s10 =	rddreg [dreg:$0x5];
	vm15 =	vlt.s32 v47, $0x26A;
	v61 =	vsel vm14, $0x2F2, v35;
	v38 =	vadd.s32 v31, v60;
	[tilespmem:$0x7F0] =	vst v59  }
0xf7: {  	s8 =	rddreg [dreg:$0x6];
	v62 =	vsel vm15, $0x26A, v36;
	v37 =	vadd.s32 v31, v61;
	[tilespmem:$0x9F0] =	vst v38  }
0xf8: {  	s9 =	rddreg [dreg:$0x7];
	v63 =	vadd.s32 v31, v62;
	[tilespmem:$0xBF0] =	vst v37  }
0xf9: {  	s0 =	rddreg [dreg:$0x8];
	[tilespmem:$0xDF0] =	vst v63  }
0xfa: {  	[tilespmem:s7], [sflag:$0x1] =	stream.indirect.gather [hbm4b:s3+s6], $0x1, s10, s6, $0xb8;
	[tilespmem:$0x1A00] =	vst v63  }
0xfb: {  	s10 =	rddreg [dreg:$0xb]  }
0xfc: {  	[tilespmem:s9], [sflag:$0x1] =	stream.indirect.gather [hbm4b:s3+s6], $0x1, s8, s6, $0xb8;
	[tilespmem:$0x1A00] =	vst v63  }
0xfd: {  	s8 =	rddreg [dreg:$0x9]  }
0xfe: {  	s9 =	rddreg [dreg:$0xa]  }
0xff: {  	[tilespmem:s8], [sflag:$0x1] =	stream.indirect.gather [hbm4b:s3+s6], $0x1, s0, s6, $0xb8;
	[tilespmem:$0x1A00] =	vst v63  }
0x100: {  	s0 =	rddreg [dreg:$0xc]  }
0x101: {  	s8 =	rddreg [dreg:$0xd]  }
0x102: {  	[tilespmem:s10], [sflag:$0x1] =	stream.indirect.gather [hbm4b:s3+s6], $0x1, s9, s6, $0xb8;
	[tilespmem:$0x1A00] =	vst v63  }
0x103: {  	s9 =	rddreg [dreg:$0xe]  }
0x104: {  	s10 =	rddreg [dreg:$0xf]  }
0x105: {  	[tilespmem:s8], [sflag:$0x1] =	stream.indirect.gather [hbm4b:s3+s6], $0x1, s0, s6, $0xb8;
	[tilespmem:$0x1A00] =	vst v63  }
0x106: {  	s0 =	rddreg [dreg:$0x10]  }
0x107: {  	s8 =	rddreg [dreg:$0x11]  }
0x108: {  	[tilespmem:s10], [sflag:$0x1] =	stream.indirect.gather [hbm4b:s3+s6], $0x1, s9, s6, $0xb8;
	[tilespmem:$0x1A00] =	vst v63  }
0x109: {  	s9 =	rddreg [dreg:$0x12]  }
0x10a: {  	s10 =	rddreg [dreg:$0x13]  }
0x10b: {  	[tilespmem:s8], [sflag:$0x1] =	stream.indirect.gather [hbm4b:s3+s6], $0x1, s0, s6, $0xb8;
	[tilespmem:$0x1A00] =	vst v63  }
0x10c: {  	s0 =	rddreg [dreg:$0x14]  }
0x10d: {  	s8 =	rddreg [dreg:$0x15]  }
0x10e: {  	[tilespmem:s10], [sflag:$0x1] =	stream.indirect.gather [hbm4b:s3+s6], $0x1, s9, s6, $0xb8;
	[tilespmem:$0x1A00] =	vst v63  }
0x10f: {  	s9 =	rddreg [dreg:$0x16]  }
0x110: {  	s10 =	rddreg [dreg:$0x17]  }
0x111: {  	[tilespmem:s8], [sflag:$0x1] =	stream.indirect.gather [hbm4b:s3+s6], $0x1, s0, s6, $0xb8;
	[tilespmem:$0x1A00] =	vst v63  }
0x112: {  	s0 =	rddreg [dreg:$0x18]  }
0x113: {  	s8 =	rddreg [dreg:$0x19]  }
0x114: {  	[tilespmem:s10], [sflag:$0x1] =	stream.indirect.gather [hbm4b:s3+s6], $0x1, s9, s6, $0xb8;
	[tilespmem:$0x1A00] =	vst v63  }
0x115: {  	s9 =	rddreg [dreg:$0x1a]  }
0x116: {  	[tilespmem:s8], [sflag:$0x1] =	stream.indirect.gather [hbm4b:s3+s6], $0x1, s0, s6, $0xb8;
	[tilespmem:$0x1A00] =	vst v63  }
0x117: {  	s10 =	rddreg [dreg:$0x1b]  }
0x118: {  	[tilespmem:s10], [sflag:$0x1] =	stream.indirect.gather [hbm4b:s3+s6], $0x1, s9, s6, $0xb8;
	[tilespmem:$0x1A00] =	vst v63  }
0x119: {  	s8 =	rddreg [dreg:$0x1c];
	s10 =	simm.s32 $0x1400  }
0x11a: {  	[tilespmem:s10], [sflag:$0x1] =	stream.indirect.gather [hbm4b:s3+s6], $0x1, s8, s6, $0xb8;
	[tilespmem:$0x1A00] =	vst v63  }
0x11b: {  	s9 =	simm.s32 $0x1480;
	s8 =	simm.s32 $0x880  }
0x11c: {  	[tilespmem:s9], [sflag:$0x1] =	stream.indirect.gather [hbm4b:s3+s6], $0x1, s8, s6, $0xb8;
	[tilespmem:$0x1A00] =	vst v63  }
0x11d: {  	_ = 	snop  }
0x11e: {  	[tilespmem:s12], [sflag:$0x1] =	stream.indirect.gather [hbm4b:s3+s6], $0x1, s11, s6, $0xb8;
	[tilespmem:$0x1A00] =	vst v63  }
0x11f: {  	_ = 	snop  }
0x120: {  	[tilespmem:s14], [sflag:$0x1] =	stream.indirect.gather [hbm4b:s3+s6], $0x1, s13, s6, $0xb8;
	[tilespmem:$0x1A00] =	vst v63  }
0x121: {  	_ = 	snop  }
0x122: {  	[tilespmem:s16], [sflag:$0x1] =	stream.indirect.gather [hbm4b:s3+s6], $0x1, s15, s6, $0xb8;
	[tilespmem:$0x1A00] =	vst v63  }
0x123: {  	_ = 	snop  }
0x124: {  	[tilespmem:s18], [sflag:$0x1] =	stream.indirect.gather [hbm4b:s3+s6], $0x1, s17, s6, $0xb8;
	[tilespmem:$0x1A00] =	vst v63  }
0x125: {  	_ = 	snop  }
0x126: {  	[tilespmem:s20], [sflag:$0x1] =	stream.indirect.gather [hbm4b:s3+s6], $0x1, s19, s6, $0xb8;
	[tilespmem:$0x1A00] =	vst v63  }
0x127: {  	_ = 	snop  }
0x128: {  	[tilespmem:s22], [sflag:$0x1] =	stream.indirect.gather [hbm4b:s3+s6], $0x1, s21, s6, $0xb8;
	[tilespmem:$0x1A00] =	vst v63  }
0x129: {  	_ = 	snop  }
0x12a: {  	[tilespmem:s24], [sflag:$0x1] =	stream.indirect.gather [hbm4b:s3+s6], $0x1, s23, s6, $0xb8;
	[tilespmem:$0x1A00] =	vst v63  }
0x12b: {  	_ = 	snop  }
0x12c: {  	[tilespmem:s26], [sflag:$0x1] =	stream.indirect.gather [hbm4b:s3+s6], $0x1, s25, s6, $0xb8;
	[tilespmem:$0x1A00] =	vst v63  }
0x12d: {  	_ = 	snop  }
0x12e: {  	[tilespmem:s29], [sflag:$0x1] =	stream.indirect.gather [hbm4b:s3+s6], $0x1, s28, s6, $0xb8;
	[tilespmem:$0x1A00] =	vst v63  }
0x12f: {  	_ = 	snop  }
0x130: {  	[tilespmem:s31], [sflag:$0x1] =	stream.indirect.gather [hbm4b:s3+s6], $0x1, s30, s6, $0xb8;
	[tilespmem:$0x1A00] =	vst v63  }
0x131: {  	_ =	swait.ge [sflag:s1], $0x80  }
0x132: {  	[sflag:s1] =	ssyncset.done $0x0  }
0x133: {  	[sflag:s1] =	ssyncadd.s32 $0xFFFFFF80  }
0x134: {  	_ =	swait.ge [sflag:s1], $0x80  }
0x135: {  	[sflag:s1] =	ssyncset.done $0x0  }
0x136: {  	[sflag:s1] =	ssyncadd.s32 $0xFFFFFF80  }
0x137: {  	_ =	swait.ge [sflag:s1], $0x80  }
0x138: {  	[sflag:s1] =	ssyncset.done $0x0  }
0x139: {  	[sflag:s1] =	ssyncadd.s32 $0xFFFFFF80  }
0x13a: {  	_ =	swait.ge [sflag:s1], $0x80  }
0x13b: {  	[sflag:s1] =	ssyncset.done $0x0  }
0x13c: {  	[sflag:s1] =	ssyncadd.s32 $0xFFFFFF80  }
0x13d: {  	_ =	swait.ge [sflag:s1], $0x80  }
0x13e: {  	[sflag:s1] =	ssyncset.done $0x0  }
0x13f: {  	[sflag:s1] =	ssyncadd.s32 $0xFFFFFF80  }
0x140: {  	_ =	swait.ge [sflag:s1], $0x80  }
0x141: {  	[sflag:s1] =	ssyncset.done $0x0  }
0x142: {  	[sflag:s1] =	ssyncadd.s32 $0xFFFFFF80  }
0x143: {  	_ =	swait.ge [sflag:s1], $0x80  }
0x144: {  	[sflag:s1] =	ssyncset.done $0x0  }
0x145: {  	[sflag:s1] =	ssyncadd.s32 $0xFFFFFF80  }
0x146: {  	_ =	swait.ge [sflag:s1], $0x80  }
0x147: {  	[sflag:s1] =	ssyncset.done $0x0  }
0x148: {  	[sflag:s1] =	ssyncadd.s32 $0xFFFFFF80  }
0x149: {  	_ =	swait.ge [sflag:s1], $0x80  }
0x14a: {  	[sflag:s1] =	ssyncset.done $0x0  }
0x14b: {  	[sflag:s1] =	ssyncadd.s32 $0xFFFFFF80  }
0x14c: {  	_ =	swait.ge [sflag:s1], $0x80  }
0x14d: {  	[sflag:s1] =	ssyncset.done $0x0  }
0x14e: {  	[sflag:s1] =	ssyncadd.s32 $0xFFFFFF80  }
0x14f: {  	_ =	swait.ge [sflag:s1], $0x80  }
0x150: {  	[sflag:s1] =	ssyncset.done $0x0  }
0x151: {  	[sflag:s1] =	ssyncadd.s32 $0xFFFFFF80  }
0x152: {  	_ =	swait.ge [sflag:s1], $0x80  }
0x153: {  	[sflag:s1] =	ssyncset.done $0x0  }
0x154: {  	[sflag:s1] =	ssyncadd.s32 $0xFFFFFF80  }
0x155: {  	_ =	swait.ge [sflag:s1], $0x80  }
0x156: {  	[sflag:s1] =	ssyncset.done $0x0  }
0x157: {  	[sflag:s1] =	ssyncadd.s32 $0xFFFFFF80  }
0x158: {  	_ =	swait.ge [sflag:s1], $0x80  }
0x159: {  	[sflag:s1] =	ssyncset.done $0x0  }
0x15a: {  	[sflag:s1] =	ssyncadd.s32 $0xFFFFFF80  }
0x15b: {  	_ =	swait.ge [sflag:s1], $0x80  }
0x15c: {  	[sflag:s1] =	ssyncset.done $0x0  }
0x15d: {  	[sflag:s1] =	ssyncadd.s32 $0xFFFFFF80  }
0x15e: {  	_ =	swait.ge [sflag:s1], $0x80  }
0x15f: {  	[sflag:s1] =	ssyncset.done $0x0  }
0x160: {  	[sflag:s1] =	ssyncadd.s32 $0xFFFFFF80  }
0x161: {  	_ =	swait.ge [sflag:s1], $0x80  }
0x162: {  	[sflag:s1] =	ssyncset.done $0x0  }
0x163: {  	[sflag:s1] =	ssyncadd.s32 $0xFFFFFF80  }
0x164: {  	_ =	swait.ge [sflag:s1], $0x80  }
0x165: {  	[sflag:s1] =	ssyncset.done $0x0  }
0x166: {  	[sflag:s1] =	ssyncadd.s32 $0xFFFFFF80  }
0x167: {  	_ =	swait.ge [sflag:s1], $0x80  }
0x168: {  	[sflag:s1] =	ssyncset.done $0x0  }
0x169: {  	[sflag:s1] =	ssyncadd.s32 $0xFFFFFF80  }
0x16a: {  	_ =	swait.ge [sflag:s1], $0x80  }
0x16b: {  	[sflag:s1] =	ssyncset.done $0x0  }
0x16c: {  	[sflag:s1] =	ssyncadd.s32 $0xFFFFFF80  }
0x16d: {  	_ =	swait.ge [sflag:s1], $0x80  }
0x16e: {  	[sflag:s1] =	ssyncset.done $0x0  }
0x16f: {  	[sflag:s1] =	ssyncadd.s32 $0xFFFFFF80  }
0x170: {  	_ =	swait.ge [sflag:s1], $0x80  }
0x171: {  	[sflag:s1] =	ssyncset.done $0x0  }
0x172: {  	[sflag:s1] =	ssyncadd.s32 $0xFFFFFF80  }
0x173: {  	_ =	swait.ge [sflag:s1], $0x80  }
0x174: {  	[sflag:s1] =	ssyncset.done $0x0  }
0x175: {  	[sflag:s1] =	ssyncadd.s32 $0xFFFFFF80  }
0x176: {  	_ =	swait.ge [sflag:s1], $0x80  }
0x177: {  	p0 =	sne.s32 s4, $0x1;
	[sflag:s1] =	ssyncset.done $0x0  }
.Ltmp0:
0x178: {  	s10 =	rddreg [dreg:$0x4];
	[sflag:s1] =	ssyncadd.s32 $0xFFFFFF80;
	(pc) =	sbr.rel @p0 .LBB2_1-.Ltmp0, $4  }
0x179: {  	[hbm4b:s10+s2] =	stream.linear.scatter [tilespmem:s7], [sflag:$0x2], $0xC00, $0x38;
	[tilespmem:$0x1A00] =	vst v63  }
0x17a: {  	_ =	swait.ge [sflag:s5], $0xC00  }
0x17b: {  	[sflag:s5] =	ssyncset.done $0x0  }
0x17c: {  	s4 =	sadd.s32 $0xFFFFFFFF, s4;
	[sflag:s5] =	ssyncadd.s32 $0xFFFFF400  }
0x17d: {  	_ =	sfence.sel $0x180000  }
0x17e: {  	[bflag:$0x0] =	sbarrier.arrive $0xFFFF  }
0x17f: {  	_ =	strace $0x90000047  }
0x180: {  	s0 =	stileid.u32;
	[bflag:$0x2] =	sbarrier.arrive $0xFFFF  }
0x181: {  	p0 =	sne.s32 s0, $0x0;
	s0 =	rddreg [dreg:$0x2]  }
0x182: {  	s0 =	sadd.s32 @!p0 $0x100000, s0  }
0x183: {  	[sflag:s0] =	ssyncadd.tile.s32 @!p0 $0x1;
	_ =	shalt  }
.Lfunc_end2:
_tile_overlayer_lowered:
.L_overlay_start_2:
0x184: {  	(tag) =	ssettag $0x2  }
0x185: {  	s0 =	rddreg [dreg:$0x0];
	s2 =	stileid.u32  }
0x186: {  	s1 =	rddreg [dreg:$0x1];
	p0 =	sne.s32 s2, $0x0  }
0x187: {  	s3 =	rddreg [dreg:$0x2];
	[bflag:$0x3] =	sbarrier.arrive $0xFFFF;
	s2 =	simm.s32 @!p0 $0x1C02  }
0x188: {  	[timem:s3], [sflag:s2] =	dma.local @!p0 [hbm:s0], s1  }
0x189: {  	s0 =	simm.s32 @!p0 $0x2  }
0x18a: {  	_ =	swait.ge @!p0 [sflag:s0], s1  }
0x18b: {  	s1 =	ssub.s32 @!p0 $0x0, s1;
	[sflag:s0] =	ssyncset.done @!p0 $0x0  }
0x18c: {  	[sflag:s0] =	ssyncadd.s32 @!p0 s1  }
0x18d: {  	[bflag:$0x3] =	sbarrier.arrive $0xFFFF  }
0x18e: {  	_ =	shalt  }

</sc_bundles>
